<compile_context>
chip_gen: v7x
topology: tpu7x:2x2x1
jax: 0.10.2.dev20260603
libtpu: 0.0.44.dev20260713+nightly
codegen_flags: <defaults>
</compile_context>

<pallas_src>
import functools

import jax
import jax.numpy as jnp
from jax import lax
from jax.experimental import pallas as pl
from jax.experimental.pallas import tpu as pltpu
from jax.experimental.pallas import tpu_sc as plsc

N = 10000
E = 320000
G = 256
NV = 100
EV = 20
EVP = 32
D = 128
DH = D // 2
LATENT = 64
HOPS = 3

F32 = jnp.float32


def _dg00(a, b):
    return lax.dot_general(a, b, (((0,), (0,)), ((), ())),
                           preferred_element_type=F32)


def _dg11(a, b):
    return lax.dot_general(a, b, (((1,), (1,)), ((), ())),
                           preferred_element_type=F32)


def _pack_pairs(x):
    lo = lax.bitcast_convert_type(x[0:DH].astype(jnp.bfloat16),
                                  jnp.uint16).astype(jnp.uint32)
    hi = lax.bitcast_convert_type(x[DH:D].astype(jnp.bfloat16),
                                  jnp.uint16).astype(jnp.uint32)
    return lax.bitcast_convert_type(lo | (hi << jnp.uint32(16)), jnp.int32)


def _tc_init_body(nt_ref, nemb_ref, eemb_ref, wmsg_ref,
                  hT_ref, hmp_ref, ebp_ref):
    nt = nt_ref[...]
    rows = lax.broadcasted_iota(jnp.int32, (NV, N), 0)
    ohT = (rows == nt).astype(F32)
    hT = _dg00(nemb_ref[...], ohT)
    wm1 = wmsg_ref[0:D, :]
    wm2 = wmsg_ref[D:2 * D, :]
    hT_ref[...] = hT
    hmp_ref[...] = _pack_pairs(_dg00(wm1, hT))
    ebT = lax.dot_general(wm2, eemb_ref[...], (((0,), (1,)), ((), ())),
                          preferred_element_type=F32)
    ebp_ref[...] = _pack_pairs(ebT)


def _tc_init(nt2, node_embed, edge_embed_pad, W_msg):
    return pl.pallas_call(
        _tc_init_body,
        out_shape=[
            jax.ShapeDtypeStruct((D, N), F32),
            jax.ShapeDtypeStruct((DH, N), jnp.int32),
            jax.ShapeDtypeStruct((DH, EVP), jnp.int32),
        ],
    )(nt2, node_embed, edge_embed_pad, W_msg)


def _tc_update_body(h_ref, agg_ref, wupd_ref, wmsg_ref, h2_ref, hmp2_ref):
    wu1 = wupd_ref[0:D, :]
    wu2 = wupd_ref[D:2 * D, :]
    h2 = jnp.maximum(_dg00(wu1, h_ref[...]) + _dg00(wu2, agg_ref[...]), 0.0)
    h2_ref[...] = h2
    hmp2_ref[...] = _pack_pairs(_dg00(wmsg_ref[0:D, :], h2))


def _tc_update(hT, aggT, W_upd, W_msg):
    return pl.pallas_call(
        _tc_update_body,
        out_shape=[
            jax.ShapeDtypeStruct((D, N), F32),
            jax.ShapeDtypeStruct((DH, N), jnp.int32),
        ],
    )(hT, aggT, W_upd, W_msg)


def _tc_readout_body(h_ref, gid_ref, nt_ref, wl_ref, wd_ref, wo_ref,
                     lat_ref, nll_ref):
    gid = gid_ref[...]
    growz = lax.broadcasted_iota(jnp.int32, (G, N), 0)
    ohG = (growz == gid).astype(F32)
    hT = h_ref[...]
    graph_sumT = _dg11(hT, ohG)
    ones = jnp.ones((1, N), F32)
    counts = _dg11(ones, ohG)
    graph_repT = graph_sumT / jnp.maximum(counts, 1.0)
    latents = _dg00(graph_repT, wl_ref[...])
    lat_ref[...] = latents
    decT = jnp.maximum(
        lax.dot_general(wd_ref[...], latents, (((0,), (1,)), ((), ())),
                        preferred_element_type=F32), 0.0)
    logitsGT = _dg00(wo_ref[...], decT)
    m = jnp.max(logitsGT, axis=0, keepdims=True)
    s = jnp.sum(jnp.exp(logitsGT - m), axis=0, keepdims=True)
    lse = m + jnp.log(s)
    nt = nt_ref[...]
    trowz = lax.broadcasted_iota(jnp.int32, (NV, N), 0)
    ohT = (trowz == nt).astype(F32)
    J = _dg11(ohT, ohG)
    term1 = jnp.sum(counts * lse)
    term2 = jnp.sum(J * logitsGT)
    nll_ref[...] = ((term1 - term2) / jnp.float32(N)).reshape(1, 1)


def _tc_readout(hT, gid2, nt2, W_latent, W_dec, W_out):
    return pl.pallas_call(
        _tc_readout_body,
        out_shape=[
            jax.ShapeDtypeStruct((G, LATENT), F32),
            jax.ShapeDtypeStruct((1, 1), F32),
        ],
    )(hT, gid2, nt2, W_latent, W_dec, W_out)


PAIRS_PER_TEC = 2
CHUNK = 6400
NCHUNK = E // CHUNK
LANES = 16
SRC_MASK = (1 << 14) - 1

_sc_mesh = plsc.VectorSubcoreMesh(core_axis_name="c", subcore_axis_name="s")


def _sc_edge_body(hm_hbm, eb_hbm, pst_hbm, dst_hbm, agg_hbm,
                  hmp, ags, ebp, bufs, sems):
    wid = lax.axis_index("s") * 2 + lax.axis_index("c")
    row = wid * PAIRS_PER_TEC

    for q in range(PAIRS_PER_TEC):
        pltpu.sync_copy(hm_hbm.at[row + q], hmp[q])
        pltpu.sync_copy(eb_hbm.at[row + q], ebp[q])

    zv = jnp.zeros((LANES,), F32)

    @plsc.parallel_loop(0, N // LANES)
    def _zero(j):
        o = j * LANES
        for c in range(2 * PAIRS_PER_TEC):
            ags[c][pl.ds(o, LANES)] = zv

    def _issue(i, slot):
        base = i * CHUNK
        pb, db = bufs[slot]
        sp, sd = sems[slot]
        pltpu.async_copy(pst_hbm.at[pl.ds(base, CHUNK)], pb, sp)
        pltpu.async_copy(dst_hbm.at[pl.ds(base, CHUNK)], db, sd)

    def _wait(i, slot):
        base = i * CHUNK
        pb, db = bufs[slot]
        sp, sd = sems[slot]
        pltpu.make_async_copy(pst_hbm.at[pl.ds(base, CHUNK)], pb, sp).wait()
        pltpu.make_async_copy(dst_hbm.at[pl.ds(base, CHUNK)], db, sd).wait()

    def _compute(slot):
        pb, db = bufs[slot]

        @plsc.parallel_loop(0, CHUNK // LANES, unroll=8)
        def _vec(j):
            o = j * LANES
            p16 = pb[pl.ds(o, LANES)]
            d16 = db[pl.ds(o, LANES)]
            s16 = jnp.bitwise_and(p16, SRC_MASK)
            t16 = jnp.right_shift(p16, 14)
            for q in range(PAIRS_PER_TEC):
                hw = plsc.load_gather(hmp[q], [s16])
                hlo, hhi = plsc.unpack(plsc.bitcast(hw, jnp.bfloat16),
                                       format=plsc.PackFormat.INTERLEAVED)
                ew = plsc.load_gather(ebp[q], [t16])
                elo, ehi = plsc.unpack(plsc.bitcast(ew, jnp.bfloat16),
                                       format=plsc.PackFormat.INTERLEAVED)
                plsc.addupdate_scatter(ags[q], [d16],
                                       jnp.maximum(hlo + elo, 0.0))
                plsc.addupdate_scatter(ags[PAIRS_PER_TEC + q], [d16],
                                       jnp.maximum(hhi + ehi, 0.0))

    _issue(0, 0)
    _issue(1, 1)

    def _pair(k, _):
        i0 = 2 * k
        _wait(i0, 0)
        _compute(0)

        @pl.when(i0 + 2 < NCHUNK)
        def _():
            _issue(i0 + 2, 0)

        _wait(i0 + 1, 1)
        _compute(1)

        @pl.when(i0 + 3 < NCHUNK)
        def _():
            _issue(i0 + 3, 1)

        return 0

    lax.fori_loop(0, NCHUNK // 2, _pair, 0)

    for q in range(PAIRS_PER_TEC):
        pltpu.sync_copy(ags[q], agg_hbm.at[row + q])
        pltpu.sync_copy(ags[PAIRS_PER_TEC + q], agg_hbm.at[DH + row + q])


@functools.partial(
    pl.kernel,
    out_type=jax.ShapeDtypeStruct((D, N), F32),
    mesh=_sc_mesh,
    compiler_params=pltpu.CompilerParams(needs_layout_passes=False),
    scratch_types=[
        [pltpu.VMEM((N,), jnp.int32)] * PAIRS_PER_TEC,
        [pltpu.VMEM((N,), F32)] * (2 * PAIRS_PER_TEC),
        [pltpu.VMEM((EVP,), jnp.int32)] * PAIRS_PER_TEC,
        [[pltpu.VMEM((CHUNK,), jnp.int32)] * 2] * 2,
        [[pltpu.SemaphoreType.DMA] * 2] * 2,
    ],
)
def _sc_edge_pass(hm_hbm, eb_hbm, pst_hbm, dst_hbm, agg_hbm,
                  hmp, ags, ebp, bufs, sems):
    _sc_edge_body(hm_hbm, eb_hbm, pst_hbm, dst_hbm, agg_hbm,
                  hmp, ags, ebp, bufs, sems)


def kernel(node_types, edge_index, edge_types, graph_ids,
           node_embed, edge_embed, W_msg, W_upd, W_latent, W_dec, W_out):
    src = edge_index[0].astype(jnp.int32)
    dst = edge_index[1].astype(jnp.int32)
    typ = edge_types.astype(jnp.int32)
    pst = jnp.bitwise_or(src, jnp.left_shift(typ, 14))
    nt2 = node_types.astype(jnp.int32).reshape(1, N)
    gid2 = graph_ids.astype(jnp.int32).reshape(1, N)
    edge_embed_pad = jnp.pad(edge_embed, ((0, EVP - EV), (0, 0)))

    hT, hmp, ebp = _tc_init(nt2, node_embed, edge_embed_pad, W_msg)
    for _ in range(HOPS):
        aggT = _sc_edge_pass(hmp, ebp, pst, dst)
        hT, hmp = _tc_update(hT, aggT, W_upd, W_msg)
    latents, nll = _tc_readout(hT, gid2, nt2, W_latent, W_dec, W_out)
    return latents, nll.reshape(()), jnp.zeros((), F32)

# --- scband reference (transcript-rebuilt; emitter-appended) ---
"""Pipeline reference for scband-autoencoder-19885698580654 (READ-ONLY COPY).

The authoritative reference and input builder live on the scoring server;
editing this copy changes nothing except your own understanding.
"""

import jax, jax.numpy as jnp
import numpy as np

N_NODES = 10000
N_EDGES = 320000
N_GRAPHS = 256
NODE_VOCAB = 100
EDGE_VOCAB = 20
D = 128
LATENT = 64
HOPS = 3


def setup_inputs(seed: int = 0) -> dict:
    key = jax.random.key(seed)
    ks = jax.random.split(key, 12)
    node_types = jax.random.randint(ks[0], (N_NODES,), 0, NODE_VOCAB)
    edge_index = jax.random.randint(ks[1], (2, N_EDGES), 0, N_NODES)
    edge_types = jax.random.randint(ks[2], (N_EDGES,), 0, EDGE_VOCAB)
    graph_ids = jnp.sort(jax.random.randint(ks[3], (N_NODES,), 0, N_GRAPHS))
    node_embed = jax.random.normal(ks[4], (NODE_VOCAB, D), dtype=jnp.float32) * 0.05
    edge_embed = jax.random.normal(ks[5], (EDGE_VOCAB, D), dtype=jnp.float32) * 0.05
    W_msg = jax.random.normal(ks[6], (2 * D, D), dtype=jnp.float32) * 0.05
    W_upd = jax.random.normal(ks[7], (2 * D, D), dtype=jnp.float32) * 0.05
    W_latent = jax.random.normal(ks[8], (D, LATENT), dtype=jnp.float32) * 0.05
    W_dec = jax.random.normal(ks[9], (LATENT, D), dtype=jnp.float32) * 0.05
    W_out = jax.random.normal(ks[10], (D, NODE_VOCAB), dtype=jnp.float32) * 0.05
    return {
        'node_types': node_types,
        'edge_index': edge_index,
        'edge_types': edge_types,
        'graph_ids': graph_ids,
        'node_embed': node_embed,
        'edge_embed': edge_embed,
        'W_msg': W_msg,
        'W_upd': W_upd,
        'W_latent': W_latent,
        'W_dec': W_dec,
        'W_out': W_out,
    }


def reference(node_types, edge_index, edge_types, graph_ids,
              node_embed, edge_embed, W_msg, W_upd, W_latent, W_dec, W_out):
    # --- Encoder: embed nodes/edges, run `neighbor_hops` rounds of MPN ---
    h = node_embed[node_types]                       # gather: [N, D]
    e = edge_embed[edge_types]                       # gather: [E, D]
    src = edge_index[0]
    dst = edge_index[1]
    for _ in range(HOPS):
        src_h = h[src]                               # gather: [E, D]
        msg = jax.nn.relu(jnp.concatenate([src_h, e], axis=-1) @ W_msg)
        agg = jax.ops.segment_sum(msg, dst, num_segments=N_NODES)  # scatter-add
        h = jax.nn.relu(jnp.concatenate([h, agg], axis=-1) @ W_upd)
    # --- Graph readout -> latent ---
    graph_sum = jax.ops.segment_sum(h, graph_ids, num_segments=N_GRAPHS)
    counts = jax.ops.segment_sum(jnp.ones((N_NODES, 1), dtype=h.dtype), graph_ids,
                                 num_segments=N_GRAPHS)
    graph_rep = graph_sum / jnp.maximum(counts, 1.0)
    latents = graph_rep @ W_latent                   # [G, LATENT]
    # --- Decoder: latent -> per-node reconstruction logits + loss ---
    dec = jax.nn.relu(latents @ W_dec)               # [G, D]
    node_ctx = dec[graph_ids]                        # gather: [N, D]
    logits = node_ctx @ W_out                        # [N, NODE_VOCAB]
    logp = jax.nn.log_softmax(logits, axis=-1)
    nll = -jnp.take_along_axis(logp, node_types[:, None], axis=1).mean()
    kl_loss = jnp.array(0.0, dtype=jnp.float32)      # non-variational path
    return (latents, nll, kl_loss)

if __name__ == "__main__":
    import jax
    _d = setup_inputs()
    print(jax.jit(kernel)(*tuple(_d.values())))

</pallas_src>

<mosaic_0001>
#map = affine_map<(d0, d1) -> (0, 0)>
#map1 = affine_map<(d0, d1) -> (0)>
module attributes {stable_mosaic.version = 14 : i64} {
  func.func @_sc_edge_pass(%arg0: i32, %arg1: i32, %arg2: memref<64x10000xi32, #tpu.memory_space<hbm>>, %arg3: memref<64x32xi32, #tpu.memory_space<hbm>>, %arg4: memref<320000xi32, #tpu.memory_space<hbm>>, %arg5: memref<320000xi32, #tpu.memory_space<hbm>>, %arg6: memref<128x10000xf32, #tpu.memory_space<hbm>>, %arg7: memref<10000xi32, #tpu.memory_space<vmem>>, %arg8: memref<10000xi32, #tpu.memory_space<vmem>>, %arg9: memref<10000xf32, #tpu.memory_space<vmem>>, %arg10: memref<10000xf32, #tpu.memory_space<vmem>>, %arg11: memref<10000xf32, #tpu.memory_space<vmem>>, %arg12: memref<10000xf32, #tpu.memory_space<vmem>>, %arg13: memref<32xi32, #tpu.memory_space<vmem>>, %arg14: memref<32xi32, #tpu.memory_space<vmem>>, %arg15: memref<6400xi32, #tpu.memory_space<vmem>>, %arg16: memref<6400xi32, #tpu.memory_space<vmem>>, %arg17: memref<6400xi32, #tpu.memory_space<vmem>>, %arg18: memref<6400xi32, #tpu.memory_space<vmem>>, %arg19: memref<!tpu.dma_semaphore, #tpu.memory_space<semaphore_mem>>, %arg20: memref<!tpu.dma_semaphore, #tpu.memory_space<semaphore_mem>>, %arg21: memref<!tpu.dma_semaphore, #tpu.memory_space<semaphore_mem>>, %arg22: memref<!tpu.dma_semaphore, #tpu.memory_space<semaphore_mem>>) attributes {dimension_semantics = [#tpu.dimension_semantics<core_parallel>, #tpu.dimension_semantics<subcore_parallel>], iteration_bounds = array<i64: 2, 16>, scalar_prefetch = 0 : i64, scratch_operands = 16 : i64, tpu.core_type = #tpu.core_type<sc_vector_subcore>, window_params = [{transform_indices = #map}, {transform_indices = #map}, {transform_indices = #map1}, {transform_indices = #map1}, {transform_indices = #map}]} {
    %mul3A = arith.constant 2 : i32
    %mul3A_0 = arith.muli %arg1, %mul3A : i32
    %add3A = arith.addi %mul3A_0, %arg0 : i32
    %mul3A_1 = arith.constant 2 : i32
    %mul3A_2 = arith.muli %add3A, %mul3A_1 : i32
    %add3A_3 = arith.constant 0 : i32
    %add3A_4 = arith.addi %mul3A_2, %add3A_3 : i32
    "tpu.region"() ({
      %run_scoped3A = tpu.sem_alloc : memref<!tpu.dma_semaphore, #tpu.memory_space<semaphore_mem>>
      %dma_start3A_47 = arith.constant 0 : i32
      %dma_start3A_48 = tpu.memref_slice %arg2[%add3A_4, %dma_start3A_47] : memref<64x10000xi32, #tpu.memory_space<hbm>> -> memref<1x10000xi32, #tpu.memory_space<hbm>>
      %dma_start3A_49 = tpu.memref_squeeze %dma_start3A_48 : memref<1x10000xi32, #tpu.memory_space<hbm>> -> memref<10000xi32, #tpu.memory_space<hbm>>
      %dma_start3A_50 = arith.constant 0 : i32
      %dma_start3A_51 = tpu.memref_slice %arg2[%add3A_4, %dma_start3A_50] : memref<64x10000xi32, #tpu.memory_space<hbm>> -> memref<1x10000xi32, #tpu.memory_space<hbm>>
      %dma_start3A_52 = tpu.memref_squeeze %dma_start3A_51 : memref<1x10000xi32, #tpu.memory_space<hbm>> -> memref<10000xi32, #tpu.memory_space<hbm>>
      tpu.enqueue_dma source(%dma_start3A_52 : memref<10000xi32, #tpu.memory_space<hbm>>) target(%arg7 : memref<10000xi32, #tpu.memory_space<vmem>>) target_semaphore(%run_scoped3A : memref<!tpu.dma_semaphore, #tpu.memory_space<semaphore_mem>>)
      %dma_wait3A = arith.constant 0 : i32
      %dma_wait3A_53 = tpu.memref_slice %arg2[%add3A_4, %dma_wait3A] : memref<64x10000xi32, #tpu.memory_space<hbm>> -> memref<1x10000xi32, #tpu.memory_space<hbm>>
      %dma_wait3A_54 = tpu.memref_squeeze %dma_wait3A_53 : memref<1x10000xi32, #tpu.memory_space<hbm>> -> memref<10000xi32, #tpu.memory_space<hbm>>
      %dma_wait3A_55 = arith.constant 0 : i32
      %dma_wait3A_56 = tpu.memref_slice %arg2[%add3A_4, %dma_wait3A_55] : memref<64x10000xi32, #tpu.memory_space<hbm>> -> memref<1x10000xi32, #tpu.memory_space<hbm>>
      %dma_wait3A_57 = tpu.memref_squeeze %dma_wait3A_56 : memref<1x10000xi32, #tpu.memory_space<hbm>> -> memref<10000xi32, #tpu.memory_space<hbm>>
      tpu.wait_dma2 semaphore(%run_scoped3A : memref<!tpu.dma_semaphore, #tpu.memory_space<semaphore_mem>>) src(%dma_wait3A_57 : memref<10000xi32, #tpu.memory_space<hbm>>) dst(%arg7 : memref<10000xi32, #tpu.memory_space<vmem>>)
      tpu.yield
    }) : () -> ()
    %add3A_5 = arith.constant 0 : i32
    %add3A_6 = arith.addi %mul3A_2, %add3A_5 : i32
    "tpu.region"() ({
      %run_scoped3A = tpu.sem_alloc : memref<!tpu.dma_semaphore, #tpu.memory_space<semaphore_mem>>
      %dma_start3A_47 = arith.constant 0 : i32
      %dma_start3A_48 = tpu.memref_slice %arg3[%add3A_6, %dma_start3A_47] : memref<64x32xi32, #tpu.memory_space<hbm>> -> memref<1x32xi32, #tpu.memory_space<hbm>>
      %dma_start3A_49 = tpu.memref_squeeze %dma_start3A_48 : memref<1x32xi32, #tpu.memory_space<hbm>> -> memref<32xi32, #tpu.memory_space<hbm>>
      %dma_start3A_50 = arith.constant 0 : i32
      %dma_start3A_51 = tpu.memref_slice %arg3[%add3A_6, %dma_start3A_50] : memref<64x32xi32, #tpu.memory_space<hbm>> -> memref<1x32xi32, #tpu.memory_space<hbm>>
      %dma_start3A_52 = tpu.memref_squeeze %dma_start3A_51 : memref<1x32xi32, #tpu.memory_space<hbm>> -> memref<32xi32, #tpu.memory_space<hbm>>
      tpu.enqueue_dma source(%dma_start3A_52 : memref<32xi32, #tpu.memory_space<hbm>>) target(%arg13 : memref<32xi32, #tpu.memory_space<vmem>>) target_semaphore(%run_scoped3A : memref<!tpu.dma_semaphore, #tpu.memory_space<semaphore_mem>>)
      %dma_wait3A = arith.constant 0 : i32
      %dma_wait3A_53 = tpu.memref_slice %arg3[%add3A_6, %dma_wait3A] : memref<64x32xi32, #tpu.memory_space<hbm>> -> memref<1x32xi32, #tpu.memory_space<hbm>>
      %dma_wait3A_54 = tpu.memref_squeeze %dma_wait3A_53 : memref<1x32xi32, #tpu.memory_space<hbm>> -> memref<32xi32, #tpu.memory_space<hbm>>
      %dma_wait3A_55 = arith.constant 0 : i32
      %dma_wait3A_56 = tpu.memref_slice %arg3[%add3A_6, %dma_wait3A_55] : memref<64x32xi32, #tpu.memory_space<hbm>> -> memref<1x32xi32, #tpu.memory_space<hbm>>
      %dma_wait3A_57 = tpu.memref_squeeze %dma_wait3A_56 : memref<1x32xi32, #tpu.memory_space<hbm>> -> memref<32xi32, #tpu.memory_space<hbm>>
      tpu.wait_dma2 semaphore(%run_scoped3A : memref<!tpu.dma_semaphore, #tpu.memory_space<semaphore_mem>>) src(%dma_wait3A_57 : memref<32xi32, #tpu.memory_space<hbm>>) dst(%arg13 : memref<32xi32, #tpu.memory_space<vmem>>)
      tpu.yield
    }) : () -> ()
    %add3A_7 = arith.constant 1 : i32
    %add3A_8 = arith.addi %mul3A_2, %add3A_7 : i32
    "tpu.region"() ({
      %run_scoped3A = tpu.sem_alloc : memref<!tpu.dma_semaphore, #tpu.memory_space<semaphore_mem>>
      %dma_start3A_47 = arith.constant 0 : i32
      %dma_start3A_48 = tpu.memref_slice %arg2[%add3A_8, %dma_start3A_47] : memref<64x10000xi32, #tpu.memory_space<hbm>> -> memref<1x10000xi32, #tpu.memory_space<hbm>>
      %dma_start3A_49 = tpu.memref_squeeze %dma_start3A_48 : memref<1x10000xi32, #tpu.memory_space<hbm>> -> memref<10000xi32, #tpu.memory_space<hbm>>
      %dma_start3A_50 = arith.constant 0 : i32
      %dma_start3A_51 = tpu.memref_slice %arg2[%add3A_8, %dma_start3A_50] : memref<64x10000xi32, #tpu.memory_space<hbm>> -> memref<1x10000xi32, #tpu.memory_space<hbm>>
      %dma_start3A_52 = tpu.memref_squeeze %dma_start3A_51 : memref<1x10000xi32, #tpu.memory_space<hbm>> -> memref<10000xi32, #tpu.memory_space<hbm>>
      tpu.enqueue_dma source(%dma_start3A_52 : memref<10000xi32, #tpu.memory_space<hbm>>) target(%arg8 : memref<10000xi32, #tpu.memory_space<vmem>>) target_semaphore(%run_scoped3A : memref<!tpu.dma_semaphore, #tpu.memory_space<semaphore_mem>>)
      %dma_wait3A = arith.constant 0 : i32
      %dma_wait3A_53 = tpu.memref_slice %arg2[%add3A_8, %dma_wait3A] : memref<64x10000xi32, #tpu.memory_space<hbm>> -> memref<1x10000xi32, #tpu.memory_space<hbm>>
      %dma_wait3A_54 = tpu.memref_squeeze %dma_wait3A_53 : memref<1x10000xi32, #tpu.memory_space<hbm>> -> memref<10000xi32, #tpu.memory_space<hbm>>
      %dma_wait3A_55 = arith.constant 0 : i32
      %dma_wait3A_56 = tpu.memref_slice %arg2[%add3A_8, %dma_wait3A_55] : memref<64x10000xi32, #tpu.memory_space<hbm>> -> memref<1x10000xi32, #tpu.memory_space<hbm>>
      %dma_wait3A_57 = tpu.memref_squeeze %dma_wait3A_56 : memref<1x10000xi32, #tpu.memory_space<hbm>> -> memref<10000xi32, #tpu.memory_space<hbm>>
      tpu.wait_dma2 semaphore(%run_scoped3A : memref<!tpu.dma_semaphore, #tpu.memory_space<semaphore_mem>>) src(%dma_wait3A_57 : memref<10000xi32, #tpu.memory_space<hbm>>) dst(%arg8 : memref<10000xi32, #tpu.memory_space<vmem>>)
      tpu.yield
    }) : () -> ()
    %add3A_9 = arith.constant 1 : i32
    %add3A_10 = arith.addi %mul3A_2, %add3A_9 : i32
    "tpu.region"() ({
      %run_scoped3A = tpu.sem_alloc : memref<!tpu.dma_semaphore, #tpu.memory_space<semaphore_mem>>
      %dma_start3A_47 = arith.constant 0 : i32
      %dma_start3A_48 = tpu.memref_slice %arg3[%add3A_10, %dma_start3A_47] : memref<64x32xi32, #tpu.memory_space<hbm>> -> memref<1x32xi32, #tpu.memory_space<hbm>>
      %dma_start3A_49 = tpu.memref_squeeze %dma_start3A_48 : memref<1x32xi32, #tpu.memory_space<hbm>> -> memref<32xi32, #tpu.memory_space<hbm>>
      %dma_start3A_50 = arith.constant 0 : i32
      %dma_start3A_51 = tpu.memref_slice %arg3[%add3A_10, %dma_start3A_50] : memref<64x32xi32, #tpu.memory_space<hbm>> -> memref<1x32xi32, #tpu.memory_space<hbm>>
      %dma_start3A_52 = tpu.memref_squeeze %dma_start3A_51 : memref<1x32xi32, #tpu.memory_space<hbm>> -> memref<32xi32, #tpu.memory_space<hbm>>
      tpu.enqueue_dma source(%dma_start3A_52 : memref<32xi32, #tpu.memory_space<hbm>>) target(%arg14 : memref<32xi32, #tpu.memory_space<vmem>>) target_semaphore(%run_scoped3A : memref<!tpu.dma_semaphore, #tpu.memory_space<semaphore_mem>>)
      %dma_wait3A = arith.constant 0 : i32
      %dma_wait3A_53 = tpu.memref_slice %arg3[%add3A_10, %dma_wait3A] : memref<64x32xi32, #tpu.memory_space<hbm>> -> memref<1x32xi32, #tpu.memory_space<hbm>>
      %dma_wait3A_54 = tpu.memref_squeeze %dma_wait3A_53 : memref<1x32xi32, #tpu.memory_space<hbm>> -> memref<32xi32, #tpu.memory_space<hbm>>
      %dma_wait3A_55 = arith.constant 0 : i32
      %dma_wait3A_56 = tpu.memref_slice %arg3[%add3A_10, %dma_wait3A_55] : memref<64x32xi32, #tpu.memory_space<hbm>> -> memref<1x32xi32, #tpu.memory_space<hbm>>
      %dma_wait3A_57 = tpu.memref_squeeze %dma_wait3A_56 : memref<1x32xi32, #tpu.memory_space<hbm>> -> memref<32xi32, #tpu.memory_space<hbm>>
      tpu.wait_dma2 semaphore(%run_scoped3A : memref<!tpu.dma_semaphore, #tpu.memory_space<semaphore_mem>>) src(%dma_wait3A_57 : memref<32xi32, #tpu.memory_space<hbm>>) dst(%arg14 : memref<32xi32, #tpu.memory_space<vmem>>)
      tpu.yield
    }) : () -> ()
    %broadcast_in_dim3A = arith.constant 0.000000e+00 : f32
    %broadcast_in_dim3A_11 = vector.broadcast %broadcast_in_dim3A : f32 to vector<16xf32>
    %parallel_loop3A = arith.constant 0 : i32
    %parallel_loop3A_12 = arith.constant 625 : i32
    %parallel_loop3A_13 = arith.constant 1 : i32
    scf.for %parallel_loop3A_47 = %parallel_loop3A to %parallel_loop3A_12 step %parallel_loop3A_13  : i32 {
      %parallel_loop3A_48 = arith.constant 16 : i32
      %parallel_loop3A_49 = arith.muli %parallel_loop3A_47, %parallel_loop3A_48 : i32
      %parallel_loop3A_50 = arith.index_cast %parallel_loop3A_49 : i32 to index
      %parallel_loop3A_51 = tpu.vector_load %arg9[%parallel_loop3A_50] {strides = array<i32>} : memref<10000xf32, #tpu.memory_space<vmem>>, vector<16xf32>,
      tpu.vector_store %arg9[%parallel_loop3A_50], %broadcast_in_dim3A_11 {strides = array<i32>} : memref<10000xf32, #tpu.memory_space<vmem>>, vector<16xf32>,
      %parallel_loop3A_52 = arith.index_cast %parallel_loop3A_49 : i32 to index
      %parallel_loop3A_53 = tpu.vector_load %arg10[%parallel_loop3A_52] {strides = array<i32>} : memref<10000xf32, #tpu.memory_space<vmem>>, vector<16xf32>,
      tpu.vector_store %arg10[%parallel_loop3A_52], %broadcast_in_dim3A_11 {strides = array<i32>} : memref<10000xf32, #tpu.memory_space<vmem>>, vector<16xf32>,
      %parallel_loop3A_54 = arith.index_cast %parallel_loop3A_49 : i32 to index
      %parallel_loop3A_55 = tpu.vector_load %arg11[%parallel_loop3A_54] {strides = array<i32>} : memref<10000xf32, #tpu.memory_space<vmem>>, vector<16xf32>,
      tpu.vector_store %arg11[%parallel_loop3A_54], %broadcast_in_dim3A_11 {strides = array<i32>} : memref<10000xf32, #tpu.memory_space<vmem>>, vector<16xf32>,
      %parallel_loop3A_56 = arith.index_cast %parallel_loop3A_49 : i32 to index
      %parallel_loop3A_57 = tpu.vector_load %arg12[%parallel_loop3A_56] {strides = array<i32>} : memref<10000xf32, #tpu.memory_space<vmem>>, vector<16xf32>,
      tpu.vector_store %arg12[%parallel_loop3A_56], %broadcast_in_dim3A_11 {strides = array<i32>} : memref<10000xf32, #tpu.memory_space<vmem>>, vector<16xf32>,
    } {sc.loop_unroll_factor = 1 : i64, sc.parallel_access}
    %dma_start3A = arith.constant 0 : i32
    %dma_start3A_14 = tpu.memref_slice %arg4[%dma_start3A] : memref<320000xi32, #tpu.memory_space<hbm>> -> memref<6400xi32, #tpu.memory_space<hbm>>
    %dma_start3A_15 = arith.constant 0 : i32
    %dma_start3A_16 = tpu.memref_slice %arg4[%dma_start3A_15] : memref<320000xi32, #tpu.memory_space<hbm>> -> memref<6400xi32, #tpu.memory_space<hbm>>
    tpu.enqueue_dma source(%dma_start3A_16 : memref<6400xi32, #tpu.memory_space<hbm>>) target(%arg15 : memref<6400xi32, #tpu.memory_space<vmem>>) target_semaphore(%arg19 : memref<!tpu.dma_semaphore, #tpu.memory_space<semaphore_mem>>)
    %dma_start3A_17 = arith.constant 0 : i32
    %dma_start3A_18 = tpu.memref_slice %arg5[%dma_start3A_17] : memref<320000xi32, #tpu.memory_space<hbm>> -> memref<6400xi32, #tpu.memory_space<hbm>>
    %dma_start3A_19 = arith.constant 0 : i32
    %dma_start3A_20 = tpu.memref_slice %arg5[%dma_start3A_19] : memref<320000xi32, #tpu.memory_space<hbm>> -> memref<6400xi32, #tpu.memory_space<hbm>>
    tpu.enqueue_dma source(%dma_start3A_20 : memref<6400xi32, #tpu.memory_space<hbm>>) target(%arg16 : memref<6400xi32, #tpu.memory_space<vmem>>) target_semaphore(%arg20 : memref<!tpu.dma_semaphore, #tpu.memory_space<semaphore_mem>>)
    %dma_start3A_21 = arith.constant 6400 : i32
    %dma_start3A_22 = tpu.memref_slice %arg4[%dma_start3A_21] : memref<320000xi32, #tpu.memory_space<hbm>> -> memref<6400xi32, #tpu.memory_space<hbm>>
    %dma_start3A_23 = arith.constant 6400 : i32
    %dma_start3A_24 = tpu.memref_slice %arg4[%dma_start3A_23] : memref<320000xi32, #tpu.memory_space<hbm>> -> memref<6400xi32, #tpu.memory_space<hbm>>
    tpu.enqueue_dma source(%dma_start3A_24 : memref<6400xi32, #tpu.memory_space<hbm>>) target(%arg17 : memref<6400xi32, #tpu.memory_space<vmem>>) target_semaphore(%arg21 : memref<!tpu.dma_semaphore, #tpu.memory_space<semaphore_mem>>)
    %dma_start3A_25 = arith.constant 6400 : i32
    %dma_start3A_26 = tpu.memref_slice %arg5[%dma_start3A_25] : memref<320000xi32, #tpu.memory_space<hbm>> -> memref<6400xi32, #tpu.memory_space<hbm>>
    %dma_start3A_27 = arith.constant 6400 : i32
    %dma_start3A_28 = tpu.memref_slice %arg5[%dma_start3A_27] : memref<320000xi32, #tpu.memory_space<hbm>> -> memref<6400xi32, #tpu.memory_space<hbm>>
    tpu.enqueue_dma source(%dma_start3A_28 : memref<6400xi32, #tpu.memory_space<hbm>>) target(%arg18 : memref<6400xi32, #tpu.memory_space<vmem>>) target_semaphore(%arg22 : memref<!tpu.dma_semaphore, #tpu.memory_space<semaphore_mem>>)
    %scan3A = arith.constant 0 : i32
    %scan3A_29 = arith.constant 0 : i32
    %scan3A_30 = arith.constant 25 : i32
    %scan3A_31 = arith.addi %scan3A_29, %scan3A_30 : i32
    %scan3A_32 = arith.constant 1 : i32
    %scan3A_33 = scf.for %scan3A_47 = %scan3A_29 to %scan3A_31 step %scan3A_32 iter_args(%scan3A_48 = %scan3A) -> (i32)  : i32 {
      %mul3A_49 = arith.constant 2 : i32
      %mul3A_50 = arith.muli %mul3A_49, %scan3A_47 : i32
      %mul3A_51 = arith.constant 6400 : i32
      %mul3A_52 = arith.muli %mul3A_50, %mul3A_51 : i32
      %dma_wait3A = tpu.memref_slice %arg4[%mul3A_52] : memref<320000xi32, #tpu.memory_space<hbm>> -> memref<6400xi32, #tpu.memory_space<hbm>>
      %dma_wait3A_53 = tpu.memref_slice %arg4[%mul3A_52] : memref<320000xi32, #tpu.memory_space<hbm>> -> memref<6400xi32, #tpu.memory_space<hbm>>
      tpu.wait_dma2 semaphore(%arg19 : memref<!tpu.dma_semaphore, #tpu.memory_space<semaphore_mem>>) src(%dma_wait3A_53 : memref<6400xi32, #tpu.memory_space<hbm>>) dst(%arg15 : memref<6400xi32, #tpu.memory_space<vmem>>)
      %dma_wait3A_54 = tpu.memref_slice %arg5[%mul3A_52] : memref<320000xi32, #tpu.memory_space<hbm>> -> memref<6400xi32, #tpu.memory_space<hbm>>
      %dma_wait3A_55 = tpu.memref_slice %arg5[%mul3A_52] : memref<320000xi32, #tpu.memory_space<hbm>> -> memref<6400xi32, #tpu.memory_space<hbm>>
      tpu.wait_dma2 semaphore(%arg20 : memref<!tpu.dma_semaphore, #tpu.memory_space<semaphore_mem>>) src(%dma_wait3A_55 : memref<6400xi32, #tpu.memory_space<hbm>>) dst(%arg16 : memref<6400xi32, #tpu.memory_space<vmem>>)
      %parallel_loop3A_56 = arith.constant 0 : i32
      %parallel_loop3A_57 = arith.constant 400 : i32
      %parallel_loop3A_58 = arith.constant 1 : i32
      scf.for %parallel_loop3A_82 = %parallel_loop3A_56 to %parallel_loop3A_57 step %parallel_loop3A_58  : i32 {
        %parallel_loop3A_83 = arith.constant 16 : i32
        %parallel_loop3A_84 = arith.muli %parallel_loop3A_82, %parallel_loop3A_83 : i32
        %parallel_loop3A_85 = arith.index_cast %parallel_loop3A_84 : i32 to index
        %parallel_loop3A_86 = tpu.vector_load %arg15[%parallel_loop3A_85] {strides = array<i32>} : memref<6400xi32, #tpu.memory_space<vmem>>, vector<16xi32>,
        %parallel_loop3A_87 = arith.index_cast %parallel_loop3A_84 : i32 to index
        %parallel_loop3A_88 = tpu.vector_load %arg16[%parallel_loop3A_87] {strides = array<i32>} : memref<6400xi32, #tpu.memory_space<vmem>>, vector<16xi32>,
        %parallel_loop3A_89 = arith.constant 16383 : i32
        %parallel_loop3A_90 = vector.broadcast %parallel_loop3A_89 : i32 to vector<16xi32>
        %parallel_loop3A_91 = arith.andi %parallel_loop3A_86, %parallel_loop3A_90 : vector<16xi32>
        %parallel_loop3A_92 = arith.constant 14 : i32
        %parallel_loop3A_93 = vector.broadcast %parallel_loop3A_92 : i32 to vector<16xi32>
        %parallel_loop3A_94 = arith.shrsi %parallel_loop3A_86, %parallel_loop3A_93 : vector<16xi32>
        %parallel_loop3A_95 = tpu.vector_load_idx %arg7[%parallel_loop3A_91] : memref<10000xi32, #tpu.memory_space<vmem>>[vector<16xi32>], vector<16xi32>,
        %parallel_loop3A_96 = vector.bitcast %parallel_loop3A_95 : vector<16xi32> to vector<32xbf16>
        %parallel_loop3A_97 = tpu.unpack_subelements %parallel_loop3A_96, 0 {pack_format = #tpu.pack_format<interleaved>} : vector<32xbf16> -> vector<16xf32>
        %parallel_loop3A_98 = tpu.unpack_subelements %parallel_loop3A_96, 1 {pack_format = #tpu.pack_format<interleaved>} : vector<32xbf16> -> vector<16xf32>
        %parallel_loop3A_99 = tpu.vector_load_idx %arg13[%parallel_loop3A_94] : memref<32xi32, #tpu.memory_space<vmem>>[vector<16xi32>], vector<16xi32>,
        %parallel_loop3A_100 = vector.bitcast %parallel_loop3A_99 : vector<16xi32> to vector<32xbf16>
        %parallel_loop3A_101 = tpu.unpack_subelements %parallel_loop3A_100, 0 {pack_format = #tpu.pack_format<interleaved>} : vector<32xbf16> -> vector<16xf32>
        %parallel_loop3A_102 = tpu.unpack_subelements %parallel_loop3A_100, 1 {pack_format = #tpu.pack_format<interleaved>} : vector<32xbf16> -> vector<16xf32>
        %parallel_loop3A_103 = arith.addf %parallel_loop3A_97, %parallel_loop3A_101 : vector<16xf32>
        %parallel_loop3A_104 = arith.constant 0.000000e+00 : f32
        %parallel_loop3A_105 = vector.broadcast %parallel_loop3A_104 : f32 to vector<16xf32>
        %parallel_loop3A_106 = arith.maximumf %parallel_loop3A_103, %parallel_loop3A_105 : vector<16xf32>
        tpu.vector_store_idx %arg9[%parallel_loop3A_88], %parallel_loop3A_106 {add = true} : memref<10000xf32, #tpu.memory_space<vmem>>[vector<16xi32>], vector<16xf32>,
        %parallel_loop3A_107 = arith.addf %parallel_loop3A_98, %parallel_loop3A_102 : vector<16xf32>
        %parallel_loop3A_108 = arith.constant 0.000000e+00 : f32
        %parallel_loop3A_109 = vector.broadcast %parallel_loop3A_108 : f32 to vector<16xf32>
        %parallel_loop3A_110 = arith.maximumf %parallel_loop3A_107, %parallel_loop3A_109 : vector<16xf32>
        tpu.vector_store_idx %arg11[%parallel_loop3A_88], %parallel_loop3A_110 {add = true} : memref<10000xf32, #tpu.memory_space<vmem>>[vector<16xi32>], vector<16xf32>,
        %parallel_loop3A_111 = tpu.vector_load_idx %arg8[%parallel_loop3A_91] : memref<10000xi32, #tpu.memory_space<vmem>>[vector<16xi32>], vector<16xi32>,
        %parallel_loop3A_112 = vector.bitcast %parallel_loop3A_111 : vector<16xi32> to vector<32xbf16>
        %parallel_loop3A_113 = tpu.unpack_subelements %parallel_loop3A_112, 0 {pack_format = #tpu.pack_format<interleaved>} : vector<32xbf16> -> vector<16xf32>
        %parallel_loop3A_114 = tpu.unpack_subelements %parallel_loop3A_112, 1 {pack_format = #tpu.pack_format<interleaved>} : vector<32xbf16> -> vector<16xf32>
        %parallel_loop3A_115 = tpu.vector_load_idx %arg14[%parallel_loop3A_94] : memref<32xi32, #tpu.memory_space<vmem>>[vector<16xi32>], vector<16xi32>,
        %parallel_loop3A_116 = vector.bitcast %parallel_loop3A_115 : vector<16xi32> to vector<32xbf16>
        %parallel_loop3A_117 = tpu.unpack_subelements %parallel_loop3A_116, 0 {pack_format = #tpu.pack_format<interleaved>} : vector<32xbf16> -> vector<16xf32>
        %parallel_loop3A_118 = tpu.unpack_subelements %parallel_loop3A_116, 1 {pack_format = #tpu.pack_format<interleaved>} : vector<32xbf16> -> vector<16xf32>
        %parallel_loop3A_119 = arith.addf %parallel_loop3A_113, %parallel_loop3A_117 : vector<16xf32>
        %parallel_loop3A_120 = arith.constant 0.000000e+00 : f32
        %parallel_loop3A_121 = vector.broadcast %parallel_loop3A_120 : f32 to vector<16xf32>
        %parallel_loop3A_122 = arith.maximumf %parallel_loop3A_119, %parallel_loop3A_121 : vector<16xf32>
        tpu.vector_store_idx %arg10[%parallel_loop3A_88], %parallel_loop3A_122 {add = true} : memref<10000xf32, #tpu.memory_space<vmem>>[vector<16xi32>], vector<16xf32>,
        %parallel_loop3A_123 = arith.addf %parallel_loop3A_114, %parallel_loop3A_118 : vector<16xf32>
        %parallel_loop3A_124 = arith.constant 0.000000e+00 : f32
        %parallel_loop3A_125 = vector.broadcast %parallel_loop3A_124 : f32 to vector<16xf32>
        %parallel_loop3A_126 = arith.maximumf %parallel_loop3A_123, %parallel_loop3A_125 : vector<16xf32>
        tpu.vector_store_idx %arg12[%parallel_loop3A_88], %parallel_loop3A_126 {add = true} : memref<10000xf32, #tpu.memory_space<vmem>>[vector<16xi32>], vector<16xf32>,
      } {sc.loop_unroll_factor = 8 : i64, sc.parallel_access}
      %add3A_59 = arith.constant 2 : i32
      %add3A_60 = arith.addi %mul3A_50, %add3A_59 : i32
      %lt3A = arith.constant 50 : i32
      %lt3A_61 = arith.cmpi slt, %add3A_60, %lt3A : i32
      %convert_element_type3A = arith.extui %lt3A_61 : i1 to i32
      %cond3A = arith.constant 0 : i32
      %cond3A_62 = arith.cmpi ne, %convert_element_type3A, %cond3A : i32
      scf.if %cond3A_62 {
        %add3A_82 = arith.constant 2 : i32
        %add3A_83 = arith.addi %mul3A_50, %add3A_82 : i32
        %mul3A_84 = arith.constant 6400 : i32
        %mul3A_85 = arith.muli %add3A_83, %mul3A_84 : i32
        %dma_start3A_86 = tpu.memref_slice %arg4[%mul3A_85] : memref<320000xi32, #tpu.memory_space<hbm>> -> memref<6400xi32, #tpu.memory_space<hbm>>
        %dma_start3A_87 = tpu.memref_slice %arg4[%mul3A_85] : memref<320000xi32, #tpu.memory_space<hbm>> -> memref<6400xi32, #tpu.memory_space<hbm>>
        tpu.enqueue_dma source(%dma_start3A_87 : memref<6400xi32, #tpu.memory_space<hbm>>) target(%arg15 : memref<6400xi32, #tpu.memory_space<vmem>>) target_semaphore(%arg19 : memref<!tpu.dma_semaphore, #tpu.memory_space<semaphore_mem>>)
        %dma_start3A_88 = tpu.memref_slice %arg5[%mul3A_85] : memref<320000xi32, #tpu.memory_space<hbm>> -> memref<6400xi32, #tpu.memory_space<hbm>>
        %dma_start3A_89 = tpu.memref_slice %arg5[%mul3A_85] : memref<320000xi32, #tpu.memory_space<hbm>> -> memref<6400xi32, #tpu.memory_space<hbm>>
        tpu.enqueue_dma source(%dma_start3A_89 : memref<6400xi32, #tpu.memory_space<hbm>>) target(%arg16 : memref<6400xi32, #tpu.memory_space<vmem>>) target_semaphore(%arg20 : memref<!tpu.dma_semaphore, #tpu.memory_space<semaphore_mem>>)
      } else {
      }
      %add3A_63 = arith.constant 1 : i32
      %add3A_64 = arith.addi %mul3A_50, %add3A_63 : i32
      %mul3A_65 = arith.constant 6400 : i32
      %mul3A_66 = arith.muli %add3A_64, %mul3A_65 : i32
      %dma_wait3A_67 = tpu.memref_slice %arg4[%mul3A_66] : memref<320000xi32, #tpu.memory_space<hbm>> -> memref<6400xi32, #tpu.memory_space<hbm>>
      %dma_wait3A_68 = tpu.memref_slice %arg4[%mul3A_66] : memref<320000xi32, #tpu.memory_space<hbm>> -> memref<6400xi32, #tpu.memory_space<hbm>>
      tpu.wait_dma2 semaphore(%arg21 : memref<!tpu.dma_semaphore, #tpu.memory_space<semaphore_mem>>) src(%dma_wait3A_68 : memref<6400xi32, #tpu.memory_space<hbm>>) dst(%arg17 : memref<6400xi32, #tpu.memory_space<vmem>>)
      %dma_wait3A_69 = tpu.memref_slice %arg5[%mul3A_66] : memref<320000xi32, #tpu.memory_space<hbm>> -> memref<6400xi32, #tpu.memory_space<hbm>>
      %dma_wait3A_70 = tpu.memref_slice %arg5[%mul3A_66] : memref<320000xi32, #tpu.memory_space<hbm>> -> memref<6400xi32, #tpu.memory_space<hbm>>
      tpu.wait_dma2 semaphore(%arg22 : memref<!tpu.dma_semaphore, #tpu.memory_space<semaphore_mem>>) src(%dma_wait3A_70 : memref<6400xi32, #tpu.memory_space<hbm>>) dst(%arg18 : memref<6400xi32, #tpu.memory_space<vmem>>)
      %parallel_loop3A_71 = arith.constant 0 : i32
      %parallel_loop3A_72 = arith.constant 400 : i32
      %parallel_loop3A_73 = arith.constant 1 : i32
      scf.for %parallel_loop3A_82 = %parallel_loop3A_71 to %parallel_loop3A_72 step %parallel_loop3A_73  : i32 {
        %parallel_loop3A_83 = arith.constant 16 : i32
        %parallel_loop3A_84 = arith.muli %parallel_loop3A_82, %parallel_loop3A_83 : i32
        %parallel_loop3A_85 = arith.index_cast %parallel_loop3A_84 : i32 to index
        %parallel_loop3A_86 = tpu.vector_load %arg17[%parallel_loop3A_85] {strides = array<i32>} : memref<6400xi32, #tpu.memory_space<vmem>>, vector<16xi32>,
        %parallel_loop3A_87 = arith.index_cast %parallel_loop3A_84 : i32 to index
        %parallel_loop3A_88 = tpu.vector_load %arg18[%parallel_loop3A_87] {strides = array<i32>} : memref<6400xi32, #tpu.memory_space<vmem>>, vector<16xi32>,
        %parallel_loop3A_89 = arith.constant 16383 : i32
        %parallel_loop3A_90 = vector.broadcast %parallel_loop3A_89 : i32 to vector<16xi32>
        %parallel_loop3A_91 = arith.andi %parallel_loop3A_86, %parallel_loop3A_90 : vector<16xi32>
        %parallel_loop3A_92 = arith.constant 14 : i32
        %parallel_loop3A_93 = vector.broadcast %parallel_loop3A_92 : i32 to vector<16xi32>
        %parallel_loop3A_94 = arith.shrsi %parallel_loop3A_86, %parallel_loop3A_93 : vector<16xi32>
        %parallel_loop3A_95 = tpu.vector_load_idx %arg7[%parallel_loop3A_91] : memref<10000xi32, #tpu.memory_space<vmem>>[vector<16xi32>], vector<16xi32>,
        %parallel_loop3A_96 = vector.bitcast %parallel_loop3A_95 : vector<16xi32> to vector<32xbf16>
        %parallel_loop3A_97 = tpu.unpack_subelements %parallel_loop3A_96, 0 {pack_format = #tpu.pack_format<interleaved>} : vector<32xbf16> -> vector<16xf32>
        %parallel_loop3A_98 = tpu.unpack_subelements %parallel_loop3A_96, 1 {pack_format = #tpu.pack_format<interleaved>} : vector<32xbf16> -> vector<16xf32>
        %parallel_loop3A_99 = tpu.vector_load_idx %arg13[%parallel_loop3A_94] : memref<32xi32, #tpu.memory_space<vmem>>[vector<16xi32>], vector<16xi32>,
        %parallel_loop3A_100 = vector.bitcast %parallel_loop3A_99 : vector<16xi32> to vector<32xbf16>
        %parallel_loop3A_101 = tpu.unpack_subelements %parallel_loop3A_100, 0 {pack_format = #tpu.pack_format<interleaved>} : vector<32xbf16> -> vector<16xf32>
        %parallel_loop3A_102 = tpu.unpack_subelements %parallel_loop3A_100, 1 {pack_format = #tpu.pack_format<interleaved>} : vector<32xbf16> -> vector<16xf32>
        %parallel_loop3A_103 = arith.addf %parallel_loop3A_97, %parallel_loop3A_101 : vector<16xf32>
        %parallel_loop3A_104 = arith.constant 0.000000e+00 : f32
        %parallel_loop3A_105 = vector.broadcast %parallel_loop3A_104 : f32 to vector<16xf32>
        %parallel_loop3A_106 = arith.maximumf %parallel_loop3A_103, %parallel_loop3A_105 : vector<16xf32>
        tpu.vector_store_idx %arg9[%parallel_loop3A_88], %parallel_loop3A_106 {add = true} : memref<10000xf32, #tpu.memory_space<vmem>>[vector<16xi32>], vector<16xf32>,
        %parallel_loop3A_107 = arith.addf %parallel_loop3A_98, %parallel_loop3A_102 : vector<16xf32>
        %parallel_loop3A_108 = arith.constant 0.000000e+00 : f32
        %parallel_loop3A_109 = vector.broadcast %parallel_loop3A_108 : f32 to vector<16xf32>
        %parallel_loop3A_110 = arith.maximumf %parallel_loop3A_107, %parallel_loop3A_109 : vector<16xf32>
        tpu.vector_store_idx %arg11[%parallel_loop3A_88], %parallel_loop3A_110 {add = true} : memref<10000xf32, #tpu.memory_space<vmem>>[vector<16xi32>], vector<16xf32>,
        %parallel_loop3A_111 = tpu.vector_load_idx %arg8[%parallel_loop3A_91] : memref<10000xi32, #tpu.memory_space<vmem>>[vector<16xi32>], vector<16xi32>,
        %parallel_loop3A_112 = vector.bitcast %parallel_loop3A_111 : vector<16xi32> to vector<32xbf16>
        %parallel_loop3A_113 = tpu.unpack_subelements %parallel_loop3A_112, 0 {pack_format = #tpu.pack_format<interleaved>} : vector<32xbf16> -> vector<16xf32>
        %parallel_loop3A_114 = tpu.unpack_subelements %parallel_loop3A_112, 1 {pack_format = #tpu.pack_format<interleaved>} : vector<32xbf16> -> vector<16xf32>
        %parallel_loop3A_115 = tpu.vector_load_idx %arg14[%parallel_loop3A_94] : memref<32xi32, #tpu.memory_space<vmem>>[vector<16xi32>], vector<16xi32>,
        %parallel_loop3A_116 = vector.bitcast %parallel_loop3A_115 : vector<16xi32> to vector<32xbf16>
        %parallel_loop3A_117 = tpu.unpack_subelements %parallel_loop3A_116, 0 {pack_format = #tpu.pack_format<interleaved>} : vector<32xbf16> -> vector<16xf32>
        %parallel_loop3A_118 = tpu.unpack_subelements %parallel_loop3A_116, 1 {pack_format = #tpu.pack_format<interleaved>} : vector<32xbf16> -> vector<16xf32>
        %parallel_loop3A_119 = arith.addf %parallel_loop3A_113, %parallel_loop3A_117 : vector<16xf32>
        %parallel_loop3A_120 = arith.constant 0.000000e+00 : f32
        %parallel_loop3A_121 = vector.broadcast %parallel_loop3A_120 : f32 to vector<16xf32>
        %parallel_loop3A_122 = arith.maximumf %parallel_loop3A_119, %parallel_loop3A_121 : vector<16xf32>
        tpu.vector_store_idx %arg10[%parallel_loop3A_88], %parallel_loop3A_122 {add = true} : memref<10000xf32, #tpu.memory_space<vmem>>[vector<16xi32>], vector<16xf32>,
        %parallel_loop3A_123 = arith.addf %parallel_loop3A_114, %parallel_loop3A_118 : vector<16xf32>
        %parallel_loop3A_124 = arith.constant 0.000000e+00 : f32
        %parallel_loop3A_125 = vector.broadcast %parallel_loop3A_124 : f32 to vector<16xf32>
        %parallel_loop3A_126 = arith.maximumf %parallel_loop3A_123, %parallel_loop3A_125 : vector<16xf32>
        tpu.vector_store_idx %arg12[%parallel_loop3A_88], %parallel_loop3A_126 {add = true} : memref<10000xf32, #tpu.memory_space<vmem>>[vector<16xi32>], vector<16xf32>,
      } {sc.loop_unroll_factor = 8 : i64, sc.parallel_access}
      %add3A_74 = arith.constant 3 : i32
      %add3A_75 = arith.addi %mul3A_50, %add3A_74 : i32
      %lt3A_76 = arith.constant 50 : i32
      %lt3A_77 = arith.cmpi slt, %add3A_75, %lt3A_76 : i32
      %convert_element_type3A_78 = arith.extui %lt3A_77 : i1 to i32
      %cond3A_79 = arith.constant 0 : i32
      %cond3A_80 = arith.cmpi ne, %convert_element_type3A_78, %cond3A_79 : i32
      scf.if %cond3A_80 {
        %add3A_82 = arith.constant 3 : i32
        %add3A_83 = arith.addi %mul3A_50, %add3A_82 : i32
        %mul3A_84 = arith.constant 6400 : i32
        %mul3A_85 = arith.muli %add3A_83, %mul3A_84 : i32
        %dma_start3A_86 = tpu.memref_slice %arg4[%mul3A_85] : memref<320000xi32, #tpu.memory_space<hbm>> -> memref<6400xi32, #tpu.memory_space<hbm>>
        %dma_start3A_87 = tpu.memref_slice %arg4[%mul3A_85] : memref<320000xi32, #tpu.memory_space<hbm>> -> memref<6400xi32, #tpu.memory_space<hbm>>
        tpu.enqueue_dma source(%dma_start3A_87 : memref<6400xi32, #tpu.memory_space<hbm>>) target(%arg17 : memref<6400xi32, #tpu.memory_space<vmem>>) target_semaphore(%arg21 : memref<!tpu.dma_semaphore, #tpu.memory_space<semaphore_mem>>)
        %dma_start3A_88 = tpu.memref_slice %arg5[%mul3A_85] : memref<320000xi32, #tpu.memory_space<hbm>> -> memref<6400xi32, #tpu.memory_space<hbm>>
        %dma_start3A_89 = tpu.memref_slice %arg5[%mul3A_85] : memref<320000xi32, #tpu.memory_space<hbm>> -> memref<6400xi32, #tpu.memory_space<hbm>>
        tpu.enqueue_dma source(%dma_start3A_89 : memref<6400xi32, #tpu.memory_space<hbm>>) target(%arg18 : memref<6400xi32, #tpu.memory_space<vmem>>) target_semaphore(%arg22 : memref<!tpu.dma_semaphore, #tpu.memory_space<semaphore_mem>>)
      } else {
      }
      %scan3A_81 = arith.constant 0 : i32
      scf.yield %scan3A_81 : i32
    }
    %scan3A_34 = arith.constant 25 : i32
    %add3A_35 = arith.constant 0 : i32
    %add3A_36 = arith.addi %mul3A_2, %add3A_35 : i32
    "tpu.region"() ({
      %run_scoped3A = tpu.sem_alloc : memref<!tpu.dma_semaphore, #tpu.memory_space<semaphore_mem>>
      %dma_start3A_47 = arith.constant 0 : i32
      %dma_start3A_48 = tpu.memref_slice %arg6[%add3A_36, %dma_start3A_47] : memref<128x10000xf32, #tpu.memory_space<hbm>> -> memref<1x10000xf32, #tpu.memory_space<hbm>>
      %dma_start3A_49 = tpu.memref_squeeze %dma_start3A_48 : memref<1x10000xf32, #tpu.memory_space<hbm>> -> memref<10000xf32, #tpu.memory_space<hbm>>
      %dma_start3A_50 = arith.constant 0 : i32
      %dma_start3A_51 = tpu.memref_slice %arg6[%add3A_36, %dma_start3A_50] : memref<128x10000xf32, #tpu.memory_space<hbm>> -> memref<1x10000xf32, #tpu.memory_space<hbm>>
      %dma_start3A_52 = tpu.memref_squeeze %dma_start3A_51 : memref<1x10000xf32, #tpu.memory_space<hbm>> -> memref<10000xf32, #tpu.memory_space<hbm>>
      tpu.enqueue_dma source(%arg9 : memref<10000xf32, #tpu.memory_space<vmem>>) target(%dma_start3A_52 : memref<10000xf32, #tpu.memory_space<hbm>>) target_semaphore(%run_scoped3A : memref<!tpu.dma_semaphore, #tpu.memory_space<semaphore_mem>>)
      %dma_wait3A = arith.constant 0 : i32
      %dma_wait3A_53 = tpu.memref_slice %arg6[%add3A_36, %dma_wait3A] : memref<128x10000xf32, #tpu.memory_space<hbm>> -> memref<1x10000xf32, #tpu.memory_space<hbm>>
      %dma_wait3A_54 = tpu.memref_squeeze %dma_wait3A_53 : memref<1x10000xf32, #tpu.memory_space<hbm>> -> memref<10000xf32, #tpu.memory_space<hbm>>
      %dma_wait3A_55 = arith.constant 0 : i32
      %dma_wait3A_56 = tpu.memref_slice %arg6[%add3A_36, %dma_wait3A_55] : memref<128x10000xf32, #tpu.memory_space<hbm>> -> memref<1x10000xf32, #tpu.memory_space<hbm>>
      %dma_wait3A_57 = tpu.memref_squeeze %dma_wait3A_56 : memref<1x10000xf32, #tpu.memory_space<hbm>> -> memref<10000xf32, #tpu.memory_space<hbm>>
      tpu.wait_dma2 semaphore(%run_scoped3A : memref<!tpu.dma_semaphore, #tpu.memory_space<semaphore_mem>>) src(%arg9 : memref<10000xf32, #tpu.memory_space<vmem>>) dst(%dma_wait3A_57 : memref<10000xf32, #tpu.memory_space<hbm>>)
      tpu.yield
    }) : () -> ()
    %add3A_37 = arith.constant 64 : i32
    %add3A_38 = arith.addi %add3A_37, %mul3A_2 : i32
    %add3A_39 = arith.constant 0 : i32
    %add3A_40 = arith.addi %add3A_38, %add3A_39 : i32
    "tpu.region"() ({
      %run_scoped3A = tpu.sem_alloc : memref<!tpu.dma_semaphore, #tpu.memory_space<semaphore_mem>>
      %dma_start3A_47 = arith.constant 0 : i32
      %dma_start3A_48 = tpu.memref_slice %arg6[%add3A_40, %dma_start3A_47] : memref<128x10000xf32, #tpu.memory_space<hbm>> -> memref<1x10000xf32, #tpu.memory_space<hbm>>
      %dma_start3A_49 = tpu.memref_squeeze %dma_start3A_48 : memref<1x10000xf32, #tpu.memory_space<hbm>> -> memref<10000xf32, #tpu.memory_space<hbm>>
      %dma_start3A_50 = arith.constant 0 : i32
      %dma_start3A_51 = tpu.memref_slice %arg6[%add3A_40, %dma_start3A_50] : memref<128x10000xf32, #tpu.memory_space<hbm>> -> memref<1x10000xf32, #tpu.memory_space<hbm>>
      %dma_start3A_52 = tpu.memref_squeeze %dma_start3A_51 : memref<1x10000xf32, #tpu.memory_space<hbm>> -> memref<10000xf32, #tpu.memory_space<hbm>>
      tpu.enqueue_dma source(%arg11 : memref<10000xf32, #tpu.memory_space<vmem>>) target(%dma_start3A_52 : memref<10000xf32, #tpu.memory_space<hbm>>) target_semaphore(%run_scoped3A : memref<!tpu.dma_semaphore, #tpu.memory_space<semaphore_mem>>)
      %dma_wait3A = arith.constant 0 : i32
      %dma_wait3A_53 = tpu.memref_slice %arg6[%add3A_40, %dma_wait3A] : memref<128x10000xf32, #tpu.memory_space<hbm>> -> memref<1x10000xf32, #tpu.memory_space<hbm>>
      %dma_wait3A_54 = tpu.memref_squeeze %dma_wait3A_53 : memref<1x10000xf32, #tpu.memory_space<hbm>> -> memref<10000xf32, #tpu.memory_space<hbm>>
      %dma_wait3A_55 = arith.constant 0 : i32
      %dma_wait3A_56 = tpu.memref_slice %arg6[%add3A_40, %dma_wait3A_55] : memref<128x10000xf32, #tpu.memory_space<hbm>> -> memref<1x10000xf32, #tpu.memory_space<hbm>>
      %dma_wait3A_57 = tpu.memref_squeeze %dma_wait3A_56 : memref<1x10000xf32, #tpu.memory_space<hbm>> -> memref<10000xf32, #tpu.memory_space<hbm>>
      tpu.wait_dma2 semaphore(%run_scoped3A : memref<!tpu.dma_semaphore, #tpu.memory_space<semaphore_mem>>) src(%arg11 : memref<10000xf32, #tpu.memory_space<vmem>>) dst(%dma_wait3A_57 : memref<10000xf32, #tpu.memory_space<hbm>>)
      tpu.yield
    }) : () -> ()
    %add3A_41 = arith.constant 1 : i32
    %add3A_42 = arith.addi %mul3A_2, %add3A_41 : i32
    "tpu.region"() ({
      %run_scoped3A = tpu.sem_alloc : memref<!tpu.dma_semaphore, #tpu.memory_space<semaphore_mem>>
      %dma_start3A_47 = arith.constant 0 : i32
      %dma_start3A_48 = tpu.memref_slice %arg6[%add3A_42, %dma_start3A_47] : memref<128x10000xf32, #tpu.memory_space<hbm>> -> memref<1x10000xf32, #tpu.memory_space<hbm>>
      %dma_start3A_49 = tpu.memref_squeeze %dma_start3A_48 : memref<1x10000xf32, #tpu.memory_space<hbm>> -> memref<10000xf32, #tpu.memory_space<hbm>>
      %dma_start3A_50 = arith.constant 0 : i32
      %dma_start3A_51 = tpu.memref_slice %arg6[%add3A_42, %dma_start3A_50] : memref<128x10000xf32, #tpu.memory_space<hbm>> -> memref<1x10000xf32, #tpu.memory_space<hbm>>
      %dma_start3A_52 = tpu.memref_squeeze %dma_start3A_51 : memref<1x10000xf32, #tpu.memory_space<hbm>> -> memref<10000xf32, #tpu.memory_space<hbm>>
      tpu.enqueue_dma source(%arg10 : memref<10000xf32, #tpu.memory_space<vmem>>) target(%dma_start3A_52 : memref<10000xf32, #tpu.memory_space<hbm>>) target_semaphore(%run_scoped3A : memref<!tpu.dma_semaphore, #tpu.memory_space<semaphore_mem>>)
      %dma_wait3A = arith.constant 0 : i32
      %dma_wait3A_53 = tpu.memref_slice %arg6[%add3A_42, %dma_wait3A] : memref<128x10000xf32, #tpu.memory_space<hbm>> -> memref<1x10000xf32, #tpu.memory_space<hbm>>
      %dma_wait3A_54 = tpu.memref_squeeze %dma_wait3A_53 : memref<1x10000xf32, #tpu.memory_space<hbm>> -> memref<10000xf32, #tpu.memory_space<hbm>>
      %dma_wait3A_55 = arith.constant 0 : i32
      %dma_wait3A_56 = tpu.memref_slice %arg6[%add3A_42, %dma_wait3A_55] : memref<128x10000xf32, #tpu.memory_space<hbm>> -> memref<1x10000xf32, #tpu.memory_space<hbm>>
      %dma_wait3A_57 = tpu.memref_squeeze %dma_wait3A_56 : memref<1x10000xf32, #tpu.memory_space<hbm>> -> memref<10000xf32, #tpu.memory_space<hbm>>
      tpu.wait_dma2 semaphore(%run_scoped3A : memref<!tpu.dma_semaphore, #tpu.memory_space<semaphore_mem>>) src(%arg10 : memref<10000xf32, #tpu.memory_space<vmem>>) dst(%dma_wait3A_57 : memref<10000xf32, #tpu.memory_space<hbm>>)
      tpu.yield
    }) : () -> ()
    %add3A_43 = arith.constant 64 : i32
    %add3A_44 = arith.addi %add3A_43, %mul3A_2 : i32
    %add3A_45 = arith.constant 1 : i32
    %add3A_46 = arith.addi %add3A_44, %add3A_45 : i32
    "tpu.region"() ({
      %run_scoped3A = tpu.sem_alloc : memref<!tpu.dma_semaphore, #tpu.memory_space<semaphore_mem>>
      %dma_start3A_47 = arith.constant 0 : i32
      %dma_start3A_48 = tpu.memref_slice %arg6[%add3A_46, %dma_start3A_47] : memref<128x10000xf32, #tpu.memory_space<hbm>> -> memref<1x10000xf32, #tpu.memory_space<hbm>>
      %dma_start3A_49 = tpu.memref_squeeze %dma_start3A_48 : memref<1x10000xf32, #tpu.memory_space<hbm>> -> memref<10000xf32, #tpu.memory_space<hbm>>
      %dma_start3A_50 = arith.constant 0 : i32
      %dma_start3A_51 = tpu.memref_slice %arg6[%add3A_46, %dma_start3A_50] : memref<128x10000xf32, #tpu.memory_space<hbm>> -> memref<1x10000xf32, #tpu.memory_space<hbm>>
      %dma_start3A_52 = tpu.memref_squeeze %dma_start3A_51 : memref<1x10000xf32, #tpu.memory_space<hbm>> -> memref<10000xf32, #tpu.memory_space<hbm>>
      tpu.enqueue_dma source(%arg12 : memref<10000xf32, #tpu.memory_space<vmem>>) target(%dma_start3A_52 : memref<10000xf32, #tpu.memory_space<hbm>>) target_semaphore(%run_scoped3A : memref<!tpu.dma_semaphore, #tpu.memory_space<semaphore_mem>>)
      %dma_wait3A = arith.constant 0 : i32
      %dma_wait3A_53 = tpu.memref_slice %arg6[%add3A_46, %dma_wait3A] : memref<128x10000xf32, #tpu.memory_space<hbm>> -> memref<1x10000xf32, #tpu.memory_space<hbm>>
      %dma_wait3A_54 = tpu.memref_squeeze %dma_wait3A_53 : memref<1x10000xf32, #tpu.memory_space<hbm>> -> memref<10000xf32, #tpu.memory_space<hbm>>
      %dma_wait3A_55 = arith.constant 0 : i32
      %dma_wait3A_56 = tpu.memref_slice %arg6[%add3A_46, %dma_wait3A_55] : memref<128x10000xf32, #tpu.memory_space<hbm>> -> memref<1x10000xf32, #tpu.memory_space<hbm>>
      %dma_wait3A_57 = tpu.memref_squeeze %dma_wait3A_56 : memref<1x10000xf32, #tpu.memory_space<hbm>> -> memref<10000xf32, #tpu.memory_space<hbm>>
      tpu.wait_dma2 semaphore(%run_scoped3A : memref<!tpu.dma_semaphore, #tpu.memory_space<semaphore_mem>>) src(%arg12 : memref<10000xf32, #tpu.memory_space<vmem>>) dst(%dma_wait3A_57 : memref<10000xf32, #tpu.memory_space<hbm>>)
      tpu.yield
    }) : () -> ()
    return
  }
}

#map = affine_map<(d0, d1) -> (0, 0)>
#map1 = affine_map<(d0, d1) -> (0)>
module attributes {stable_mosaic.version = 14 : i64} {
  func.func @_sc_edge_pass(%arg0: i32, %arg1: i32, %arg2: memref<64x10000xi32, #tpu.memory_space<hbm>>, %arg3: memref<64x32xi32, #tpu.memory_space<hbm>>, %arg4: memref<320000xi32, #tpu.memory_space<hbm>>, %arg5: memref<320000xi32, #tpu.memory_space<hbm>>, %arg6: memref<128x10000xf32, #tpu.memory_space<hbm>>, %arg7: memref<10000xi32, #tpu.memory_space<vmem>>, %arg8: memref<10000xi32, #tpu.memory_space<vmem>>, %arg9: memref<10000xf32, #tpu.memory_space<vmem>>, %arg10: memref<10000xf32, #tpu.memory_space<vmem>>, %arg11: memref<10000xf32, #tpu.memory_space<vmem>>, %arg12: memref<10000xf32, #tpu.memory_space<vmem>>, %arg13: memref<32xi32, #tpu.memory_space<vmem>>, %arg14: memref<32xi32, #tpu.memory_space<vmem>>, %arg15: memref<6400xi32, #tpu.memory_space<vmem>>, %arg16: memref<6400xi32, #tpu.memory_space<vmem>>, %arg17: memref<6400xi32, #tpu.memory_space<vmem>>, %arg18: memref<6400xi32, #tpu.memory_space<vmem>>, %arg19: memref<!tpu.dma_semaphore, #tpu.memory_space<semaphore_mem>>, %arg20: memref<!tpu.dma_semaphore, #tpu.memory_space<semaphore_mem>>, %arg21: memref<!tpu.dma_semaphore, #tpu.memory_space<semaphore_mem>>, %arg22: memref<!tpu.dma_semaphore, #tpu.memory_space<semaphore_mem>>) attributes {dimension_semantics = [#tpu.dimension_semantics<core_parallel>, #tpu.dimension_semantics<subcore_parallel>], iteration_bounds = array<i64: 2, 16>, scalar_prefetch = 0 : i64, scratch_operands = 16 : i64, tpu.core_type = #tpu.core_type<sc_vector_subcore>, window_params = [{transform_indices = #map}, {transform_indices = #map}, {transform_indices = #map1}, {transform_indices = #map1}, {transform_indices = #map}]} {
    %mul3A = arith.constant 2 : i32
    %mul3A_0 = arith.muli %arg1, %mul3A : i32
    %add3A = arith.addi %mul3A_0, %arg0 : i32
    %mul3A_1 = arith.constant 2 : i32
    %mul3A_2 = arith.muli %add3A, %mul3A_1 : i32
    %add3A_3 = arith.constant 0 : i32
    %add3A_4 = arith.addi %mul3A_2, %add3A_3 : i32
    "tpu.region"() ({
      %run_scoped3A = tpu.sem_alloc : memref<!tpu.dma_semaphore, #tpu.memory_space<semaphore_mem>>
      %dma_start3A_47 = arith.constant 0 : i32
      %dma_start3A_48 = tpu.memref_slice %arg2[%add3A_4, %dma_start3A_47] : memref<64x10000xi32, #tpu.memory_space<hbm>> -> memref<1x10000xi32, #tpu.memory_space<hbm>>
      %dma_start3A_49 = tpu.memref_squeeze %dma_start3A_48 : memref<1x10000xi32, #tpu.memory_space<hbm>> -> memref<10000xi32, #tpu.memory_space<hbm>>
      %dma_start3A_50 = arith.constant 0 : i32
      %dma_start3A_51 = tpu.memref_slice %arg2[%add3A_4, %dma_start3A_50] : memref<64x10000xi32, #tpu.memory_space<hbm>> -> memref<1x10000xi32, #tpu.memory_space<hbm>>
      %dma_start3A_52 = tpu.memref_squeeze %dma_start3A_51 : memref<1x10000xi32, #tpu.memory_space<hbm>> -> memref<10000xi32, #tpu.memory_space<hbm>>
      tpu.enqueue_dma source(%dma_start3A_52 : memref<10000xi32, #tpu.memory_space<hbm>>) target(%arg7 : memref<10000xi32, #tpu.memory_space<vmem>>) target_semaphore(%run_scoped3A : memref<!tpu.dma_semaphore, #tpu.memory_space<semaphore_mem>>)
      %dma_wait3A = arith.constant 0 : i32
      %dma_wait3A_53 = tpu.memref_slice %arg2[%add3A_4, %dma_wait3A] : memref<64x10000xi32, #tpu.memory_space<hbm>> -> memref<1x10000xi32, #tpu.memory_space<hbm>>
      %dma_wait3A_54 = tpu.memref_squeeze %dma_wait3A_53 : memref<1x10000xi32, #tpu.memory_space<hbm>> -> memref<10000xi32, #tpu.memory_space<hbm>>
      %dma_wait3A_55 = arith.constant 0 : i32
      %dma_wait3A_56 = tpu.memref_slice %arg2[%add3A_4, %dma_wait3A_55] : memref<64x10000xi32, #tpu.memory_space<hbm>> -> memref<1x10000xi32, #tpu.memory_space<hbm>>
      %dma_wait3A_57 = tpu.memref_squeeze %dma_wait3A_56 : memref<1x10000xi32, #tpu.memory_space<hbm>> -> memref<10000xi32, #tpu.memory_space<hbm>>
      tpu.wait_dma2 semaphore(%run_scoped3A : memref<!tpu.dma_semaphore, #tpu.memory_space<semaphore_mem>>) src(%dma_wait3A_57 : memref<10000xi32, #tpu.memory_space<hbm>>) dst(%arg7 : memref<10000xi32, #tpu.memory_space<vmem>>)
      tpu.yield
    }) : () -> ()
    %add3A_5 = arith.constant 0 : i32
    %add3A_6 = arith.addi %mul3A_2, %add3A_5 : i32
    "tpu.region"() ({
      %run_scoped3A = tpu.sem_alloc : memref<!tpu.dma_semaphore, #tpu.memory_space<semaphore_mem>>
      %dma_start3A_47 = arith.constant 0 : i32
      %dma_start3A_48 = tpu.memref_slice %arg3[%add3A_6, %dma_start3A_47] : memref<64x32xi32, #tpu.memory_space<hbm>> -> memref<1x32xi32, #tpu.memory_space<hbm>>
      %dma_start3A_49 = tpu.memref_squeeze %dma_start3A_48 : memref<1x32xi32, #tpu.memory_space<hbm>> -> memref<32xi32, #tpu.memory_space<hbm>>
      %dma_start3A_50 = arith.constant 0 : i32
      %dma_start3A_51 = tpu.memref_slice %arg3[%add3A_6, %dma_start3A_50] : memref<64x32xi32, #tpu.memory_space<hbm>> -> memref<1x32xi32, #tpu.memory_space<hbm>>
      %dma_start3A_52 = tpu.memref_squeeze %dma_start3A_51 : memref<1x32xi32, #tpu.memory_space<hbm>> -> memref<32xi32, #tpu.memory_space<hbm>>
      tpu.enqueue_dma source(%dma_start3A_52 : memref<32xi32, #tpu.memory_space<hbm>>) target(%arg13 : memref<32xi32, #tpu.memory_space<vmem>>) target_semaphore(%run_scoped3A : memref<!tpu.dma_semaphore, #tpu.memory_space<semaphore_mem>>)
      %dma_wait3A = arith.constant 0 : i32
      %dma_wait3A_53 = tpu.memref_slice %arg3[%add3A_6, %dma_wait3A] : memref<64x32xi32, #tpu.memory_space<hbm>> -> memref<1x32xi32, #tpu.memory_space<hbm>>
      %dma_wait3A_54 = tpu.memref_squeeze %dma_wait3A_53 : memref<1x32xi32, #tpu.memory_space<hbm>> -> memref<32xi32, #tpu.memory_space<hbm>>
      %dma_wait3A_55 = arith.constant 0 : i32
      %dma_wait3A_56 = tpu.memref_slice %arg3[%add3A_6, %dma_wait3A_55] : memref<64x32xi32, #tpu.memory_space<hbm>> -> memref<1x32xi32, #tpu.memory_space<hbm>>
      %dma_wait3A_57 = tpu.memref_squeeze %dma_wait3A_56 : memref<1x32xi32, #tpu.memory_space<hbm>> -> memref<32xi32, #tpu.memory_space<hbm>>
      tpu.wait_dma2 semaphore(%run_scoped3A : memref<!tpu.dma_semaphore, #tpu.memory_space<semaphore_mem>>) src(%dma_wait3A_57 : memref<32xi32, #tpu.memory_space<hbm>>) dst(%arg13 : memref<32xi32, #tpu.memory_space<vmem>>)
      tpu.yield
    }) : () -> ()
    %add3A_7 = arith.constant 1 : i32
    %add3A_8 = arith.addi %mul3A_2, %add3A_7 : i32
    "tpu.region"() ({
      %run_scoped3A = tpu.sem_alloc : memref<!tpu.dma_semaphore, #tpu.memory_space<semaphore_mem>>
      %dma_start3A_47 = arith.constant 0 : i32
      %dma_start3A_48 = tpu.memref_slice %arg2[%add3A_8, %dma_start3A_47] : memref<64x10000xi32, #tpu.memory_space<hbm>> -> memref<1x10000xi32, #tpu.memory_space<hbm>>
      %dma_start3A_49 = tpu.memref_squeeze %dma_start3A_48 : memref<1x10000xi32, #tpu.memory_space<hbm>> -> memref<10000xi32, #tpu.memory_space<hbm>>
      %dma_start3A_50 = arith.constant 0 : i32
      %dma_start3A_51 = tpu.memref_slice %arg2[%add3A_8, %dma_start3A_50] : memref<64x10000xi32, #tpu.memory_space<hbm>> -> memref<1x10000xi32, #tpu.memory_space<hbm>>
      %dma_start3A_52 = tpu.memref_squeeze %dma_start3A_51 : memref<1x10000xi32, #tpu.memory_space<hbm>> -> memref<10000xi32, #tpu.memory_space<hbm>>
      tpu.enqueue_dma source(%dma_start3A_52 : memref<10000xi32, #tpu.memory_space<hbm>>) target(%arg8 : memref<10000xi32, #tpu.memory_space<vmem>>) target_semaphore(%run_scoped3A : memref<!tpu.dma_semaphore, #tpu.memory_space<semaphore_mem>>)
      %dma_wait3A = arith.constant 0 : i32
      %dma_wait3A_53 = tpu.memref_slice %arg2[%add3A_8, %dma_wait3A] : memref<64x10000xi32, #tpu.memory_space<hbm>> -> memref<1x10000xi32, #tpu.memory_space<hbm>>
      %dma_wait3A_54 = tpu.memref_squeeze %dma_wait3A_53 : memref<1x10000xi32, #tpu.memory_space<hbm>> -> memref<10000xi32, #tpu.memory_space<hbm>>
      %dma_wait3A_55 = arith.constant 0 : i32
      %dma_wait3A_56 = tpu.memref_slice %arg2[%add3A_8, %dma_wait3A_55] : memref<64x10000xi32, #tpu.memory_space<hbm>> -> memref<1x10000xi32, #tpu.memory_space<hbm>>
      %dma_wait3A_57 = tpu.memref_squeeze %dma_wait3A_56 : memref<1x10000xi32, #tpu.memory_space<hbm>> -> memref<10000xi32, #tpu.memory_space<hbm>>
      tpu.wait_dma2 semaphore(%run_scoped3A : memref<!tpu.dma_semaphore, #tpu.memory_space<semaphore_mem>>) src(%dma_wait3A_57 : memref<10000xi32, #tpu.memory_space<hbm>>) dst(%arg8 : memref<10000xi32, #tpu.memory_space<vmem>>)
      tpu.yield
    }) : () -> ()
    %add3A_9 = arith.constant 1 : i32
    %add3A_10 = arith.addi %mul3A_2, %add3A_9 : i32
    "tpu.region"() ({
      %run_scoped3A = tpu.sem_alloc : memref<!tpu.dma_semaphore, #tpu.memory_space<semaphore_mem>>
      %dma_start3A_47 = arith.constant 0 : i32
      %dma_start3A_48 = tpu.memref_slice %arg3[%add3A_10, %dma_start3A_47] : memref<64x32xi32, #tpu.memory_space<hbm>> -> memref<1x32xi32, #tpu.memory_space<hbm>>
      %dma_start3A_49 = tpu.memref_squeeze %dma_start3A_48 : memref<1x32xi32, #tpu.memory_space<hbm>> -> memref<32xi32, #tpu.memory_space<hbm>>
      %dma_start3A_50 = arith.constant 0 : i32
      %dma_start3A_51 = tpu.memref_slice %arg3[%add3A_10, %dma_start3A_50] : memref<64x32xi32, #tpu.memory_space<hbm>> -> memref<1x32xi32, #tpu.memory_space<hbm>>
      %dma_start3A_52 = tpu.memref_squeeze %dma_start3A_51 : memref<1x32xi32, #tpu.memory_space<hbm>> -> memref<32xi32, #tpu.memory_space<hbm>>
      tpu.enqueue_dma source(%dma_start3A_52 : memref<32xi32, #tpu.memory_space<hbm>>) target(%arg14 : memref<32xi32, #tpu.memory_space<vmem>>) target_semaphore(%run_scoped3A : memref<!tpu.dma_semaphore, #tpu.memory_space<semaphore_mem>>)
      %dma_wait3A = arith.constant 0 : i32
      %dma_wait3A_53 = tpu.memref_slice %arg3[%add3A_10, %dma_wait3A] : memref<64x32xi32, #tpu.memory_space<hbm>> -> memref<1x32xi32, #tpu.memory_space<hbm>>
      %dma_wait3A_54 = tpu.memref_squeeze %dma_wait3A_53 : memref<1x32xi32, #tpu.memory_space<hbm>> -> memref<32xi32, #tpu.memory_space<hbm>>
      %dma_wait3A_55 = arith.constant 0 : i32
      %dma_wait3A_56 = tpu.memref_slice %arg3[%add3A_10, %dma_wait3A_55] : memref<64x32xi32, #tpu.memory_space<hbm>> -> memref<1x32xi32, #tpu.memory_space<hbm>>
      %dma_wait3A_57 = tpu.memref_squeeze %dma_wait3A_56 : memref<1x32xi32, #tpu.memory_space<hbm>> -> memref<32xi32, #tpu.memory_space<hbm>>
      tpu.wait_dma2 semaphore(%run_scoped3A : memref<!tpu.dma_semaphore, #tpu.memory_space<semaphore_mem>>) src(%dma_wait3A_57 : memref<32xi32, #tpu.memory_space<hbm>>) dst(%arg14 : memref<32xi32, #tpu.memory_space<vmem>>)
      tpu.yield
    }) : () -> ()
    %broadcast_in_dim3A = arith.constant 0.000000e+00 : f32
    %broadcast_in_dim3A_11 = vector.broadcast %broadcast_in_dim3A : f32 to vector<16xf32>
    %parallel_loop3A = arith.constant 0 : i32
    %parallel_loop3A_12 = arith.constant 625 : i32
    %parallel_loop3A_13 = arith.constant 1 : i32
    scf.for %parallel_loop3A_47 = %parallel_loop3A to %parallel_loop3A_12 step %parallel_loop3A_13  : i32 {
      %parallel_loop3A_48 = arith.constant 16 : i32
      %parallel_loop3A_49 = arith.muli %parallel_loop3A_47, %parallel_loop3A_48 : i32
      %parallel_loop3A_50 = arith.index_cast %parallel_loop3A_49 : i32 to index
      %parallel_loop3A_51 = tpu.vector_load %arg9[%parallel_loop3A_50] {strides = array<i32>} : memref<10000xf32, #tpu.memory_space<vmem>>, vector<16xf32>,
      tpu.vector_store %arg9[%parallel_loop3A_50], %broadcast_in_dim3A_11 {strides = array<i32>} : memref<10000xf32, #tpu.memory_space<vmem>>, vector<16xf32>,
      %parallel_loop3A_52 = arith.index_cast %parallel_loop3A_49 : i32 to index
      %parallel_loop3A_53 = tpu.vector_load %arg10[%parallel_loop3A_52] {strides = array<i32>} : memref<10000xf32, #tpu.memory_space<vmem>>, vector<16xf32>,
      tpu.vector_store %arg10[%parallel_loop3A_52], %broadcast_in_dim3A_11 {strides = array<i32>} : memref<10000xf32, #tpu.memory_space<vmem>>, vector<16xf32>,
      %parallel_loop3A_54 = arith.index_cast %parallel_loop3A_49 : i32 to index
      %parallel_loop3A_55 = tpu.vector_load %arg11[%parallel_loop3A_54] {strides = array<i32>} : memref<10000xf32, #tpu.memory_space<vmem>>, vector<16xf32>,
      tpu.vector_store %arg11[%parallel_loop3A_54], %broadcast_in_dim3A_11 {strides = array<i32>} : memref<10000xf32, #tpu.memory_space<vmem>>, vector<16xf32>,
      %parallel_loop3A_56 = arith.index_cast %parallel_loop3A_49 : i32 to index
      %parallel_loop3A_57 = tpu.vector_load %arg12[%parallel_loop3A_56] {strides = array<i32>} : memref<10000xf32, #tpu.memory_space<vmem>>, vector<16xf32>,
      tpu.vector_store %arg12[%parallel_loop3A_56], %broadcast_in_dim3A_11 {strides = array<i32>} : memref<10000xf32, #tpu.memory_space<vmem>>, vector<16xf32>,
    } {sc.loop_unroll_factor = 1 : i64, sc.parallel_access}
    %dma_start3A = arith.constant 0 : i32
    %dma_start3A_14 = tpu.memref_slice %arg4[%dma_start3A] : memref<320000xi32, #tpu.memory_space<hbm>> -> memref<6400xi32, #tpu.memory_space<hbm>>
    %dma_start3A_15 = arith.constant 0 : i32
    %dma_start3A_16 = tpu.memref_slice %arg4[%dma_start3A_15] : memref<320000xi32, #tpu.memory_space<hbm>> -> memref<6400xi32, #tpu.memory_space<hbm>>
    tpu.enqueue_dma source(%dma_start3A_16 : memref<6400xi32, #tpu.memory_space<hbm>>) target(%arg15 : memref<6400xi32, #tpu.memory_space<vmem>>) target_semaphore(%arg19 : memref<!tpu.dma_semaphore, #tpu.memory_space<semaphore_mem>>)
    %dma_start3A_17 = arith.constant 0 : i32
    %dma_start3A_18 = tpu.memref_slice %arg5[%dma_start3A_17] : memref<320000xi32, #tpu.memory_space<hbm>> -> memref<6400xi32, #tpu.memory_space<hbm>>
    %dma_start3A_19 = arith.constant 0 : i32
    %dma_start3A_20 = tpu.memref_slice %arg5[%dma_start3A_19] : memref<320000xi32, #tpu.memory_space<hbm>> -> memref<6400xi32, #tpu.memory_space<hbm>>
    tpu.enqueue_dma source(%dma_start3A_20 : memref<6400xi32, #tpu.memory_space<hbm>>) target(%arg16 : memref<6400xi32, #tpu.memory_space<vmem>>) target_semaphore(%arg20 : memref<!tpu.dma_semaphore, #tpu.memory_space<semaphore_mem>>)
    %dma_start3A_21 = arith.constant 6400 : i32
    %dma_start3A_22 = tpu.memref_slice %arg4[%dma_start3A_21] : memref<320000xi32, #tpu.memory_space<hbm>> -> memref<6400xi32, #tpu.memory_space<hbm>>
    %dma_start3A_23 = arith.constant 6400 : i32
    %dma_start3A_24 = tpu.memref_slice %arg4[%dma_start3A_23] : memref<320000xi32, #tpu.memory_space<hbm>> -> memref<6400xi32, #tpu.memory_space<hbm>>
    tpu.enqueue_dma source(%dma_start3A_24 : memref<6400xi32, #tpu.memory_space<hbm>>) target(%arg17 : memref<6400xi32, #tpu.memory_space<vmem>>) target_semaphore(%arg21 : memref<!tpu.dma_semaphore, #tpu.memory_space<semaphore_mem>>)
    %dma_start3A_25 = arith.constant 6400 : i32
    %dma_start3A_26 = tpu.memref_slice %arg5[%dma_start3A_25] : memref<320000xi32, #tpu.memory_space<hbm>> -> memref<6400xi32, #tpu.memory_space<hbm>>
    %dma_start3A_27 = arith.constant 6400 : i32
    %dma_start3A_28 = tpu.memref_slice %arg5[%dma_start3A_27] : memref<320000xi32, #tpu.memory_space<hbm>> -> memref<6400xi32, #tpu.memory_space<hbm>>
    tpu.enqueue_dma source(%dma_start3A_28 : memref<6400xi32, #tpu.memory_space<hbm>>) target(%arg18 : memref<6400xi32, #tpu.memory_space<vmem>>) target_semaphore(%arg22 : memref<!tpu.dma_semaphore, #tpu.memory_space<semaphore_mem>>)
    %scan3A = arith.constant 0 : i32
    %scan3A_29 = arith.constant 0 : i32
    %scan3A_30 = arith.constant 25 : i32
    %scan3A_31 = arith.addi %scan3A_29, %scan3A_30 : i32
    %scan3A_32 = arith.constant 1 : i32
    %scan3A_33 = scf.for %scan3A_47 = %scan3A_29 to %scan3A_31 step %scan3A_32 iter_args(%scan3A_48 = %scan3A) -> (i32)  : i32 {
      %mul3A_49 = arith.constant 2 : i32
      %mul3A_50 = arith.muli %mul3A_49, %scan3A_47 : i32
      %mul3A_51 = arith.constant 6400 : i32
      %mul3A_52 = arith.muli %mul3A_50, %mul3A_51 : i32
      %dma_wait3A = tpu.memref_slice %arg4[%mul3A_52] : memref<320000xi32, #tpu.memory_space<hbm>> -> memref<6400xi32, #tpu.memory_space<hbm>>
      %dma_wait3A_53 = tpu.memref_slice %arg4[%mul3A_52] : memref<320000xi32, #tpu.memory_space<hbm>> -> memref<6400xi32, #tpu.memory_space<hbm>>
      tpu.wait_dma2 semaphore(%arg19 : memref<!tpu.dma_semaphore, #tpu.memory_space<semaphore_mem>>) src(%dma_wait3A_53 : memref<6400xi32, #tpu.memory_space<hbm>>) dst(%arg15 : memref<6400xi32, #tpu.memory_space<vmem>>)
      %dma_wait3A_54 = tpu.memref_slice %arg5[%mul3A_52] : memref<320000xi32, #tpu.memory_space<hbm>> -> memref<6400xi32, #tpu.memory_space<hbm>>
      %dma_wait3A_55 = tpu.memref_slice %arg5[%mul3A_52] : memref<320000xi32, #tpu.memory_space<hbm>> -> memref<6400xi32, #tpu.memory_space<hbm>>
      tpu.wait_dma2 semaphore(%arg20 : memref<!tpu.dma_semaphore, #tpu.memory_space<semaphore_mem>>) src(%dma_wait3A_55 : memref<6400xi32, #tpu.memory_space<hbm>>) dst(%arg16 : memref<6400xi32, #tpu.memory_space<vmem>>)
      %parallel_loop3A_56 = arith.constant 0 : i32
      %parallel_loop3A_57 = arith.constant 400 : i32
      %parallel_loop3A_58 = arith.constant 1 : i32
      scf.for %parallel_loop3A_82 = %parallel_loop3A_56 to %parallel_loop3A_57 step %parallel_loop3A_58  : i32 {
        %parallel_loop3A_83 = arith.constant 16 : i32
        %parallel_loop3A_84 = arith.muli %parallel_loop3A_82, %parallel_loop3A_83 : i32
        %parallel_loop3A_85 = arith.index_cast %parallel_loop3A_84 : i32 to index
        %parallel_loop3A_86 = tpu.vector_load %arg15[%parallel_loop3A_85] {strides = array<i32>} : memref<6400xi32, #tpu.memory_space<vmem>>, vector<16xi32>,
        %parallel_loop3A_87 = arith.index_cast %parallel_loop3A_84 : i32 to index
        %parallel_loop3A_88 = tpu.vector_load %arg16[%parallel_loop3A_87] {strides = array<i32>} : memref<6400xi32, #tpu.memory_space<vmem>>, vector<16xi32>,
        %parallel_loop3A_89 = arith.constant 16383 : i32
        %parallel_loop3A_90 = vector.broadcast %parallel_loop3A_89 : i32 to vector<16xi32>
        %parallel_loop3A_91 = arith.andi %parallel_loop3A_86, %parallel_loop3A_90 : vector<16xi32>
        %parallel_loop3A_92 = arith.constant 14 : i32
        %parallel_loop3A_93 = vector.broadcast %parallel_loop3A_92 : i32 to vector<16xi32>
        %parallel_loop3A_94 = arith.shrsi %parallel_loop3A_86, %parallel_loop3A_93 : vector<16xi32>
        %parallel_loop3A_95 = tpu.vector_load_idx %arg7[%parallel_loop3A_91] : memref<10000xi32, #tpu.memory_space<vmem>>[vector<16xi32>], vector<16xi32>,
        %parallel_loop3A_96 = vector.bitcast %parallel_loop3A_95 : vector<16xi32> to vector<32xbf16>
        %parallel_loop3A_97 = tpu.unpack_subelements %parallel_loop3A_96, 0 {pack_format = #tpu.pack_format<interleaved>} : vector<32xbf16> -> vector<16xf32>
        %parallel_loop3A_98 = tpu.unpack_subelements %parallel_loop3A_96, 1 {pack_format = #tpu.pack_format<interleaved>} : vector<32xbf16> -> vector<16xf32>
        %parallel_loop3A_99 = tpu.vector_load_idx %arg13[%parallel_loop3A_94] : memref<32xi32, #tpu.memory_space<vmem>>[vector<16xi32>], vector<16xi32>,
        %parallel_loop3A_100 = vector.bitcast %parallel_loop3A_99 : vector<16xi32> to vector<32xbf16>
        %parallel_loop3A_101 = tpu.unpack_subelements %parallel_loop3A_100, 0 {pack_format = #tpu.pack_format<interleaved>} : vector<32xbf16> -> vector<16xf32>
        %parallel_loop3A_102 = tpu.unpack_subelements %parallel_loop3A_100, 1 {pack_format = #tpu.pack_format<interleaved>} : vector<32xbf16> -> vector<16xf32>
        %parallel_loop3A_103 = arith.addf %parallel_loop3A_97, %parallel_loop3A_101 : vector<16xf32>
        %parallel_loop3A_104 = arith.constant 0.000000e+00 : f32
        %parallel_loop3A_105 = vector.broadcast %parallel_loop3A_104 : f32 to vector<16xf32>
        %parallel_loop3A_106 = arith.maximumf %parallel_loop3A_103, %parallel_loop3A_105 : vector<16xf32>
        tpu.vector_store_idx %arg9[%parallel_loop3A_88], %parallel_loop3A_106 {add = true} : memref<10000xf32, #tpu.memory_space<vmem>>[vector<16xi32>], vector<16xf32>,
        %parallel_loop3A_107 = arith.addf %parallel_loop3A_98, %parallel_loop3A_102 : vector<16xf32>
        %parallel_loop3A_108 = arith.constant 0.000000e+00 : f32
        %parallel_loop3A_109 = vector.broadcast %parallel_loop3A_108 : f32 to vector<16xf32>
        %parallel_loop3A_110 = arith.maximumf %parallel_loop3A_107, %parallel_loop3A_109 : vector<16xf32>
        tpu.vector_store_idx %arg11[%parallel_loop3A_88], %parallel_loop3A_110 {add = true} : memref<10000xf32, #tpu.memory_space<vmem>>[vector<16xi32>], vector<16xf32>,
        %parallel_loop3A_111 = tpu.vector_load_idx %arg8[%parallel_loop3A_91] : memref<10000xi32, #tpu.memory_space<vmem>>[vector<16xi32>], vector<16xi32>,
        %parallel_loop3A_112 = vector.bitcast %parallel_loop3A_111 : vector<16xi32> to vector<32xbf16>
        %parallel_loop3A_113 = tpu.unpack_subelements %parallel_loop3A_112, 0 {pack_format = #tpu.pack_format<interleaved>} : vector<32xbf16> -> vector<16xf32>
        %parallel_loop3A_114 = tpu.unpack_subelements %parallel_loop3A_112, 1 {pack_format = #tpu.pack_format<interleaved>} : vector<32xbf16> -> vector<16xf32>
        %parallel_loop3A_115 = tpu.vector_load_idx %arg14[%parallel_loop3A_94] : memref<32xi32, #tpu.memory_space<vmem>>[vector<16xi32>], vector<16xi32>,
        %parallel_loop3A_116 = vector.bitcast %parallel_loop3A_115 : vector<16xi32> to vector<32xbf16>
        %parallel_loop3A_117 = tpu.unpack_subelements %parallel_loop3A_116, 0 {pack_format = #tpu.pack_format<interleaved>} : vector<32xbf16> -> vector<16xf32>
        %parallel_loop3A_118 = tpu.unpack_subelements %parallel_loop3A_116, 1 {pack_format = #tpu.pack_format<interleaved>} : vector<32xbf16> -> vector<16xf32>
        %parallel_loop3A_119 = arith.addf %parallel_loop3A_113, %parallel_loop3A_117 : vector<16xf32>
        %parallel_loop3A_120 = arith.constant 0.000000e+00 : f32
        %parallel_loop3A_121 = vector.broadcast %parallel_loop3A_120 : f32 to vector<16xf32>
        %parallel_loop3A_122 = arith.maximumf %parallel_loop3A_119, %parallel_loop3A_121 : vector<16xf32>
        tpu.vector_store_idx %arg10[%parallel_loop3A_88], %parallel_loop3A_122 {add = true} : memref<10000xf32, #tpu.memory_space<vmem>>[vector<16xi32>], vector<16xf32>,
        %parallel_loop3A_123 = arith.addf %parallel_loop3A_114, %parallel_loop3A_118 : vector<16xf32>
        %parallel_loop3A_124 = arith.constant 0.000000e+00 : f32
        %parallel_loop3A_125 = vector.broadcast %parallel_loop3A_124 : f32 to vector<16xf32>
        %parallel_loop3A_126 = arith.maximumf %parallel_loop3A_123, %parallel_loop3A_125 : vector<16xf32>
        tpu.vector_store_idx %arg12[%parallel_loop3A_88], %parallel_loop3A_126 {add = true} : memref<10000xf32, #tpu.memory_space<vmem>>[vector<16xi32>], vector<16xf32>,
      } {sc.loop_unroll_factor = 8 : i64, sc.parallel_access}
      %add3A_59 = arith.constant 2 : i32
      %add3A_60 = arith.addi %mul3A_50, %add3A_59 : i32
      %lt3A = arith.constant 50 : i32
      %lt3A_61 = arith.cmpi slt, %add3A_60, %lt3A : i32
      %convert_element_type3A = arith.extui %lt3A_61 : i1 to i32
      %cond3A = arith.constant 0 : i32
      %cond3A_62 = arith.cmpi ne, %convert_element_type3A, %cond3A : i32
      scf.if %cond3A_62 {
        %add3A_82 = arith.constant 2 : i32
        %add3A_83 = arith.addi %mul3A_50, %add3A_82 : i32
        %mul3A_84 = arith.constant 6400 : i32
        %mul3A_85 = arith.muli %add3A_83, %mul3A_84 : i32
        %dma_start3A_86 = tpu.memref_slice %arg4[%mul3A_85] : memref<320000xi32, #tpu.memory_space<hbm>> -> memref<6400xi32, #tpu.memory_space<hbm>>
        %dma_start3A_87 = tpu.memref_slice %arg4[%mul3A_85] : memref<320000xi32, #tpu.memory_space<hbm>> -> memref<6400xi32, #tpu.memory_space<hbm>>
        tpu.enqueue_dma source(%dma_start3A_87 : memref<6400xi32, #tpu.memory_space<hbm>>) target(%arg15 : memref<6400xi32, #tpu.memory_space<vmem>>) target_semaphore(%arg19 : memref<!tpu.dma_semaphore, #tpu.memory_space<semaphore_mem>>)
        %dma_start3A_88 = tpu.memref_slice %arg5[%mul3A_85] : memref<320000xi32, #tpu.memory_space<hbm>> -> memref<6400xi32, #tpu.memory_space<hbm>>
        %dma_start3A_89 = tpu.memref_slice %arg5[%mul3A_85] : memref<320000xi32, #tpu.memory_space<hbm>> -> memref<6400xi32, #tpu.memory_space<hbm>>
        tpu.enqueue_dma source(%dma_start3A_89 : memref<6400xi32, #tpu.memory_space<hbm>>) target(%arg16 : memref<6400xi32, #tpu.memory_space<vmem>>) target_semaphore(%arg20 : memref<!tpu.dma_semaphore, #tpu.memory_space<semaphore_mem>>)
      } else {
      }
      %add3A_63 = arith.constant 1 : i32
      %add3A_64 = arith.addi %mul3A_50, %add3A_63 : i32
      %mul3A_65 = arith.constant 6400 : i32
      %mul3A_66 = arith.muli %add3A_64, %mul3A_65 : i32
      %dma_wait3A_67 = tpu.memref_slice %arg4[%mul3A_66] : memref<320000xi32, #tpu.memory_space<hbm>> -> memref<6400xi32, #tpu.memory_space<hbm>>
      %dma_wait3A_68 = tpu.memref_slice %arg4[%mul3A_66] : memref<320000xi32, #tpu.memory_space<hbm>> -> memref<6400xi32, #tpu.memory_space<hbm>>
      tpu.wait_dma2 semaphore(%arg21 : memref<!tpu.dma_semaphore, #tpu.memory_space<semaphore_mem>>) src(%dma_wait3A_68 : memref<6400xi32, #tpu.memory_space<hbm>>) dst(%arg17 : memref<6400xi32, #tpu.memory_space<vmem>>)
      %dma_wait3A_69 = tpu.memref_slice %arg5[%mul3A_66] : memref<320000xi32, #tpu.memory_space<hbm>> -> memref<6400xi32, #tpu.memory_space<hbm>>
      %dma_wait3A_70 = tpu.memref_slice %arg5[%mul3A_66] : memref<320000xi32, #tpu.memory_space<hbm>> -> memref<6400xi32, #tpu.memory_space<hbm>>
      tpu.wait_dma2 semaphore(%arg22 : memref<!tpu.dma_semaphore, #tpu.memory_space<semaphore_mem>>) src(%dma_wait3A_70 : memref<6400xi32, #tpu.memory_space<hbm>>) dst(%arg18 : memref<6400xi32, #tpu.memory_space<vmem>>)
      %parallel_loop3A_71 = arith.constant 0 : i32
      %parallel_loop3A_72 = arith.constant 400 : i32
      %parallel_loop3A_73 = arith.constant 1 : i32
      scf.for %parallel_loop3A_82 = %parallel_loop3A_71 to %parallel_loop3A_72 step %parallel_loop3A_73  : i32 {
        %parallel_loop3A_83 = arith.constant 16 : i32
        %parallel_loop3A_84 = arith.muli %parallel_loop3A_82, %parallel_loop3A_83 : i32
        %parallel_loop3A_85 = arith.index_cast %parallel_loop3A_84 : i32 to index
        %parallel_loop3A_86 = tpu.vector_load %arg17[%parallel_loop3A_85] {strides = array<i32>} : memref<6400xi32, #tpu.memory_space<vmem>>, vector<16xi32>,
        %parallel_loop3A_87 = arith.index_cast %parallel_loop3A_84 : i32 to index
        %parallel_loop3A_88 = tpu.vector_load %arg18[%parallel_loop3A_87] {strides = array<i32>} : memref<6400xi32, #tpu.memory_space<vmem>>, vector<16xi32>,
        %parallel_loop3A_89 = arith.constant 16383 : i32
        %parallel_loop3A_90 = vector.broadcast %parallel_loop3A_89 : i32 to vector<16xi32>
        %parallel_loop3A_91 = arith.andi %parallel_loop3A_86, %parallel_loop3A_90 : vector<16xi32>
        %parallel_loop3A_92 = arith.constant 14 : i32
        %parallel_loop3A_93 = vector.broadcast %parallel_loop3A_92 : i32 to vector<16xi32>
        %parallel_loop3A_94 = arith.shrsi %parallel_loop3A_86, %parallel_loop3A_93 : vector<16xi32>
        %parallel_loop3A_95 = tpu.vector_load_idx %arg7[%parallel_loop3A_91] : memref<10000xi32, #tpu.memory_space<vmem>>[vector<16xi32>], vector<16xi32>,
        %parallel_loop3A_96 = vector.bitcast %parallel_loop3A_95 : vector<16xi32> to vector<32xbf16>
        %parallel_loop3A_97 = tpu.unpack_subelements %parallel_loop3A_96, 0 {pack_format = #tpu.pack_format<interleaved>} : vector<32xbf16> -> vector<16xf32>
        %parallel_loop3A_98 = tpu.unpack_subelements %parallel_loop3A_96, 1 {pack_format = #tpu.pack_format<interleaved>} : vector<32xbf16> -> vector<16xf32>
        %parallel_loop3A_99 = tpu.vector_load_idx %arg13[%parallel_loop3A_94] : memref<32xi32, #tpu.memory_space<vmem>>[vector<16xi32>], vector<16xi32>,
        %parallel_loop3A_100 = vector.bitcast %parallel_loop3A_99 : vector<16xi32> to vector<32xbf16>
        %parallel_loop3A_101 = tpu.unpack_subelements %parallel_loop3A_100, 0 {pack_format = #tpu.pack_format<interleaved>} : vector<32xbf16> -> vector<16xf32>
        %parallel_loop3A_102 = tpu.unpack_subelements %parallel_loop3A_100, 1 {pack_format = #tpu.pack_format<interleaved>} : vector<32xbf16> -> vector<16xf32>
        %parallel_loop3A_103 = arith.addf %parallel_loop3A_97, %parallel_loop3A_101 : vector<16xf32>
        %parallel_loop3A_104 = arith.constant 0.000000e+00 : f32
        %parallel_loop3A_105 = vector.broadcast %parallel_loop3A_104 : f32 to vector<16xf32>
        %parallel_loop3A_106 = arith.maximumf %parallel_loop3A_103, %parallel_loop3A_105 : vector<16xf32>
        tpu.vector_store_idx %arg9[%parallel_loop3A_88], %parallel_loop3A_106 {add = true} : memref<10000xf32, #tpu.memory_space<vmem>>[vector<16xi32>], vector<16xf32>,
        %parallel_loop3A_107 = arith.addf %parallel_loop3A_98, %parallel_loop3A_102 : vector<16xf32>
        %parallel_loop3A_108 = arith.constant 0.000000e+00 : f32
        %parallel_loop3A_109 = vector.broadcast %parallel_loop3A_108 : f32 to vector<16xf32>
        %parallel_loop3A_110 = arith.maximumf %parallel_loop3A_107, %parallel_loop3A_109 : vector<16xf32>
        tpu.vector_store_idx %arg11[%parallel_loop3A_88], %parallel_loop3A_110 {add = true} : memref<10000xf32, #tpu.memory_space<vmem>>[vector<16xi32>], vector<16xf32>,
        %parallel_loop3A_111 = tpu.vector_load_idx %arg8[%parallel_loop3A_91] : memref<10000xi32, #tpu.memory_space<vmem>>[vector<16xi32>], vector<16xi32>,
        %parallel_loop3A_112 = vector.bitcast %parallel_loop3A_111 : vector<16xi32> to vector<32xbf16>
        %parallel_loop3A_113 = tpu.unpack_subelements %parallel_loop3A_112, 0 {pack_format = #tpu.pack_format<interleaved>} : vector<32xbf16> -> vector<16xf32>
        %parallel_loop3A_114 = tpu.unpack_subelements %parallel_loop3A_112, 1 {pack_format = #tpu.pack_format<interleaved>} : vector<32xbf16> -> vector<16xf32>
        %parallel_loop3A_115 = tpu.vector_load_idx %arg14[%parallel_loop3A_94] : memref<32xi32, #tpu.memory_space<vmem>>[vector<16xi32>], vector<16xi32>,
        %parallel_loop3A_116 = vector.bitcast %parallel_loop3A_115 : vector<16xi32> to vector<32xbf16>
        %parallel_loop3A_117 = tpu.unpack_subelements %parallel_loop3A_116, 0 {pack_format = #tpu.pack_format<interleaved>} : vector<32xbf16> -> vector<16xf32>
        %parallel_loop3A_118 = tpu.unpack_subelements %parallel_loop3A_116, 1 {pack_format = #tpu.pack_format<interleaved>} : vector<32xbf16> -> vector<16xf32>
        %parallel_loop3A_119 = arith.addf %parallel_loop3A_113, %parallel_loop3A_117 : vector<16xf32>
        %parallel_loop3A_120 = arith.constant 0.000000e+00 : f32
        %parallel_loop3A_121 = vector.broadcast %parallel_loop3A_120 : f32 to vector<16xf32>
        %parallel_loop3A_122 = arith.maximumf %parallel_loop3A_119, %parallel_loop3A_121 : vector<16xf32>
        tpu.vector_store_idx %arg10[%parallel_loop3A_88], %parallel_loop3A_122 {add = true} : memref<10000xf32, #tpu.memory_space<vmem>>[vector<16xi32>], vector<16xf32>,
        %parallel_loop3A_123 = arith.addf %parallel_loop3A_114, %parallel_loop3A_118 : vector<16xf32>
        %parallel_loop3A_124 = arith.constant 0.000000e+00 : f32
        %parallel_loop3A_125 = vector.broadcast %parallel_loop3A_124 : f32 to vector<16xf32>
        %parallel_loop3A_126 = arith.maximumf %parallel_loop3A_123, %parallel_loop3A_125 : vector<16xf32>
        tpu.vector_store_idx %arg12[%parallel_loop3A_88], %parallel_loop3A_126 {add = true} : memref<10000xf32, #tpu.memory_space<vmem>>[vector<16xi32>], vector<16xf32>,
      } {sc.loop_unroll_factor = 8 : i64, sc.parallel_access}
      %add3A_74 = arith.constant 3 : i32
      %add3A_75 = arith.addi %mul3A_50, %add3A_74 : i32
      %lt3A_76 = arith.constant 50 : i32
      %lt3A_77 = arith.cmpi slt, %add3A_75, %lt3A_76 : i32
      %convert_element_type3A_78 = arith.extui %lt3A_77 : i1 to i32
      %cond3A_79 = arith.constant 0 : i32
      %cond3A_80 = arith.cmpi ne, %convert_element_type3A_78, %cond3A_79 : i32
      scf.if %cond3A_80 {
        %add3A_82 = arith.constant 3 : i32
        %add3A_83 = arith.addi %mul3A_50, %add3A_82 : i32
        %mul3A_84 = arith.constant 6400 : i32
        %mul3A_85 = arith.muli %add3A_83, %mul3A_84 : i32
        %dma_start3A_86 = tpu.memref_slice %arg4[%mul3A_85] : memref<320000xi32, #tpu.memory_space<hbm>> -> memref<6400xi32, #tpu.memory_space<hbm>>
        %dma_start3A_87 = tpu.memref_slice %arg4[%mul3A_85] : memref<320000xi32, #tpu.memory_space<hbm>> -> memref<6400xi32, #tpu.memory_space<hbm>>
        tpu.enqueue_dma source(%dma_start3A_87 : memref<6400xi32, #tpu.memory_space<hbm>>) target(%arg17 : memref<6400xi32, #tpu.memory_space<vmem>>) target_semaphore(%arg21 : memref<!tpu.dma_semaphore, #tpu.memory_space<semaphore_mem>>)
        %dma_start3A_88 = tpu.memref_slice %arg5[%mul3A_85] : memref<320000xi32, #tpu.memory_space<hbm>> -> memref<6400xi32, #tpu.memory_space<hbm>>
        %dma_start3A_89 = tpu.memref_slice %arg5[%mul3A_85] : memref<320000xi32, #tpu.memory_space<hbm>> -> memref<6400xi32, #tpu.memory_space<hbm>>
        tpu.enqueue_dma source(%dma_start3A_89 : memref<6400xi32, #tpu.memory_space<hbm>>) target(%arg18 : memref<6400xi32, #tpu.memory_space<vmem>>) target_semaphore(%arg22 : memref<!tpu.dma_semaphore, #tpu.memory_space<semaphore_mem>>)
      } else {
      }
      %scan3A_81 = arith.constant 0 : i32
      scf.yield %scan3A_81 : i32
    }
    %scan3A_34 = arith.constant 25 : i32
    %add3A_35 = arith.constant 0 : i32
    %add3A_36 = arith.addi %mul3A_2, %add3A_35 : i32
    "tpu.region"() ({
      %run_scoped3A = tpu.sem_alloc : memref<!tpu.dma_semaphore, #tpu.memory_space<semaphore_mem>>
      %dma_start3A_47 = arith.constant 0 : i32
      %dma_start3A_48 = tpu.memref_slice %arg6[%add3A_36, %dma_start3A_47] : memref<128x10000xf32, #tpu.memory_space<hbm>> -> memref<1x10000xf32, #tpu.memory_space<hbm>>
      %dma_start3A_49 = tpu.memref_squeeze %dma_start3A_48 : memref<1x10000xf32, #tpu.memory_space<hbm>> -> memref<10000xf32, #tpu.memory_space<hbm>>
      %dma_start3A_50 = arith.constant 0 : i32
      %dma_start3A_51 = tpu.memref_slice %arg6[%add3A_36, %dma_start3A_50] : memref<128x10000xf32, #tpu.memory_space<hbm>> -> memref<1x10000xf32, #tpu.memory_space<hbm>>
      %dma_start3A_52 = tpu.memref_squeeze %dma_start3A_51 : memref<1x10000xf32, #tpu.memory_space<hbm>> -> memref<10000xf32, #tpu.memory_space<hbm>>
      tpu.enqueue_dma source(%arg9 : memref<10000xf32, #tpu.memory_space<vmem>>) target(%dma_start3A_52 : memref<10000xf32, #tpu.memory_space<hbm>>) target_semaphore(%run_scoped3A : memref<!tpu.dma_semaphore, #tpu.memory_space<semaphore_mem>>)
      %dma_wait3A = arith.constant 0 : i32
      %dma_wait3A_53 = tpu.memref_slice %arg6[%add3A_36, %dma_wait3A] : memref<128x10000xf32, #tpu.memory_space<hbm>> -> memref<1x10000xf32, #tpu.memory_space<hbm>>
      %dma_wait3A_54 = tpu.memref_squeeze %dma_wait3A_53 : memref<1x10000xf32, #tpu.memory_space<hbm>> -> memref<10000xf32, #tpu.memory_space<hbm>>
      %dma_wait3A_55 = arith.constant 0 : i32
      %dma_wait3A_56 = tpu.memref_slice %arg6[%add3A_36, %dma_wait3A_55] : memref<128x10000xf32, #tpu.memory_space<hbm>> -> memref<1x10000xf32, #tpu.memory_space<hbm>>
      %dma_wait3A_57 = tpu.memref_squeeze %dma_wait3A_56 : memref<1x10000xf32, #tpu.memory_space<hbm>> -> memref<10000xf32, #tpu.memory_space<hbm>>
      tpu.wait_dma2 semaphore(%run_scoped3A : memref<!tpu.dma_semaphore, #tpu.memory_space<semaphore_mem>>) src(%arg9 : memref<10000xf32, #tpu.memory_space<vmem>>) dst(%dma_wait3A_57 : memref<10000xf32, #tpu.memory_space<hbm>>)
      tpu.yield
    }) : () -> ()
    %add3A_37 = arith.constant 64 : i32
    %add3A_38 = arith.addi %add3A_37, %mul3A_2 : i32
    %add3A_39 = arith.constant 0 : i32
    %add3A_40 = arith.addi %add3A_38, %add3A_39 : i32
    "tpu.region"() ({
      %run_scoped3A = tpu.sem_alloc : memref<!tpu.dma_semaphore, #tpu.memory_space<semaphore_mem>>
      %dma_start3A_47 = arith.constant 0 : i32
      %dma_start3A_48 = tpu.memref_slice %arg6[%add3A_40, %dma_start3A_47] : memref<128x10000xf32, #tpu.memory_space<hbm>> -> memref<1x10000xf32, #tpu.memory_space<hbm>>
      %dma_start3A_49 = tpu.memref_squeeze %dma_start3A_48 : memref<1x10000xf32, #tpu.memory_space<hbm>> -> memref<10000xf32, #tpu.memory_space<hbm>>
      %dma_start3A_50 = arith.constant 0 : i32
      %dma_start3A_51 = tpu.memref_slice %arg6[%add3A_40, %dma_start3A_50] : memref<128x10000xf32, #tpu.memory_space<hbm>> -> memref<1x10000xf32, #tpu.memory_space<hbm>>
      %dma_start3A_52 = tpu.memref_squeeze %dma_start3A_51 : memref<1x10000xf32, #tpu.memory_space<hbm>> -> memref<10000xf32, #tpu.memory_space<hbm>>
      tpu.enqueue_dma source(%arg11 : memref<10000xf32, #tpu.memory_space<vmem>>) target(%dma_start3A_52 : memref<10000xf32, #tpu.memory_space<hbm>>) target_semaphore(%run_scoped3A : memref<!tpu.dma_semaphore, #tpu.memory_space<semaphore_mem>>)
      %dma_wait3A = arith.constant 0 : i32
      %dma_wait3A_53 = tpu.memref_slice %arg6[%add3A_40, %dma_wait3A] : memref<128x10000xf32, #tpu.memory_space<hbm>> -> memref<1x10000xf32, #tpu.memory_space<hbm>>
      %dma_wait3A_54 = tpu.memref_squeeze %dma_wait3A_53 : memref<1x10000xf32, #tpu.memory_space<hbm>> -> memref<10000xf32, #tpu.memory_space<hbm>>
      %dma_wait3A_55 = arith.constant 0 : i32
      %dma_wait3A_56 = tpu.memref_slice %arg6[%add3A_40, %dma_wait3A_55] : memref<128x10000xf32, #tpu.memory_space<hbm>> -> memref<1x10000xf32, #tpu.memory_space<hbm>>
      %dma_wait3A_57 = tpu.memref_squeeze %dma_wait3A_56 : memref<1x10000xf32, #tpu.memory_space<hbm>> -> memref<10000xf32, #tpu.memory_space<hbm>>
      tpu.wait_dma2 semaphore(%run_scoped3A : memref<!tpu.dma_semaphore, #tpu.memory_space<semaphore_mem>>) src(%arg11 : memref<10000xf32, #tpu.memory_space<vmem>>) dst(%dma_wait3A_57 : memref<10000xf32, #tpu.memory_space<hbm>>)
      tpu.yield
    }) : () -> ()
    %add3A_41 = arith.constant 1 : i32
    %add3A_42 = arith.addi %mul3A_2, %add3A_41 : i32
    "tpu.region"() ({
      %run_scoped3A = tpu.sem_alloc : memref<!tpu.dma_semaphore, #tpu.memory_space<semaphore_mem>>
      %dma_start3A_47 = arith.constant 0 : i32
      %dma_start3A_48 = tpu.memref_slice %arg6[%add3A_42, %dma_start3A_47] : memref<128x10000xf32, #tpu.memory_space<hbm>> -> memref<1x10000xf32, #tpu.memory_space<hbm>>
      %dma_start3A_49 = tpu.memref_squeeze %dma_start3A_48 : memref<1x10000xf32, #tpu.memory_space<hbm>> -> memref<10000xf32, #tpu.memory_space<hbm>>
      %dma_start3A_50 = arith.constant 0 : i32
      %dma_start3A_51 = tpu.memref_slice %arg6[%add3A_42, %dma_start3A_50] : memref<128x10000xf32, #tpu.memory_space<hbm>> -> memref<1x10000xf32, #tpu.memory_space<hbm>>
      %dma_start3A_52 = tpu.memref_squeeze %dma_start3A_51 : memref<1x10000xf32, #tpu.memory_space<hbm>> -> memref<10000xf32, #tpu.memory_space<hbm>>
      tpu.enqueue_dma source(%arg10 : memref<10000xf32, #tpu.memory_space<vmem>>) target(%dma_start3A_52 : memref<10000xf32, #tpu.memory_space<hbm>>) target_semaphore(%run_scoped3A : memref<!tpu.dma_semaphore, #tpu.memory_space<semaphore_mem>>)
      %dma_wait3A = arith.constant 0 : i32
      %dma_wait3A_53 = tpu.memref_slice %arg6[%add3A_42, %dma_wait3A] : memref<128x10000xf32, #tpu.memory_space<hbm>> -> memref<1x10000xf32, #tpu.memory_space<hbm>>
      %dma_wait3A_54 = tpu.memref_squeeze %dma_wait3A_53 : memref<1x10000xf32, #tpu.memory_space<hbm>> -> memref<10000xf32, #tpu.memory_space<hbm>>
      %dma_wait3A_55 = arith.constant 0 : i32
      %dma_wait3A_56 = tpu.memref_slice %arg6[%add3A_42, %dma_wait3A_55] : memref<128x10000xf32, #tpu.memory_space<hbm>> -> memref<1x10000xf32, #tpu.memory_space<hbm>>
      %dma_wait3A_57 = tpu.memref_squeeze %dma_wait3A_56 : memref<1x10000xf32, #tpu.memory_space<hbm>> -> memref<10000xf32, #tpu.memory_space<hbm>>
      tpu.wait_dma2 semaphore(%run_scoped3A : memref<!tpu.dma_semaphore, #tpu.memory_space<semaphore_mem>>) src(%arg10 : memref<10000xf32, #tpu.memory_space<vmem>>) dst(%dma_wait3A_57 : memref<10000xf32, #tpu.memory_space<hbm>>)
      tpu.yield
    }) : () -> ()
    %add3A_43 = arith.constant 64 : i32
    %add3A_44 = arith.addi %add3A_43, %mul3A_2 : i32
    %add3A_45 = arith.constant 1 : i32
    %add3A_46 = arith.addi %add3A_44, %add3A_45 : i32
    "tpu.region"() ({
      %run_scoped3A = tpu.sem_alloc : memref<!tpu.dma_semaphore, #tpu.memory_space<semaphore_mem>>
      %dma_start3A_47 = arith.constant 0 : i32
      %dma_start3A_48 = tpu.memref_slice %arg6[%add3A_46, %dma_start3A_47] : memref<128x10000xf32, #tpu.memory_space<hbm>> -> memref<1x10000xf32, #tpu.memory_space<hbm>>
      %dma_start3A_49 = tpu.memref_squeeze %dma_start3A_48 : memref<1x10000xf32, #tpu.memory_space<hbm>> -> memref<10000xf32, #tpu.memory_space<hbm>>
      %dma_start3A_50 = arith.constant 0 : i32
      %dma_start3A_51 = tpu.memref_slice %arg6[%add3A_46, %dma_start3A_50] : memref<128x10000xf32, #tpu.memory_space<hbm>> -> memref<1x10000xf32, #tpu.memory_space<hbm>>
      %dma_start3A_52 = tpu.memref_squeeze %dma_start3A_51 : memref<1x10000xf32, #tpu.memory_space<hbm>> -> memref<10000xf32, #tpu.memory_space<hbm>>
      tpu.enqueue_dma source(%arg12 : memref<10000xf32, #tpu.memory_space<vmem>>) target(%dma_start3A_52 : memref<10000xf32, #tpu.memory_space<hbm>>) target_semaphore(%run_scoped3A : memref<!tpu.dma_semaphore, #tpu.memory_space<semaphore_mem>>)
      %dma_wait3A = arith.constant 0 : i32
      %dma_wait3A_53 = tpu.memref_slice %arg6[%add3A_46, %dma_wait3A] : memref<128x10000xf32, #tpu.memory_space<hbm>> -> memref<1x10000xf32, #tpu.memory_space<hbm>>
      %dma_wait3A_54 = tpu.memref_squeeze %dma_wait3A_53 : memref<1x10000xf32, #tpu.memory_space<hbm>> -> memref<10000xf32, #tpu.memory_space<hbm>>
      %dma_wait3A_55 = arith.constant 0 : i32
      %dma_wait3A_56 = tpu.memref_slice %arg6[%add3A_46, %dma_wait3A_55] : memref<128x10000xf32, #tpu.memory_space<hbm>> -> memref<1x10000xf32, #tpu.memory_space<hbm>>
      %dma_wait3A_57 = tpu.memref_squeeze %dma_wait3A_56 : memref<1x10000xf32, #tpu.memory_space<hbm>> -> memref<10000xf32, #tpu.memory_space<hbm>>
      tpu.wait_dma2 semaphore(%run_scoped3A : memref<!tpu.dma_semaphore, #tpu.memory_space<semaphore_mem>>) src(%arg12 : memref<10000xf32, #tpu.memory_space<vmem>>) dst(%dma_wait3A_57 : memref<10000xf32, #tpu.memory_space<hbm>>)
      tpu.yield
    }) : () -> ()
    return
  }
}

#map = affine_map<(d0, d1) -> (0, 0)>
#map1 = affine_map<(d0, d1) -> (0)>
module attributes {stable_mosaic.version = 14 : i64} {
  func.func @_sc_edge_pass(%arg0: i32, %arg1: i32, %arg2: memref<64x10000xi32, #tpu.memory_space<hbm>>, %arg3: memref<64x32xi32, #tpu.memory_space<hbm>>, %arg4: memref<320000xi32, #tpu.memory_space<hbm>>, %arg5: memref<320000xi32, #tpu.memory_space<hbm>>, %arg6: memref<128x10000xf32, #tpu.memory_space<hbm>>, %arg7: memref<10000xi32, #tpu.memory_space<vmem>>, %arg8: memref<10000xi32, #tpu.memory_space<vmem>>, %arg9: memref<10000xf32, #tpu.memory_space<vmem>>, %arg10: memref<10000xf32, #tpu.memory_space<vmem>>, %arg11: memref<10000xf32, #tpu.memory_space<vmem>>, %arg12: memref<10000xf32, #tpu.memory_space<vmem>>, %arg13: memref<32xi32, #tpu.memory_space<vmem>>, %arg14: memref<32xi32, #tpu.memory_space<vmem>>, %arg15: memref<6400xi32, #tpu.memory_space<vmem>>, %arg16: memref<6400xi32, #tpu.memory_space<vmem>>, %arg17: memref<6400xi32, #tpu.memory_space<vmem>>, %arg18: memref<6400xi32, #tpu.memory_space<vmem>>, %arg19: memref<!tpu.dma_semaphore, #tpu.memory_space<semaphore_mem>>, %arg20: memref<!tpu.dma_semaphore, #tpu.memory_space<semaphore_mem>>, %arg21: memref<!tpu.dma_semaphore, #tpu.memory_space<semaphore_mem>>, %arg22: memref<!tpu.dma_semaphore, #tpu.memory_space<semaphore_mem>>) attributes {dimension_semantics = [#tpu.dimension_semantics<core_parallel>, #tpu.dimension_semantics<subcore_parallel>], iteration_bounds = array<i64: 2, 16>, scalar_prefetch = 0 : i64, scratch_operands = 16 : i64, tpu.core_type = #tpu.core_type<sc_vector_subcore>, window_params = [{transform_indices = #map}, {transform_indices = #map}, {transform_indices = #map1}, {transform_indices = #map1}, {transform_indices = #map}]} {
    %mul3A = arith.constant 2 : i32
    %mul3A_0 = arith.muli %arg1, %mul3A : i32
    %add3A = arith.addi %mul3A_0, %arg0 : i32
    %mul3A_1 = arith.constant 2 : i32
    %mul3A_2 = arith.muli %add3A, %mul3A_1 : i32
    %add3A_3 = arith.constant 0 : i32
    %add3A_4 = arith.addi %mul3A_2, %add3A_3 : i32
    "tpu.region"() ({
      %run_scoped3A = tpu.sem_alloc : memref<!tpu.dma_semaphore, #tpu.memory_space<semaphore_mem>>
      %dma_start3A_47 = arith.constant 0 : i32
      %dma_start3A_48 = tpu.memref_slice %arg2[%add3A_4, %dma_start3A_47] : memref<64x10000xi32, #tpu.memory_space<hbm>> -> memref<1x10000xi32, #tpu.memory_space<hbm>>
      %dma_start3A_49 = tpu.memref_squeeze %dma_start3A_48 : memref<1x10000xi32, #tpu.memory_space<hbm>> -> memref<10000xi32, #tpu.memory_space<hbm>>
      %dma_start3A_50 = arith.constant 0 : i32
      %dma_start3A_51 = tpu.memref_slice %arg2[%add3A_4, %dma_start3A_50] : memref<64x10000xi32, #tpu.memory_space<hbm>> -> memref<1x10000xi32, #tpu.memory_space<hbm>>
      %dma_start3A_52 = tpu.memref_squeeze %dma_start3A_51 : memref<1x10000xi32, #tpu.memory_space<hbm>> -> memref<10000xi32, #tpu.memory_space<hbm>>
      tpu.enqueue_dma source(%dma_start3A_52 : memref<10000xi32, #tpu.memory_space<hbm>>) target(%arg7 : memref<10000xi32, #tpu.memory_space<vmem>>) target_semaphore(%run_scoped3A : memref<!tpu.dma_semaphore, #tpu.memory_space<semaphore_mem>>)
      %dma_wait3A = arith.constant 0 : i32
      %dma_wait3A_53 = tpu.memref_slice %arg2[%add3A_4, %dma_wait3A] : memref<64x10000xi32, #tpu.memory_space<hbm>> -> memref<1x10000xi32, #tpu.memory_space<hbm>>
      %dma_wait3A_54 = tpu.memref_squeeze %dma_wait3A_53 : memref<1x10000xi32, #tpu.memory_space<hbm>> -> memref<10000xi32, #tpu.memory_space<hbm>>
      %dma_wait3A_55 = arith.constant 0 : i32
      %dma_wait3A_56 = tpu.memref_slice %arg2[%add3A_4, %dma_wait3A_55] : memref<64x10000xi32, #tpu.memory_space<hbm>> -> memref<1x10000xi32, #tpu.memory_space<hbm>>
      %dma_wait3A_57 = tpu.memref_squeeze %dma_wait3A_56 : memref<1x10000xi32, #tpu.memory_space<hbm>> -> memref<10000xi32, #tpu.memory_space<hbm>>
      tpu.wait_dma2 semaphore(%run_scoped3A : memref<!tpu.dma_semaphore, #tpu.memory_space<semaphore_mem>>) src(%dma_wait3A_57 : memref<10000xi32, #tpu.memory_space<hbm>>) dst(%arg7 : memref<10000xi32, #tpu.memory_space<vmem>>)
      tpu.yield
    }) : () -> ()
    %add3A_5 = arith.constant 0 : i32
    %add3A_6 = arith.addi %mul3A_2, %add3A_5 : i32
    "tpu.region"() ({
      %run_scoped3A = tpu.sem_alloc : memref<!tpu.dma_semaphore, #tpu.memory_space<semaphore_mem>>
      %dma_start3A_47 = arith.constant 0 : i32
      %dma_start3A_48 = tpu.memref_slice %arg3[%add3A_6, %dma_start3A_47] : memref<64x32xi32, #tpu.memory_space<hbm>> -> memref<1x32xi32, #tpu.memory_space<hbm>>
      %dma_start3A_49 = tpu.memref_squeeze %dma_start3A_48 : memref<1x32xi32, #tpu.memory_space<hbm>> -> memref<32xi32, #tpu.memory_space<hbm>>
      %dma_start3A_50 = arith.constant 0 : i32
      %dma_start3A_51 = tpu.memref_slice %arg3[%add3A_6, %dma_start3A_50] : memref<64x32xi32, #tpu.memory_space<hbm>> -> memref<1x32xi32, #tpu.memory_space<hbm>>
      %dma_start3A_52 = tpu.memref_squeeze %dma_start3A_51 : memref<1x32xi32, #tpu.memory_space<hbm>> -> memref<32xi32, #tpu.memory_space<hbm>>
      tpu.enqueue_dma source(%dma_start3A_52 : memref<32xi32, #tpu.memory_space<hbm>>) target(%arg13 : memref<32xi32, #tpu.memory_space<vmem>>) target_semaphore(%run_scoped3A : memref<!tpu.dma_semaphore, #tpu.memory_space<semaphore_mem>>)
      %dma_wait3A = arith.constant 0 : i32
      %dma_wait3A_53 = tpu.memref_slice %arg3[%add3A_6, %dma_wait3A] : memref<64x32xi32, #tpu.memory_space<hbm>> -> memref<1x32xi32, #tpu.memory_space<hbm>>
      %dma_wait3A_54 = tpu.memref_squeeze %dma_wait3A_53 : memref<1x32xi32, #tpu.memory_space<hbm>> -> memref<32xi32, #tpu.memory_space<hbm>>
      %dma_wait3A_55 = arith.constant 0 : i32
      %dma_wait3A_56 = tpu.memref_slice %arg3[%add3A_6, %dma_wait3A_55] : memref<64x32xi32, #tpu.memory_space<hbm>> -> memref<1x32xi32, #tpu.memory_space<hbm>>
      %dma_wait3A_57 = tpu.memref_squeeze %dma_wait3A_56 : memref<1x32xi32, #tpu.memory_space<hbm>> -> memref<32xi32, #tpu.memory_space<hbm>>
      tpu.wait_dma2 semaphore(%run_scoped3A : memref<!tpu.dma_semaphore, #tpu.memory_space<semaphore_mem>>) src(%dma_wait3A_57 : memref<32xi32, #tpu.memory_space<hbm>>) dst(%arg13 : memref<32xi32, #tpu.memory_space<vmem>>)
      tpu.yield
    }) : () -> ()
    %add3A_7 = arith.constant 1 : i32
    %add3A_8 = arith.addi %mul3A_2, %add3A_7 : i32
    "tpu.region"() ({
      %run_scoped3A = tpu.sem_alloc : memref<!tpu.dma_semaphore, #tpu.memory_space<semaphore_mem>>
      %dma_start3A_47 = arith.constant 0 : i32
      %dma_start3A_48 = tpu.memref_slice %arg2[%add3A_8, %dma_start3A_47] : memref<64x10000xi32, #tpu.memory_space<hbm>> -> memref<1x10000xi32, #tpu.memory_space<hbm>>
      %dma_start3A_49 = tpu.memref_squeeze %dma_start3A_48 : memref<1x10000xi32, #tpu.memory_space<hbm>> -> memref<10000xi32, #tpu.memory_space<hbm>>
      %dma_start3A_50 = arith.constant 0 : i32
      %dma_start3A_51 = tpu.memref_slice %arg2[%add3A_8, %dma_start3A_50] : memref<64x10000xi32, #tpu.memory_space<hbm>> -> memref<1x10000xi32, #tpu.memory_space<hbm>>
      %dma_start3A_52 = tpu.memref_squeeze %dma_start3A_51 : memref<1x10000xi32, #tpu.memory_space<hbm>> -> memref<10000xi32, #tpu.memory_space<hbm>>
      tpu.enqueue_dma source(%dma_start3A_52 : memref<10000xi32, #tpu.memory_space<hbm>>) target(%arg8 : memref<10000xi32, #tpu.memory_space<vmem>>) target_semaphore(%run_scoped3A : memref<!tpu.dma_semaphore, #tpu.memory_space<semaphore_mem>>)
      %dma_wait3A = arith.constant 0 : i32
      %dma_wait3A_53 = tpu.memref_slice %arg2[%add3A_8, %dma_wait3A] : memref<64x10000xi32, #tpu.memory_space<hbm>> -> memref<1x10000xi32, #tpu.memory_space<hbm>>
      %dma_wait3A_54 = tpu.memref_squeeze %dma_wait3A_53 : memref<1x10000xi32, #tpu.memory_space<hbm>> -> memref<10000xi32, #tpu.memory_space<hbm>>
      %dma_wait3A_55 = arith.constant 0 : i32
      %dma_wait3A_56 = tpu.memref_slice %arg2[%add3A_8, %dma_wait3A_55] : memref<64x10000xi32, #tpu.memory_space<hbm>> -> memref<1x10000xi32, #tpu.memory_space<hbm>>
      %dma_wait3A_57 = tpu.memref_squeeze %dma_wait3A_56 : memref<1x10000xi32, #tpu.memory_space<hbm>> -> memref<10000xi32, #tpu.memory_space<hbm>>
      tpu.wait_dma2 semaphore(%run_scoped3A : memref<!tpu.dma_semaphore, #tpu.memory_space<semaphore_mem>>) src(%dma_wait3A_57 : memref<10000xi32, #tpu.memory_space<hbm>>) dst(%arg8 : memref<10000xi32, #tpu.memory_space<vmem>>)
      tpu.yield
    }) : () -> ()
    %add3A_9 = arith.constant 1 : i32
    %add3A_10 = arith.addi %mul3A_2, %add3A_9 : i32
    "tpu.region"() ({
      %run_scoped3A = tpu.sem_alloc : memref<!tpu.dma_semaphore, #tpu.memory_space<semaphore_mem>>
      %dma_start3A_47 = arith.constant 0 : i32
      %dma_start3A_48 = tpu.memref_slice %arg3[%add3A_10, %dma_start3A_47] : memref<64x32xi32, #tpu.memory_space<hbm>> -> memref<1x32xi32, #tpu.memory_space<hbm>>
      %dma_start3A_49 = tpu.memref_squeeze %dma_start3A_48 : memref<1x32xi32, #tpu.memory_space<hbm>> -> memref<32xi32, #tpu.memory_space<hbm>>
      %dma_start3A_50 = arith.constant 0 : i32
      %dma_start3A_51 = tpu.memref_slice %arg3[%add3A_10, %dma_start3A_50] : memref<64x32xi32, #tpu.memory_space<hbm>> -> memref<1x32xi32, #tpu.memory_space<hbm>>
      %dma_start3A_52 = tpu.memref_squeeze %dma_start3A_51 : memref<1x32xi32, #tpu.memory_space<hbm>> -> memref<32xi32, #tpu.memory_space<hbm>>
      tpu.enqueue_dma source(%dma_start3A_52 : memref<32xi32, #tpu.memory_space<hbm>>) target(%arg14 : memref<32xi32, #tpu.memory_space<vmem>>) target_semaphore(%run_scoped3A : memref<!tpu.dma_semaphore, #tpu.memory_space<semaphore_mem>>)
      %dma_wait3A = arith.constant 0 : i32
      %dma_wait3A_53 = tpu.memref_slice %arg3[%add3A_10, %dma_wait3A] : memref<64x32xi32, #tpu.memory_space<hbm>> -> memref<1x32xi32, #tpu.memory_space<hbm>>
      %dma_wait3A_54 = tpu.memref_squeeze %dma_wait3A_53 : memref<1x32xi32, #tpu.memory_space<hbm>> -> memref<32xi32, #tpu.memory_space<hbm>>
      %dma_wait3A_55 = arith.constant 0 : i32
      %dma_wait3A_56 = tpu.memref_slice %arg3[%add3A_10, %dma_wait3A_55] : memref<64x32xi32, #tpu.memory_space<hbm>> -> memref<1x32xi32, #tpu.memory_space<hbm>>
      %dma_wait3A_57 = tpu.memref_squeeze %dma_wait3A_56 : memref<1x32xi32, #tpu.memory_space<hbm>> -> memref<32xi32, #tpu.memory_space<hbm>>
      tpu.wait_dma2 semaphore(%run_scoped3A : memref<!tpu.dma_semaphore, #tpu.memory_space<semaphore_mem>>) src(%dma_wait3A_57 : memref<32xi32, #tpu.memory_space<hbm>>) dst(%arg14 : memref<32xi32, #tpu.memory_space<vmem>>)
      tpu.yield
    }) : () -> ()
    %broadcast_in_dim3A = arith.constant 0.000000e+00 : f32
    %broadcast_in_dim3A_11 = vector.broadcast %broadcast_in_dim3A : f32 to vector<16xf32>
    %parallel_loop3A = arith.constant 0 : i32
    %parallel_loop3A_12 = arith.constant 625 : i32
    %parallel_loop3A_13 = arith.constant 1 : i32
    scf.for %parallel_loop3A_47 = %parallel_loop3A to %parallel_loop3A_12 step %parallel_loop3A_13  : i32 {
      %parallel_loop3A_48 = arith.constant 16 : i32
      %parallel_loop3A_49 = arith.muli %parallel_loop3A_47, %parallel_loop3A_48 : i32
      %parallel_loop3A_50 = arith.index_cast %parallel_loop3A_49 : i32 to index
      %parallel_loop3A_51 = tpu.vector_load %arg9[%parallel_loop3A_50] {strides = array<i32>} : memref<10000xf32, #tpu.memory_space<vmem>>, vector<16xf32>,
      tpu.vector_store %arg9[%parallel_loop3A_50], %broadcast_in_dim3A_11 {strides = array<i32>} : memref<10000xf32, #tpu.memory_space<vmem>>, vector<16xf32>,
      %parallel_loop3A_52 = arith.index_cast %parallel_loop3A_49 : i32 to index
      %parallel_loop3A_53 = tpu.vector_load %arg10[%parallel_loop3A_52] {strides = array<i32>} : memref<10000xf32, #tpu.memory_space<vmem>>, vector<16xf32>,
      tpu.vector_store %arg10[%parallel_loop3A_52], %broadcast_in_dim3A_11 {strides = array<i32>} : memref<10000xf32, #tpu.memory_space<vmem>>, vector<16xf32>,
      %parallel_loop3A_54 = arith.index_cast %parallel_loop3A_49 : i32 to index
      %parallel_loop3A_55 = tpu.vector_load %arg11[%parallel_loop3A_54] {strides = array<i32>} : memref<10000xf32, #tpu.memory_space<vmem>>, vector<16xf32>,
      tpu.vector_store %arg11[%parallel_loop3A_54], %broadcast_in_dim3A_11 {strides = array<i32>} : memref<10000xf32, #tpu.memory_space<vmem>>, vector<16xf32>,
      %parallel_loop3A_56 = arith.index_cast %parallel_loop3A_49 : i32 to index
      %parallel_loop3A_57 = tpu.vector_load %arg12[%parallel_loop3A_56] {strides = array<i32>} : memref<10000xf32, #tpu.memory_space<vmem>>, vector<16xf32>,
      tpu.vector_store %arg12[%parallel_loop3A_56], %broadcast_in_dim3A_11 {strides = array<i32>} : memref<10000xf32, #tpu.memory_space<vmem>>, vector<16xf32>,
    } {sc.loop_unroll_factor = 1 : i64, sc.parallel_access}
    %dma_start3A = arith.constant 0 : i32
    %dma_start3A_14 = tpu.memref_slice %arg4[%dma_start3A] : memref<320000xi32, #tpu.memory_space<hbm>> -> memref<6400xi32, #tpu.memory_space<hbm>>
    %dma_start3A_15 = arith.constant 0 : i32
    %dma_start3A_16 = tpu.memref_slice %arg4[%dma_start3A_15] : memref<320000xi32, #tpu.memory_space<hbm>> -> memref<6400xi32, #tpu.memory_space<hbm>>
    tpu.enqueue_dma source(%dma_start3A_16 : memref<6400xi32, #tpu.memory_space<hbm>>) target(%arg15 : memref<6400xi32, #tpu.memory_space<vmem>>) target_semaphore(%arg19 : memref<!tpu.dma_semaphore, #tpu.memory_space<semaphore_mem>>)
    %dma_start3A_17 = arith.constant 0 : i32
    %dma_start3A_18 = tpu.memref_slice %arg5[%dma_start3A_17] : memref<320000xi32, #tpu.memory_space<hbm>> -> memref<6400xi32, #tpu.memory_space<hbm>>
    %dma_start3A_19 = arith.constant 0 : i32
    %dma_start3A_20 = tpu.memref_slice %arg5[%dma_start3A_19] : memref<320000xi32, #tpu.memory_space<hbm>> -> memref<6400xi32, #tpu.memory_space<hbm>>
    tpu.enqueue_dma source(%dma_start3A_20 : memref<6400xi32, #tpu.memory_space<hbm>>) target(%arg16 : memref<6400xi32, #tpu.memory_space<vmem>>) target_semaphore(%arg20 : memref<!tpu.dma_semaphore, #tpu.memory_space<semaphore_mem>>)
    %dma_start3A_21 = arith.constant 6400 : i32
    %dma_start3A_22 = tpu.memref_slice %arg4[%dma_start3A_21] : memref<320000xi32, #tpu.memory_space<hbm>> -> memref<6400xi32, #tpu.memory_space<hbm>>
    %dma_start3A_23 = arith.constant 6400 : i32
    %dma_start3A_24 = tpu.memref_slice %arg4[%dma_start3A_23] : memref<320000xi32, #tpu.memory_space<hbm>> -> memref<6400xi32, #tpu.memory_space<hbm>>
    tpu.enqueue_dma source(%dma_start3A_24 : memref<6400xi32, #tpu.memory_space<hbm>>) target(%arg17 : memref<6400xi32, #tpu.memory_space<vmem>>) target_semaphore(%arg21 : memref<!tpu.dma_semaphore, #tpu.memory_space<semaphore_mem>>)
    %dma_start3A_25 = arith.constant 6400 : i32
    %dma_start3A_26 = tpu.memref_slice %arg5[%dma_start3A_25] : memref<320000xi32, #tpu.memory_space<hbm>> -> memref<6400xi32, #tpu.memory_space<hbm>>
    %dma_start3A_27 = arith.constant 6400 : i32
    %dma_start3A_28 = tpu.memref_slice %arg5[%dma_start3A_27] : memref<320000xi32, #tpu.memory_space<hbm>> -> memref<6400xi32, #tpu.memory_space<hbm>>
    tpu.enqueue_dma source(%dma_start3A_28 : memref<6400xi32, #tpu.memory_space<hbm>>) target(%arg18 : memref<6400xi32, #tpu.memory_space<vmem>>) target_semaphore(%arg22 : memref<!tpu.dma_semaphore, #tpu.memory_space<semaphore_mem>>)
    %scan3A = arith.constant 0 : i32
    %scan3A_29 = arith.constant 0 : i32
    %scan3A_30 = arith.constant 25 : i32
    %scan3A_31 = arith.addi %scan3A_29, %scan3A_30 : i32
    %scan3A_32 = arith.constant 1 : i32
    %scan3A_33 = scf.for %scan3A_47 = %scan3A_29 to %scan3A_31 step %scan3A_32 iter_args(%scan3A_48 = %scan3A) -> (i32)  : i32 {
      %mul3A_49 = arith.constant 2 : i32
      %mul3A_50 = arith.muli %mul3A_49, %scan3A_47 : i32
      %mul3A_51 = arith.constant 6400 : i32
      %mul3A_52 = arith.muli %mul3A_50, %mul3A_51 : i32
      %dma_wait3A = tpu.memref_slice %arg4[%mul3A_52] : memref<320000xi32, #tpu.memory_space<hbm>> -> memref<6400xi32, #tpu.memory_space<hbm>>
      %dma_wait3A_53 = tpu.memref_slice %arg4[%mul3A_52] : memref<320000xi32, #tpu.memory_space<hbm>> -> memref<6400xi32, #tpu.memory_space<hbm>>
      tpu.wait_dma2 semaphore(%arg19 : memref<!tpu.dma_semaphore, #tpu.memory_space<semaphore_mem>>) src(%dma_wait3A_53 : memref<6400xi32, #tpu.memory_space<hbm>>) dst(%arg15 : memref<6400xi32, #tpu.memory_space<vmem>>)
      %dma_wait3A_54 = tpu.memref_slice %arg5[%mul3A_52] : memref<320000xi32, #tpu.memory_space<hbm>> -> memref<6400xi32, #tpu.memory_space<hbm>>
      %dma_wait3A_55 = tpu.memref_slice %arg5[%mul3A_52] : memref<320000xi32, #tpu.memory_space<hbm>> -> memref<6400xi32, #tpu.memory_space<hbm>>
      tpu.wait_dma2 semaphore(%arg20 : memref<!tpu.dma_semaphore, #tpu.memory_space<semaphore_mem>>) src(%dma_wait3A_55 : memref<6400xi32, #tpu.memory_space<hbm>>) dst(%arg16 : memref<6400xi32, #tpu.memory_space<vmem>>)
      %parallel_loop3A_56 = arith.constant 0 : i32
      %parallel_loop3A_57 = arith.constant 400 : i32
      %parallel_loop3A_58 = arith.constant 1 : i32
      scf.for %parallel_loop3A_82 = %parallel_loop3A_56 to %parallel_loop3A_57 step %parallel_loop3A_58  : i32 {
        %parallel_loop3A_83 = arith.constant 16 : i32
        %parallel_loop3A_84 = arith.muli %parallel_loop3A_82, %parallel_loop3A_83 : i32
        %parallel_loop3A_85 = arith.index_cast %parallel_loop3A_84 : i32 to index
        %parallel_loop3A_86 = tpu.vector_load %arg15[%parallel_loop3A_85] {strides = array<i32>} : memref<6400xi32, #tpu.memory_space<vmem>>, vector<16xi32>,
        %parallel_loop3A_87 = arith.index_cast %parallel_loop3A_84 : i32 to index
        %parallel_loop3A_88 = tpu.vector_load %arg16[%parallel_loop3A_87] {strides = array<i32>} : memref<6400xi32, #tpu.memory_space<vmem>>, vector<16xi32>,
        %parallel_loop3A_89 = arith.constant 16383 : i32
        %parallel_loop3A_90 = vector.broadcast %parallel_loop3A_89 : i32 to vector<16xi32>
        %parallel_loop3A_91 = arith.andi %parallel_loop3A_86, %parallel_loop3A_90 : vector<16xi32>
        %parallel_loop3A_92 = arith.constant 14 : i32
        %parallel_loop3A_93 = vector.broadcast %parallel_loop3A_92 : i32 to vector<16xi32>
        %parallel_loop3A_94 = arith.shrsi %parallel_loop3A_86, %parallel_loop3A_93 : vector<16xi32>
        %parallel_loop3A_95 = tpu.vector_load_idx %arg7[%parallel_loop3A_91] : memref<10000xi32, #tpu.memory_space<vmem>>[vector<16xi32>], vector<16xi32>,
        %parallel_loop3A_96 = vector.bitcast %parallel_loop3A_95 : vector<16xi32> to vector<32xbf16>
        %parallel_loop3A_97 = tpu.unpack_subelements %parallel_loop3A_96, 0 {pack_format = #tpu.pack_format<interleaved>} : vector<32xbf16> -> vector<16xf32>
        %parallel_loop3A_98 = tpu.unpack_subelements %parallel_loop3A_96, 1 {pack_format = #tpu.pack_format<interleaved>} : vector<32xbf16> -> vector<16xf32>
        %parallel_loop3A_99 = tpu.vector_load_idx %arg13[%parallel_loop3A_94] : memref<32xi32, #tpu.memory_space<vmem>>[vector<16xi32>], vector<16xi32>,
        %parallel_loop3A_100 = vector.bitcast %parallel_loop3A_99 : vector<16xi32> to vector<32xbf16>
        %parallel_loop3A_101 = tpu.unpack_subelements %parallel_loop3A_100, 0 {pack_format = #tpu.pack_format<interleaved>} : vector<32xbf16> -> vector<16xf32>
        %parallel_loop3A_102 = tpu.unpack_subelements %parallel_loop3A_100, 1 {pack_format = #tpu.pack_format<interleaved>} : vector<32xbf16> -> vector<16xf32>
        %parallel_loop3A_103 = arith.addf %parallel_loop3A_97, %parallel_loop3A_101 : vector<16xf32>
        %parallel_loop3A_104 = arith.constant 0.000000e+00 : f32
        %parallel_loop3A_105 = vector.broadcast %parallel_loop3A_104 : f32 to vector<16xf32>
        %parallel_loop3A_106 = arith.maximumf %parallel_loop3A_103, %parallel_loop3A_105 : vector<16xf32>
        tpu.vector_store_idx %arg9[%parallel_loop3A_88], %parallel_loop3A_106 {add = true} : memref<10000xf32, #tpu.memory_space<vmem>>[vector<16xi32>], vector<16xf32>,
        %parallel_loop3A_107 = arith.addf %parallel_loop3A_98, %parallel_loop3A_102 : vector<16xf32>
        %parallel_loop3A_108 = arith.constant 0.000000e+00 : f32
        %parallel_loop3A_109 = vector.broadcast %parallel_loop3A_108 : f32 to vector<16xf32>
        %parallel_loop3A_110 = arith.maximumf %parallel_loop3A_107, %parallel_loop3A_109 : vector<16xf32>
        tpu.vector_store_idx %arg11[%parallel_loop3A_88], %parallel_loop3A_110 {add = true} : memref<10000xf32, #tpu.memory_space<vmem>>[vector<16xi32>], vector<16xf32>,
        %parallel_loop3A_111 = tpu.vector_load_idx %arg8[%parallel_loop3A_91] : memref<10000xi32, #tpu.memory_space<vmem>>[vector<16xi32>], vector<16xi32>,
        %parallel_loop3A_112 = vector.bitcast %parallel_loop3A_111 : vector<16xi32> to vector<32xbf16>
        %parallel_loop3A_113 = tpu.unpack_subelements %parallel_loop3A_112, 0 {pack_format = #tpu.pack_format<interleaved>} : vector<32xbf16> -> vector<16xf32>
        %parallel_loop3A_114 = tpu.unpack_subelements %parallel_loop3A_112, 1 {pack_format = #tpu.pack_format<interleaved>} : vector<32xbf16> -> vector<16xf32>
        %parallel_loop3A_115 = tpu.vector_load_idx %arg14[%parallel_loop3A_94] : memref<32xi32, #tpu.memory_space<vmem>>[vector<16xi32>], vector<16xi32>,
        %parallel_loop3A_116 = vector.bitcast %parallel_loop3A_115 : vector<16xi32> to vector<32xbf16>
        %parallel_loop3A_117 = tpu.unpack_subelements %parallel_loop3A_116, 0 {pack_format = #tpu.pack_format<interleaved>} : vector<32xbf16> -> vector<16xf32>
        %parallel_loop3A_118 = tpu.unpack_subelements %parallel_loop3A_116, 1 {pack_format = #tpu.pack_format<interleaved>} : vector<32xbf16> -> vector<16xf32>
        %parallel_loop3A_119 = arith.addf %parallel_loop3A_113, %parallel_loop3A_117 : vector<16xf32>
        %parallel_loop3A_120 = arith.constant 0.000000e+00 : f32
        %parallel_loop3A_121 = vector.broadcast %parallel_loop3A_120 : f32 to vector<16xf32>
        %parallel_loop3A_122 = arith.maximumf %parallel_loop3A_119, %parallel_loop3A_121 : vector<16xf32>
        tpu.vector_store_idx %arg10[%parallel_loop3A_88], %parallel_loop3A_122 {add = true} : memref<10000xf32, #tpu.memory_space<vmem>>[vector<16xi32>], vector<16xf32>,
        %parallel_loop3A_123 = arith.addf %parallel_loop3A_114, %parallel_loop3A_118 : vector<16xf32>
        %parallel_loop3A_124 = arith.constant 0.000000e+00 : f32
        %parallel_loop3A_125 = vector.broadcast %parallel_loop3A_124 : f32 to vector<16xf32>
        %parallel_loop3A_126 = arith.maximumf %parallel_loop3A_123, %parallel_loop3A_125 : vector<16xf32>
        tpu.vector_store_idx %arg12[%parallel_loop3A_88], %parallel_loop3A_126 {add = true} : memref<10000xf32, #tpu.memory_space<vmem>>[vector<16xi32>], vector<16xf32>,
      } {sc.loop_unroll_factor = 8 : i64, sc.parallel_access}
      %add3A_59 = arith.constant 2 : i32
      %add3A_60 = arith.addi %mul3A_50, %add3A_59 : i32
      %lt3A = arith.constant 50 : i32
      %lt3A_61 = arith.cmpi slt, %add3A_60, %lt3A : i32
      %convert_element_type3A = arith.extui %lt3A_61 : i1 to i32
      %cond3A = arith.constant 0 : i32
      %cond3A_62 = arith.cmpi ne, %convert_element_type3A, %cond3A : i32
      scf.if %cond3A_62 {
        %add3A_82 = arith.constant 2 : i32
        %add3A_83 = arith.addi %mul3A_50, %add3A_82 : i32
        %mul3A_84 = arith.constant 6400 : i32
        %mul3A_85 = arith.muli %add3A_83, %mul3A_84 : i32
        %dma_start3A_86 = tpu.memref_slice %arg4[%mul3A_85] : memref<320000xi32, #tpu.memory_space<hbm>> -> memref<6400xi32, #tpu.memory_space<hbm>>
        %dma_start3A_87 = tpu.memref_slice %arg4[%mul3A_85] : memref<320000xi32, #tpu.memory_space<hbm>> -> memref<6400xi32, #tpu.memory_space<hbm>>
        tpu.enqueue_dma source(%dma_start3A_87 : memref<6400xi32, #tpu.memory_space<hbm>>) target(%arg15 : memref<6400xi32, #tpu.memory_space<vmem>>) target_semaphore(%arg19 : memref<!tpu.dma_semaphore, #tpu.memory_space<semaphore_mem>>)
        %dma_start3A_88 = tpu.memref_slice %arg5[%mul3A_85] : memref<320000xi32, #tpu.memory_space<hbm>> -> memref<6400xi32, #tpu.memory_space<hbm>>
        %dma_start3A_89 = tpu.memref_slice %arg5[%mul3A_85] : memref<320000xi32, #tpu.memory_space<hbm>> -> memref<6400xi32, #tpu.memory_space<hbm>>
        tpu.enqueue_dma source(%dma_start3A_89 : memref<6400xi32, #tpu.memory_space<hbm>>) target(%arg16 : memref<6400xi32, #tpu.memory_space<vmem>>) target_semaphore(%arg20 : memref<!tpu.dma_semaphore, #tpu.memory_space<semaphore_mem>>)
      } else {
      }
      %add3A_63 = arith.constant 1 : i32
      %add3A_64 = arith.addi %mul3A_50, %add3A_63 : i32
      %mul3A_65 = arith.constant 6400 : i32
      %mul3A_66 = arith.muli %add3A_64, %mul3A_65 : i32
      %dma_wait3A_67 = tpu.memref_slice %arg4[%mul3A_66] : memref<320000xi32, #tpu.memory_space<hbm>> -> memref<6400xi32, #tpu.memory_space<hbm>>
      %dma_wait3A_68 = tpu.memref_slice %arg4[%mul3A_66] : memref<320000xi32, #tpu.memory_space<hbm>> -> memref<6400xi32, #tpu.memory_space<hbm>>
      tpu.wait_dma2 semaphore(%arg21 : memref<!tpu.dma_semaphore, #tpu.memory_space<semaphore_mem>>) src(%dma_wait3A_68 : memref<6400xi32, #tpu.memory_space<hbm>>) dst(%arg17 : memref<6400xi32, #tpu.memory_space<vmem>>)
      %dma_wait3A_69 = tpu.memref_slice %arg5[%mul3A_66] : memref<320000xi32, #tpu.memory_space<hbm>> -> memref<6400xi32, #tpu.memory_space<hbm>>
      %dma_wait3A_70 = tpu.memref_slice %arg5[%mul3A_66] : memref<320000xi32, #tpu.memory_space<hbm>> -> memref<6400xi32, #tpu.memory_space<hbm>>
      tpu.wait_dma2 semaphore(%arg22 : memref<!tpu.dma_semaphore, #tpu.memory_space<semaphore_mem>>) src(%dma_wait3A_70 : memref<6400xi32, #tpu.memory_space<hbm>>) dst(%arg18 : memref<6400xi32, #tpu.memory_space<vmem>>)
      %parallel_loop3A_71 = arith.constant 0 : i32
      %parallel_loop3A_72 = arith.constant 400 : i32
      %parallel_loop3A_73 = arith.constant 1 : i32
      scf.for %parallel_loop3A_82 = %parallel_loop3A_71 to %parallel_loop3A_72 step %parallel_loop3A_73  : i32 {
        %parallel_loop3A_83 = arith.constant 16 : i32
        %parallel_loop3A_84 = arith.muli %parallel_loop3A_82, %parallel_loop3A_83 : i32
        %parallel_loop3A_85 = arith.index_cast %parallel_loop3A_84 : i32 to index
        %parallel_loop3A_86 = tpu.vector_load %arg17[%parallel_loop3A_85] {strides = array<i32>} : memref<6400xi32, #tpu.memory_space<vmem>>, vector<16xi32>,
        %parallel_loop3A_87 = arith.index_cast %parallel_loop3A_84 : i32 to index
        %parallel_loop3A_88 = tpu.vector_load %arg18[%parallel_loop3A_87] {strides = array<i32>} : memref<6400xi32, #tpu.memory_space<vmem>>, vector<16xi32>,
        %parallel_loop3A_89 = arith.constant 16383 : i32
        %parallel_loop3A_90 = vector.broadcast %parallel_loop3A_89 : i32 to vector<16xi32>
        %parallel_loop3A_91 = arith.andi %parallel_loop3A_86, %parallel_loop3A_90 : vector<16xi32>
        %parallel_loop3A_92 = arith.constant 14 : i32
        %parallel_loop3A_93 = vector.broadcast %parallel_loop3A_92 : i32 to vector<16xi32>
        %parallel_loop3A_94 = arith.shrsi %parallel_loop3A_86, %parallel_loop3A_93 : vector<16xi32>
        %parallel_loop3A_95 = tpu.vector_load_idx %arg7[%parallel_loop3A_91] : memref<10000xi32, #tpu.memory_space<vmem>>[vector<16xi32>], vector<16xi32>,
        %parallel_loop3A_96 = vector.bitcast %parallel_loop3A_95 : vector<16xi32> to vector<32xbf16>
        %parallel_loop3A_97 = tpu.unpack_subelements %parallel_loop3A_96, 0 {pack_format = #tpu.pack_format<interleaved>} : vector<32xbf16> -> vector<16xf32>
        %parallel_loop3A_98 = tpu.unpack_subelements %parallel_loop3A_96, 1 {pack_format = #tpu.pack_format<interleaved>} : vector<32xbf16> -> vector<16xf32>
        %parallel_loop3A_99 = tpu.vector_load_idx %arg13[%parallel_loop3A_94] : memref<32xi32, #tpu.memory_space<vmem>>[vector<16xi32>], vector<16xi32>,
        %parallel_loop3A_100 = vector.bitcast %parallel_loop3A_99 : vector<16xi32> to vector<32xbf16>
        %parallel_loop3A_101 = tpu.unpack_subelements %parallel_loop3A_100, 0 {pack_format = #tpu.pack_format<interleaved>} : vector<32xbf16> -> vector<16xf32>
        %parallel_loop3A_102 = tpu.unpack_subelements %parallel_loop3A_100, 1 {pack_format = #tpu.pack_format<interleaved>} : vector<32xbf16> -> vector<16xf32>
        %parallel_loop3A_103 = arith.addf %parallel_loop3A_97, %parallel_loop3A_101 : vector<16xf32>
        %parallel_loop3A_104 = arith.constant 0.000000e+00 : f32
        %parallel_loop3A_105 = vector.broadcast %parallel_loop3A_104 : f32 to vector<16xf32>
        %parallel_loop3A_106 = arith.maximumf %parallel_loop3A_103, %parallel_loop3A_105 : vector<16xf32>
        tpu.vector_store_idx %arg9[%parallel_loop3A_88], %parallel_loop3A_106 {add = true} : memref<10000xf32, #tpu.memory_space<vmem>>[vector<16xi32>], vector<16xf32>,
        %parallel_loop3A_107 = arith.addf %parallel_loop3A_98, %parallel_loop3A_102 : vector<16xf32>
        %parallel_loop3A_108 = arith.constant 0.000000e+00 : f32
        %parallel_loop3A_109 = vector.broadcast %parallel_loop3A_108 : f32 to vector<16xf32>
        %parallel_loop3A_110 = arith.maximumf %parallel_loop3A_107, %parallel_loop3A_109 : vector<16xf32>
        tpu.vector_store_idx %arg11[%parallel_loop3A_88], %parallel_loop3A_110 {add = true} : memref<10000xf32, #tpu.memory_space<vmem>>[vector<16xi32>], vector<16xf32>,
        %parallel_loop3A_111 = tpu.vector_load_idx %arg8[%parallel_loop3A_91] : memref<10000xi32, #tpu.memory_space<vmem>>[vector<16xi32>], vector<16xi32>,
        %parallel_loop3A_112 = vector.bitcast %parallel_loop3A_111 : vector<16xi32> to vector<32xbf16>
        %parallel_loop3A_113 = tpu.unpack_subelements %parallel_loop3A_112, 0 {pack_format = #tpu.pack_format<interleaved>} : vector<32xbf16> -> vector<16xf32>
        %parallel_loop3A_114 = tpu.unpack_subelements %parallel_loop3A_112, 1 {pack_format = #tpu.pack_format<interleaved>} : vector<32xbf16> -> vector<16xf32>
        %parallel_loop3A_115 = tpu.vector_load_idx %arg14[%parallel_loop3A_94] : memref<32xi32, #tpu.memory_space<vmem>>[vector<16xi32>], vector<16xi32>,
        %parallel_loop3A_116 = vector.bitcast %parallel_loop3A_115 : vector<16xi32> to vector<32xbf16>
        %parallel_loop3A_117 = tpu.unpack_subelements %parallel_loop3A_116, 0 {pack_format = #tpu.pack_format<interleaved>} : vector<32xbf16> -> vector<16xf32>
        %parallel_loop3A_118 = tpu.unpack_subelements %parallel_loop3A_116, 1 {pack_format = #tpu.pack_format<interleaved>} : vector<32xbf16> -> vector<16xf32>
        %parallel_loop3A_119 = arith.addf %parallel_loop3A_113, %parallel_loop3A_117 : vector<16xf32>
        %parallel_loop3A_120 = arith.constant 0.000000e+00 : f32
        %parallel_loop3A_121 = vector.broadcast %parallel_loop3A_120 : f32 to vector<16xf32>
        %parallel_loop3A_122 = arith.maximumf %parallel_loop3A_119, %parallel_loop3A_121 : vector<16xf32>
        tpu.vector_store_idx %arg10[%parallel_loop3A_88], %parallel_loop3A_122 {add = true} : memref<10000xf32, #tpu.memory_space<vmem>>[vector<16xi32>], vector<16xf32>,
        %parallel_loop3A_123 = arith.addf %parallel_loop3A_114, %parallel_loop3A_118 : vector<16xf32>
        %parallel_loop3A_124 = arith.constant 0.000000e+00 : f32
        %parallel_loop3A_125 = vector.broadcast %parallel_loop3A_124 : f32 to vector<16xf32>
        %parallel_loop3A_126 = arith.maximumf %parallel_loop3A_123, %parallel_loop3A_125 : vector<16xf32>
        tpu.vector_store_idx %arg12[%parallel_loop3A_88], %parallel_loop3A_126 {add = true} : memref<10000xf32, #tpu.memory_space<vmem>>[vector<16xi32>], vector<16xf32>,
      } {sc.loop_unroll_factor = 8 : i64, sc.parallel_access}
      %add3A_74 = arith.constant 3 : i32
      %add3A_75 = arith.addi %mul3A_50, %add3A_74 : i32
      %lt3A_76 = arith.constant 50 : i32
      %lt3A_77 = arith.cmpi slt, %add3A_75, %lt3A_76 : i32
      %convert_element_type3A_78 = arith.extui %lt3A_77 : i1 to i32
      %cond3A_79 = arith.constant 0 : i32
      %cond3A_80 = arith.cmpi ne, %convert_element_type3A_78, %cond3A_79 : i32
      scf.if %cond3A_80 {
        %add3A_82 = arith.constant 3 : i32
        %add3A_83 = arith.addi %mul3A_50, %add3A_82 : i32
        %mul3A_84 = arith.constant 6400 : i32
        %mul3A_85 = arith.muli %add3A_83, %mul3A_84 : i32
        %dma_start3A_86 = tpu.memref_slice %arg4[%mul3A_85] : memref<320000xi32, #tpu.memory_space<hbm>> -> memref<6400xi32, #tpu.memory_space<hbm>>
        %dma_start3A_87 = tpu.memref_slice %arg4[%mul3A_85] : memref<320000xi32, #tpu.memory_space<hbm>> -> memref<6400xi32, #tpu.memory_space<hbm>>
        tpu.enqueue_dma source(%dma_start3A_87 : memref<6400xi32, #tpu.memory_space<hbm>>) target(%arg17 : memref<6400xi32, #tpu.memory_space<vmem>>) target_semaphore(%arg21 : memref<!tpu.dma_semaphore, #tpu.memory_space<semaphore_mem>>)
        %dma_start3A_88 = tpu.memref_slice %arg5[%mul3A_85] : memref<320000xi32, #tpu.memory_space<hbm>> -> memref<6400xi32, #tpu.memory_space<hbm>>
        %dma_start3A_89 = tpu.memref_slice %arg5[%mul3A_85] : memref<320000xi32, #tpu.memory_space<hbm>> -> memref<6400xi32, #tpu.memory_space<hbm>>
        tpu.enqueue_dma source(%dma_start3A_89 : memref<6400xi32, #tpu.memory_space<hbm>>) target(%arg18 : memref<6400xi32, #tpu.memory_space<vmem>>) target_semaphore(%arg22 : memref<!tpu.dma_semaphore, #tpu.memory_space<semaphore_mem>>)
      } else {
      }
      %scan3A_81 = arith.constant 0 : i32
      scf.yield %scan3A_81 : i32
    }
    %scan3A_34 = arith.constant 25 : i32
    %add3A_35 = arith.constant 0 : i32
    %add3A_36 = arith.addi %mul3A_2, %add3A_35 : i32
    "tpu.region"() ({
      %run_scoped3A = tpu.sem_alloc : memref<!tpu.dma_semaphore, #tpu.memory_space<semaphore_mem>>
      %dma_start3A_47 = arith.constant 0 : i32
      %dma_start3A_48 = tpu.memref_slice %arg6[%add3A_36, %dma_start3A_47] : memref<128x10000xf32, #tpu.memory_space<hbm>> -> memref<1x10000xf32, #tpu.memory_space<hbm>>
      %dma_start3A_49 = tpu.memref_squeeze %dma_start3A_48 : memref<1x10000xf32, #tpu.memory_space<hbm>> -> memref<10000xf32, #tpu.memory_space<hbm>>
      %dma_start3A_50 = arith.constant 0 : i32
      %dma_start3A_51 = tpu.memref_slice %arg6[%add3A_36, %dma_start3A_50] : memref<128x10000xf32, #tpu.memory_space<hbm>> -> memref<1x10000xf32, #tpu.memory_space<hbm>>
      %dma_start3A_52 = tpu.memref_squeeze %dma_start3A_51 : memref<1x10000xf32, #tpu.memory_space<hbm>> -> memref<10000xf32, #tpu.memory_space<hbm>>
      tpu.enqueue_dma source(%arg9 : memref<10000xf32, #tpu.memory_space<vmem>>) target(%dma_start3A_52 : memref<10000xf32, #tpu.memory_space<hbm>>) target_semaphore(%run_scoped3A : memref<!tpu.dma_semaphore, #tpu.memory_space<semaphore_mem>>)
      %dma_wait3A = arith.constant 0 : i32
      %dma_wait3A_53 = tpu.memref_slice %arg6[%add3A_36, %dma_wait3A] : memref<128x10000xf32, #tpu.memory_space<hbm>> -> memref<1x10000xf32, #tpu.memory_space<hbm>>
      %dma_wait3A_54 = tpu.memref_squeeze %dma_wait3A_53 : memref<1x10000xf32, #tpu.memory_space<hbm>> -> memref<10000xf32, #tpu.memory_space<hbm>>
      %dma_wait3A_55 = arith.constant 0 : i32
      %dma_wait3A_56 = tpu.memref_slice %arg6[%add3A_36, %dma_wait3A_55] : memref<128x10000xf32, #tpu.memory_space<hbm>> -> memref<1x10000xf32, #tpu.memory_space<hbm>>
      %dma_wait3A_57 = tpu.memref_squeeze %dma_wait3A_56 : memref<1x10000xf32, #tpu.memory_space<hbm>> -> memref<10000xf32, #tpu.memory_space<hbm>>
      tpu.wait_dma2 semaphore(%run_scoped3A : memref<!tpu.dma_semaphore, #tpu.memory_space<semaphore_mem>>) src(%arg9 : memref<10000xf32, #tpu.memory_space<vmem>>) dst(%dma_wait3A_57 : memref<10000xf32, #tpu.memory_space<hbm>>)
      tpu.yield
    }) : () -> ()
    %add3A_37 = arith.constant 64 : i32
    %add3A_38 = arith.addi %add3A_37, %mul3A_2 : i32
    %add3A_39 = arith.constant 0 : i32
    %add3A_40 = arith.addi %add3A_38, %add3A_39 : i32
    "tpu.region"() ({
      %run_scoped3A = tpu.sem_alloc : memref<!tpu.dma_semaphore, #tpu.memory_space<semaphore_mem>>
      %dma_start3A_47 = arith.constant 0 : i32
      %dma_start3A_48 = tpu.memref_slice %arg6[%add3A_40, %dma_start3A_47] : memref<128x10000xf32, #tpu.memory_space<hbm>> -> memref<1x10000xf32, #tpu.memory_space<hbm>>
      %dma_start3A_49 = tpu.memref_squeeze %dma_start3A_48 : memref<1x10000xf32, #tpu.memory_space<hbm>> -> memref<10000xf32, #tpu.memory_space<hbm>>
      %dma_start3A_50 = arith.constant 0 : i32
      %dma_start3A_51 = tpu.memref_slice %arg6[%add3A_40, %dma_start3A_50] : memref<128x10000xf32, #tpu.memory_space<hbm>> -> memref<1x10000xf32, #tpu.memory_space<hbm>>
      %dma_start3A_52 = tpu.memref_squeeze %dma_start3A_51 : memref<1x10000xf32, #tpu.memory_space<hbm>> -> memref<10000xf32, #tpu.memory_space<hbm>>
      tpu.enqueue_dma source(%arg11 : memref<10000xf32, #tpu.memory_space<vmem>>) target(%dma_start3A_52 : memref<10000xf32, #tpu.memory_space<hbm>>) target_semaphore(%run_scoped3A : memref<!tpu.dma_semaphore, #tpu.memory_space<semaphore_mem>>)
      %dma_wait3A = arith.constant 0 : i32
      %dma_wait3A_53 = tpu.memref_slice %arg6[%add3A_40, %dma_wait3A] : memref<128x10000xf32, #tpu.memory_space<hbm>> -> memref<1x10000xf32, #tpu.memory_space<hbm>>
      %dma_wait3A_54 = tpu.memref_squeeze %dma_wait3A_53 : memref<1x10000xf32, #tpu.memory_space<hbm>> -> memref<10000xf32, #tpu.memory_space<hbm>>
      %dma_wait3A_55 = arith.constant 0 : i32
      %dma_wait3A_56 = tpu.memref_slice %arg6[%add3A_40, %dma_wait3A_55] : memref<128x10000xf32, #tpu.memory_space<hbm>> -> memref<1x10000xf32, #tpu.memory_space<hbm>>
      %dma_wait3A_57 = tpu.memref_squeeze %dma_wait3A_56 : memref<1x10000xf32, #tpu.memory_space<hbm>> -> memref<10000xf32, #tpu.memory_space<hbm>>
      tpu.wait_dma2 semaphore(%run_scoped3A : memref<!tpu.dma_semaphore, #tpu.memory_space<semaphore_mem>>) src(%arg11 : memref<10000xf32, #tpu.memory_space<vmem>>) dst(%dma_wait3A_57 : memref<10000xf32, #tpu.memory_space<hbm>>)
      tpu.yield
    }) : () -> ()
    %add3A_41 = arith.constant 1 : i32
    %add3A_42 = arith.addi %mul3A_2, %add3A_41 : i32
    "tpu.region"() ({
      %run_scoped3A = tpu.sem_alloc : memref<!tpu.dma_semaphore, #tpu.memory_space<semaphore_mem>>
      %dma_start3A_47 = arith.constant 0 : i32
      %dma_start3A_48 = tpu.memref_slice %arg6[%add3A_42, %dma_start3A_47] : memref<128x10000xf32, #tpu.memory_space<hbm>> -> memref<1x10000xf32, #tpu.memory_space<hbm>>
      %dma_start3A_49 = tpu.memref_squeeze %dma_start3A_48 : memref<1x10000xf32, #tpu.memory_space<hbm>> -> memref<10000xf32, #tpu.memory_space<hbm>>
      %dma_start3A_50 = arith.constant 0 : i32
      %dma_start3A_51 = tpu.memref_slice %arg6[%add3A_42, %dma_start3A_50] : memref<128x10000xf32, #tpu.memory_space<hbm>> -> memref<1x10000xf32, #tpu.memory_space<hbm>>
      %dma_start3A_52 = tpu.memref_squeeze %dma_start3A_51 : memref<1x10000xf32, #tpu.memory_space<hbm>> -> memref<10000xf32, #tpu.memory_space<hbm>>
      tpu.enqueue_dma source(%arg10 : memref<10000xf32, #tpu.memory_space<vmem>>) target(%dma_start3A_52 : memref<10000xf32, #tpu.memory_space<hbm>>) target_semaphore(%run_scoped3A : memref<!tpu.dma_semaphore, #tpu.memory_space<semaphore_mem>>)
      %dma_wait3A = arith.constant 0 : i32
      %dma_wait3A_53 = tpu.memref_slice %arg6[%add3A_42, %dma_wait3A] : memref<128x10000xf32, #tpu.memory_space<hbm>> -> memref<1x10000xf32, #tpu.memory_space<hbm>>
      %dma_wait3A_54 = tpu.memref_squeeze %dma_wait3A_53 : memref<1x10000xf32, #tpu.memory_space<hbm>> -> memref<10000xf32, #tpu.memory_space<hbm>>
      %dma_wait3A_55 = arith.constant 0 : i32
      %dma_wait3A_56 = tpu.memref_slice %arg6[%add3A_42, %dma_wait3A_55] : memref<128x10000xf32, #tpu.memory_space<hbm>> -> memref<1x10000xf32, #tpu.memory_space<hbm>>
      %dma_wait3A_57 = tpu.memref_squeeze %dma_wait3A_56 : memref<1x10000xf32, #tpu.memory_space<hbm>> -> memref<10000xf32, #tpu.memory_space<hbm>>
      tpu.wait_dma2 semaphore(%run_scoped3A : memref<!tpu.dma_semaphore, #tpu.memory_space<semaphore_mem>>) src(%arg10 : memref<10000xf32, #tpu.memory_space<vmem>>) dst(%dma_wait3A_57 : memref<10000xf32, #tpu.memory_space<hbm>>)
      tpu.yield
    }) : () -> ()
    %add3A_43 = arith.constant 64 : i32
    %add3A_44 = arith.addi %add3A_43, %mul3A_2 : i32
    %add3A_45 = arith.constant 1 : i32
    %add3A_46 = arith.addi %add3A_44, %add3A_45 : i32
    "tpu.region"() ({
      %run_scoped3A = tpu.sem_alloc : memref<!tpu.dma_semaphore, #tpu.memory_space<semaphore_mem>>
      %dma_start3A_47 = arith.constant 0 : i32
      %dma_start3A_48 = tpu.memref_slice %arg6[%add3A_46, %dma_start3A_47] : memref<128x10000xf32, #tpu.memory_space<hbm>> -> memref<1x10000xf32, #tpu.memory_space<hbm>>
      %dma_start3A_49 = tpu.memref_squeeze %dma_start3A_48 : memref<1x10000xf32, #tpu.memory_space<hbm>> -> memref<10000xf32, #tpu.memory_space<hbm>>
      %dma_start3A_50 = arith.constant 0 : i32
      %dma_start3A_51 = tpu.memref_slice %arg6[%add3A_46, %dma_start3A_50] : memref<128x10000xf32, #tpu.memory_space<hbm>> -> memref<1x10000xf32, #tpu.memory_space<hbm>>
      %dma_start3A_52 = tpu.memref_squeeze %dma_start3A_51 : memref<1x10000xf32, #tpu.memory_space<hbm>> -> memref<10000xf32, #tpu.memory_space<hbm>>
      tpu.enqueue_dma source(%arg12 : memref<10000xf32, #tpu.memory_space<vmem>>) target(%dma_start3A_52 : memref<10000xf32, #tpu.memory_space<hbm>>) target_semaphore(%run_scoped3A : memref<!tpu.dma_semaphore, #tpu.memory_space<semaphore_mem>>)
      %dma_wait3A = arith.constant 0 : i32
      %dma_wait3A_53 = tpu.memref_slice %arg6[%add3A_46, %dma_wait3A] : memref<128x10000xf32, #tpu.memory_space<hbm>> -> memref<1x10000xf32, #tpu.memory_space<hbm>>
      %dma_wait3A_54 = tpu.memref_squeeze %dma_wait3A_53 : memref<1x10000xf32, #tpu.memory_space<hbm>> -> memref<10000xf32, #tpu.memory_space<hbm>>
      %dma_wait3A_55 = arith.constant 0 : i32
      %dma_wait3A_56 = tpu.memref_slice %arg6[%add3A_46, %dma_wait3A_55] : memref<128x10000xf32, #tpu.memory_space<hbm>> -> memref<1x10000xf32, #tpu.memory_space<hbm>>
      %dma_wait3A_57 = tpu.memref_squeeze %dma_wait3A_56 : memref<1x10000xf32, #tpu.memory_space<hbm>> -> memref<10000xf32, #tpu.memory_space<hbm>>
      tpu.wait_dma2 semaphore(%run_scoped3A : memref<!tpu.dma_semaphore, #tpu.memory_space<semaphore_mem>>) src(%arg12 : memref<10000xf32, #tpu.memory_space<vmem>>) dst(%dma_wait3A_57 : memref<10000xf32, #tpu.memory_space<hbm>>)
      tpu.yield
    }) : () -> ()
    return
  }
}

module attributes {stable_mosaic.version = 14 : i64} {
  func.func @_tc_update_body(%arg0: memref<128x10000xf32, #tpu.memory_space<vmem>>, %arg1: memref<128x10000xf32, #tpu.memory_space<vmem>>, %arg2: memref<256x128xf32, #tpu.memory_space<vmem>>, %arg3: memref<256x128xf32, #tpu.memory_space<vmem>>, %arg4: memref<128x10000xf32, #tpu.memory_space<vmem>>, %arg5: memref<64x10000xi32, #tpu.memory_space<vmem>>) attributes {dimension_semantics = [], scalar_prefetch = 0 : i64, scratch_operands = 0 : i64, tpu.core_type = #tpu.core_type<tc>} {
    %get3A = arith.constant 0 : index
    %get3A_0 = arith.constant 0 : index
    %get3A_1 = vector.load %arg2[%get3A, %get3A_0] : memref<256x128xf32, #tpu.memory_space<vmem>>, vector<128x128xf32>
    %get3A_2 = arith.constant 128 : index
    %get3A_3 = arith.constant 0 : index
    %get3A_4 = vector.load %arg2[%get3A_2, %get3A_3] : memref<256x128xf32, #tpu.memory_space<vmem>>, vector<128x128xf32>
    %get3A_5 = arith.constant 0 : index
    %get3A_6 = arith.constant 0 : index
    %get3A_7 = vector.load %arg0[%get3A_5, %get3A_6] : memref<128x10000xf32, #tpu.memory_space<vmem>>, vector<128x10000xf32>
    %dot_general3A = arith.constant dense<0.000000e+00> : vector<128x10000xf32>
    %dot_general3A_8 = tpu.matmul %get3A_1, %get3A_7, %dot_general3A {dimension_numbers = #tpu.dot_dimension_numbers<[0], [0], [1], [1], [0, 1, 1, 1], [], []>, transpose_lhs_hint = false} : vector<128x128xf32>, vector<128x10000xf32>, vector<128x10000xf32> -> vector<128x10000xf32>
    %get3A_9 = arith.constant 0 : index
    %get3A_10 = arith.constant 0 : index
    %get3A_11 = vector.load %arg1[%get3A_9, %get3A_10] : memref<128x10000xf32, #tpu.memory_space<vmem>>, vector<128x10000xf32>
    %dot_general3A_12 = arith.constant dense<0.000000e+00> : vector<128x10000xf32>
    %dot_general3A_13 = tpu.matmul %get3A_4, %get3A_11, %dot_general3A_12 {dimension_numbers = #tpu.dot_dimension_numbers<[0], [0], [1], [1], [0, 1, 1, 1], [], []>, transpose_lhs_hint = false} : vector<128x128xf32>, vector<128x10000xf32>, vector<128x10000xf32> -> vector<128x10000xf32>
    %add3A = arith.addf %dot_general3A_8, %dot_general3A_13 : vector<128x10000xf32>
    %max3A = arith.constant 0.000000e+00 : f32
    %max3A_14 = vector.broadcast %max3A : f32 to vector<128x10000xf32>
    %max3A_15 = arith.maximumf %add3A, %max3A_14 : vector<128x10000xf32>
    %swap3A = arith.constant 0 : index
    %swap3A_16 = arith.constant 0 : index
    %swap3A_17 = vector.load %arg4[%swap3A, %swap3A_16] : memref<128x10000xf32, #tpu.memory_space<vmem>>, vector<128x10000xf32>
    tpu.vector_store %arg4[%swap3A, %swap3A_16], %max3A_15 {strides = array<i32>} : memref<128x10000xf32, #tpu.memory_space<vmem>>, vector<128x10000xf32>,
    %get3A_18 = arith.constant 0 : index
    %get3A_19 = arith.constant 0 : index
    %get3A_20 = vector.load %arg3[%get3A_18, %get3A_19] : memref<256x128xf32, #tpu.memory_space<vmem>>, vector<128x128xf32>
    %dot_general3A_21 = arith.constant dense<0.000000e+00> : vector<128x10000xf32>
    %dot_general3A_22 = tpu.matmul %get3A_20, %max3A_15, %dot_general3A_21 {dimension_numbers = #tpu.dot_dimension_numbers<[0], [0], [1], [1], [0, 1, 1, 1], [], []>, transpose_lhs_hint = false} : vector<128x128xf32>, vector<128x10000xf32>, vector<128x10000xf32> -> vector<128x10000xf32>
    %slice3A = vector.extract_strided_slice %dot_general3A_22 {offsets = [0, 0], sizes = [64, 10000], strides = [1, 1]} : vector<128x10000xf32> to vector<64x10000xf32>
    %convert_element_type3A = arith.truncf %slice3A : vector<64x10000xf32> to vector<64x10000xbf16>
    %bitcast_convert_type3A = tpu.bitcast %convert_element_type3A : vector<64x10000xbf16> -> vector<64x10000xi16>
    %convert_element_type3A_23 = arith.extui %bitcast_convert_type3A : vector<64x10000xi16> to vector<64x10000xi32>
    %slice3A_24 = vector.extract_strided_slice %dot_general3A_22 {offsets = [64, 0], sizes = [64, 10000], strides = [1, 1]} : vector<128x10000xf32> to vector<64x10000xf32>
    %convert_element_type3A_25 = arith.truncf %slice3A_24 : vector<64x10000xf32> to vector<64x10000xbf16>
    %bitcast_convert_type3A_26 = tpu.bitcast %convert_element_type3A_25 : vector<64x10000xbf16> -> vector<64x10000xi16>
    %convert_element_type3A_27 = arith.extui %bitcast_convert_type3A_26 : vector<64x10000xi16> to vector<64x10000xi32>
    %shift_left3A = arith.constant 16 : i32
    %shift_left3A_28 = vector.broadcast %shift_left3A : i32 to vector<64x10000xi32>
    %shift_left3A_29 = arith.shli %convert_element_type3A_27, %shift_left3A_28 : vector<64x10000xi32>
    %or3A = arith.ori %convert_element_type3A_23, %shift_left3A_29 : vector<64x10000xi32>
    %bitcast_convert_type3A_30 = tpu.bitcast %or3A : vector<64x10000xi32> -> vector<64x10000xi32>
    %swap3A_31 = arith.constant 0 : index
    %swap3A_32 = arith.constant 0 : index
    %swap3A_33 = vector.load %arg5[%swap3A_31, %swap3A_32] : memref<64x10000xi32, #tpu.memory_space<vmem>>, vector<64x10000xi32>
    tpu.vector_store %arg5[%swap3A_31, %swap3A_32], %bitcast_convert_type3A_30 {strides = array<i32>} : memref<64x10000xi32, #tpu.memory_space<vmem>>, vector<64x10000xi32>,
    return
  }
}

module attributes {stable_mosaic.version = 14 : i64} {
  func.func @_tc_init_body(%arg0: memref<1x10000xi32, #tpu.memory_space<vmem>>, %arg1: memref<100x128xf32, #tpu.memory_space<vmem>>, %arg2: memref<32x128xf32, #tpu.memory_space<vmem>>, %arg3: memref<256x128xf32, #tpu.memory_space<vmem>>, %arg4: memref<128x10000xf32, #tpu.memory_space<vmem>>, %arg5: memref<64x10000xi32, #tpu.memory_space<vmem>>, %arg6: memref<64x32xi32, #tpu.memory_space<vmem>>) attributes {dimension_semantics = [], scalar_prefetch = 0 : i64, scratch_operands = 0 : i64, tpu.core_type = #tpu.core_type<tc>} {
    %get3A = arith.constant 0 : index
    %get3A_0 = arith.constant 0 : index
    %get3A_1 = vector.load %arg0[%get3A, %get3A_0] : memref<1x10000xi32, #tpu.memory_space<vmem>>, vector<1x10000xi32>
    %iota3A = tpu.iota {dimensions = array<i32: 0>} : vector<100x10000xi32>
    %eq3A = vector.broadcast %get3A_1 : vector<1x10000xi32> to vector<100x10000xi32>
    %eq3A_2 = arith.cmpi eq, %iota3A, %eq3A : vector<100x10000xi32>
    %convert_element_type3A = arith.extui %eq3A_2 : vector<100x10000xi1> to vector<100x10000xi32>
    %convert_element_type3A_3 = arith.sitofp %convert_element_type3A : vector<100x10000xi32> to vector<100x10000xf32>
    %get3A_4 = arith.constant 0 : index
    %get3A_5 = arith.constant 0 : index
    %get3A_6 = vector.load %arg1[%get3A_4, %get3A_5] : memref<100x128xf32, #tpu.memory_space<vmem>>, vector<100x128xf32>
    %dot_general3A = arith.constant dense<0.000000e+00> : vector<128x10000xf32>
    %dot_general3A_7 = tpu.matmul %get3A_6, %convert_element_type3A_3, %dot_general3A {dimension_numbers = #tpu.dot_dimension_numbers<[0], [0], [1], [1], [0, 1, 1, 1], [], []>, transpose_lhs_hint = false} : vector<100x128xf32>, vector<100x10000xf32>, vector<128x10000xf32> -> vector<128x10000xf32>
    %get3A_8 = arith.constant 0 : index
    %get3A_9 = arith.constant 0 : index
    %get3A_10 = vector.load %arg3[%get3A_8, %get3A_9] : memref<256x128xf32, #tpu.memory_space<vmem>>, vector<128x128xf32>
    %get3A_11 = arith.constant 128 : index
    %get3A_12 = arith.constant 0 : index
    %get3A_13 = vector.load %arg3[%get3A_11, %get3A_12] : memref<256x128xf32, #tpu.memory_space<vmem>>, vector<128x128xf32>
    %swap3A = arith.constant 0 : index
    %swap3A_14 = arith.constant 0 : index
    %swap3A_15 = vector.load %arg4[%swap3A, %swap3A_14] : memref<128x10000xf32, #tpu.memory_space<vmem>>, vector<128x10000xf32>
    tpu.vector_store %arg4[%swap3A, %swap3A_14], %dot_general3A_7 {strides = array<i32>} : memref<128x10000xf32, #tpu.memory_space<vmem>>, vector<128x10000xf32>,
    %dot_general3A_16 = arith.constant dense<0.000000e+00> : vector<128x10000xf32>
    %dot_general3A_17 = tpu.matmul %get3A_10, %dot_general3A_7, %dot_general3A_16 {dimension_numbers = #tpu.dot_dimension_numbers<[0], [0], [1], [1], [0, 1, 1, 1], [], []>, transpose_lhs_hint = false} : vector<128x128xf32>, vector<128x10000xf32>, vector<128x10000xf32> -> vector<128x10000xf32>
    %slice3A = vector.extract_strided_slice %dot_general3A_17 {offsets = [0, 0], sizes = [64, 10000], strides = [1, 1]} : vector<128x10000xf32> to vector<64x10000xf32>
    %convert_element_type3A_18 = arith.truncf %slice3A : vector<64x10000xf32> to vector<64x10000xbf16>
    %bitcast_convert_type3A = tpu.bitcast %convert_element_type3A_18 : vector<64x10000xbf16> -> vector<64x10000xi16>
    %convert_element_type3A_19 = arith.extui %bitcast_convert_type3A : vector<64x10000xi16> to vector<64x10000xi32>
    %slice3A_20 = vector.extract_strided_slice %dot_general3A_17 {offsets = [64, 0], sizes = [64, 10000], strides = [1, 1]} : vector<128x10000xf32> to vector<64x10000xf32>
    %convert_element_type3A_21 = arith.truncf %slice3A_20 : vector<64x10000xf32> to vector<64x10000xbf16>
    %bitcast_convert_type3A_22 = tpu.bitcast %convert_element_type3A_21 : vector<64x10000xbf16> -> vector<64x10000xi16>
    %convert_element_type3A_23 = arith.extui %bitcast_convert_type3A_22 : vector<64x10000xi16> to vector<64x10000xi32>
    %shift_left3A = arith.constant 16 : i32
    %shift_left3A_24 = vector.broadcast %shift_left3A : i32 to vector<64x10000xi32>
    %shift_left3A_25 = arith.shli %convert_element_type3A_23, %shift_left3A_24 : vector<64x10000xi32>
    %or3A = arith.ori %convert_element_type3A_19, %shift_left3A_25 : vector<64x10000xi32>
    %bitcast_convert_type3A_26 = tpu.bitcast %or3A : vector<64x10000xi32> -> vector<64x10000xi32>
    %swap3A_27 = arith.constant 0 : index
    %swap3A_28 = arith.constant 0 : index
    %swap3A_29 = vector.load %arg5[%swap3A_27, %swap3A_28] : memref<64x10000xi32, #tpu.memory_space<vmem>>, vector<64x10000xi32>
    tpu.vector_store %arg5[%swap3A_27, %swap3A_28], %bitcast_convert_type3A_26 {strides = array<i32>} : memref<64x10000xi32, #tpu.memory_space<vmem>>, vector<64x10000xi32>,
    %get3A_30 = arith.constant 0 : index
    %get3A_31 = arith.constant 0 : index
    %get3A_32 = vector.load %arg2[%get3A_30, %get3A_31] : memref<32x128xf32, #tpu.memory_space<vmem>>, vector<32x128xf32>
    %dot_general3A_33 = arith.constant dense<0.000000e+00> : vector<128x32xf32>
    %dot_general3A_34 = tpu.matmul %get3A_13, %get3A_32, %dot_general3A_33 {dimension_numbers = #tpu.dot_dimension_numbers<[0], [1], [1], [0], [0, 1, 1, 0], [], []>, transpose_lhs_hint = false} : vector<128x128xf32>, vector<32x128xf32>, vector<128x32xf32> -> vector<128x32xf32>
    %slice3A_35 = vector.extract_strided_slice %dot_general3A_34 {offsets = [0, 0], sizes = [64, 32], strides = [1, 1]} : vector<128x32xf32> to vector<64x32xf32>
    %convert_element_type3A_36 = arith.truncf %slice3A_35 : vector<64x32xf32> to vector<64x32xbf16>
    %bitcast_convert_type3A_37 = tpu.bitcast %convert_element_type3A_36 : vector<64x32xbf16> -> vector<64x32xi16>
    %convert_element_type3A_38 = arith.extui %bitcast_convert_type3A_37 : vector<64x32xi16> to vector<64x32xi32>
    %slice3A_39 = vector.extract_strided_slice %dot_general3A_34 {offsets = [64, 0], sizes = [64, 32], strides = [1, 1]} : vector<128x32xf32> to vector<64x32xf32>
    %convert_element_type3A_40 = arith.truncf %slice3A_39 : vector<64x32xf32> to vector<64x32xbf16>
    %bitcast_convert_type3A_41 = tpu.bitcast %convert_element_type3A_40 : vector<64x32xbf16> -> vector<64x32xi16>
    %convert_element_type3A_42 = arith.extui %bitcast_convert_type3A_41 : vector<64x32xi16> to vector<64x32xi32>
    %shift_left3A_43 = arith.constant 16 : i32
    %shift_left3A_44 = vector.broadcast %shift_left3A_43 : i32 to vector<64x32xi32>
    %shift_left3A_45 = arith.shli %convert_element_type3A_42, %shift_left3A_44 : vector<64x32xi32>
    %or3A_46 = arith.ori %convert_element_type3A_38, %shift_left3A_45 : vector<64x32xi32>
    %bitcast_convert_type3A_47 = tpu.bitcast %or3A_46 : vector<64x32xi32> -> vector<64x32xi32>
    %swap3A_48 = arith.constant 0 : index
    %swap3A_49 = arith.constant 0 : index
    %swap3A_50 = vector.load %arg6[%swap3A_48, %swap3A_49] : memref<64x32xi32, #tpu.memory_space<vmem>>, vector<64x32xi32>
    tpu.vector_store %arg6[%swap3A_48, %swap3A_49], %bitcast_convert_type3A_47 {strides = array<i32>} : memref<64x32xi32, #tpu.memory_space<vmem>>, vector<64x32xi32>,
    return
  }
}

module attributes {stable_mosaic.version = 14 : i64} {
  func.func @_tc_update_body(%arg0: memref<128x10000xf32, #tpu.memory_space<vmem>>, %arg1: memref<128x10000xf32, #tpu.memory_space<vmem>>, %arg2: memref<256x128xf32, #tpu.memory_space<vmem>>, %arg3: memref<256x128xf32, #tpu.memory_space<vmem>>, %arg4: memref<128x10000xf32, #tpu.memory_space<vmem>>, %arg5: memref<64x10000xi32, #tpu.memory_space<vmem>>) attributes {dimension_semantics = [], scalar_prefetch = 0 : i64, scratch_operands = 0 : i64, tpu.core_type = #tpu.core_type<tc>} {
    %get3A = arith.constant 0 : index
    %get3A_0 = arith.constant 0 : index
    %get3A_1 = vector.load %arg2[%get3A, %get3A_0] : memref<256x128xf32, #tpu.memory_space<vmem>>, vector<128x128xf32>
    %get3A_2 = arith.constant 128 : index
    %get3A_3 = arith.constant 0 : index
    %get3A_4 = vector.load %arg2[%get3A_2, %get3A_3] : memref<256x128xf32, #tpu.memory_space<vmem>>, vector<128x128xf32>
    %get3A_5 = arith.constant 0 : index
    %get3A_6 = arith.constant 0 : index
    %get3A_7 = vector.load %arg0[%get3A_5, %get3A_6] : memref<128x10000xf32, #tpu.memory_space<vmem>>, vector<128x10000xf32>
    %dot_general3A = arith.constant dense<0.000000e+00> : vector<128x10000xf32>
    %dot_general3A_8 = tpu.matmul %get3A_1, %get3A_7, %dot_general3A {dimension_numbers = #tpu.dot_dimension_numbers<[0], [0], [1], [1], [0, 1, 1, 1], [], []>, transpose_lhs_hint = false} : vector<128x128xf32>, vector<128x10000xf32>, vector<128x10000xf32> -> vector<128x10000xf32>
    %get3A_9 = arith.constant 0 : index
    %get3A_10 = arith.constant 0 : index
    %get3A_11 = vector.load %arg1[%get3A_9, %get3A_10] : memref<128x10000xf32, #tpu.memory_space<vmem>>, vector<128x10000xf32>
    %dot_general3A_12 = arith.constant dense<0.000000e+00> : vector<128x10000xf32>
    %dot_general3A_13 = tpu.matmul %get3A_4, %get3A_11, %dot_general3A_12 {dimension_numbers = #tpu.dot_dimension_numbers<[0], [0], [1], [1], [0, 1, 1, 1], [], []>, transpose_lhs_hint = false} : vector<128x128xf32>, vector<128x10000xf32>, vector<128x10000xf32> -> vector<128x10000xf32>
    %add3A = arith.addf %dot_general3A_8, %dot_general3A_13 : vector<128x10000xf32>
    %max3A = arith.constant 0.000000e+00 : f32
    %max3A_14 = vector.broadcast %max3A : f32 to vector<128x10000xf32>
    %max3A_15 = arith.maximumf %add3A, %max3A_14 : vector<128x10000xf32>
    %swap3A = arith.constant 0 : index
    %swap3A_16 = arith.constant 0 : index
    %swap3A_17 = vector.load %arg4[%swap3A, %swap3A_16] : memref<128x10000xf32, #tpu.memory_space<vmem>>, vector<128x10000xf32>
    tpu.vector_store %arg4[%swap3A, %swap3A_16], %max3A_15 {strides = array<i32>} : memref<128x10000xf32, #tpu.memory_space<vmem>>, vector<128x10000xf32>,
    %get3A_18 = arith.constant 0 : index
    %get3A_19 = arith.constant 0 : index
    %get3A_20 = vector.load %arg3[%get3A_18, %get3A_19] : memref<256x128xf32, #tpu.memory_space<vmem>>, vector<128x128xf32>
    %dot_general3A_21 = arith.constant dense<0.000000e+00> : vector<128x10000xf32>
    %dot_general3A_22 = tpu.matmul %get3A_20, %max3A_15, %dot_general3A_21 {dimension_numbers = #tpu.dot_dimension_numbers<[0], [0], [1], [1], [0, 1, 1, 1], [], []>, transpose_lhs_hint = false} : vector<128x128xf32>, vector<128x10000xf32>, vector<128x10000xf32> -> vector<128x10000xf32>
    %slice3A = vector.extract_strided_slice %dot_general3A_22 {offsets = [0, 0], sizes = [64, 10000], strides = [1, 1]} : vector<128x10000xf32> to vector<64x10000xf32>
    %convert_element_type3A = arith.truncf %slice3A : vector<64x10000xf32> to vector<64x10000xbf16>
    %bitcast_convert_type3A = tpu.bitcast %convert_element_type3A : vector<64x10000xbf16> -> vector<64x10000xi16>
    %convert_element_type3A_23 = arith.extui %bitcast_convert_type3A : vector<64x10000xi16> to vector<64x10000xi32>
    %slice3A_24 = vector.extract_strided_slice %dot_general3A_22 {offsets = [64, 0], sizes = [64, 10000], strides = [1, 1]} : vector<128x10000xf32> to vector<64x10000xf32>
    %convert_element_type3A_25 = arith.truncf %slice3A_24 : vector<64x10000xf32> to vector<64x10000xbf16>
    %bitcast_convert_type3A_26 = tpu.bitcast %convert_element_type3A_25 : vector<64x10000xbf16> -> vector<64x10000xi16>
    %convert_element_type3A_27 = arith.extui %bitcast_convert_type3A_26 : vector<64x10000xi16> to vector<64x10000xi32>
    %shift_left3A = arith.constant 16 : i32
    %shift_left3A_28 = vector.broadcast %shift_left3A : i32 to vector<64x10000xi32>
    %shift_left3A_29 = arith.shli %convert_element_type3A_27, %shift_left3A_28 : vector<64x10000xi32>
    %or3A = arith.ori %convert_element_type3A_23, %shift_left3A_29 : vector<64x10000xi32>
    %bitcast_convert_type3A_30 = tpu.bitcast %or3A : vector<64x10000xi32> -> vector<64x10000xi32>
    %swap3A_31 = arith.constant 0 : index
    %swap3A_32 = arith.constant 0 : index
    %swap3A_33 = vector.load %arg5[%swap3A_31, %swap3A_32] : memref<64x10000xi32, #tpu.memory_space<vmem>>, vector<64x10000xi32>
    tpu.vector_store %arg5[%swap3A_31, %swap3A_32], %bitcast_convert_type3A_30 {strides = array<i32>} : memref<64x10000xi32, #tpu.memory_space<vmem>>, vector<64x10000xi32>,
    return
  }
}

module attributes {stable_mosaic.version = 14 : i64} {
  func.func @_tc_readout_body(%arg0: memref<128x10000xf32, #tpu.memory_space<vmem>>, %arg1: memref<1x10000xi32, #tpu.memory_space<vmem>>, %arg2: memref<1x10000xi32, #tpu.memory_space<vmem>>, %arg3: memref<128x64xf32, #tpu.memory_space<vmem>>, %arg4: memref<64x128xf32, #tpu.memory_space<vmem>>, %arg5: memref<128x100xf32, #tpu.memory_space<vmem>>, %arg6: memref<256x64xf32, #tpu.memory_space<vmem>>, %arg7: memref<1x1xf32, #tpu.memory_space<vmem>>) attributes {dimension_semantics = [], scalar_prefetch = 0 : i64, scratch_operands = 0 : i64, tpu.core_type = #tpu.core_type<tc>} {
    %get3A = arith.constant 0 : index
    %get3A_0 = arith.constant 0 : index
    %get3A_1 = vector.load %arg1[%get3A, %get3A_0] : memref<1x10000xi32, #tpu.memory_space<vmem>>, vector<1x10000xi32>
    %iota3A = tpu.iota {dimensions = array<i32: 0>} : vector<256x10000xi32>
    %eq3A = vector.broadcast %get3A_1 : vector<1x10000xi32> to vector<256x10000xi32>
    %eq3A_2 = arith.cmpi eq, %iota3A, %eq3A : vector<256x10000xi32>
    %convert_element_type3A = arith.extui %eq3A_2 : vector<256x10000xi1> to vector<256x10000xi32>
    %convert_element_type3A_3 = arith.sitofp %convert_element_type3A : vector<256x10000xi32> to vector<256x10000xf32>
    %get3A_4 = arith.constant 0 : index
    %get3A_5 = arith.constant 0 : index
    %get3A_6 = vector.load %arg0[%get3A_4, %get3A_5] : memref<128x10000xf32, #tpu.memory_space<vmem>>, vector<128x10000xf32>
    %dot_general3A = arith.constant dense<0.000000e+00> : vector<128x256xf32>
    %dot_general3A_7 = tpu.matmul %get3A_6, %convert_element_type3A_3, %dot_general3A {dimension_numbers = #tpu.dot_dimension_numbers<[1], [1], [0], [0], [0, 0, 1, 0], [], []>, transpose_lhs_hint = false} : vector<128x10000xf32>, vector<256x10000xf32>, vector<128x256xf32> -> vector<128x256xf32>
    %broadcast_in_dim3A = arith.constant 1.000000e+00 : f32
    %broadcast_in_dim3A_8 = vector.broadcast %broadcast_in_dim3A : f32 to vector<1x10000xf32>
    %dot_general3A_9 = arith.constant dense<0.000000e+00> : vector<1x256xf32>
    %dot_general3A_10 = tpu.matmul %broadcast_in_dim3A_8, %convert_element_type3A_3, %dot_general3A_9 {dimension_numbers = #tpu.dot_dimension_numbers<[1], [1], [0], [0], [0, 0, 1, 0], [], []>, transpose_lhs_hint = false} : vector<1x10000xf32>, vector<256x10000xf32>, vector<1x256xf32> -> vector<1x256xf32>
    %max3A = arith.constant 1.000000e+00 : f32
    %max3A_11 = vector.broadcast %max3A : f32 to vector<1x256xf32>
    %max3A_12 = arith.maximumf %dot_general3A_10, %max3A_11 : vector<1x256xf32>
    %div3A = vector.broadcast %max3A_12 : vector<1x256xf32> to vector<128x256xf32>
    %div3A_13 = arith.divf %dot_general3A_7, %div3A : vector<128x256xf32>
    %get3A_14 = arith.constant 0 : index
    %get3A_15 = arith.constant 0 : index
    %get3A_16 = vector.load %arg3[%get3A_14, %get3A_15] : memref<128x64xf32, #tpu.memory_space<vmem>>, vector<128x64xf32>
    %dot_general3A_17 = arith.constant dense<0.000000e+00> : vector<256x64xf32>
    %dot_general3A_18 = tpu.matmul %div3A_13, %get3A_16, %dot_general3A_17 {dimension_numbers = #tpu.dot_dimension_numbers<[0], [0], [1], [1], [0, 1, 1, 1], [], []>, transpose_lhs_hint = false} : vector<128x256xf32>, vector<128x64xf32>, vector<256x64xf32> -> vector<256x64xf32>
    %swap3A = arith.constant 0 : index
    %swap3A_19 = arith.constant 0 : index
    %swap3A_20 = vector.load %arg6[%swap3A, %swap3A_19] : memref<256x64xf32, #tpu.memory_space<vmem>>, vector<256x64xf32>
    tpu.vector_store %arg6[%swap3A, %swap3A_19], %dot_general3A_18 {strides = array<i32>} : memref<256x64xf32, #tpu.memory_space<vmem>>, vector<256x64xf32>,
    %get3A_21 = arith.constant 0 : index
    %get3A_22 = arith.constant 0 : index
    %get3A_23 = vector.load %arg4[%get3A_21, %get3A_22] : memref<64x128xf32, #tpu.memory_space<vmem>>, vector<64x128xf32>
    %dot_general3A_24 = arith.constant dense<0.000000e+00> : vector<128x256xf32>
    %dot_general3A_25 = tpu.matmul %get3A_23, %dot_general3A_18, %dot_general3A_24 {dimension_numbers = #tpu.dot_dimension_numbers<[0], [1], [1], [0], [0, 1, 1, 0], [], []>, transpose_lhs_hint = false} : vector<64x128xf32>, vector<256x64xf32>, vector<128x256xf32> -> vector<128x256xf32>
    %max3A_26 = arith.constant 0.000000e+00 : f32
    %max3A_27 = vector.broadcast %max3A_26 : f32 to vector<128x256xf32>
    %max3A_28 = arith.maximumf %dot_general3A_25, %max3A_27 : vector<128x256xf32>
    %get3A_29 = arith.constant 0 : index
    %get3A_30 = arith.constant 0 : index
    %get3A_31 = vector.load %arg5[%get3A_29, %get3A_30] : memref<128x100xf32, #tpu.memory_space<vmem>>, vector<128x100xf32>
    %dot_general3A_32 = arith.constant dense<0.000000e+00> : vector<100x256xf32>
    %dot_general3A_33 = tpu.matmul %get3A_31, %max3A_28, %dot_general3A_32 {dimension_numbers = #tpu.dot_dimension_numbers<[0], [0], [1], [1], [0, 1, 1, 1], [], []>, transpose_lhs_hint = false} : vector<128x100xf32>, vector<128x256xf32>, vector<100x256xf32> -> vector<100x256xf32>
    %reduce_max3A = arith.constant dense<0xFF800000> : vector<256xf32>
    %reduce_max3A_34 = vector.multi_reduction <maximumf>, %dot_general3A_33, %reduce_max3A [0] : vector<100x256xf32> to vector<256xf32>
    %broadcast_in_dim3A_35 = vector.shape_cast %reduce_max3A_34 : vector<256xf32> to vector<1x256xf32>
    %sub3A = vector.broadcast %broadcast_in_dim3A_35 : vector<1x256xf32> to vector<100x256xf32>
    %sub3A_36 = arith.subf %dot_general3A_33, %sub3A : vector<100x256xf32>
    %exp3A = math.exp %sub3A_36 : vector<100x256xf32>
    %reduce_sum3A = arith.constant dense<0.000000e+00> : vector<256xf32>
    %reduce_sum3A_37 = vector.multi_reduction <add>, %exp3A, %reduce_sum3A [0] : vector<100x256xf32> to vector<256xf32>
    %broadcast_in_dim3A_38 = vector.shape_cast %reduce_sum3A_37 : vector<256xf32> to vector<1x256xf32>
    %log3A = math.log %broadcast_in_dim3A_38 : vector<1x256xf32>
    %add3A = arith.addf %broadcast_in_dim3A_35, %log3A : vector<1x256xf32>
    %get3A_39 = arith.constant 0 : index
    %get3A_40 = arith.constant 0 : index
    %get3A_41 = vector.load %arg2[%get3A_39, %get3A_40] : memref<1x10000xi32, #tpu.memory_space<vmem>>, vector<1x10000xi32>
    %iota3A_42 = tpu.iota {dimensions = array<i32: 0>} : vector<100x10000xi32>
    %eq3A_43 = vector.broadcast %get3A_41 : vector<1x10000xi32> to vector<100x10000xi32>
    %eq3A_44 = arith.cmpi eq, %iota3A_42, %eq3A_43 : vector<100x10000xi32>
    %convert_element_type3A_45 = arith.extui %eq3A_44 : vector<100x10000xi1> to vector<100x10000xi32>
    %convert_element_type3A_46 = arith.sitofp %convert_element_type3A_45 : vector<100x10000xi32> to vector<100x10000xf32>
    %dot_general3A_47 = arith.constant dense<0.000000e+00> : vector<100x256xf32>
    %dot_general3A_48 = tpu.matmul %convert_element_type3A_46, %convert_element_type3A_3, %dot_general3A_47 {dimension_numbers = #tpu.dot_dimension_numbers<[1], [1], [0], [0], [0, 0, 1, 0], [], []>, transpose_lhs_hint = false} : vector<100x10000xf32>, vector<256x10000xf32>, vector<100x256xf32> -> vector<100x256xf32>
    %mul3A = arith.mulf %dot_general3A_10, %add3A : vector<1x256xf32>
    %reduce_sum3A_49 = vector.shape_cast %mul3A : vector<1x256xf32> to vector<1x1x256xf32>
    %reduce_sum3A_50 = arith.constant dense<0.000000e+00> : vector<1xf32>
    %reduce_sum3A_51 = vector.multi_reduction <add>, %reduce_sum3A_49, %reduce_sum3A_50 [1, 2] : vector<1x1x256xf32> to vector<1xf32>
    %reduce_sum3A_52 = vector.shape_cast %reduce_sum3A_51 : vector<1xf32> to vector<1x1x1xf32>
    %reduce_sum3A_53 = vector.extract %reduce_sum3A_52[0, 0, 0] : f32 from vector<1x1x1xf32>
    %mul3A_54 = arith.mulf %dot_general3A_48, %dot_general3A_33 : vector<100x256xf32>
    %reduce_sum3A_55 = vector.shape_cast %mul3A_54 : vector<100x256xf32> to vector<1x100x256xf32>
    %reduce_sum3A_56 = arith.constant dense<0.000000e+00> : vector<1xf32>
    %reduce_sum3A_57 = vector.multi_reduction <add>, %reduce_sum3A_55, %reduce_sum3A_56 [1, 2] : vector<1x100x256xf32> to vector<1xf32>
    %reduce_sum3A_58 = vector.shape_cast %reduce_sum3A_57 : vector<1xf32> to vector<1x1x1xf32>
    %reduce_sum3A_59 = vector.extract %reduce_sum3A_58[0, 0, 0] : f32 from vector<1x1x1xf32>
    %sub3A_60 = arith.subf %reduce_sum3A_53, %reduce_sum3A_59 : f32
    %div3A_61 = arith.constant 1.000000e+04 : f32
    %div3A_62 = arith.divf %sub3A_60, %div3A_61 : f32
    %reshape3A = vector.broadcast %div3A_62 : f32 to vector<1x1xf32>
    %swap3A_63 = arith.constant 0 : index
    %swap3A_64 = arith.constant 0 : index
    %swap3A_65 = vector.load %arg7[%swap3A_63, %swap3A_64] : memref<1x1xf32, #tpu.memory_space<vmem>>, vector<1x1xf32>
    tpu.vector_store %arg7[%swap3A_63, %swap3A_64], %reshape3A {strides = array<i32>} : memref<1x1xf32, #tpu.memory_space<vmem>>, vector<1x1xf32>,
    return
  }
}

</mosaic_0001>

<sc_bundles>
// kernel: kernel.10.cloned.1.call-start
scs
__scs_entry_jumppad:
0x0: {  	(pc) =	sbr.rel $0x88, $3  }
0x1: {  	(tag) =	ssettag $0x0;
	lr =	simm.s32 $0x1  }
0x2: {  	[smem:$0x3F96] =	sst lr;
	_ =	strace $0xD0000000  }
0x3: {  	_ = 	snop  }
0x4: {  	_ = 	snop  }
0x5: {  	_ = 	snop  }
0x6: {  	_ = 	snop  }
0x7: {  	_ = 	snop  }
__scs_overlays_trampoline_lowered:
0x8: {  	[smem:$0x3FA5] =	sst s0  }
0x9: {  	[smem:$0x3FA6] =	sst s1  }
0xa: {  	[smem:$0x3FA7] =	sst s2  }
0xb: {  	[smem:$0x3FA8] =	sst s3  }
0xc: {  	[smem:$0x3FA9] =	sst s4  }
0xd: {  	[smem:$0x3FAA] =	sst s5  }
0xe: {  	[smem:$0x3FAB] =	sst s6  }
0xf: {  	[smem:$0x3FAC] =	sst s7  }
0x10: {  	[smem:$0x3FAD] =	sst s8  }
0x11: {  	[smem:$0x3FAE] =	sst s9;
	s0 =	simm.s32 @!p0 $0x0  }
0x12: {  	s1 =	sld [smem:$0x3F94];
	s0 =	simm.s32 @p0 $0x1  }
0x13: {  	[smem:$0x3FAF] =	sst s0;
	s0 =	simm.s32 @!p1 $0x0  }
0x14: {  	s2 =	sld [smem:$0x3F93];
	s0 =	simm.s32 @p1 $0x1  }
0x15: {  	[smem:$0x3FB0] =	sst s0;
	s0 =	simm.s32 @!p2 $0x0  }
0x16: {  	s3 =	sld [smem:$0x3FDB];
	s0 =	simm.s32 @p2 $0x1  }
0x17: {  	s4 =	simm.s32 $0x1BF5;
	[smem:$0x3FB2] =	sst s0  }
0x18: {  	s0 =	sld [smem:$0x3F95];
	_ =	swait.ge [sflag:s4], $0x0  }
0x19: {  	s7 =	sld [smem:$0x3F96]  }
0x1a: {  	s8 =	sadd.s32 $0xFFFFE003, lr  }
0x1b: {  	s9 =	sadd.s32 $0xFFFFFEF7, lr;
	s5 =	simm.s32 $0xFFFFFFFF;
	p2 =	slt.u32 s8, $0xFFFFF086  }
0x1c: {  	p1 =	slt.u32 s9, $0xF7A;
	s5 =	simm.s32 @!p2 $0x0  }
0x1d: {  	s5 =	simm.s32 @p1 $0x1;
	p0 =	seq.s32 s7, s2  }
0x1e: {  	s7 =	smul.u32 @!p0 $0xF7A, s2;
	p2 =	seq.s32 @!p0 s5, $0x0  }
0x1f: {  	s9 =	smul.u32 $0xF7A, s1;
	s8 =	simm.s32 @!p0 $0x1BF5;
	p2 =	por !p2, p0  }
0x20: {  	[sflag:s8] =	ssyncset.s32 @!p0 $0xFFFFF086;
	s6 =	sadd.s32 @!p0 s3, s7;
	s7 =	simm.s32 @!p0 $0x108  }
0x21: {  	s3 =	sadd.s32 s3, s9;
	s6 =	sadd.s32 @!p0 $0x88, s6;
	s7 =	simm.s32 @p2 $0x1082  }
0x22: {  	[simem:s7], [sflag:s8] =	dma.local @!p0 [hbm:s6], $0xF7A  }
0x23: {  	s9 =	sor.u32 $0xD0000000, s2;
	s6 =	simm.s32 $0x108;
	_ =	swait.ge @!p0 [sflag:s8], $0x0  }
0x24: {  	s3 =	sadd.s32 $0x88, s3;
	s6 =	simm.s32 @!p1 $0x1082;
	[sflag:s4] =	ssyncset.s32 $0xFFFFF086  }
0x25: {  	[simem:s6], [sflag:s4] =	dma.local [hbm:s3], $0xF7A  }
0x26: {  	[smem:$0x3F96] =	sst s1;
	(tag) =	ssettag s2;
	_ =	strace s9  }
0x27: {  	s1 =	sld [smem:$0x3FA6]  }
0x28: {  	s2 =	sld [smem:$0x3FA7]  }
0x29: {  	s4 =	sld [smem:$0x3FA9]  }
0x2a: {  	p0 =	seq.s32 s5, $0x0;
	s5 =	sld [smem:$0x3FAA]  }
0x2b: {  	s6 =	sld [smem:$0x3FAB]  }
0x2c: {  	s7 =	sld [smem:$0x3FAC]  }
0x2d: {  	s3 =	simm.s32 $0x108;
	s8 =	sld [smem:$0x3FAD]  }
0x2e: {  	s3 =	simm.s32 @!p0 $0x1082;
	s9 =	sld [smem:$0x3FAE]  }
0x2f: {  	lr =	sadd.s32 s0, s3;
	s0 =	sld [smem:$0x3FA5]  }
0x30: {  	s3 =	sld [smem:$0x3FA8]  }
0x31: {  	[smem:$0x3FB1] =	sst s10  }
0x32: {  	s10 =	sld [smem:$0x3FAF];
	_ =	sdelay $0x3  }
0x33: {  	p0 =	seq.s32 s10, $0x1;
	s10 =	sld [smem:$0x3FB1];
	_ =	sdelay $0x3  }
0x34: {  	[smem:$0x3FB1] =	sst s10  }
0x35: {  	s10 =	sld [smem:$0x3FB0];
	_ =	sdelay $0x3  }
0x36: {  	p1 =	seq.s32 s10, $0x1;
	s10 =	sld [smem:$0x3FB1];
	_ =	sdelay $0x3  }
0x37: {  	[smem:$0x3FB1] =	sst s10  }
0x38: {  	s10 =	sld [smem:$0x3FB2]  }
0x39: {  	_ = 	snop;
	(pc) =	sbr.ind lr, $3  }
0x3a: {  	_ = 	snop  }
0x3b: {  	_ = 	snop  }
0x3c: {  	p2 =	seq.s32 s10, $0x1;
	s10 =	sld [smem:$0x3FB1]  }
0x3d: {  	_ =	shalt  }
0x3e: {  	_ =	shalt  }
0x3f: {  	_ =	shalt  }
0x40: {  	_ =	shalt  }
0x41: {  	_ =	shalt  }
0x42: {  	_ =	shalt  }
0x43: {  	_ =	shalt  }
0x44: {  	_ =	shalt  }
0x45: {  	_ =	shalt  }
0x46: {  	_ =	shalt  }
0x47: {  	_ =	shalt  }
0x48: {  	_ =	shalt  }
0x49: {  	_ =	shalt  }
0x4a: {  	_ =	shalt  }
0x4b: {  	_ =	shalt  }
0x4c: {  	_ =	shalt  }
0x4d: {  	_ =	shalt  }
0x4e: {  	_ =	shalt  }
0x4f: {  	_ =	shalt  }
0x50: {  	_ =	shalt  }
0x51: {  	_ =	shalt  }
0x52: {  	_ =	shalt  }
0x53: {  	_ =	shalt  }
0x54: {  	_ =	shalt  }
0x55: {  	_ =	shalt  }
0x56: {  	_ =	shalt  }
0x57: {  	_ =	shalt  }
0x58: {  	_ =	shalt  }
0x59: {  	_ =	shalt  }
0x5a: {  	_ =	shalt  }
0x5b: {  	_ =	shalt  }
0x5c: {  	_ =	shalt  }
0x5d: {  	_ =	shalt  }
0x5e: {  	_ =	shalt  }
0x5f: {  	_ =	shalt  }
0x60: {  	_ =	shalt  }
0x61: {  	_ =	shalt  }
0x62: {  	_ =	shalt  }
0x63: {  	_ =	shalt  }
0x64: {  	_ =	shalt  }
0x65: {  	_ =	shalt  }
0x66: {  	_ =	shalt  }
0x67: {  	_ =	shalt  }
0x68: {  	_ =	shalt  }
0x69: {  	_ =	shalt  }
0x6a: {  	_ =	shalt  }
0x6b: {  	_ =	shalt  }
0x6c: {  	_ =	shalt  }
0x6d: {  	_ =	shalt  }
0x6e: {  	_ =	shalt  }
0x6f: {  	_ =	shalt  }
0x70: {  	_ =	shalt  }
0x71: {  	_ =	shalt  }
0x72: {  	_ =	shalt  }
0x73: {  	_ =	shalt  }
0x74: {  	_ =	shalt  }
0x75: {  	_ =	shalt  }
0x76: {  	_ =	shalt  }
0x77: {  	_ =	shalt  }
0x78: {  	_ =	shalt  }
0x79: {  	_ =	shalt  }
0x7a: {  	_ =	shalt  }
0x7b: {  	_ =	shalt  }
0x7c: {  	_ =	shalt  }
0x7d: {  	_ =	shalt  }
0x7e: {  	_ =	shalt  }
0x7f: {  	_ =	shalt  }
0x80: {  	_ =	shalt  }
0x81: {  	_ =	shalt  }
0x82: {  	_ =	shalt  }
0x83: {  	_ =	shalt  }
0x84: {  	_ =	shalt  }
0x85: {  	_ =	shalt  }
0x86: {  	_ =	shalt  }
0x87: {  	_ =	shalt  }
.Lfunc_end0:
.L_simem_size_0:
called_computation_lowered:
.L_overlay_start_0:
0x88: {  	s2 =	sld [smem:$0x3FD9]  }
0x89: {  	s3 =	sld [smem:$0x3FFE];
	_ =	sdelay $0x1  }
0x8a: {  	s1 =	srdreg.scid  }
0x8b: {  	s0 =	sand.u32 $0x1, s1  }
0x8c: {  	s14 =	sshll.u32 s0, $0xA;
	s2 =	sadd.s32 s3, s2  }
0x8d: {  	s2 =	sadd.s32 s2, s14  }
0x8e: {  	[smem:$0x3FBD] =	sst s2  }
0x8f: {  	_ = 	snop  }
0x90: {  	s2 =	sld [smem:$0x3FD0];
	_ =	sdelay $0x2  }
0x91: {  	s15 =	simm.s32 $0xA;
	s4 =	simm.s32 $0x10  }
0x92: {  	[smem:s4], [sflag:s15] =	dma.local [hbm:s2], $0x1  }
0x93: {  	_ =	swait.eq [sflag:s15], $0x1  }
0x94: {  	[sflag:s15] =	ssyncset.done $0x0  }
0x95: {  	[sflag:s15] =	ssyncadd.s32 $0xFFFFFFFF  }
0x96: {  	s16 =	sld [smem:$0x10];
	(tm) =	ssettm $0x1  }
0x97: {  	s17 =	sld [smem:$0x3FFB];
	_ =	sdelay $0x3  }
0x98: {  	_ =	strace s17  }
0x99: {  	s3 =	sld [smem:$0x3FFC];
	_ =	sdelay $0x3  }
0x9a: {  	_ =	strace s3  }
0x9b: {  	s3 =	sld [smem:$0x3FFD];
	_ =	sdelay $0x3  }
0x9c: {  	_ =	strace s3  }
0x9d: {  	_ =	strace $0x8FFFFFFF  }
0x9e: {  	s18 =	sld [smem:$0x3FDB];
	_ =	sdelay $0x1  }
0x9f: {  	s19 =	simm.s32 $_scs_section_size  }
0xa0: {  	s5 =	simm.s32 $_size__tile_overlayer_lowered;
	s6 =	simm.s32 $_tile_overlayer_lowered  }
0xa1: {  	s22 =	simm.s32 $0x1BFF;
	s21 =	sshll.u32 s6, $0x1;
	s3 =	sadd.s32 s19, s18  }
0xa2: {  	s7 =	simm.s32 $0x0;
	s20 =	sshll.u32 s5, $0x1;
	s5 =	sadd.s32 s21, s3  }
0xa3: {  	[timem:s7], [sflag:s22] =	dma.local [hbm:s5], s20  }
0xa4: {  	_ =	swait.ge [sflag:s22], s20  }
0xa5: {  	s4 =	ssub.s32 $0x0, s20;
	[sflag:s22] =	ssyncset.done $0x0  }
0xa6: {  	[sflag:s22] =	ssyncadd.s32 s4;
	_ =	sdelay $0x1  }
0xa7: {  	s23 =	simm.s32 $0x1B8B  }
0xa8: {  	_ =	swait.ge [sflag:s23], $0x1  }
0xa9: {  	[sflag:s23] =	ssyncset.done $0x0  }
0xaa: {  	s25 =	simm.s32 $0x1B8E;
	s24 =	sld [smem:$0x3FFE];
	[sflag:s23] =	ssyncadd.s32 $0xFFFFFFFF  }
0xab: {  	s26 =	simm.s32 $execute0_lowered;
	[smem:$0x3FD2] =	sst s25  }
0xac: {  	s5 =	sshll.u32 s26, $0x1;
	_ =	strace $0x80000046;
	[dreg:$0x1] =	wrdreg $0xFFFFFFFF  }
0xad: {  	s28 =	simm.s32 $_size_execute0_lowered;
	s3 =	sadd.s32 s3, s5;
	[dreg:$0x0] =	wrdreg $0x0  }
0xae: {  	s5 =	sshll.u32 s28, $0x1;
	[dreg:$0x2] =	wrdreg s3  }
0xaf: {  	[dreg:$0x3] =	wrdreg s5  }
0xb0: {  	[dreg:$0x4] =	wrdreg $0xC0  }
0xb1: {  	_ =	task [dreg:s7], $0x5FFFF  }
0xb2: {  	[dreg:$0x1] =	wrdreg $0xFFFFFFFF  }
0xb3: {  	[dreg:$0x0] =	wrdreg $0x60  }
0xb4: {  	[dreg:$0x2] =	wrdreg s24  }
0xb5: {  	[dreg:$0x3] =	wrdreg s16  }
0xb6: {  	[dreg:$0x4] =	wrdreg $0x9  }
0xb7: {  	_ =	task.clear_ibuf [dreg:s7], $0x5FFFF;
	_ =	strace $0x90000046  }
0xb8: {  	s29 =	simm.s32 $0x9;
	_ =	strace $0x80000048  }
0xb9: {  	_ =	swait.ge [sflag:s29], $0x1  }
0xba: {  	[sflag:s29] =	ssyncadd.s32 $0xFFFFFFFF  }
0xbb: {  	_ =	strace $0x90000048  }
0xbc: {  	_ =	sfence  }
0xbd: {  	s30 =	sld [smem:$0x0];
	_ =	sdelay $0x2  }
0xbe: {  	s31 =	sshll.u32 s1, $0xD;
	s1 =	sshrl.u32 s1, $0x2  }
0xbf: {  	s3 =	sand.u32 $0x4000, s31;
	s1 =	sadd.s32 s1, s30  }
0xc0: {  	s0 =	sor.u32 s3, s0;
	s1 =	sshll.u32 s1, $0x11  }
0xc1: {  	s0 =	sor.u32 s1, s0  }
0xc2: {  	s0 =	sadd.s32 $0x8F2B, s0  }
0xc3: {  	[sflag:s0] =	ssyncadd.remote.s32 $0x1  }
0xc4: {  	_ =	sfence.sel $0xFFFF  }
0xc5: {  	[dreg:$0x0] =	wrdreg $0xFFFFFFFF;
	(pc) =	sbr.abs _section_cstart, $3  }
0xc6: {  	[dreg:$0x1] =	wrdreg $0xFFFFFFFF  }
0xc7: {  	_ =	task.clear_ibuf [dreg:s7], $0x2FFFF;
	_ =	strace $0x9FFFFFFF  }
0xc8: {  	(tm) =	ssettm $0x7FFFFFFF  }
0xc9: {  	_ =	shalt  }
tec
execute0_lowered:
.L_overlay_start_1:
0x0: {  	(tag) =	ssettag $0x1  }
0x1: {  	s0 =	rddreg [dreg:$0x0]  }
0x2: {  	s1 =	rddreg [dreg:$0x1];
	s2 =	simm.s32 $0x0  }
0x3: {  	s3 =	srdreg.scid;
	s8 =	stileid.u32;
	s16 =	simm.s32 $0x80  }
0x4: {  	s17 =	simm.s32 $0x400;
	s18 =	simm.s32 $0x5;
	s19 =	simm.s32 $0xED00  }
0x5: {  	s28 =	simm.s32 $0x2;
	s29 =	simm.s32 $0x4F00;
	s30 =	simm.s32 $0x9E00  }
0x6: {  	s31 =	simm.s32 $0x7680;
	[smem:$0x7FF] =	sst s2;
	s5 =	sand.u32 $0x1, s3  }
0x7: {  	s6 =	sadd.s32 $0x16A00, s0;
	s4 =	sshll.u32 s8, $0x2;
	s3 =	sadd.s32 $0xCC00, s0  }
0x8: {  	s8 =	sshrl.u32 s8, $0x1;
	s14 =	sadd.s32 $0x2A600, s0;
	s23 =	sadd.s32 $0xCF20, s0  }
0x9: {  	_ =	strace $0x80000047;
	s7 =	sshll.u32 s5, $0x1;
	s9 =	smul.u32 $0x13C00, s8  }
0xa: {  	s5 =	ssub.s32 $0x2, s5;
	s8 =	sshll.u32 s8, $0xA;
	[dreg:$0x7] =	wrdreg s23  }
0xb: {  	s23 =	simm.s32 $0x0;
	s7 =	sor.u32 s7, s4;
	s4 =	sadd.s32 $0x2E00, s0  }
0xc: {  	s11 =	sshrl.u32 s5, $0x1;
	s10 =	sshll.u32 s7, $0x7;
	s7 =	sor.u32 $0x41, s7  }
0xd: {  	s5 =	ssub.s32 s5, s11;
	s10 =	sand.u32 $0x300, s10;
	s22 =	sshrl.u32 s7, $0x3  }
0xe: {  	s24 =	sshll.u32 s7, $0x7;
	s12 =	sor.u32 s9, s10;
	s13 =	sor.u32 s8, s10  }
0xf: {  	s10 =	sor.u32 $0x80, s10;
	s20 =	sshrl.u32 s12, $0x3;
	s13 =	sshrl.u32 s13, $0x3  }
0x10: {  	s9 =	sor.u32 s9, s10;
	s8 =	sor.u32 s8, s10;
	s10 =	sadd.s32 $0x3120, s0  }
0x11: {  	s25 =	sadd.s32 $0x9E000, s12;
	s15 =	sadd.s32 s6, s20;
	s13 =	sadd.s32 s1, s13  }
0x12: {  	s21 =	sshrl.u32 s9, $0x3;
	s8 =	sshrl.u32 s8, $0x3;
	s11 =	sadd.s32 s14, s20  }
0x13: {  	s0 =	sshrl.u32 s25, $0x3;
	s20 =	simm.s32 $0x2780;
	[dreg:$0x3] =	wrdreg s15  }
0x14: {  	s25 =	simm.s32 $0x13900;
	[dreg:$0x4] =	wrdreg s13;
	s1 =	sadd.s32 s1, s8  }
0x15: {  	s6 =	sadd.s32 s6, s21;
	[dreg:$0x6] =	wrdreg s1;
	s1 =	smul.u32 $0x13C00, s22  }
.Ltmp0:
0x16: {  	s12 =	sadd.s32 s14, s0;
	s13 =	sadd.s32 s14, s21;
	(pc) =	sbr.rel .LBB2_1-.Ltmp0, $4  }
0x17: {  	s15 =	smax.u32 s5, $0x1;
	[dreg:$0x5] =	wrdreg s6;
	s6 =	sand.u32 $0x380, s24  }
0x18: {  	s21 =	simm.s32 $0xED80;
	s0 =	simm.s32 $0xC580;
	s1 =	sor.u32 s6, s1  }
0x19: {  	s24 =	simm.s32 $0x12000;
	s22 =	simm.s32 $0x4;
	s26 =	sshrl.u32 s1, $0x3  }
0x1a: {  	v0 =	vimm.f32 $0.0e+00;
	s1 =	simm.s32 $0x3;
	s14 =	sadd.s32 s14, s26;
	s26 =	simm.s32 $0x1  }
.LBB2_10:
0x1b: {  	[hbm4b:s11+s16] =	stream.strided.scatter [tilespmem:s29], [sflag:$0x5], $0x2780, s17, s16, $0x38;
	[tilespmem:$0x15200] =	vst v63  }
0x1c: {  	_ =	swait.ge [sflag:s18], $0x2780  }
0x1d: {  	[sflag:s18] =	ssyncset.done $0x0  }
0x1e: {  	[sflag:s18] =	ssyncadd.s32 $0xFFFFD880  }
0x1f: {  	[hbm4b:s12+s16] =	stream.strided.scatter [tilespmem:s30], [sflag:$0x5], $0x2780, s17, s16, $0x38;
	[tilespmem:$0x15200] =	vst v63  }
0x20: {  	_ =	swait.ge [sflag:s18], $0x2780  }
0x21: {  	[sflag:s18] =	ssyncset.done $0x0  }
0x22: {  	[sflag:s18] =	ssyncadd.s32 $0xFFFFD880  }
0x23: {  	[hbm4b:s13+s16] =	stream.strided.scatter [tilespmem:s31], [sflag:$0x5], $0x2780, s17, s16, $0x38;
	[tilespmem:$0x15200] =	vst v63  }
0x24: {  	s23 =	sadd.s32 $0x1, s23;
	_ =	swait.ge [sflag:s18], $0x2780  }
0x25: {  	p0 =	sne.s32 s23, s15;
	[sflag:s18] =	ssyncset.done $0x0  }
.Ltmp1:
0x26: {  	[sflag:s18] =	ssyncadd.s32 $0xFFFFD880;
	(pc) =	sbr.rel @!p0 .LBB2_11-.Ltmp1, $4  }
0x27: {  	[hbm4b:s14+s16] =	stream.strided.scatter [tilespmem:s0], [sflag:$0x5], $0x2780, s17, s16, $0x38;
	[tilespmem:$0x15200] =	vst v63  }
0x28: {  	_ =	swait.ge [sflag:s18], $0x2780  }
0x29: {  	[sflag:s18] =	ssyncset.done $0x0  }
0x2a: {  	[sflag:s18] =	ssyncadd.s32 $0xFFFFD880  }
.LBB2_1:
0x2b: {  	s5 =	rddreg [dreg:$0x3]  }
0x2c: {  	[tilespmem:s2], [sflag:$0x5] =	stream.strided.gather [hbm4b:s5+s16], $0x2780, s17, s16, $0x38;
	[tilespmem:$0x15200] =	vst v63  }
0x2d: {  	_ =	swait.ge [sflag:s18], $0x2780  }
0x2e: {  	[sflag:s18] =	ssyncset.done $0x0  }
0x2f: {  	s7 =	rddreg [dreg:$0x4];
	[sflag:s18] =	ssyncadd.s32 $0xFFFFD880  }
0x30: {  	[tilespmem:s19], [sflag:$0x5] =	stream.linear.gather [hbm4b:s7+s2], $0x80, $0x38;
	[tilespmem:$0x15200] =	vst v63  }
0x31: {  	_ =	swait.ge [sflag:s18], $0x80  }
0x32: {  	[sflag:s18] =	ssyncset.done $0x0  }
0x33: {  	s8 =	rddreg [dreg:$0x5];
	[sflag:s18] =	ssyncadd.s32 $0xFFFFFF80  }
0x34: {  	[tilespmem:s20], [sflag:$0x5] =	stream.strided.gather [hbm4b:s8+s16], $0x2780, s17, s16, $0x38;
	[tilespmem:$0x15200] =	vst v63  }
0x35: {  	_ =	swait.ge [sflag:s18], $0x2780  }
0x36: {  	[sflag:s18] =	ssyncset.done $0x0  }
0x37: {  	s9 =	rddreg [dreg:$0x6];
	[sflag:s18] =	ssyncadd.s32 $0xFFFFD880  }
0x38: {  	[tilespmem:s21], [sflag:$0x5] =	stream.linear.gather [hbm4b:s9+s2], $0x80, $0x38;
	[tilespmem:$0x15200] =	vst v63  }
0x39: {  	_ =	swait.ge [sflag:s18], $0x80  }
0x3a: {  	[sflag:s18] =	ssyncset.done $0x0  }
0x3b: {  	s6 =	simm.s32 $0x40;
	s5 =	simm.s32 $0x0;
	[sflag:s18] =	ssyncadd.s32 $0xFFFFFF80  }
.LBB2_2:
0x3c: {  	p0 =	sne.s32 s6, $0x9C00;
	[tilespmem:s5+$0xC580] =	vst v0;
	s7 =	smov.u32 s6;
	s6 =	sadd.s32 $0x40, s6  }
.Ltmp2:
0x3d: {  	[tilespmem:s5+$0x9E00] =	vst v0;
	(pc) =	sbr.rel @p0 .LBB2_2-.Ltmp2, $3  }
0x3e: {  	[tilespmem:s5+$0x4F00] =	vst v0  }
0x3f: {  	[tilespmem:s5+$0x7680] =	vst v0;
	_ =	sdelay $0x1  }
0x40: {  	s5 =	sshra.s32 s7, $0x2  }
0x41: {  	[tilespmem:s5+$0xC580] =	vst v0  }
0x42: {  	[tilespmem:s5+$0x9E00] =	vst v0  }
0x43: {  	[tilespmem:s5+$0x4F00] =	vst v0  }
0x44: {  	[tilespmem:s5+$0x7680] =	vst v0;
	s5 =	simm.s32 $0x0;
	s6 =	simm.s32 $0xEE00  }
0x45: {  	[tilespmem:s6], [sflag:$0x1] =	stream.linear.gather [hbm4b:s3+s5], $0x1900, $0x38;
	[tilespmem:$0x15200] =	vst v63  }
0x46: {  	s8 =	simm.s32 $0x10700  }
0x47: {  	[tilespmem:s8], [sflag:$0x2] =	stream.linear.gather [hbm4b:s4+s5], $0x1900, $0x38;
	[tilespmem:$0x15200] =	vst v63  }
0x48: {  	s9 =	rddreg [dreg:$0x7]  }
0x49: {  	[tilespmem:s24], [sflag:$0x3] =	stream.linear.gather [hbm4b:s9+s5], $0x1900, $0x38;
	[tilespmem:$0x15200] =	vst v63  }
0x4a: {  	_ = 	snop  }
0x4b: {  	[tilespmem:s25], [sflag:$0x4] =	stream.linear.gather [hbm4b:s10+s5], $0x1900, $0x38;
	[tilespmem:$0x15200] =	vst v63  }
.LBB2_4:
0x4c: {  	_ =	swait.ge [sflag:s26], $0x1900  }
0x4d: {  	[sflag:s26] =	ssyncset.done $0x0  }
0x4e: {  	[sflag:s26] =	ssyncadd.s32 $0xFFFFE700  }
0x4f: {  	_ =	swait.ge [sflag:s28], $0x1900  }
0x50: {  	[sflag:s28] =	ssyncset.done $0x0  }
0x51: {  	s6 =	simm.s32 $0xEE40;
	[sflag:s28] =	ssyncadd.s32 $0xFFFFE700  }
0x52: {  	v1 =	vld [tilespmem:s6+$0x30];
	_ =	sdelay $0x1  }
0x53: {  	v2 =	vld [tilespmem:s6+$0xFFFFFFD0]  }
0x54: {  	v3 =	vld [tilespmem:s6+$0xFFFFFFE0]  }
0x55: {  	v6 =	vld [tilespmem:s6+$0xFFFFFFC0]  }
0x56: {  	v4 =	vld [tilespmem:s6+$0xFFFFFFF0];
	v5 =	vand.u32 $0x3FFF, v1  }
0x57: {  	v7 =	vld [tilespmem:s6+$0x0];
	v1 =	vshra.s32 v1, $0xE  }
0x58: {  	v8 =	vld [tilespmem:s6+$0x10];
	v9 =	vand.u32 $0x3FFF, v2  }
0x59: {  	v10 =	vshra.s32 v2, $0xE;
	v2 =	vld [tilespmem:s6+$0x20];
	s6 =	simm.s32 $0x10740  }
0x5a: {  	v11 =	vand.u32 $0x3FFF, v3;
	v14 =	vand.u32 $0x3FFF, v6;
	v16 =	vshra.s32 v6, $0xE;
	v6 =	vld [tilespmem:s6+$0x30]  }
0x5b: {  	v13 =	vshra.s32 v3, $0xE;
	v12 =	vld.idx.msk [tilespmem:v5+s2+$0x0], $0xffff  }
0x5c: {  	v3 =	vld.idx.msk [tilespmem:v1+s19+$0x0], $0xffff  }
0x5d: {  	v15 =	vld.idx.msk [tilespmem:v9+s2+$0x0], $0xffff  }
0x5e: {  	v17 =	vand.u32 $0x3FFF, v4;
	v18 =	vld.idx.msk [tilespmem:v10+s19+$0x0], $0xffff  }
0x5f: {  	v19 =	vshra.s32 v4, $0xE;
	v4 =	vld.idx.msk [tilespmem:v11+s2+$0x0], $0xffff  }
0x60: {  	v26 =	vshra.s32 v7, $0xE;
	v20 =	vld.idx.msk [tilespmem:v13+s19+$0x0], $0xffff  }
0x61: {  	v28 =	vshra.s32 v8, $0xE;
	v21 =	vld.idx.msk [tilespmem:v14+s2+$0x0], $0xffff  }
0x62: {  	v24 =	vld.idx.msk [tilespmem:v16+s19+$0x0], $0xffff;
	v30 =	vand.u32 $0x3FFF, v2  }
0x63: {  	v48 =	vld.idx.msk [tilespmem:v17+s2+$0x0], $0xffff  }
0x64: {  	v25 =	vld.idx.msk [tilespmem:v19+s19+$0x0], $0xffff  }
0x65: {  	v33 =	vld.idx.msk [tilespmem:v26+s19+$0x0], $0xffff;
	v22 =	vunpack.i.l.bf16.f32 v12;
	v23 =	vunpack.i.l.bf16.f32 v3  }
0x66: {  	v35 =	vld.idx.msk [tilespmem:v28+s19+$0x0], $0xffff;
	v22 =	vadd.f32 v23, v22  }
0x67: {  	v12 =	vunpack.i.u.bf16.f32 v12;
	v3 =	vunpack.i.u.bf16.f32 v3;
	v36 =	vld.idx.msk [tilespmem:v30+s2+$0x0], $0xffff  }
0x68: {  	v3 =	vadd.f32 v3, v12;
	v12 =	vand.u32 $0x3FFF, v7;
	v7 =	vld [tilespmem:s6+$0xFFFFFFC0];
	v22 =	vmax.f32 v22, $0.0e+00  }
0x69: {  	[tilespmem:v6+s29+$0x0] =	vst.idx.add.f32.msk $0xffff, v22  }
0x6a: {  	v32 =	vshra.s32 v2, $0xE;
	v3 =	vmax.f32 v3, $0.0e+00;
	v22 =	vand.u32 $0x3FFF, v8;
	v8 =	vld [tilespmem:s6+$0xFFFFFFD0]  }
0x6b: {  	[tilespmem:v6+s30+$0x0] =	vst.idx.add.f32.msk $0xffff, v3  }
0x6c: {  	v27 =	vld.idx.msk [tilespmem:v5+s20+$0x0], $0xffff  }
0x6d: {  	v29 =	vld.idx.msk [tilespmem:v1+s21+$0x0], $0xffff  }
0x6e: {  	v2 =	vunpack.i.u.bf16.f32 v15;
	v37 =	vunpack.i.l.bf16.f32 v24;
	v31 =	vld.idx.msk [tilespmem:v12+s2+$0x0], $0xffff  }
0x6f: {  	v38 =	vunpack.i.u.bf16.f32 v4;
	v3 =	vunpack.i.u.bf16.f32 v18;
	v1 =	vunpack.i.l.bf16.f32 v15;
	v15 =	vld.idx.msk [tilespmem:v32+s19+$0x0], $0xffff  }
0x70: {  	v4 =	vunpack.i.l.bf16.f32 v4;
	v5 =	vunpack.i.l.bf16.f32 v21;
	v40 =	vadd.f32 v3, v2;
	v2 =	vld [tilespmem:s6+$0x0]  }
0x71: {  	v39 =	vunpack.i.l.bf16.f32 v20;
	v18 =	vunpack.i.l.bf16.f32 v18;
	v37 =	vadd.f32 v37, v5;
	v5 =	vld [tilespmem:s6+$0xFFFFFFE0]  }
0x72: {  	v21 =	vunpack.i.u.bf16.f32 v21;
	v3 =	vunpack.i.u.bf16.f32 v24;
	v18 =	vadd.f32 v18, v1;
	v1 =	vld [tilespmem:s6+$0xFFFFFFF0]  }
0x73: {  	v50 =	vadd.f32 v39, v4;
	v4 =	vadd.f32 v3, v21;
	v3 =	vld [tilespmem:s6+$0x10]  }
0x74: {  	v34 =	vld.idx.msk [tilespmem:v22+s2+$0x0], $0xffff  }
0x75: {  	v49 =	vmax.f32 v37, $0.0e+00;
	v53 =	vmax.f32 v4, $0.0e+00;
	v4 =	vld [tilespmem:s6+$0x20]  }
0x76: {  	[tilespmem:v7+s29+$0x0] =	vst.idx.add.f32.msk $0xffff, v49  }
0x77: {  	v18 =	vmax.f32 v18, $0.0e+00;
	[tilespmem:v7+s30+$0x0] =	vst.idx.add.f32.msk $0xffff, v53  }
0x78: {  	[tilespmem:v8+s29+$0x0] =	vst.idx.add.f32.msk $0xffff, v18  }
0x79: {  	v20 =	vunpack.i.u.bf16.f32 v20;
	v51 =	vunpack.i.u.bf16.f32 v48;
	v14 =	vld.idx.msk [tilespmem:v14+s20+$0x0], $0xffff  }
0x7a: {  	v52 =	vunpack.i.u.bf16.f32 v25;
	v25 =	vunpack.i.l.bf16.f32 v25;
	v54 =	vmax.f32 v40, $0.0e+00;
	v16 =	vld.idx.msk [tilespmem:v16+s21+$0x0], $0xffff  }
0x7b: {  	v58 =	vunpack.i.u.bf16.f32 v33;
	v33 =	vunpack.i.l.bf16.f32 v33;
	v23 =	vunpack.i.l.bf16.f32 v48;
	[tilespmem:v8+s30+$0x0] =	vst.idx.add.f32.msk $0xffff, v54  }
0x7c: {  	v23 =	vadd.f32 v25, v23;
	v57 =	vunpack.i.u.bf16.f32 v31;
	v31 =	vunpack.i.l.bf16.f32 v31;
	v9 =	vld.idx.msk [tilespmem:v9+s20+$0x0], $0xffff  }
0x7d: {  	v20 =	vadd.f32 v20, v38;
	v55 =	vmax.f32 v50, $0.0e+00;
	v31 =	vadd.f32 v33, v31;
	v10 =	vld.idx.msk [tilespmem:v10+s21+$0x0], $0xffff  }
0x7e: {  	v61 =	vunpack.i.u.bf16.f32 v35;
	v62 =	vunpack.i.l.bf16.f32 v35;
	v56 =	vmax.f32 v23, $0.0e+00;
	[tilespmem:v5+s29+$0x0] =	vst.idx.add.f32.msk $0xffff, v55  }
0x7f: {  	v20 =	vmax.f32 v20, $0.0e+00;
	v21 =	vadd.f32 v52, v51;
	v31 =	vmax.f32 v31, $0.0e+00;
	[tilespmem:v1+s29+$0x0] =	vst.idx.add.f32.msk $0xffff, v56  }
0x80: {  	v63 =	vunpack.i.l.bf16.f32 v36;
	v23 =	vadd.f32 v58, v57;
	v33 =	vunpack.i.l.bf16.f32 v15;
	[tilespmem:v2+s29+$0x0] =	vst.idx.add.f32.msk $0xffff, v31  }
0x81: {  	v42 =	vunpack.i.u.bf16.f32 v36;
	v21 =	vmax.f32 v21, $0.0e+00;
	v18 =	vadd.f32 v33, v63;
	[tilespmem:v5+s30+$0x0] =	vst.idx.add.f32.msk $0xffff, v20  }
0x82: {  	v39 =	vunpack.i.u.bf16.f32 v27;
	v40 =	vunpack.i.u.bf16.f32 v29;
	v23 =	vmax.f32 v23, $0.0e+00;
	[tilespmem:v1+s30+$0x0] =	vst.idx.add.f32.msk $0xffff, v21  }
0x83: {  	v15 =	vunpack.i.u.bf16.f32 v15;
	v59 =	vunpack.i.u.bf16.f32 v34;
	v18 =	vmax.f32 v18, $0.0e+00;
	[tilespmem:v2+s30+$0x0] =	vst.idx.add.f32.msk $0xffff, v23  }
0x84: {  	v15 =	vadd.f32 v15, v42;
	v60 =	vunpack.i.l.bf16.f32 v34;
	v34 =	vadd.f32 v61, v59;
	[tilespmem:v4+s29+$0x0] =	vst.idx.add.f32.msk $0xffff, v18  }
0x85: {  	v37 =	vunpack.i.l.bf16.f32 v27;
	v38 =	vunpack.i.l.bf16.f32 v29;
	v41 =	vadd.f32 v40, v39;
	v11 =	vld.idx.msk [tilespmem:v11+s20+$0x0], $0xffff  }
0x86: {  	v15 =	vmax.f32 v15, $0.0e+00;
	v20 =	vadd.f32 v62, v60;
	v35 =	vmax.f32 v34, $0.0e+00;
	v13 =	vld.idx.msk [tilespmem:v13+s21+$0x0], $0xffff  }
0x87: {  	v18 =	vadd.f32 v38, v37;
	v43 =	vunpack.i.l.bf16.f32 v14;
	v17 =	vld.idx.msk [tilespmem:v17+s20+$0x0], $0xffff;
	v44 =	vunpack.i.l.bf16.f32 v16  }
0x88: {  	v14 =	vunpack.i.u.bf16.f32 v14;
	v16 =	vunpack.i.u.bf16.f32 v16;
	v19 =	vld.idx.msk [tilespmem:v19+s21+$0x0], $0xffff;
	v20 =	vmax.f32 v20, $0.0e+00  }
0x89: {  	v12 =	vld.idx.msk [tilespmem:v12+s20+$0x0], $0xffff;
	v21 =	vadd.f32 v44, v43;
	v14 =	vadd.f32 v16, v14;
	v18 =	vmax.f32 v18, $0.0e+00  }
0x8a: {  	v47 =	vld.idx.msk [tilespmem:v26+s21+$0x0], $0xffff;
	v45 =	vunpack.i.u.bf16.f32 v9;
	v9 =	vunpack.i.l.bf16.f32 v9;
	v46 =	vunpack.i.l.bf16.f32 v10  }
0x8b: {  	[tilespmem:v3+s29+$0x0] =	vst.idx.add.f32.msk $0xffff, v20;
	v20 =	vmax.f32 v41, $0.0e+00;
	v10 =	vunpack.i.u.bf16.f32 v10;
	v9 =	vadd.f32 v46, v9  }
0x8c: {  	[tilespmem:v4+s30+$0x0] =	vst.idx.add.f32.msk $0xffff, v15;
	v10 =	vadd.f32 v10, v45;
	v60 =	vmax.f32 v21, $0.0e+00;
	v48 =	vunpack.i.u.bf16.f32 v11  }
0x8d: {  	v52 =	vld.idx.msk [tilespmem:v30+s20+$0x0], $0xffff;
	v11 =	vunpack.i.l.bf16.f32 v11;
	v49 =	vunpack.i.l.bf16.f32 v13;
	v13 =	vunpack.i.u.bf16.f32 v13  }
0x8e: {  	v53 =	vld.idx.msk [tilespmem:v32+s21+$0x0], $0xffff;
	v15 =	vunpack.i.u.bf16.f32 v17;
	v17 =	vunpack.i.l.bf16.f32 v17;
	v51 =	vunpack.i.l.bf16.f32 v19  }
0x8f: {  	[tilespmem:v3+s30+$0x0] =	vst.idx.add.f32.msk $0xffff, v35;
	v19 =	vunpack.i.u.bf16.f32 v19;
	v54 =	vunpack.i.u.bf16.f32 v12;
	v12 =	vunpack.i.l.bf16.f32 v12  }
0x90: {  	v22 =	vld.idx.msk [tilespmem:v22+s20+$0x0], $0xffff;
	v55 =	vunpack.i.l.bf16.f32 v47;
	v16 =	vunpack.i.u.bf16.f32 v47;
	v11 =	vadd.f32 v49, v11  }
0x91: {  	v50 =	vld.idx.msk [tilespmem:v28+s21+$0x0], $0xffff;
	v9 =	vmax.f32 v9, $0.0e+00;
	v13 =	vadd.f32 v13, v48;
	v17 =	vadd.f32 v51, v17  }
0x92: {  	[tilespmem:v6+s31+$0x0] =	vst.idx.add.f32.msk $0xffff, v18;
	v62 =	vmax.f32 v10, $0.0e+00;
	v15 =	vadd.f32 v19, v15;
	v56 =	vadd.f32 v55, v12  }
0x93: {  	[tilespmem:v6+s0+$0x0] =	vst.idx.add.f32.msk $0xffff, v20;
	v16 =	vadd.f32 v16, v54;
	v58 =	vunpack.i.u.bf16.f32 v52;
	v6 =	vunpack.i.u.bf16.f32 v53  }
0x94: {  	v59 =	vunpack.i.l.bf16.f32 v52;
	v6 =	vadd.f32 v6, v58;
	v63 =	vmax.f32 v11, $0.0e+00  }
0x95: {  	v11 =	vmax.f32 v56, $0.0e+00;
	v10 =	vmax.f32 v16, $0.0e+00;
	v12 =	vunpack.i.u.bf16.f32 v22  }
0x96: {  	[tilespmem:v7+s31+$0x0] =	vst.idx.add.f32.msk $0xffff, v60;
	v22 =	vunpack.i.l.bf16.f32 v22;
	v57 =	vunpack.i.l.bf16.f32 v50;
	v23 =	vunpack.i.u.bf16.f32 v50  }
0x97: {  	[tilespmem:v8+s31+$0x0] =	vst.idx.add.f32.msk $0xffff, v9;
	v22 =	vadd.f32 v57, v22;
	v23 =	vadd.f32 v23, v12;
	v12 =	vunpack.i.l.bf16.f32 v53  }
0x98: {  	[tilespmem:v8+s0+$0x0] =	vst.idx.add.f32.msk $0xffff, v62;
	v6 =	vmax.f32 v6, $0.0e+00;
	v61 =	vadd.f32 v12, v59;
	v12 =	vmax.f32 v14, $0.0e+00  }
0x99: {  	v14 =	vmax.f32 v13, $0.0e+00;
	v13 =	vmax.f32 v17, $0.0e+00;
	[tilespmem:v7+s0+$0x0] =	vst.idx.add.f32.msk $0xffff, v12;
	v12 =	vmax.f32 v15, $0.0e+00  }
0x9a: {  	s7 =	simm.s32 $0x0;
	s8 =	simm.s32 $0xEEC0;
	[tilespmem:v5+s31+$0x0] =	vst.idx.add.f32.msk $0xffff, v63;
	v9 =	vmax.f32 v22, $0.0e+00;
	v8 =	vmax.f32 v23, $0.0e+00;
	v7 =	vmax.f32 v61, $0.0e+00  }
.LBB2_5:
0x9b: {  	v15 =	vld [tilespmem:s8+$0x30]  }
0x9c: {  	v16 =	vld [tilespmem:s8+$0xFFFFFFD0]  }
0x9d: {  	v17 =	vld [tilespmem:s8+$0xFFFFFFE0]  }
0x9e: {  	v19 =	vld [tilespmem:s8+$0xFFFFFFF0]  }
0x9f: {  	s7 =	sadd.s32 $0x8, s7;
	v25 =	vld [tilespmem:s8+$0x0]  }
0xa0: {  	p0 =	slt.u32 s7, $0x188;
	v26 =	vld [tilespmem:s8+$0x10];
	v29 =	vand.u32 $0x3FFF, v15  }
0xa1: {  	v30 =	vshra.s32 v15, $0xE;
	v20 =	vshra.s32 v16, $0xE;
	v23 =	vand.u32 $0x3FFF, v16;
	v27 =	vld [tilespmem:s8+$0x20]  }
0xa2: {  	v28 =	vld [tilespmem:s8+$0xFFFFFFC0];
	v21 =	vshra.s32 v17, $0xE;
	v24 =	vand.u32 $0x3FFF, v17  }
0xa3: {  	v18 =	vshra.s32 v19, $0xE;
	v22 =	vand.u32 $0x3FFF, v19;
	[tilespmem:v5+s0+$0x0] =	vst.idx.add.f32.msk $0xffff, v14  }
0xa4: {  	v16 =	vshra.s32 v25, $0xE;
	v19 =	vand.u32 $0x3FFF, v25;
	[tilespmem:v1+s31+$0x0] =	vst.idx.add.f32.msk $0xffff, v13  }
0xa5: {  	v14 =	vshra.s32 v26, $0xE;
	v17 =	vand.u32 $0x3FFF, v26;
	v5 =	vld.idx.msk [tilespmem:v29+s2+$0x0], $0xffff  }
0xa6: {  	v13 =	vshra.s32 v27, $0xE;
	v15 =	vand.u32 $0x3FFF, v27;
	v25 =	vld.idx.msk [tilespmem:v30+s19+$0x0], $0xffff  }
0xa7: {  	s6 =	sadd.s32 $0x80, s6;
	v27 =	vshra.s32 v28, $0xE;
	v28 =	vand.u32 $0x3FFF, v28;
	v26 =	vld.idx.msk [tilespmem:v23+s2+$0x0], $0xffff  }
0xa8: {  	v31 =	vld [tilespmem:s6+$0x30]  }
0xa9: {  	v32 =	vld.idx.msk [tilespmem:v20+s19+$0x0], $0xffff  }
0xaa: {  	v33 =	vld.idx.msk [tilespmem:v24+s2+$0x0], $0xffff  }
0xab: {  	v34 =	vld.idx.msk [tilespmem:v21+s19+$0x0], $0xffff  }
0xac: {  	v36 =	vunpack.i.l.bf16.f32 v5;
	v37 =	vunpack.i.l.bf16.f32 v25;
	v35 =	vld.idx.msk [tilespmem:v28+s2+$0x0], $0xffff  }
0xad: {  	v5 =	vunpack.i.u.bf16.f32 v5;
	v25 =	vunpack.i.u.bf16.f32 v25;
	v36 =	vadd.f32 v37, v36;
	v38 =	vld.idx.msk [tilespmem:v27+s19+$0x0], $0xffff  }
0xae: {  	v37 =	vunpack.i.u.bf16.f32 v26;
	v26 =	vunpack.i.l.bf16.f32 v26;
	v5 =	vadd.f32 v25, v5;
	v39 =	vld.idx.msk [tilespmem:v22+s2+$0x0], $0xffff  }
0xaf: {  	v25 =	vunpack.i.u.bf16.f32 v32;
	v32 =	vunpack.i.l.bf16.f32 v32;
	v36 =	vmax.f32 v36, $0.0e+00;
	v40 =	vld.idx.msk [tilespmem:v18+s19+$0x0], $0xffff  }
0xb0: {  	v5 =	vmax.f32 v5, $0.0e+00;
	v41 =	vunpack.i.u.bf16.f32 v33;
	v33 =	vunpack.i.l.bf16.f32 v33;
	[tilespmem:v31+s29+$0x0] =	vst.idx.add.f32.msk $0xffff, v36  }
0xb1: {  	v26 =	vadd.f32 v32, v26;
	v32 =	vunpack.i.u.bf16.f32 v34;
	v34 =	vunpack.i.l.bf16.f32 v34;
	[tilespmem:v31+s30+$0x0] =	vst.idx.add.f32.msk $0xffff, v5  }
0xb2: {  	v25 =	vadd.f32 v25, v37;
	v5 =	vunpack.i.u.bf16.f32 v35;
	v35 =	vunpack.i.l.bf16.f32 v35;
	v29 =	vld.idx.msk [tilespmem:v29+s20+$0x0], $0xffff  }
0xb3: {  	v33 =	vadd.f32 v34, v33;
	v36 =	vunpack.i.u.bf16.f32 v38;
	v37 =	vunpack.i.l.bf16.f32 v38;
	v30 =	vld.idx.msk [tilespmem:v30+s21+$0x0], $0xffff  }
0xb4: {  	v34 =	vadd.f32 v37, v35;
	v35 =	vunpack.i.u.bf16.f32 v39;
	v37 =	vunpack.i.l.bf16.f32 v39;
	v38 =	vld.idx.msk [tilespmem:v19+s2+$0x0], $0xffff  }
0xb5: {  	v5 =	vadd.f32 v36, v5;
	v36 =	vunpack.i.u.bf16.f32 v40;
	v39 =	vunpack.i.l.bf16.f32 v40;
	v40 =	vld.idx.msk [tilespmem:v16+s19+$0x0], $0xffff  }
0xb6: {  	v32 =	vadd.f32 v32, v41;
	v34 =	vmax.f32 v34, $0.0e+00;
	v37 =	vadd.f32 v39, v37;
	v39 =	vld.idx.msk [tilespmem:v17+s2+$0x0], $0xffff  }
0xb7: {  	v42 =	vmax.f32 v26, $0.0e+00;
	v41 =	vmax.f32 v5, $0.0e+00;
	v35 =	vadd.f32 v36, v35;
	v36 =	vld.idx.msk [tilespmem:v14+s19+$0x0], $0xffff  }
0xb8: {  	v43 =	vmax.f32 v25, $0.0e+00;
	v33 =	vmax.f32 v33, $0.0e+00;
	v32 =	vmax.f32 v32, $0.0e+00;
	v44 =	vld.idx.msk [tilespmem:v15+s2+$0x0], $0xffff  }
0xb9: {  	v37 =	vmax.f32 v37, $0.0e+00;
	v5 =	vunpack.i.l.bf16.f32 v29;
	v25 =	vunpack.i.l.bf16.f32 v30;
	v45 =	vld.idx.msk [tilespmem:v13+s19+$0x0], $0xffff  }
0xba: {  	v29 =	vunpack.i.u.bf16.f32 v29;
	v30 =	vunpack.i.u.bf16.f32 v30;
	v46 =	vadd.f32 v25, v5;
	v26 =	vld [tilespmem:s6+$0xFFFFFFC0]  }
0xbb: {  	v47 =	vunpack.i.u.bf16.f32 v38;
	v38 =	vunpack.i.l.bf16.f32 v38;
	v29 =	vadd.f32 v30, v29;
	v25 =	vld [tilespmem:s6+$0xFFFFFFD0]  }
0xbc: {  	v30 =	vunpack.i.u.bf16.f32 v40;
	v40 =	vunpack.i.l.bf16.f32 v40;
	v46 =	vmax.f32 v46, $0.0e+00;
	v5 =	vld [tilespmem:s6+$0xFFFFFFE0]  }
0xbd: {  	v48 =	vunpack.i.u.bf16.f32 v39;
	v39 =	vunpack.i.l.bf16.f32 v39;
	v29 =	vmax.f32 v29, $0.0e+00;
	[tilespmem:v31+s31+$0x0] =	vst.idx.add.f32.msk $0xffff, v46  }
0xbe: {  	v46 =	vunpack.i.u.bf16.f32 v36;
	v36 =	vunpack.i.l.bf16.f32 v36;
	v49 =	vunpack.i.u.bf16.f32 v44;
	[tilespmem:v31+s0+$0x0] =	vst.idx.add.f32.msk $0xffff, v29  }
0xbf: {  	v44 =	vunpack.i.l.bf16.f32 v44;
	v50 =	vunpack.i.u.bf16.f32 v45;
	v45 =	vunpack.i.l.bf16.f32 v45;
	v31 =	vld [tilespmem:s6+$0xFFFFFFF0]  }
0xc0: {  	v35 =	vmax.f32 v35, $0.0e+00;
	v30 =	vadd.f32 v30, v47;
	v29 =	vadd.f32 v40, v38;
	v51 =	vld [tilespmem:s6+$0x0]  }
0xc1: {  	v36 =	vadd.f32 v36, v39;
	v39 =	vadd.f32 v46, v48;
	v38 =	vld [tilespmem:s6+$0x10]  }
0xc2: {  	v44 =	vadd.f32 v45, v44;
	v45 =	vadd.f32 v50, v49;
	v40 =	vmax.f32 v29, $0.0e+00;
	v29 =	vld [tilespmem:s6+$0x20]  }
0xc3: {  	v30 =	vmax.f32 v30, $0.0e+00;
	[tilespmem:v26+s29+$0x0] =	vst.idx.add.f32.msk $0xffff, v34;
	v34 =	vmax.f32 v36, $0.0e+00;
	v36 =	vmax.f32 v39, $0.0e+00  }
0xc4: {  	v39 =	vmax.f32 v44, $0.0e+00;
	[tilespmem:v26+s30+$0x0] =	vst.idx.add.f32.msk $0xffff, v41;
	v41 =	vmax.f32 v45, $0.0e+00  }
0xc5: {  	[tilespmem:v25+s29+$0x0] =	vst.idx.add.f32.msk $0xffff, v42  }
0xc6: {  	[tilespmem:v25+s30+$0x0] =	vst.idx.add.f32.msk $0xffff, v43  }
0xc7: {  	[tilespmem:v5+s29+$0x0] =	vst.idx.add.f32.msk $0xffff, v33  }
0xc8: {  	[tilespmem:v5+s30+$0x0] =	vst.idx.add.f32.msk $0xffff, v32  }
0xc9: {  	[tilespmem:v31+s29+$0x0] =	vst.idx.add.f32.msk $0xffff, v37  }
0xca: {  	[tilespmem:v31+s30+$0x0] =	vst.idx.add.f32.msk $0xffff, v35  }
0xcb: {  	[tilespmem:v51+s29+$0x0] =	vst.idx.add.f32.msk $0xffff, v40  }
0xcc: {  	[tilespmem:v51+s30+$0x0] =	vst.idx.add.f32.msk $0xffff, v30  }
0xcd: {  	[tilespmem:v38+s29+$0x0] =	vst.idx.add.f32.msk $0xffff, v34  }
0xce: {  	[tilespmem:v38+s30+$0x0] =	vst.idx.add.f32.msk $0xffff, v36  }
0xcf: {  	[tilespmem:v29+s29+$0x0] =	vst.idx.add.f32.msk $0xffff, v39  }
0xd0: {  	[tilespmem:v29+s30+$0x0] =	vst.idx.add.f32.msk $0xffff, v41  }
0xd1: {  	v28 =	vld.idx.msk [tilespmem:v28+s20+$0x0], $0xffff  }
0xd2: {  	v27 =	vld.idx.msk [tilespmem:v27+s21+$0x0], $0xffff  }
0xd3: {  	v23 =	vld.idx.msk [tilespmem:v23+s20+$0x0], $0xffff  }
0xd4: {  	v20 =	vld.idx.msk [tilespmem:v20+s21+$0x0], $0xffff  }
0xd5: {  	v24 =	vld.idx.msk [tilespmem:v24+s20+$0x0], $0xffff  }
0xd6: {  	v21 =	vld.idx.msk [tilespmem:v21+s21+$0x0], $0xffff  }
0xd7: {  	v30 =	vunpack.i.u.bf16.f32 v28;
	v28 =	vunpack.i.l.bf16.f32 v28;
	v22 =	vld.idx.msk [tilespmem:v22+s20+$0x0], $0xffff  }
0xd8: {  	v32 =	vunpack.i.u.bf16.f32 v27;
	v27 =	vunpack.i.l.bf16.f32 v27;
	v18 =	vld.idx.msk [tilespmem:v18+s21+$0x0], $0xffff  }
0xd9: {  	v27 =	vadd.f32 v27, v28;
	v28 =	vunpack.i.u.bf16.f32 v23;
	v23 =	vunpack.i.l.bf16.f32 v23;
	v19 =	vld.idx.msk [tilespmem:v19+s20+$0x0], $0xffff  }
0xda: {  	v30 =	vadd.f32 v32, v30;
	v32 =	vunpack.i.u.bf16.f32 v20;
	v20 =	vunpack.i.l.bf16.f32 v20;
	v16 =	vld.idx.msk [tilespmem:v16+s21+$0x0], $0xffff  }
0xdb: {  	v20 =	vadd.f32 v20, v23;
	v23 =	vunpack.i.u.bf16.f32 v24;
	v24 =	vunpack.i.l.bf16.f32 v24;
	v17 =	vld.idx.msk [tilespmem:v17+s20+$0x0], $0xffff  }
0xdc: {  	v28 =	vadd.f32 v32, v28;
	v32 =	vunpack.i.u.bf16.f32 v21;
	v21 =	vunpack.i.l.bf16.f32 v21;
	v14 =	vld.idx.msk [tilespmem:v14+s21+$0x0], $0xffff  }
0xdd: {  	v21 =	vadd.f32 v21, v24;
	v24 =	vunpack.i.u.bf16.f32 v22;
	v22 =	vunpack.i.l.bf16.f32 v22;
	v15 =	vld.idx.msk [tilespmem:v15+s20+$0x0], $0xffff  }
0xde: {  	v23 =	vadd.f32 v32, v23;
	v32 =	vunpack.i.u.bf16.f32 v18;
	v18 =	vunpack.i.l.bf16.f32 v18;
	v13 =	vld.idx.msk [tilespmem:v13+s21+$0x0], $0xffff  }
0xdf: {  	v18 =	vadd.f32 v18, v22;
	v22 =	vunpack.i.u.bf16.f32 v19;
	v19 =	vunpack.i.l.bf16.f32 v19;
	[tilespmem:v1+s0+$0x0] =	vst.idx.add.f32.msk $0xffff, v12;
	v1 =	vmovc v31  }
0xe0: {  	v12 =	vadd.f32 v32, v24;
	v24 =	vunpack.i.u.bf16.f32 v16;
	v16 =	vunpack.i.l.bf16.f32 v16;
	[tilespmem:v2+s31+$0x0] =	vst.idx.add.f32.msk $0xffff, v11  }
0xe1: {  	v11 =	vadd.f32 v16, v19;
	v16 =	vunpack.i.u.bf16.f32 v17;
	v17 =	vunpack.i.l.bf16.f32 v17;
	[tilespmem:v2+s0+$0x0] =	vst.idx.add.f32.msk $0xffff, v10;
	v2 =	vmovc v51  }
0xe2: {  	v10 =	vadd.f32 v24, v22;
	v19 =	vunpack.i.u.bf16.f32 v14;
	v14 =	vunpack.i.l.bf16.f32 v14;
	[tilespmem:v3+s31+$0x0] =	vst.idx.add.f32.msk $0xffff, v9  }
0xe3: {  	v9 =	vadd.f32 v14, v17;
	v14 =	vunpack.i.u.bf16.f32 v15;
	v15 =	vunpack.i.l.bf16.f32 v15;
	[tilespmem:v3+s0+$0x0] =	vst.idx.add.f32.msk $0xffff, v8;
	v3 =	vmovc v38  }
0xe4: {  	v8 =	vadd.f32 v19, v16;
	v16 =	vunpack.i.u.bf16.f32 v13;
	v13 =	vunpack.i.l.bf16.f32 v13;
	[tilespmem:v4+s31+$0x0] =	vst.idx.add.f32.msk $0xffff, v7  }
0xe5: {  	v7 =	vmax.f32 v27, $0.0e+00;
	v15 =	vadd.f32 v13, v15;
	v16 =	vadd.f32 v16, v14;
	[tilespmem:v4+s0+$0x0] =	vst.idx.add.f32.msk $0xffff, v6  }
.Ltmp3:
0xe6: {  	v17 =	vmax.f32 v28, $0.0e+00;
	v6 =	vmax.f32 v30, $0.0e+00;
	v4 =	vmovc v29;
	[tilespmem:v26+s31+$0x0] =	vst.idx.add.f32.msk $0xffff, v7;
	v7 =	vmax.f32 v20, $0.0e+00;
	(pc) =	sbr.rel @p0 .LBB2_5-.Ltmp3, $4  }
0xe7: {  	v14 =	vmax.f32 v23, $0.0e+00;
	v13 =	vmax.f32 v18, $0.0e+00;
	[tilespmem:v26+s0+$0x0] =	vst.idx.add.f32.msk $0xffff, v6;
	v6 =	vmax.f32 v21, $0.0e+00  }
0xe8: {  	v12 =	vmax.f32 v12, $0.0e+00;
	v11 =	vmax.f32 v11, $0.0e+00;
	v10 =	vmax.f32 v10, $0.0e+00;
	[tilespmem:v25+s31+$0x0] =	vst.idx.add.f32.msk $0xffff, v7  }
0xe9: {  	v9 =	vmax.f32 v9, $0.0e+00;
	v8 =	vmax.f32 v8, $0.0e+00;
	v7 =	vmax.f32 v15, $0.0e+00;
	[tilespmem:v25+s0+$0x0] =	vst.idx.add.f32.msk $0xffff, v17  }
0xea: {  	s8 =	sadd.s32 $0x80, s8;
	[tilespmem:v5+s31+$0x0] =	vst.idx.add.f32.msk $0xffff, v6;
	v6 =	vmax.f32 v16, $0.0e+00  }
0xeb: {  	_ =	sdelay $0x3  }
0xec: {  	[tilespmem:v5+s0+$0x0] =	vst.idx.add.f32.msk $0xffff, v14  }
0xed: {  	[tilespmem:v1+s31+$0x0] =	vst.idx.add.f32.msk $0xffff, v13  }
0xee: {  	[tilespmem:v2+s31+$0x0] =	vst.idx.add.f32.msk $0xffff, v11  }
0xef: {  	p0 =	seq.s32 s5, $0x18;
	[tilespmem:v3+s31+$0x0] =	vst.idx.add.f32.msk $0xffff, v9  }
0xf0: {  	[tilespmem:v4+s31+$0x0] =	vst.idx.add.f32.msk $0xffff, v7;
	s6 =	smul.u32 @!p0 $0x3200, s5  }
0xf1: {  	[tilespmem:v1+s0+$0x0] =	vst.idx.add.f32.msk $0xffff, v12  }
0xf2: {  	[tilespmem:v2+s0+$0x0] =	vst.idx.add.f32.msk $0xffff, v10;
	s6 =	sshrl.u32 @!p0 s6, $0x3  }
0xf3: {  	[tilespmem:v3+s0+$0x0] =	vst.idx.add.f32.msk $0xffff, v8;
	s6 =	sadd.s32 @!p0 $0x640, s6  }
0xf4: {  	[tilespmem:v4+s0+$0x0] =	vst.idx.add.f32.msk $0xffff, v6;
	s8 =	simm.s32 @!p0 $0x0;
	s9 =	simm.s32 @!p0 $0xEE00;
	s7 =	sadd.s32 @!p0 s3, s6  }
0xf5: {  	[tilespmem:s9], [sflag:$0x1] =	stream.linear.gather @!p0 [hbm4b:s7+s8], $0x1900, $0x38;
	[tilespmem:$0x15200] =	vst v63  }
0xf6: {  	s6 =	sadd.s32 @!p0 s4, s6;
	s7 =	simm.s32 @!p0 $0x10700  }
0xf7: {  	[tilespmem:s7], [sflag:$0x2] =	stream.linear.gather @!p0 [hbm4b:s6+s8], $0x1900, $0x38;
	[tilespmem:$0x15200] =	vst v63  }
0xf8: {  	_ =	swait.ge [sflag:s1], $0x1900  }
0xf9: {  	[sflag:s1] =	ssyncset.done $0x0  }
0xfa: {  	[sflag:s1] =	ssyncadd.s32 $0xFFFFE700  }
0xfb: {  	_ =	swait.ge [sflag:s22], $0x1900  }
0xfc: {  	[sflag:s22] =	ssyncset.done $0x0  }
0xfd: {  	s9 =	simm.s32 $0x12040;
	[sflag:s22] =	ssyncadd.s32 $0xFFFFE700  }
0xfe: {  	v1 =	vld [tilespmem:s9+$0x30];
	_ =	sdelay $0x1  }
0xff: {  	v2 =	vld [tilespmem:s9+$0xFFFFFFD0]  }
0x100: {  	v3 =	vld [tilespmem:s9+$0xFFFFFFE0]  }
0x101: {  	v6 =	vld [tilespmem:s9+$0xFFFFFFC0]  }
0x102: {  	v4 =	vld [tilespmem:s9+$0xFFFFFFF0];
	v5 =	vand.u32 $0x3FFF, v1  }
0x103: {  	v7 =	vld [tilespmem:s9+$0x0];
	v1 =	vshra.s32 v1, $0xE  }
0x104: {  	v8 =	vld [tilespmem:s9+$0x10];
	v9 =	vand.u32 $0x3FFF, v2  }
0x105: {  	s6 =	simm.s32 $0x13940;
	v10 =	vshra.s32 v2, $0xE;
	v2 =	vld [tilespmem:s9+$0x20]  }
0x106: {  	v11 =	vand.u32 $0x3FFF, v3;
	v14 =	vand.u32 $0x3FFF, v6;
	v16 =	vshra.s32 v6, $0xE;
	v6 =	vld [tilespmem:s6+$0x30]  }
0x107: {  	v13 =	vshra.s32 v3, $0xE;
	v12 =	vld.idx.msk [tilespmem:v5+s2+$0x0], $0xffff  }
0x108: {  	v3 =	vld.idx.msk [tilespmem:v1+s19+$0x0], $0xffff  }
0x109: {  	v15 =	vld.idx.msk [tilespmem:v9+s2+$0x0], $0xffff  }
0x10a: {  	v17 =	vand.u32 $0x3FFF, v4;
	v18 =	vld.idx.msk [tilespmem:v10+s19+$0x0], $0xffff  }
0x10b: {  	v19 =	vshra.s32 v4, $0xE;
	v4 =	vld.idx.msk [tilespmem:v11+s2+$0x0], $0xffff  }
0x10c: {  	v26 =	vshra.s32 v7, $0xE;
	v20 =	vld.idx.msk [tilespmem:v13+s19+$0x0], $0xffff  }
0x10d: {  	v28 =	vshra.s32 v8, $0xE;
	v21 =	vld.idx.msk [tilespmem:v14+s2+$0x0], $0xffff  }
0x10e: {  	v24 =	vld.idx.msk [tilespmem:v16+s19+$0x0], $0xffff;
	v30 =	vand.u32 $0x3FFF, v2  }
0x10f: {  	v48 =	vld.idx.msk [tilespmem:v17+s2+$0x0], $0xffff  }
0x110: {  	v25 =	vld.idx.msk [tilespmem:v19+s19+$0x0], $0xffff  }
0x111: {  	v33 =	vld.idx.msk [tilespmem:v26+s19+$0x0], $0xffff;
	v22 =	vunpack.i.l.bf16.f32 v12;
	v23 =	vunpack.i.l.bf16.f32 v3  }
0x112: {  	v35 =	vld.idx.msk [tilespmem:v28+s19+$0x0], $0xffff;
	v22 =	vadd.f32 v23, v22  }
0x113: {  	v12 =	vunpack.i.u.bf16.f32 v12;
	v3 =	vunpack.i.u.bf16.f32 v3;
	v36 =	vld.idx.msk [tilespmem:v30+s2+$0x0], $0xffff  }
0x114: {  	v3 =	vadd.f32 v3, v12;
	v12 =	vand.u32 $0x3FFF, v7;
	v7 =	vld [tilespmem:s6+$0xFFFFFFC0];
	v22 =	vmax.f32 v22, $0.0e+00  }
0x115: {  	[tilespmem:v6+s29+$0x0] =	vst.idx.add.f32.msk $0xffff, v22  }
0x116: {  	v32 =	vshra.s32 v2, $0xE;
	v3 =	vmax.f32 v3, $0.0e+00;
	v22 =	vand.u32 $0x3FFF, v8;
	v8 =	vld [tilespmem:s6+$0xFFFFFFD0]  }
0x117: {  	[tilespmem:v6+s30+$0x0] =	vst.idx.add.f32.msk $0xffff, v3  }
0x118: {  	v27 =	vld.idx.msk [tilespmem:v5+s20+$0x0], $0xffff  }
0x119: {  	v29 =	vld.idx.msk [tilespmem:v1+s21+$0x0], $0xffff  }
0x11a: {  	v2 =	vunpack.i.u.bf16.f32 v15;
	v37 =	vunpack.i.l.bf16.f32 v24;
	v31 =	vld.idx.msk [tilespmem:v12+s2+$0x0], $0xffff  }
0x11b: {  	v38 =	vunpack.i.u.bf16.f32 v4;
	v3 =	vunpack.i.u.bf16.f32 v18;
	v1 =	vunpack.i.l.bf16.f32 v15;
	v15 =	vld.idx.msk [tilespmem:v32+s19+$0x0], $0xffff  }
0x11c: {  	v4 =	vunpack.i.l.bf16.f32 v4;
	v5 =	vunpack.i.l.bf16.f32 v21;
	v40 =	vadd.f32 v3, v2;
	v2 =	vld [tilespmem:s6+$0x0]  }
0x11d: {  	v39 =	vunpack.i.l.bf16.f32 v20;
	v18 =	vunpack.i.l.bf16.f32 v18;
	v37 =	vadd.f32 v37, v5;
	v5 =	vld [tilespmem:s6+$0xFFFFFFE0]  }
0x11e: {  	v21 =	vunpack.i.u.bf16.f32 v21;
	v3 =	vunpack.i.u.bf16.f32 v24;
	v18 =	vadd.f32 v18, v1;
	v1 =	vld [tilespmem:s6+$0xFFFFFFF0]  }
0x11f: {  	v50 =	vadd.f32 v39, v4;
	v4 =	vadd.f32 v3, v21;
	v3 =	vld [tilespmem:s6+$0x10]  }
0x120: {  	v34 =	vld.idx.msk [tilespmem:v22+s2+$0x0], $0xffff  }
0x121: {  	v49 =	vmax.f32 v37, $0.0e+00;
	v53 =	vmax.f32 v4, $0.0e+00;
	v4 =	vld [tilespmem:s6+$0x20]  }
0x122: {  	[tilespmem:v7+s29+$0x0] =	vst.idx.add.f32.msk $0xffff, v49  }
0x123: {  	v18 =	vmax.f32 v18, $0.0e+00;
	[tilespmem:v7+s30+$0x0] =	vst.idx.add.f32.msk $0xffff, v53  }
0x124: {  	[tilespmem:v8+s29+$0x0] =	vst.idx.add.f32.msk $0xffff, v18  }
0x125: {  	v20 =	vunpack.i.u.bf16.f32 v20;
	v51 =	vunpack.i.u.bf16.f32 v48;
	v14 =	vld.idx.msk [tilespmem:v14+s20+$0x0], $0xffff  }
0x126: {  	v52 =	vunpack.i.u.bf16.f32 v25;
	v25 =	vunpack.i.l.bf16.f32 v25;
	v54 =	vmax.f32 v40, $0.0e+00;
	v16 =	vld.idx.msk [tilespmem:v16+s21+$0x0], $0xffff  }
0x127: {  	v58 =	vunpack.i.u.bf16.f32 v33;
	v33 =	vunpack.i.l.bf16.f32 v33;
	v23 =	vunpack.i.l.bf16.f32 v48;
	[tilespmem:v8+s30+$0x0] =	vst.idx.add.f32.msk $0xffff, v54  }
0x128: {  	v23 =	vadd.f32 v25, v23;
	v57 =	vunpack.i.u.bf16.f32 v31;
	v31 =	vunpack.i.l.bf16.f32 v31;
	v9 =	vld.idx.msk [tilespmem:v9+s20+$0x0], $0xffff  }
0x129: {  	v20 =	vadd.f32 v20, v38;
	v55 =	vmax.f32 v50, $0.0e+00;
	v31 =	vadd.f32 v33, v31;
	v10 =	vld.idx.msk [tilespmem:v10+s21+$0x0], $0xffff  }
0x12a: {  	v61 =	vunpack.i.u.bf16.f32 v35;
	v62 =	vunpack.i.l.bf16.f32 v35;
	v56 =	vmax.f32 v23, $0.0e+00;
	[tilespmem:v5+s29+$0x0] =	vst.idx.add.f32.msk $0xffff, v55  }
0x12b: {  	v20 =	vmax.f32 v20, $0.0e+00;
	v21 =	vadd.f32 v52, v51;
	v31 =	vmax.f32 v31, $0.0e+00;
	[tilespmem:v1+s29+$0x0] =	vst.idx.add.f32.msk $0xffff, v56  }
0x12c: {  	v63 =	vunpack.i.l.bf16.f32 v36;
	v23 =	vadd.f32 v58, v57;
	v33 =	vunpack.i.l.bf16.f32 v15;
	[tilespmem:v2+s29+$0x0] =	vst.idx.add.f32.msk $0xffff, v31  }
0x12d: {  	v42 =	vunpack.i.u.bf16.f32 v36;
	v21 =	vmax.f32 v21, $0.0e+00;
	v18 =	vadd.f32 v33, v63;
	[tilespmem:v5+s30+$0x0] =	vst.idx.add.f32.msk $0xffff, v20  }
0x12e: {  	v39 =	vunpack.i.u.bf16.f32 v27;
	v40 =	vunpack.i.u.bf16.f32 v29;
	v23 =	vmax.f32 v23, $0.0e+00;
	[tilespmem:v1+s30+$0x0] =	vst.idx.add.f32.msk $0xffff, v21  }
0x12f: {  	v15 =	vunpack.i.u.bf16.f32 v15;
	v59 =	vunpack.i.u.bf16.f32 v34;
	v18 =	vmax.f32 v18, $0.0e+00;
	[tilespmem:v2+s30+$0x0] =	vst.idx.add.f32.msk $0xffff, v23  }
0x130: {  	v15 =	vadd.f32 v15, v42;
	v60 =	vunpack.i.l.bf16.f32 v34;
	v34 =	vadd.f32 v61, v59;
	[tilespmem:v4+s29+$0x0] =	vst.idx.add.f32.msk $0xffff, v18  }
0x131: {  	v37 =	vunpack.i.l.bf16.f32 v27;
	v38 =	vunpack.i.l.bf16.f32 v29;
	v41 =	vadd.f32 v40, v39;
	v11 =	vld.idx.msk [tilespmem:v11+s20+$0x0], $0xffff  }
0x132: {  	v15 =	vmax.f32 v15, $0.0e+00;
	v20 =	vadd.f32 v62, v60;
	v35 =	vmax.f32 v34, $0.0e+00;
	v13 =	vld.idx.msk [tilespmem:v13+s21+$0x0], $0xffff  }
0x133: {  	v18 =	vadd.f32 v38, v37;
	v43 =	vunpack.i.l.bf16.f32 v14;
	v17 =	vld.idx.msk [tilespmem:v17+s20+$0x0], $0xffff;
	v44 =	vunpack.i.l.bf16.f32 v16  }
0x134: {  	v14 =	vunpack.i.u.bf16.f32 v14;
	v16 =	vunpack.i.u.bf16.f32 v16;
	v19 =	vld.idx.msk [tilespmem:v19+s21+$0x0], $0xffff;
	v20 =	vmax.f32 v20, $0.0e+00  }
0x135: {  	v12 =	vld.idx.msk [tilespmem:v12+s20+$0x0], $0xffff;
	v21 =	vadd.f32 v44, v43;
	v14 =	vadd.f32 v16, v14;
	v18 =	vmax.f32 v18, $0.0e+00  }
0x136: {  	v47 =	vld.idx.msk [tilespmem:v26+s21+$0x0], $0xffff;
	v45 =	vunpack.i.u.bf16.f32 v9;
	v9 =	vunpack.i.l.bf16.f32 v9;
	v46 =	vunpack.i.l.bf16.f32 v10  }
0x137: {  	[tilespmem:v3+s29+$0x0] =	vst.idx.add.f32.msk $0xffff, v20;
	v20 =	vmax.f32 v41, $0.0e+00;
	v10 =	vunpack.i.u.bf16.f32 v10;
	v9 =	vadd.f32 v46, v9  }
0x138: {  	[tilespmem:v4+s30+$0x0] =	vst.idx.add.f32.msk $0xffff, v15;
	v10 =	vadd.f32 v10, v45;
	v60 =	vmax.f32 v21, $0.0e+00;
	v48 =	vunpack.i.u.bf16.f32 v11  }
0x139: {  	v52 =	vld.idx.msk [tilespmem:v30+s20+$0x0], $0xffff;
	v11 =	vunpack.i.l.bf16.f32 v11;
	v49 =	vunpack.i.l.bf16.f32 v13;
	v13 =	vunpack.i.u.bf16.f32 v13  }
0x13a: {  	v53 =	vld.idx.msk [tilespmem:v32+s21+$0x0], $0xffff;
	v15 =	vunpack.i.u.bf16.f32 v17;
	v17 =	vunpack.i.l.bf16.f32 v17;
	v51 =	vunpack.i.l.bf16.f32 v19  }
0x13b: {  	[tilespmem:v3+s30+$0x0] =	vst.idx.add.f32.msk $0xffff, v35;
	v19 =	vunpack.i.u.bf16.f32 v19;
	v54 =	vunpack.i.u.bf16.f32 v12;
	v12 =	vunpack.i.l.bf16.f32 v12  }
0x13c: {  	v22 =	vld.idx.msk [tilespmem:v22+s20+$0x0], $0xffff;
	v55 =	vunpack.i.l.bf16.f32 v47;
	v16 =	vunpack.i.u.bf16.f32 v47;
	v11 =	vadd.f32 v49, v11  }
0x13d: {  	v50 =	vld.idx.msk [tilespmem:v28+s21+$0x0], $0xffff;
	v9 =	vmax.f32 v9, $0.0e+00;
	v13 =	vadd.f32 v13, v48;
	v17 =	vadd.f32 v51, v17  }
0x13e: {  	[tilespmem:v6+s31+$0x0] =	vst.idx.add.f32.msk $0xffff, v18;
	v62 =	vmax.f32 v10, $0.0e+00;
	v15 =	vadd.f32 v19, v15;
	v56 =	vadd.f32 v55, v12  }
0x13f: {  	[tilespmem:v6+s0+$0x0] =	vst.idx.add.f32.msk $0xffff, v20;
	v16 =	vadd.f32 v16, v54;
	v58 =	vunpack.i.u.bf16.f32 v52;
	v6 =	vunpack.i.u.bf16.f32 v53  }
0x140: {  	v59 =	vunpack.i.l.bf16.f32 v52;
	v6 =	vadd.f32 v6, v58;
	v63 =	vmax.f32 v11, $0.0e+00  }
0x141: {  	v11 =	vmax.f32 v56, $0.0e+00;
	v10 =	vmax.f32 v16, $0.0e+00;
	v12 =	vunpack.i.u.bf16.f32 v22  }
0x142: {  	[tilespmem:v7+s31+$0x0] =	vst.idx.add.f32.msk $0xffff, v60;
	v22 =	vunpack.i.l.bf16.f32 v22;
	v57 =	vunpack.i.l.bf16.f32 v50;
	v23 =	vunpack.i.u.bf16.f32 v50  }
0x143: {  	[tilespmem:v8+s31+$0x0] =	vst.idx.add.f32.msk $0xffff, v9;
	v22 =	vadd.f32 v57, v22;
	v23 =	vadd.f32 v23, v12;
	v12 =	vunpack.i.l.bf16.f32 v53  }
0x144: {  	[tilespmem:v8+s0+$0x0] =	vst.idx.add.f32.msk $0xffff, v62;
	v6 =	vmax.f32 v6, $0.0e+00;
	v61 =	vadd.f32 v12, v59;
	v12 =	vmax.f32 v14, $0.0e+00  }
0x145: {  	v14 =	vmax.f32 v13, $0.0e+00;
	v13 =	vmax.f32 v17, $0.0e+00;
	[tilespmem:v7+s0+$0x0] =	vst.idx.add.f32.msk $0xffff, v12;
	v12 =	vmax.f32 v15, $0.0e+00  }
0x146: {  	s7 =	simm.s32 $0x0;
	s8 =	simm.s32 $0x120C0;
	[tilespmem:v5+s31+$0x0] =	vst.idx.add.f32.msk $0xffff, v63;
	v9 =	vmax.f32 v22, $0.0e+00;
	v8 =	vmax.f32 v23, $0.0e+00;
	v7 =	vmax.f32 v61, $0.0e+00  }
.LBB2_7:
0x147: {  	v15 =	vld [tilespmem:s8+$0x30]  }
0x148: {  	v16 =	vld [tilespmem:s8+$0xFFFFFFD0]  }
0x149: {  	v17 =	vld [tilespmem:s8+$0xFFFFFFE0]  }
0x14a: {  	v19 =	vld [tilespmem:s8+$0xFFFFFFF0]  }
0x14b: {  	s7 =	sadd.s32 $0x8, s7;
	v25 =	vld [tilespmem:s8+$0x0]  }
0x14c: {  	p1 =	slt.u32 s7, $0x188;
	v26 =	vld [tilespmem:s8+$0x10];
	v29 =	vand.u32 $0x3FFF, v15  }
0x14d: {  	v30 =	vshra.s32 v15, $0xE;
	v20 =	vshra.s32 v16, $0xE;
	v23 =	vand.u32 $0x3FFF, v16;
	v27 =	vld [tilespmem:s8+$0x20]  }
0x14e: {  	v28 =	vld [tilespmem:s8+$0xFFFFFFC0];
	v21 =	vshra.s32 v17, $0xE;
	v24 =	vand.u32 $0x3FFF, v17  }
0x14f: {  	v18 =	vshra.s32 v19, $0xE;
	v22 =	vand.u32 $0x3FFF, v19;
	[tilespmem:v5+s0+$0x0] =	vst.idx.add.f32.msk $0xffff, v14  }
0x150: {  	v16 =	vshra.s32 v25, $0xE;
	v19 =	vand.u32 $0x3FFF, v25;
	[tilespmem:v1+s31+$0x0] =	vst.idx.add.f32.msk $0xffff, v13  }
0x151: {  	v14 =	vshra.s32 v26, $0xE;
	v17 =	vand.u32 $0x3FFF, v26;
	v5 =	vld.idx.msk [tilespmem:v29+s2+$0x0], $0xffff  }
0x152: {  	v13 =	vshra.s32 v27, $0xE;
	v15 =	vand.u32 $0x3FFF, v27;
	v25 =	vld.idx.msk [tilespmem:v30+s19+$0x0], $0xffff  }
0x153: {  	s6 =	sadd.s32 $0x80, s6;
	v27 =	vshra.s32 v28, $0xE;
	v28 =	vand.u32 $0x3FFF, v28;
	v26 =	vld.idx.msk [tilespmem:v23+s2+$0x0], $0xffff  }
0x154: {  	v31 =	vld [tilespmem:s6+$0x30]  }
0x155: {  	v32 =	vld.idx.msk [tilespmem:v20+s19+$0x0], $0xffff  }
0x156: {  	v33 =	vld.idx.msk [tilespmem:v24+s2+$0x0], $0xffff  }
0x157: {  	v34 =	vld.idx.msk [tilespmem:v21+s19+$0x0], $0xffff  }
0x158: {  	v36 =	vunpack.i.l.bf16.f32 v5;
	v37 =	vunpack.i.l.bf16.f32 v25;
	v35 =	vld.idx.msk [tilespmem:v28+s2+$0x0], $0xffff  }
0x159: {  	v5 =	vunpack.i.u.bf16.f32 v5;
	v25 =	vunpack.i.u.bf16.f32 v25;
	v36 =	vadd.f32 v37, v36;
	v38 =	vld.idx.msk [tilespmem:v27+s19+$0x0], $0xffff  }
0x15a: {  	v37 =	vunpack.i.u.bf16.f32 v26;
	v26 =	vunpack.i.l.bf16.f32 v26;
	v5 =	vadd.f32 v25, v5;
	v39 =	vld.idx.msk [tilespmem:v22+s2+$0x0], $0xffff  }
0x15b: {  	v25 =	vunpack.i.u.bf16.f32 v32;
	v32 =	vunpack.i.l.bf16.f32 v32;
	v36 =	vmax.f32 v36, $0.0e+00;
	v40 =	vld.idx.msk [tilespmem:v18+s19+$0x0], $0xffff  }
0x15c: {  	v5 =	vmax.f32 v5, $0.0e+00;
	v41 =	vunpack.i.u.bf16.f32 v33;
	v33 =	vunpack.i.l.bf16.f32 v33;
	[tilespmem:v31+s29+$0x0] =	vst.idx.add.f32.msk $0xffff, v36  }
0x15d: {  	v26 =	vadd.f32 v32, v26;
	v32 =	vunpack.i.u.bf16.f32 v34;
	v34 =	vunpack.i.l.bf16.f32 v34;
	[tilespmem:v31+s30+$0x0] =	vst.idx.add.f32.msk $0xffff, v5  }
0x15e: {  	v25 =	vadd.f32 v25, v37;
	v5 =	vunpack.i.u.bf16.f32 v35;
	v35 =	vunpack.i.l.bf16.f32 v35;
	v29 =	vld.idx.msk [tilespmem:v29+s20+$0x0], $0xffff  }
0x15f: {  	v33 =	vadd.f32 v34, v33;
	v36 =	vunpack.i.u.bf16.f32 v38;
	v37 =	vunpack.i.l.bf16.f32 v38;
	v30 =	vld.idx.msk [tilespmem:v30+s21+$0x0], $0xffff  }
0x160: {  	v34 =	vadd.f32 v37, v35;
	v35 =	vunpack.i.u.bf16.f32 v39;
	v37 =	vunpack.i.l.bf16.f32 v39;
	v38 =	vld.idx.msk [tilespmem:v19+s2+$0x0], $0xffff  }
0x161: {  	v5 =	vadd.f32 v36, v5;
	v36 =	vunpack.i.u.bf16.f32 v40;
	v39 =	vunpack.i.l.bf16.f32 v40;
	v40 =	vld.idx.msk [tilespmem:v16+s19+$0x0], $0xffff  }
0x162: {  	v32 =	vadd.f32 v32, v41;
	v34 =	vmax.f32 v34, $0.0e+00;
	v37 =	vadd.f32 v39, v37;
	v39 =	vld.idx.msk [tilespmem:v17+s2+$0x0], $0xffff  }
0x163: {  	v42 =	vmax.f32 v26, $0.0e+00;
	v41 =	vmax.f32 v5, $0.0e+00;
	v35 =	vadd.f32 v36, v35;
	v36 =	vld.idx.msk [tilespmem:v14+s19+$0x0], $0xffff  }
0x164: {  	v43 =	vmax.f32 v25, $0.0e+00;
	v33 =	vmax.f32 v33, $0.0e+00;
	v32 =	vmax.f32 v32, $0.0e+00;
	v44 =	vld.idx.msk [tilespmem:v15+s2+$0x0], $0xffff  }
0x165: {  	v37 =	vmax.f32 v37, $0.0e+00;
	v5 =	vunpack.i.l.bf16.f32 v29;
	v25 =	vunpack.i.l.bf16.f32 v30;
	v45 =	vld.idx.msk [tilespmem:v13+s19+$0x0], $0xffff  }
0x166: {  	v29 =	vunpack.i.u.bf16.f32 v29;
	v30 =	vunpack.i.u.bf16.f32 v30;
	v46 =	vadd.f32 v25, v5;
	v26 =	vld [tilespmem:s6+$0xFFFFFFC0]  }
0x167: {  	v47 =	vunpack.i.u.bf16.f32 v38;
	v38 =	vunpack.i.l.bf16.f32 v38;
	v29 =	vadd.f32 v30, v29;
	v25 =	vld [tilespmem:s6+$0xFFFFFFD0]  }
0x168: {  	v30 =	vunpack.i.u.bf16.f32 v40;
	v40 =	vunpack.i.l.bf16.f32 v40;
	v46 =	vmax.f32 v46, $0.0e+00;
	v5 =	vld [tilespmem:s6+$0xFFFFFFE0]  }
0x169: {  	v48 =	vunpack.i.u.bf16.f32 v39;
	v39 =	vunpack.i.l.bf16.f32 v39;
	v29 =	vmax.f32 v29, $0.0e+00;
	[tilespmem:v31+s31+$0x0] =	vst.idx.add.f32.msk $0xffff, v46  }
0x16a: {  	v46 =	vunpack.i.u.bf16.f32 v36;
	v36 =	vunpack.i.l.bf16.f32 v36;
	v49 =	vunpack.i.u.bf16.f32 v44;
	[tilespmem:v31+s0+$0x0] =	vst.idx.add.f32.msk $0xffff, v29  }
0x16b: {  	v44 =	vunpack.i.l.bf16.f32 v44;
	v50 =	vunpack.i.u.bf16.f32 v45;
	v45 =	vunpack.i.l.bf16.f32 v45;
	v31 =	vld [tilespmem:s6+$0xFFFFFFF0]  }
0x16c: {  	v35 =	vmax.f32 v35, $0.0e+00;
	v30 =	vadd.f32 v30, v47;
	v29 =	vadd.f32 v40, v38;
	v51 =	vld [tilespmem:s6+$0x0]  }
0x16d: {  	v36 =	vadd.f32 v36, v39;
	v39 =	vadd.f32 v46, v48;
	v38 =	vld [tilespmem:s6+$0x10]  }
0x16e: {  	v44 =	vadd.f32 v45, v44;
	v45 =	vadd.f32 v50, v49;
	v40 =	vmax.f32 v29, $0.0e+00;
	v29 =	vld [tilespmem:s6+$0x20]  }
0x16f: {  	v30 =	vmax.f32 v30, $0.0e+00;
	[tilespmem:v26+s29+$0x0] =	vst.idx.add.f32.msk $0xffff, v34;
	v34 =	vmax.f32 v36, $0.0e+00;
	v36 =	vmax.f32 v39, $0.0e+00  }
0x170: {  	v39 =	vmax.f32 v44, $0.0e+00;
	[tilespmem:v26+s30+$0x0] =	vst.idx.add.f32.msk $0xffff, v41;
	v41 =	vmax.f32 v45, $0.0e+00  }
0x171: {  	[tilespmem:v25+s29+$0x0] =	vst.idx.add.f32.msk $0xffff, v42  }
0x172: {  	[tilespmem:v25+s30+$0x0] =	vst.idx.add.f32.msk $0xffff, v43  }
0x173: {  	[tilespmem:v5+s29+$0x0] =	vst.idx.add.f32.msk $0xffff, v33  }
0x174: {  	[tilespmem:v5+s30+$0x0] =	vst.idx.add.f32.msk $0xffff, v32  }
0x175: {  	[tilespmem:v31+s29+$0x0] =	vst.idx.add.f32.msk $0xffff, v37  }
0x176: {  	[tilespmem:v31+s30+$0x0] =	vst.idx.add.f32.msk $0xffff, v35  }
0x177: {  	[tilespmem:v51+s29+$0x0] =	vst.idx.add.f32.msk $0xffff, v40  }
0x178: {  	[tilespmem:v51+s30+$0x0] =	vst.idx.add.f32.msk $0xffff, v30  }
0x179: {  	[tilespmem:v38+s29+$0x0] =	vst.idx.add.f32.msk $0xffff, v34  }
0x17a: {  	[tilespmem:v38+s30+$0x0] =	vst.idx.add.f32.msk $0xffff, v36  }
0x17b: {  	[tilespmem:v29+s29+$0x0] =	vst.idx.add.f32.msk $0xffff, v39  }
0x17c: {  	[tilespmem:v29+s30+$0x0] =	vst.idx.add.f32.msk $0xffff, v41  }
0x17d: {  	v28 =	vld.idx.msk [tilespmem:v28+s20+$0x0], $0xffff  }
0x17e: {  	v27 =	vld.idx.msk [tilespmem:v27+s21+$0x0], $0xffff  }
0x17f: {  	v23 =	vld.idx.msk [tilespmem:v23+s20+$0x0], $0xffff  }
0x180: {  	v20 =	vld.idx.msk [tilespmem:v20+s21+$0x0], $0xffff  }
0x181: {  	v24 =	vld.idx.msk [tilespmem:v24+s20+$0x0], $0xffff  }
0x182: {  	v21 =	vld.idx.msk [tilespmem:v21+s21+$0x0], $0xffff  }
0x183: {  	v30 =	vunpack.i.u.bf16.f32 v28;
	v28 =	vunpack.i.l.bf16.f32 v28;
	v22 =	vld.idx.msk [tilespmem:v22+s20+$0x0], $0xffff  }
0x184: {  	v32 =	vunpack.i.u.bf16.f32 v27;
	v27 =	vunpack.i.l.bf16.f32 v27;
	v18 =	vld.idx.msk [tilespmem:v18+s21+$0x0], $0xffff  }
0x185: {  	v27 =	vadd.f32 v27, v28;
	v28 =	vunpack.i.u.bf16.f32 v23;
	v23 =	vunpack.i.l.bf16.f32 v23;
	v19 =	vld.idx.msk [tilespmem:v19+s20+$0x0], $0xffff  }
0x186: {  	v30 =	vadd.f32 v32, v30;
	v32 =	vunpack.i.u.bf16.f32 v20;
	v20 =	vunpack.i.l.bf16.f32 v20;
	v16 =	vld.idx.msk [tilespmem:v16+s21+$0x0], $0xffff  }
0x187: {  	v20 =	vadd.f32 v20, v23;
	v23 =	vunpack.i.u.bf16.f32 v24;
	v24 =	vunpack.i.l.bf16.f32 v24;
	v17 =	vld.idx.msk [tilespmem:v17+s20+$0x0], $0xffff  }
0x188: {  	v28 =	vadd.f32 v32, v28;
	v32 =	vunpack.i.u.bf16.f32 v21;
	v21 =	vunpack.i.l.bf16.f32 v21;
	v14 =	vld.idx.msk [tilespmem:v14+s21+$0x0], $0xffff  }
0x189: {  	v21 =	vadd.f32 v21, v24;
	v24 =	vunpack.i.u.bf16.f32 v22;
	v22 =	vunpack.i.l.bf16.f32 v22;
	v15 =	vld.idx.msk [tilespmem:v15+s20+$0x0], $0xffff  }
0x18a: {  	v23 =	vadd.f32 v32, v23;
	v32 =	vunpack.i.u.bf16.f32 v18;
	v18 =	vunpack.i.l.bf16.f32 v18;
	v13 =	vld.idx.msk [tilespmem:v13+s21+$0x0], $0xffff  }
0x18b: {  	v18 =	vadd.f32 v18, v22;
	v22 =	vunpack.i.u.bf16.f32 v19;
	v19 =	vunpack.i.l.bf16.f32 v19;
	[tilespmem:v1+s0+$0x0] =	vst.idx.add.f32.msk $0xffff, v12;
	v1 =	vmovc v31  }
0x18c: {  	v12 =	vadd.f32 v32, v24;
	v24 =	vunpack.i.u.bf16.f32 v16;
	v16 =	vunpack.i.l.bf16.f32 v16;
	[tilespmem:v2+s31+$0x0] =	vst.idx.add.f32.msk $0xffff, v11  }
0x18d: {  	v11 =	vadd.f32 v16, v19;
	v16 =	vunpack.i.u.bf16.f32 v17;
	v17 =	vunpack.i.l.bf16.f32 v17;
	[tilespmem:v2+s0+$0x0] =	vst.idx.add.f32.msk $0xffff, v10;
	v2 =	vmovc v51  }
0x18e: {  	v10 =	vadd.f32 v24, v22;
	v19 =	vunpack.i.u.bf16.f32 v14;
	v14 =	vunpack.i.l.bf16.f32 v14;
	[tilespmem:v3+s31+$0x0] =	vst.idx.add.f32.msk $0xffff, v9  }
0x18f: {  	v9 =	vadd.f32 v14, v17;
	v14 =	vunpack.i.u.bf16.f32 v15;
	v15 =	vunpack.i.l.bf16.f32 v15;
	[tilespmem:v3+s0+$0x0] =	vst.idx.add.f32.msk $0xffff, v8;
	v3 =	vmovc v38  }
0x190: {  	v8 =	vadd.f32 v19, v16;
	v16 =	vunpack.i.u.bf16.f32 v13;
	v13 =	vunpack.i.l.bf16.f32 v13;
	[tilespmem:v4+s31+$0x0] =	vst.idx.add.f32.msk $0xffff, v7  }
0x191: {  	v7 =	vmax.f32 v27, $0.0e+00;
	v15 =	vadd.f32 v13, v15;
	v16 =	vadd.f32 v16, v14;
	[tilespmem:v4+s0+$0x0] =	vst.idx.add.f32.msk $0xffff, v6  }
.Ltmp4:
0x192: {  	v17 =	vmax.f32 v28, $0.0e+00;
	v6 =	vmax.f32 v30, $0.0e+00;
	v4 =	vmovc v29;
	[tilespmem:v26+s31+$0x0] =	vst.idx.add.f32.msk $0xffff, v7;
	v7 =	vmax.f32 v20, $0.0e+00;
	(pc) =	sbr.rel @p1 .LBB2_7-.Ltmp4, $4  }
0x193: {  	v14 =	vmax.f32 v23, $0.0e+00;
	v13 =	vmax.f32 v18, $0.0e+00;
	[tilespmem:v26+s0+$0x0] =	vst.idx.add.f32.msk $0xffff, v6;
	v6 =	vmax.f32 v21, $0.0e+00  }
0x194: {  	v12 =	vmax.f32 v12, $0.0e+00;
	v11 =	vmax.f32 v11, $0.0e+00;
	v10 =	vmax.f32 v10, $0.0e+00;
	[tilespmem:v25+s31+$0x0] =	vst.idx.add.f32.msk $0xffff, v7  }
0x195: {  	v9 =	vmax.f32 v9, $0.0e+00;
	v8 =	vmax.f32 v8, $0.0e+00;
	v7 =	vmax.f32 v15, $0.0e+00;
	[tilespmem:v25+s0+$0x0] =	vst.idx.add.f32.msk $0xffff, v17  }
0x196: {  	s8 =	sadd.s32 $0x80, s8;
	[tilespmem:v5+s31+$0x0] =	vst.idx.add.f32.msk $0xffff, v6;
	v6 =	vmax.f32 v16, $0.0e+00  }
0x197: {  	_ =	sdelay $0x3  }
0x198: {  	[tilespmem:v5+s0+$0x0] =	vst.idx.add.f32.msk $0xffff, v14  }
0x199: {  	[tilespmem:v1+s31+$0x0] =	vst.idx.add.f32.msk $0xffff, v13  }
0x19a: {  	[tilespmem:v2+s31+$0x0] =	vst.idx.add.f32.msk $0xffff, v11  }
0x19b: {  	[tilespmem:v3+s31+$0x0] =	vst.idx.add.f32.msk $0xffff, v9  }
.Ltmp5:
0x19c: {  	[tilespmem:v4+s31+$0x0] =	vst.idx.add.f32.msk $0xffff, v7;
	(pc) =	sbr.rel @p0 .LBB2_10-.Ltmp5, $4  }
0x19d: {  	[tilespmem:v1+s0+$0x0] =	vst.idx.add.f32.msk $0xffff, v12  }
0x19e: {  	[tilespmem:v2+s0+$0x0] =	vst.idx.add.f32.msk $0xffff, v10  }
0x19f: {  	[tilespmem:v3+s0+$0x0] =	vst.idx.add.f32.msk $0xffff, v8  }
0x1a0: {  	[tilespmem:v4+s0+$0x0] =	vst.idx.add.f32.msk $0xffff, v6  }
0x1a1: {  	s6 =	smul.u32 $0x3200, s5;
	_ =	sdelay $0x1  }
0x1a2: {  	s6 =	sshrl.u32 s6, $0x3  }
.Ltmp6:
0x1a3: {  	s6 =	sadd.s32 $0x960, s6;
	(pc) =	sbr.rel .LBB2_4-.Ltmp6, $4  }
0x1a4: {  	s7 =	sadd.s32 s3, s6  }
0x1a5: {  	[tilespmem:s24], [sflag:$0x3] =	stream.linear.gather [hbm4b:s7+s2], $0x1900, $0x38;
	[tilespmem:$0x15200] =	vst v63  }
0x1a6: {  	s5 =	sadd.s32 $0x1, s5;
	s6 =	sadd.s32 s4, s6  }
0x1a7: {  	[tilespmem:s25], [sflag:$0x4] =	stream.linear.gather [hbm4b:s6+s2], $0x1900, $0x38;
	[tilespmem:$0x15200] =	vst v63  }
.LBB2_11:
0x1a8: {  	_ =	sfence.sel $0x180000  }
0x1a9: {  	[bflag:$0x0] =	sbarrier.arrive $0xFFFF  }
0x1aa: {  	_ =	strace $0x90000047  }
0x1ab: {  	s0 =	stileid.u32;
	[bflag:$0x2] =	sbarrier.arrive $0xFFFF  }
0x1ac: {  	p0 =	sne.s32 s0, $0x0;
	s0 =	rddreg [dreg:$0x2]  }
0x1ad: {  	s0 =	sadd.s32 @!p0 $0x100000, s0  }
0x1ae: {  	[sflag:s0] =	ssyncadd.tile.s32 @!p0 $0x1;
	_ =	shalt  }
.Lfunc_end2:
_tile_overlayer_lowered:
.L_overlay_start_2:
0x1af: {  	(tag) =	ssettag $0x2  }
0x1b0: {  	s0 =	rddreg [dreg:$0x0];
	s2 =	stileid.u32  }
0x1b1: {  	s1 =	rddreg [dreg:$0x1];
	p0 =	sne.s32 s2, $0x0  }
0x1b2: {  	s3 =	rddreg [dreg:$0x2];
	[bflag:$0x3] =	sbarrier.arrive $0xFFFF;
	s2 =	simm.s32 @!p0 $0x1C05  }
0x1b3: {  	[timem:s3], [sflag:s2] =	dma.local @!p0 [hbm:s0], s1  }
0x1b4: {  	s0 =	simm.s32 @!p0 $0x5  }
0x1b5: {  	_ =	swait.ge @!p0 [sflag:s0], s1  }
0x1b6: {  	s1 =	ssub.s32 @!p0 $0x0, s1;
	[sflag:s0] =	ssyncset.done @!p0 $0x0  }
0x1b7: {  	[sflag:s0] =	ssyncadd.s32 @!p0 s1  }
0x1b8: {  	[bflag:$0x3] =	sbarrier.arrive $0xFFFF  }
0x1b9: {  	_ =	shalt  }

// kernel: kernel.13.cloned.1.call-start
scs
__scs_entry_jumppad:
0x0: {  	(pc) =	sbr.rel $0x88, $3  }
0x1: {  	(tag) =	ssettag $0x0;
	lr =	simm.s32 $0x1  }
0x2: {  	[smem:$0x3F96] =	sst lr;
	_ =	strace $0xD0000000  }
0x3: {  	_ = 	snop  }
0x4: {  	_ = 	snop  }
0x5: {  	_ = 	snop  }
0x6: {  	_ = 	snop  }
0x7: {  	_ = 	snop  }
__scs_overlays_trampoline_lowered:
0x8: {  	[smem:$0x3FA5] =	sst s0  }
0x9: {  	[smem:$0x3FA6] =	sst s1  }
0xa: {  	[smem:$0x3FA7] =	sst s2  }
0xb: {  	[smem:$0x3FA8] =	sst s3  }
0xc: {  	[smem:$0x3FA9] =	sst s4  }
0xd: {  	[smem:$0x3FAA] =	sst s5  }
0xe: {  	[smem:$0x3FAB] =	sst s6  }
0xf: {  	[smem:$0x3FAC] =	sst s7  }
0x10: {  	[smem:$0x3FAD] =	sst s8  }
0x11: {  	[smem:$0x3FAE] =	sst s9;
	s0 =	simm.s32 @!p0 $0x0  }
0x12: {  	s1 =	sld [smem:$0x3F94];
	s0 =	simm.s32 @p0 $0x1  }
0x13: {  	[smem:$0x3FAF] =	sst s0;
	s0 =	simm.s32 @!p1 $0x0  }
0x14: {  	s2 =	sld [smem:$0x3F93];
	s0 =	simm.s32 @p1 $0x1  }
0x15: {  	[smem:$0x3FB0] =	sst s0;
	s0 =	simm.s32 @!p2 $0x0  }
0x16: {  	s3 =	sld [smem:$0x3FDB];
	s0 =	simm.s32 @p2 $0x1  }
0x17: {  	s4 =	simm.s32 $0x1BF5;
	[smem:$0x3FB2] =	sst s0  }
0x18: {  	s0 =	sld [smem:$0x3F95];
	_ =	swait.ge [sflag:s4], $0x0  }
0x19: {  	s7 =	sld [smem:$0x3F96]  }
0x1a: {  	s8 =	sadd.s32 $0xFFFFE003, lr  }
0x1b: {  	s9 =	sadd.s32 $0xFFFFFEF7, lr;
	s5 =	simm.s32 $0xFFFFFFFF;
	p2 =	slt.u32 s8, $0xFFFFF086  }
0x1c: {  	p1 =	slt.u32 s9, $0xF7A;
	s5 =	simm.s32 @!p2 $0x0  }
0x1d: {  	s5 =	simm.s32 @p1 $0x1;
	p0 =	seq.s32 s7, s2  }
0x1e: {  	s7 =	smul.u32 @!p0 $0xF7A, s2;
	p2 =	seq.s32 @!p0 s5, $0x0  }
0x1f: {  	s9 =	smul.u32 $0xF7A, s1;
	s8 =	simm.s32 @!p0 $0x1BF5;
	p2 =	por !p2, p0  }
0x20: {  	[sflag:s8] =	ssyncset.s32 @!p0 $0xFFFFF086;
	s6 =	sadd.s32 @!p0 s3, s7;
	s7 =	simm.s32 @!p0 $0x108  }
0x21: {  	s3 =	sadd.s32 s3, s9;
	s6 =	sadd.s32 @!p0 $0x88, s6;
	s7 =	simm.s32 @p2 $0x1082  }
0x22: {  	[simem:s7], [sflag:s8] =	dma.local @!p0 [hbm:s6], $0xF7A  }
0x23: {  	s9 =	sor.u32 $0xD0000000, s2;
	s6 =	simm.s32 $0x108;
	_ =	swait.ge @!p0 [sflag:s8], $0x0  }
0x24: {  	s3 =	sadd.s32 $0x88, s3;
	s6 =	simm.s32 @!p1 $0x1082;
	[sflag:s4] =	ssyncset.s32 $0xFFFFF086  }
0x25: {  	[simem:s6], [sflag:s4] =	dma.local [hbm:s3], $0xF7A  }
0x26: {  	[smem:$0x3F96] =	sst s1;
	(tag) =	ssettag s2;
	_ =	strace s9  }
0x27: {  	s1 =	sld [smem:$0x3FA6]  }
0x28: {  	s2 =	sld [smem:$0x3FA7]  }
0x29: {  	s4 =	sld [smem:$0x3FA9]  }
0x2a: {  	p0 =	seq.s32 s5, $0x0;
	s5 =	sld [smem:$0x3FAA]  }
0x2b: {  	s6 =	sld [smem:$0x3FAB]  }
0x2c: {  	s7 =	sld [smem:$0x3FAC]  }
0x2d: {  	s3 =	simm.s32 $0x108;
	s8 =	sld [smem:$0x3FAD]  }
0x2e: {  	s3 =	simm.s32 @!p0 $0x1082;
	s9 =	sld [smem:$0x3FAE]  }
0x2f: {  	lr =	sadd.s32 s0, s3;
	s0 =	sld [smem:$0x3FA5]  }
0x30: {  	s3 =	sld [smem:$0x3FA8]  }
0x31: {  	[smem:$0x3FB1] =	sst s10  }
0x32: {  	s10 =	sld [smem:$0x3FAF];
	_ =	sdelay $0x3  }
0x33: {  	p0 =	seq.s32 s10, $0x1;
	s10 =	sld [smem:$0x3FB1];
	_ =	sdelay $0x3  }
0x34: {  	[smem:$0x3FB1] =	sst s10  }
0x35: {  	s10 =	sld [smem:$0x3FB0];
	_ =	sdelay $0x3  }
0x36: {  	p1 =	seq.s32 s10, $0x1;
	s10 =	sld [smem:$0x3FB1];
	_ =	sdelay $0x3  }
0x37: {  	[smem:$0x3FB1] =	sst s10  }
0x38: {  	s10 =	sld [smem:$0x3FB2]  }
0x39: {  	_ = 	snop;
	(pc) =	sbr.ind lr, $3  }
0x3a: {  	_ = 	snop  }
0x3b: {  	_ = 	snop  }
0x3c: {  	p2 =	seq.s32 s10, $0x1;
	s10 =	sld [smem:$0x3FB1]  }
0x3d: {  	_ =	shalt  }
0x3e: {  	_ =	shalt  }
0x3f: {  	_ =	shalt  }
0x40: {  	_ =	shalt  }
0x41: {  	_ =	shalt  }
0x42: {  	_ =	shalt  }
0x43: {  	_ =	shalt  }
0x44: {  	_ =	shalt  }
0x45: {  	_ =	shalt  }
0x46: {  	_ =	shalt  }
0x47: {  	_ =	shalt  }
0x48: {  	_ =	shalt  }
0x49: {  	_ =	shalt  }
0x4a: {  	_ =	shalt  }
0x4b: {  	_ =	shalt  }
0x4c: {  	_ =	shalt  }
0x4d: {  	_ =	shalt  }
0x4e: {  	_ =	shalt  }
0x4f: {  	_ =	shalt  }
0x50: {  	_ =	shalt  }
0x51: {  	_ =	shalt  }
0x52: {  	_ =	shalt  }
0x53: {  	_ =	shalt  }
0x54: {  	_ =	shalt  }
0x55: {  	_ =	shalt  }
0x56: {  	_ =	shalt  }
0x57: {  	_ =	shalt  }
0x58: {  	_ =	shalt  }
0x59: {  	_ =	shalt  }
0x5a: {  	_ =	shalt  }
0x5b: {  	_ =	shalt  }
0x5c: {  	_ =	shalt  }
0x5d: {  	_ =	shalt  }
0x5e: {  	_ =	shalt  }
0x5f: {  	_ =	shalt  }
0x60: {  	_ =	shalt  }
0x61: {  	_ =	shalt  }
0x62: {  	_ =	shalt  }
0x63: {  	_ =	shalt  }
0x64: {  	_ =	shalt  }
0x65: {  	_ =	shalt  }
0x66: {  	_ =	shalt  }
0x67: {  	_ =	shalt  }
0x68: {  	_ =	shalt  }
0x69: {  	_ =	shalt  }
0x6a: {  	_ =	shalt  }
0x6b: {  	_ =	shalt  }
0x6c: {  	_ =	shalt  }
0x6d: {  	_ =	shalt  }
0x6e: {  	_ =	shalt  }
0x6f: {  	_ =	shalt  }
0x70: {  	_ =	shalt  }
0x71: {  	_ =	shalt  }
0x72: {  	_ =	shalt  }
0x73: {  	_ =	shalt  }
0x74: {  	_ =	shalt  }
0x75: {  	_ =	shalt  }
0x76: {  	_ =	shalt  }
0x77: {  	_ =	shalt  }
0x78: {  	_ =	shalt  }
0x79: {  	_ =	shalt  }
0x7a: {  	_ =	shalt  }
0x7b: {  	_ =	shalt  }
0x7c: {  	_ =	shalt  }
0x7d: {  	_ =	shalt  }
0x7e: {  	_ =	shalt  }
0x7f: {  	_ =	shalt  }
0x80: {  	_ =	shalt  }
0x81: {  	_ =	shalt  }
0x82: {  	_ =	shalt  }
0x83: {  	_ =	shalt  }
0x84: {  	_ =	shalt  }
0x85: {  	_ =	shalt  }
0x86: {  	_ =	shalt  }
0x87: {  	_ =	shalt  }
.Lfunc_end0:
.L_simem_size_0:
called_computation.1_lowered:
.L_overlay_start_0:
0x88: {  	s2 =	sld [smem:$0x3FD9]  }
0x89: {  	s3 =	sld [smem:$0x3FFE];
	_ =	sdelay $0x1  }
0x8a: {  	s1 =	srdreg.scid  }
0x8b: {  	s0 =	sand.u32 $0x1, s1  }
0x8c: {  	s14 =	sshll.u32 s0, $0xA;
	s2 =	sadd.s32 s3, s2  }
0x8d: {  	s2 =	sadd.s32 s2, s14  }
0x8e: {  	[smem:$0x3FBD] =	sst s2  }
0x8f: {  	_ = 	snop  }
0x90: {  	s2 =	sld [smem:$0x3FD0];
	_ =	sdelay $0x2  }
0x91: {  	s15 =	simm.s32 $0xA;
	s4 =	simm.s32 $0x10  }
0x92: {  	[smem:s4], [sflag:s15] =	dma.local [hbm:s2], $0x1  }
0x93: {  	_ =	swait.eq [sflag:s15], $0x1  }
0x94: {  	[sflag:s15] =	ssyncset.done $0x0  }
0x95: {  	[sflag:s15] =	ssyncadd.s32 $0xFFFFFFFF  }
0x96: {  	s16 =	sld [smem:$0x10];
	(tm) =	ssettm $0x1  }
0x97: {  	s17 =	sld [smem:$0x3FFB];
	_ =	sdelay $0x3  }
0x98: {  	_ =	strace s17  }
0x99: {  	s3 =	sld [smem:$0x3FFC];
	_ =	sdelay $0x3  }
0x9a: {  	_ =	strace s3  }
0x9b: {  	s3 =	sld [smem:$0x3FFD];
	_ =	sdelay $0x3  }
0x9c: {  	_ =	strace s3  }
0x9d: {  	_ =	strace $0x8FFFFFFF  }
0x9e: {  	s18 =	sld [smem:$0x3FDB];
	_ =	sdelay $0x1  }
0x9f: {  	s19 =	simm.s32 $_scs_section_size  }
0xa0: {  	s5 =	simm.s32 $_size__tile_overlayer_lowered;
	s6 =	simm.s32 $_tile_overlayer_lowered  }
0xa1: {  	s22 =	simm.s32 $0x1BFF;
	s21 =	sshll.u32 s6, $0x1;
	s3 =	sadd.s32 s19, s18  }
0xa2: {  	s7 =	simm.s32 $0x0;
	s20 =	sshll.u32 s5, $0x1;
	s5 =	sadd.s32 s21, s3  }
0xa3: {  	[timem:s7], [sflag:s22] =	dma.local [hbm:s5], s20  }
0xa4: {  	_ =	swait.ge [sflag:s22], s20  }
0xa5: {  	s4 =	ssub.s32 $0x0, s20;
	[sflag:s22] =	ssyncset.done $0x0  }
0xa6: {  	[sflag:s22] =	ssyncadd.s32 s4;
	_ =	sdelay $0x1  }
0xa7: {  	s23 =	simm.s32 $0x1B8B  }
0xa8: {  	_ =	swait.ge [sflag:s23], $0x1  }
0xa9: {  	[sflag:s23] =	ssyncset.done $0x0  }
0xaa: {  	s25 =	simm.s32 $0x1B8E;
	s24 =	sld [smem:$0x3FFE];
	[sflag:s23] =	ssyncadd.s32 $0xFFFFFFFF  }
0xab: {  	s26 =	simm.s32 $execute0_lowered;
	[smem:$0x3FD2] =	sst s25  }
0xac: {  	s5 =	sshll.u32 s26, $0x1;
	_ =	strace $0x80000049;
	[dreg:$0x1] =	wrdreg $0xFFFFFFFF  }
0xad: {  	s28 =	simm.s32 $_size_execute0_lowered;
	s3 =	sadd.s32 s3, s5;
	[dreg:$0x0] =	wrdreg $0x0  }
0xae: {  	s5 =	sshll.u32 s28, $0x1;
	[dreg:$0x2] =	wrdreg s3  }
0xaf: {  	[dreg:$0x3] =	wrdreg s5  }
0xb0: {  	[dreg:$0x4] =	wrdreg $0xC0  }
0xb1: {  	_ =	task [dreg:s7], $0x5FFFF  }
0xb2: {  	[dreg:$0x1] =	wrdreg $0xFFFFFFFF  }
0xb3: {  	[dreg:$0x0] =	wrdreg $0x60  }
0xb4: {  	[dreg:$0x2] =	wrdreg s24  }
0xb5: {  	[dreg:$0x3] =	wrdreg s16  }
0xb6: {  	[dreg:$0x4] =	wrdreg $0x9  }
0xb7: {  	_ =	task.clear_ibuf [dreg:s7], $0x5FFFF;
	_ =	strace $0x90000049  }
0xb8: {  	s29 =	simm.s32 $0x9;
	_ =	strace $0x8000004B  }
0xb9: {  	_ =	swait.ge [sflag:s29], $0x1  }
0xba: {  	[sflag:s29] =	ssyncadd.s32 $0xFFFFFFFF  }
0xbb: {  	_ =	strace $0x9000004B  }
0xbc: {  	_ =	sfence  }
0xbd: {  	s30 =	sld [smem:$0x0];
	_ =	sdelay $0x2  }
0xbe: {  	s31 =	sshll.u32 s1, $0xD;
	s1 =	sshrl.u32 s1, $0x2  }
0xbf: {  	s3 =	sand.u32 $0x4000, s31;
	s1 =	sadd.s32 s1, s30  }
0xc0: {  	s0 =	sor.u32 s3, s0;
	s1 =	sshll.u32 s1, $0x11  }
0xc1: {  	s0 =	sor.u32 s1, s0  }
0xc2: {  	s0 =	sadd.s32 $0x8F2B, s0  }
0xc3: {  	[sflag:s0] =	ssyncadd.remote.s32 $0x1  }
0xc4: {  	_ =	sfence.sel $0xFFFF  }
0xc5: {  	[dreg:$0x0] =	wrdreg $0xFFFFFFFF;
	(pc) =	sbr.abs _section_cstart, $3  }
0xc6: {  	[dreg:$0x1] =	wrdreg $0xFFFFFFFF  }
0xc7: {  	_ =	task.clear_ibuf [dreg:s7], $0x2FFFF;
	_ =	strace $0x9FFFFFFF  }
0xc8: {  	(tm) =	ssettm $0x7FFFFFFF  }
0xc9: {  	_ =	shalt  }
tec
execute0_lowered:
.L_overlay_start_1:
0x0: {  	(tag) =	ssettag $0x1  }
0x1: {  	s0 =	rddreg [dreg:$0x0]  }
0x2: {  	s1 =	rddreg [dreg:$0x1];
	s2 =	simm.s32 $0x0  }
0x3: {  	s3 =	srdreg.scid;
	s8 =	stileid.u32;
	s16 =	simm.s32 $0x80  }
0x4: {  	s17 =	simm.s32 $0x400;
	s18 =	simm.s32 $0x5;
	s19 =	simm.s32 $0xED00  }
0x5: {  	s28 =	simm.s32 $0x2;
	s29 =	simm.s32 $0x4F00;
	s30 =	simm.s32 $0x9E00  }
0x6: {  	s31 =	simm.s32 $0x7680;
	[smem:$0x7FF] =	sst s2;
	s5 =	sand.u32 $0x1, s3  }
0x7: {  	s6 =	sadd.s32 $0x16A00, s0;
	s4 =	sshll.u32 s8, $0x2;
	s3 =	sadd.s32 $0xCC00, s0  }
0x8: {  	s8 =	sshrl.u32 s8, $0x1;
	s14 =	sadd.s32 $0x2A600, s0;
	s23 =	sadd.s32 $0xCF20, s0  }
0x9: {  	_ =	strace $0x8000004A;
	s7 =	sshll.u32 s5, $0x1;
	s9 =	smul.u32 $0x13C00, s8  }
0xa: {  	s5 =	ssub.s32 $0x2, s5;
	s8 =	sshll.u32 s8, $0xA;
	[dreg:$0x7] =	wrdreg s23  }
0xb: {  	s23 =	simm.s32 $0x0;
	s7 =	sor.u32 s7, s4;
	s4 =	sadd.s32 $0x2E00, s0  }
0xc: {  	s11 =	sshrl.u32 s5, $0x1;
	s10 =	sshll.u32 s7, $0x7;
	s7 =	sor.u32 $0x41, s7  }
0xd: {  	s5 =	ssub.s32 s5, s11;
	s10 =	sand.u32 $0x300, s10;
	s22 =	sshrl.u32 s7, $0x3  }
0xe: {  	s24 =	sshll.u32 s7, $0x7;
	s12 =	sor.u32 s9, s10;
	s13 =	sor.u32 s8, s10  }
0xf: {  	s10 =	sor.u32 $0x80, s10;
	s20 =	sshrl.u32 s12, $0x3;
	s13 =	sshrl.u32 s13, $0x3  }
0x10: {  	s9 =	sor.u32 s9, s10;
	s8 =	sor.u32 s8, s10;
	s10 =	sadd.s32 $0x3120, s0  }
0x11: {  	s25 =	sadd.s32 $0x9E000, s12;
	s15 =	sadd.s32 s6, s20;
	s13 =	sadd.s32 s1, s13  }
0x12: {  	s21 =	sshrl.u32 s9, $0x3;
	s8 =	sshrl.u32 s8, $0x3;
	s11 =	sadd.s32 s14, s20  }
0x13: {  	s0 =	sshrl.u32 s25, $0x3;
	s20 =	simm.s32 $0x2780;
	[dreg:$0x3] =	wrdreg s15  }
0x14: {  	s25 =	simm.s32 $0x13900;
	[dreg:$0x4] =	wrdreg s13;
	s1 =	sadd.s32 s1, s8  }
0x15: {  	s6 =	sadd.s32 s6, s21;
	[dreg:$0x6] =	wrdreg s1;
	s1 =	smul.u32 $0x13C00, s22  }
.Ltmp0:
0x16: {  	s12 =	sadd.s32 s14, s0;
	s13 =	sadd.s32 s14, s21;
	(pc) =	sbr.rel .LBB2_1-.Ltmp0, $4  }
0x17: {  	s15 =	smax.u32 s5, $0x1;
	[dreg:$0x5] =	wrdreg s6;
	s6 =	sand.u32 $0x380, s24  }
0x18: {  	s21 =	simm.s32 $0xED80;
	s0 =	simm.s32 $0xC580;
	s1 =	sor.u32 s6, s1  }
0x19: {  	s24 =	simm.s32 $0x12000;
	s22 =	simm.s32 $0x4;
	s26 =	sshrl.u32 s1, $0x3  }
0x1a: {  	v0 =	vimm.f32 $0.0e+00;
	s1 =	simm.s32 $0x3;
	s14 =	sadd.s32 s14, s26;
	s26 =	simm.s32 $0x1  }
.LBB2_10:
0x1b: {  	[hbm4b:s11+s16] =	stream.strided.scatter [tilespmem:s29], [sflag:$0x5], $0x2780, s17, s16, $0x38;
	[tilespmem:$0x15200] =	vst v63  }
0x1c: {  	_ =	swait.ge [sflag:s18], $0x2780  }
0x1d: {  	[sflag:s18] =	ssyncset.done $0x0  }
0x1e: {  	[sflag:s18] =	ssyncadd.s32 $0xFFFFD880  }
0x1f: {  	[hbm4b:s12+s16] =	stream.strided.scatter [tilespmem:s30], [sflag:$0x5], $0x2780, s17, s16, $0x38;
	[tilespmem:$0x15200] =	vst v63  }
0x20: {  	_ =	swait.ge [sflag:s18], $0x2780  }
0x21: {  	[sflag:s18] =	ssyncset.done $0x0  }
0x22: {  	[sflag:s18] =	ssyncadd.s32 $0xFFFFD880  }
0x23: {  	[hbm4b:s13+s16] =	stream.strided.scatter [tilespmem:s31], [sflag:$0x5], $0x2780, s17, s16, $0x38;
	[tilespmem:$0x15200] =	vst v63  }
0x24: {  	s23 =	sadd.s32 $0x1, s23;
	_ =	swait.ge [sflag:s18], $0x2780  }
0x25: {  	p0 =	sne.s32 s23, s15;
	[sflag:s18] =	ssyncset.done $0x0  }
.Ltmp1:
0x26: {  	[sflag:s18] =	ssyncadd.s32 $0xFFFFD880;
	(pc) =	sbr.rel @!p0 .LBB2_11-.Ltmp1, $4  }
0x27: {  	[hbm4b:s14+s16] =	stream.strided.scatter [tilespmem:s0], [sflag:$0x5], $0x2780, s17, s16, $0x38;
	[tilespmem:$0x15200] =	vst v63  }
0x28: {  	_ =	swait.ge [sflag:s18], $0x2780  }
0x29: {  	[sflag:s18] =	ssyncset.done $0x0  }
0x2a: {  	[sflag:s18] =	ssyncadd.s32 $0xFFFFD880  }
.LBB2_1:
0x2b: {  	s5 =	rddreg [dreg:$0x3]  }
0x2c: {  	[tilespmem:s2], [sflag:$0x5] =	stream.strided.gather [hbm4b:s5+s16], $0x2780, s17, s16, $0x38;
	[tilespmem:$0x15200] =	vst v63  }
0x2d: {  	_ =	swait.ge [sflag:s18], $0x2780  }
0x2e: {  	[sflag:s18] =	ssyncset.done $0x0  }
0x2f: {  	s7 =	rddreg [dreg:$0x4];
	[sflag:s18] =	ssyncadd.s32 $0xFFFFD880  }
0x30: {  	[tilespmem:s19], [sflag:$0x5] =	stream.linear.gather [hbm4b:s7+s2], $0x80, $0x38;
	[tilespmem:$0x15200] =	vst v63  }
0x31: {  	_ =	swait.ge [sflag:s18], $0x80  }
0x32: {  	[sflag:s18] =	ssyncset.done $0x0  }
0x33: {  	s8 =	rddreg [dreg:$0x5];
	[sflag:s18] =	ssyncadd.s32 $0xFFFFFF80  }
0x34: {  	[tilespmem:s20], [sflag:$0x5] =	stream.strided.gather [hbm4b:s8+s16], $0x2780, s17, s16, $0x38;
	[tilespmem:$0x15200] =	vst v63  }
0x35: {  	_ =	swait.ge [sflag:s18], $0x2780  }
0x36: {  	[sflag:s18] =	ssyncset.done $0x0  }
0x37: {  	s9 =	rddreg [dreg:$0x6];
	[sflag:s18] =	ssyncadd.s32 $0xFFFFD880  }
0x38: {  	[tilespmem:s21], [sflag:$0x5] =	stream.linear.gather [hbm4b:s9+s2], $0x80, $0x38;
	[tilespmem:$0x15200] =	vst v63  }
0x39: {  	_ =	swait.ge [sflag:s18], $0x80  }
0x3a: {  	[sflag:s18] =	ssyncset.done $0x0  }
0x3b: {  	s6 =	simm.s32 $0x40;
	s5 =	simm.s32 $0x0;
	[sflag:s18] =	ssyncadd.s32 $0xFFFFFF80  }
.LBB2_2:
0x3c: {  	p0 =	sne.s32 s6, $0x9C00;
	[tilespmem:s5+$0xC580] =	vst v0;
	s7 =	smov.u32 s6;
	s6 =	sadd.s32 $0x40, s6  }
.Ltmp2:
0x3d: {  	[tilespmem:s5+$0x9E00] =	vst v0;
	(pc) =	sbr.rel @p0 .LBB2_2-.Ltmp2, $3  }
0x3e: {  	[tilespmem:s5+$0x4F00] =	vst v0  }
0x3f: {  	[tilespmem:s5+$0x7680] =	vst v0;
	_ =	sdelay $0x1  }
0x40: {  	s5 =	sshra.s32 s7, $0x2  }
0x41: {  	[tilespmem:s5+$0xC580] =	vst v0  }
0x42: {  	[tilespmem:s5+$0x9E00] =	vst v0  }
0x43: {  	[tilespmem:s5+$0x4F00] =	vst v0  }
0x44: {  	[tilespmem:s5+$0x7680] =	vst v0;
	s5 =	simm.s32 $0x0;
	s6 =	simm.s32 $0xEE00  }
0x45: {  	[tilespmem:s6], [sflag:$0x1] =	stream.linear.gather [hbm4b:s3+s5], $0x1900, $0x38;
	[tilespmem:$0x15200] =	vst v63  }
0x46: {  	s8 =	simm.s32 $0x10700  }
0x47: {  	[tilespmem:s8], [sflag:$0x2] =	stream.linear.gather [hbm4b:s4+s5], $0x1900, $0x38;
	[tilespmem:$0x15200] =	vst v63  }
0x48: {  	s9 =	rddreg [dreg:$0x7]  }
0x49: {  	[tilespmem:s24], [sflag:$0x3] =	stream.linear.gather [hbm4b:s9+s5], $0x1900, $0x38;
	[tilespmem:$0x15200] =	vst v63  }
0x4a: {  	_ = 	snop  }
0x4b: {  	[tilespmem:s25], [sflag:$0x4] =	stream.linear.gather [hbm4b:s10+s5], $0x1900, $0x38;
	[tilespmem:$0x15200] =	vst v63  }
.LBB2_4:
0x4c: {  	_ =	swait.ge [sflag:s26], $0x1900  }
0x4d: {  	[sflag:s26] =	ssyncset.done $0x0  }
0x4e: {  	[sflag:s26] =	ssyncadd.s32 $0xFFFFE700  }
0x4f: {  	_ =	swait.ge [sflag:s28], $0x1900  }
0x50: {  	[sflag:s28] =	ssyncset.done $0x0  }
0x51: {  	s6 =	simm.s32 $0xEE40;
	[sflag:s28] =	ssyncadd.s32 $0xFFFFE700  }
0x52: {  	v1 =	vld [tilespmem:s6+$0x30];
	_ =	sdelay $0x1  }
0x53: {  	v2 =	vld [tilespmem:s6+$0xFFFFFFD0]  }
0x54: {  	v3 =	vld [tilespmem:s6+$0xFFFFFFE0]  }
0x55: {  	v6 =	vld [tilespmem:s6+$0xFFFFFFC0]  }
0x56: {  	v4 =	vld [tilespmem:s6+$0xFFFFFFF0];
	v5 =	vand.u32 $0x3FFF, v1  }
0x57: {  	v7 =	vld [tilespmem:s6+$0x0];
	v1 =	vshra.s32 v1, $0xE  }
0x58: {  	v8 =	vld [tilespmem:s6+$0x10];
	v9 =	vand.u32 $0x3FFF, v2  }
0x59: {  	v10 =	vshra.s32 v2, $0xE;
	v2 =	vld [tilespmem:s6+$0x20];
	s6 =	simm.s32 $0x10740  }
0x5a: {  	v11 =	vand.u32 $0x3FFF, v3;
	v14 =	vand.u32 $0x3FFF, v6;
	v16 =	vshra.s32 v6, $0xE;
	v6 =	vld [tilespmem:s6+$0x30]  }
0x5b: {  	v13 =	vshra.s32 v3, $0xE;
	v12 =	vld.idx.msk [tilespmem:v5+s2+$0x0], $0xffff  }
0x5c: {  	v3 =	vld.idx.msk [tilespmem:v1+s19+$0x0], $0xffff  }
0x5d: {  	v15 =	vld.idx.msk [tilespmem:v9+s2+$0x0], $0xffff  }
0x5e: {  	v17 =	vand.u32 $0x3FFF, v4;
	v18 =	vld.idx.msk [tilespmem:v10+s19+$0x0], $0xffff  }
0x5f: {  	v19 =	vshra.s32 v4, $0xE;
	v4 =	vld.idx.msk [tilespmem:v11+s2+$0x0], $0xffff  }
0x60: {  	v26 =	vshra.s32 v7, $0xE;
	v20 =	vld.idx.msk [tilespmem:v13+s19+$0x0], $0xffff  }
0x61: {  	v28 =	vshra.s32 v8, $0xE;
	v21 =	vld.idx.msk [tilespmem:v14+s2+$0x0], $0xffff  }
0x62: {  	v24 =	vld.idx.msk [tilespmem:v16+s19+$0x0], $0xffff;
	v30 =	vand.u32 $0x3FFF, v2  }
0x63: {  	v48 =	vld.idx.msk [tilespmem:v17+s2+$0x0], $0xffff  }
0x64: {  	v25 =	vld.idx.msk [tilespmem:v19+s19+$0x0], $0xffff  }
0x65: {  	v33 =	vld.idx.msk [tilespmem:v26+s19+$0x0], $0xffff;
	v22 =	vunpack.i.l.bf16.f32 v12;
	v23 =	vunpack.i.l.bf16.f32 v3  }
0x66: {  	v35 =	vld.idx.msk [tilespmem:v28+s19+$0x0], $0xffff;
	v22 =	vadd.f32 v23, v22  }
0x67: {  	v12 =	vunpack.i.u.bf16.f32 v12;
	v3 =	vunpack.i.u.bf16.f32 v3;
	v36 =	vld.idx.msk [tilespmem:v30+s2+$0x0], $0xffff  }
0x68: {  	v3 =	vadd.f32 v3, v12;
	v12 =	vand.u32 $0x3FFF, v7;
	v7 =	vld [tilespmem:s6+$0xFFFFFFC0];
	v22 =	vmax.f32 v22, $0.0e+00  }
0x69: {  	[tilespmem:v6+s29+$0x0] =	vst.idx.add.f32.msk $0xffff, v22  }
0x6a: {  	v32 =	vshra.s32 v2, $0xE;
	v3 =	vmax.f32 v3, $0.0e+00;
	v22 =	vand.u32 $0x3FFF, v8;
	v8 =	vld [tilespmem:s6+$0xFFFFFFD0]  }
0x6b: {  	[tilespmem:v6+s30+$0x0] =	vst.idx.add.f32.msk $0xffff, v3  }
0x6c: {  	v27 =	vld.idx.msk [tilespmem:v5+s20+$0x0], $0xffff  }
0x6d: {  	v29 =	vld.idx.msk [tilespmem:v1+s21+$0x0], $0xffff  }
0x6e: {  	v2 =	vunpack.i.u.bf16.f32 v15;
	v37 =	vunpack.i.l.bf16.f32 v24;
	v31 =	vld.idx.msk [tilespmem:v12+s2+$0x0], $0xffff  }
0x6f: {  	v38 =	vunpack.i.u.bf16.f32 v4;
	v3 =	vunpack.i.u.bf16.f32 v18;
	v1 =	vunpack.i.l.bf16.f32 v15;
	v15 =	vld.idx.msk [tilespmem:v32+s19+$0x0], $0xffff  }
0x70: {  	v4 =	vunpack.i.l.bf16.f32 v4;
	v5 =	vunpack.i.l.bf16.f32 v21;
	v40 =	vadd.f32 v3, v2;
	v2 =	vld [tilespmem:s6+$0x0]  }
0x71: {  	v39 =	vunpack.i.l.bf16.f32 v20;
	v18 =	vunpack.i.l.bf16.f32 v18;
	v37 =	vadd.f32 v37, v5;
	v5 =	vld [tilespmem:s6+$0xFFFFFFE0]  }
0x72: {  	v21 =	vunpack.i.u.bf16.f32 v21;
	v3 =	vunpack.i.u.bf16.f32 v24;
	v18 =	vadd.f32 v18, v1;
	v1 =	vld [tilespmem:s6+$0xFFFFFFF0]  }
0x73: {  	v50 =	vadd.f32 v39, v4;
	v4 =	vadd.f32 v3, v21;
	v3 =	vld [tilespmem:s6+$0x10]  }
0x74: {  	v34 =	vld.idx.msk [tilespmem:v22+s2+$0x0], $0xffff  }
0x75: {  	v49 =	vmax.f32 v37, $0.0e+00;
	v53 =	vmax.f32 v4, $0.0e+00;
	v4 =	vld [tilespmem:s6+$0x20]  }
0x76: {  	[tilespmem:v7+s29+$0x0] =	vst.idx.add.f32.msk $0xffff, v49  }
0x77: {  	v18 =	vmax.f32 v18, $0.0e+00;
	[tilespmem:v7+s30+$0x0] =	vst.idx.add.f32.msk $0xffff, v53  }
0x78: {  	[tilespmem:v8+s29+$0x0] =	vst.idx.add.f32.msk $0xffff, v18  }
0x79: {  	v20 =	vunpack.i.u.bf16.f32 v20;
	v51 =	vunpack.i.u.bf16.f32 v48;
	v14 =	vld.idx.msk [tilespmem:v14+s20+$0x0], $0xffff  }
0x7a: {  	v52 =	vunpack.i.u.bf16.f32 v25;
	v25 =	vunpack.i.l.bf16.f32 v25;
	v54 =	vmax.f32 v40, $0.0e+00;
	v16 =	vld.idx.msk [tilespmem:v16+s21+$0x0], $0xffff  }
0x7b: {  	v58 =	vunpack.i.u.bf16.f32 v33;
	v33 =	vunpack.i.l.bf16.f32 v33;
	v23 =	vunpack.i.l.bf16.f32 v48;
	[tilespmem:v8+s30+$0x0] =	vst.idx.add.f32.msk $0xffff, v54  }
0x7c: {  	v23 =	vadd.f32 v25, v23;
	v57 =	vunpack.i.u.bf16.f32 v31;
	v31 =	vunpack.i.l.bf16.f32 v31;
	v9 =	vld.idx.msk [tilespmem:v9+s20+$0x0], $0xffff  }
0x7d: {  	v20 =	vadd.f32 v20, v38;
	v55 =	vmax.f32 v50, $0.0e+00;
	v31 =	vadd.f32 v33, v31;
	v10 =	vld.idx.msk [tilespmem:v10+s21+$0x0], $0xffff  }
0x7e: {  	v61 =	vunpack.i.u.bf16.f32 v35;
	v62 =	vunpack.i.l.bf16.f32 v35;
	v56 =	vmax.f32 v23, $0.0e+00;
	[tilespmem:v5+s29+$0x0] =	vst.idx.add.f32.msk $0xffff, v55  }
0x7f: {  	v20 =	vmax.f32 v20, $0.0e+00;
	v21 =	vadd.f32 v52, v51;
	v31 =	vmax.f32 v31, $0.0e+00;
	[tilespmem:v1+s29+$0x0] =	vst.idx.add.f32.msk $0xffff, v56  }
0x80: {  	v63 =	vunpack.i.l.bf16.f32 v36;
	v23 =	vadd.f32 v58, v57;
	v33 =	vunpack.i.l.bf16.f32 v15;
	[tilespmem:v2+s29+$0x0] =	vst.idx.add.f32.msk $0xffff, v31  }
0x81: {  	v42 =	vunpack.i.u.bf16.f32 v36;
	v21 =	vmax.f32 v21, $0.0e+00;
	v18 =	vadd.f32 v33, v63;
	[tilespmem:v5+s30+$0x0] =	vst.idx.add.f32.msk $0xffff, v20  }
0x82: {  	v39 =	vunpack.i.u.bf16.f32 v27;
	v40 =	vunpack.i.u.bf16.f32 v29;
	v23 =	vmax.f32 v23, $0.0e+00;
	[tilespmem:v1+s30+$0x0] =	vst.idx.add.f32.msk $0xffff, v21  }
0x83: {  	v15 =	vunpack.i.u.bf16.f32 v15;
	v59 =	vunpack.i.u.bf16.f32 v34;
	v18 =	vmax.f32 v18, $0.0e+00;
	[tilespmem:v2+s30+$0x0] =	vst.idx.add.f32.msk $0xffff, v23  }
0x84: {  	v15 =	vadd.f32 v15, v42;
	v60 =	vunpack.i.l.bf16.f32 v34;
	v34 =	vadd.f32 v61, v59;
	[tilespmem:v4+s29+$0x0] =	vst.idx.add.f32.msk $0xffff, v18  }
0x85: {  	v37 =	vunpack.i.l.bf16.f32 v27;
	v38 =	vunpack.i.l.bf16.f32 v29;
	v41 =	vadd.f32 v40, v39;
	v11 =	vld.idx.msk [tilespmem:v11+s20+$0x0], $0xffff  }
0x86: {  	v15 =	vmax.f32 v15, $0.0e+00;
	v20 =	vadd.f32 v62, v60;
	v35 =	vmax.f32 v34, $0.0e+00;
	v13 =	vld.idx.msk [tilespmem:v13+s21+$0x0], $0xffff  }
0x87: {  	v18 =	vadd.f32 v38, v37;
	v43 =	vunpack.i.l.bf16.f32 v14;
	v17 =	vld.idx.msk [tilespmem:v17+s20+$0x0], $0xffff;
	v44 =	vunpack.i.l.bf16.f32 v16  }
0x88: {  	v14 =	vunpack.i.u.bf16.f32 v14;
	v16 =	vunpack.i.u.bf16.f32 v16;
	v19 =	vld.idx.msk [tilespmem:v19+s21+$0x0], $0xffff;
	v20 =	vmax.f32 v20, $0.0e+00  }
0x89: {  	v12 =	vld.idx.msk [tilespmem:v12+s20+$0x0], $0xffff;
	v21 =	vadd.f32 v44, v43;
	v14 =	vadd.f32 v16, v14;
	v18 =	vmax.f32 v18, $0.0e+00  }
0x8a: {  	v47 =	vld.idx.msk [tilespmem:v26+s21+$0x0], $0xffff;
	v45 =	vunpack.i.u.bf16.f32 v9;
	v9 =	vunpack.i.l.bf16.f32 v9;
	v46 =	vunpack.i.l.bf16.f32 v10  }
0x8b: {  	[tilespmem:v3+s29+$0x0] =	vst.idx.add.f32.msk $0xffff, v20;
	v20 =	vmax.f32 v41, $0.0e+00;
	v10 =	vunpack.i.u.bf16.f32 v10;
	v9 =	vadd.f32 v46, v9  }
0x8c: {  	[tilespmem:v4+s30+$0x0] =	vst.idx.add.f32.msk $0xffff, v15;
	v10 =	vadd.f32 v10, v45;
	v60 =	vmax.f32 v21, $0.0e+00;
	v48 =	vunpack.i.u.bf16.f32 v11  }
0x8d: {  	v52 =	vld.idx.msk [tilespmem:v30+s20+$0x0], $0xffff;
	v11 =	vunpack.i.l.bf16.f32 v11;
	v49 =	vunpack.i.l.bf16.f32 v13;
	v13 =	vunpack.i.u.bf16.f32 v13  }
0x8e: {  	v53 =	vld.idx.msk [tilespmem:v32+s21+$0x0], $0xffff;
	v15 =	vunpack.i.u.bf16.f32 v17;
	v17 =	vunpack.i.l.bf16.f32 v17;
	v51 =	vunpack.i.l.bf16.f32 v19  }
0x8f: {  	[tilespmem:v3+s30+$0x0] =	vst.idx.add.f32.msk $0xffff, v35;
	v19 =	vunpack.i.u.bf16.f32 v19;
	v54 =	vunpack.i.u.bf16.f32 v12;
	v12 =	vunpack.i.l.bf16.f32 v12  }
0x90: {  	v22 =	vld.idx.msk [tilespmem:v22+s20+$0x0], $0xffff;
	v55 =	vunpack.i.l.bf16.f32 v47;
	v16 =	vunpack.i.u.bf16.f32 v47;
	v11 =	vadd.f32 v49, v11  }
0x91: {  	v50 =	vld.idx.msk [tilespmem:v28+s21+$0x0], $0xffff;
	v9 =	vmax.f32 v9, $0.0e+00;
	v13 =	vadd.f32 v13, v48;
	v17 =	vadd.f32 v51, v17  }
0x92: {  	[tilespmem:v6+s31+$0x0] =	vst.idx.add.f32.msk $0xffff, v18;
	v62 =	vmax.f32 v10, $0.0e+00;
	v15 =	vadd.f32 v19, v15;
	v56 =	vadd.f32 v55, v12  }
0x93: {  	[tilespmem:v6+s0+$0x0] =	vst.idx.add.f32.msk $0xffff, v20;
	v16 =	vadd.f32 v16, v54;
	v58 =	vunpack.i.u.bf16.f32 v52;
	v6 =	vunpack.i.u.bf16.f32 v53  }
0x94: {  	v59 =	vunpack.i.l.bf16.f32 v52;
	v6 =	vadd.f32 v6, v58;
	v63 =	vmax.f32 v11, $0.0e+00  }
0x95: {  	v11 =	vmax.f32 v56, $0.0e+00;
	v10 =	vmax.f32 v16, $0.0e+00;
	v12 =	vunpack.i.u.bf16.f32 v22  }
0x96: {  	[tilespmem:v7+s31+$0x0] =	vst.idx.add.f32.msk $0xffff, v60;
	v22 =	vunpack.i.l.bf16.f32 v22;
	v57 =	vunpack.i.l.bf16.f32 v50;
	v23 =	vunpack.i.u.bf16.f32 v50  }
0x97: {  	[tilespmem:v8+s31+$0x0] =	vst.idx.add.f32.msk $0xffff, v9;
	v22 =	vadd.f32 v57, v22;
	v23 =	vadd.f32 v23, v12;
	v12 =	vunpack.i.l.bf16.f32 v53  }
0x98: {  	[tilespmem:v8+s0+$0x0] =	vst.idx.add.f32.msk $0xffff, v62;
	v6 =	vmax.f32 v6, $0.0e+00;
	v61 =	vadd.f32 v12, v59;
	v12 =	vmax.f32 v14, $0.0e+00  }
0x99: {  	v14 =	vmax.f32 v13, $0.0e+00;
	v13 =	vmax.f32 v17, $0.0e+00;
	[tilespmem:v7+s0+$0x0] =	vst.idx.add.f32.msk $0xffff, v12;
	v12 =	vmax.f32 v15, $0.0e+00  }
0x9a: {  	s7 =	simm.s32 $0x0;
	s8 =	simm.s32 $0xEEC0;
	[tilespmem:v5+s31+$0x0] =	vst.idx.add.f32.msk $0xffff, v63;
	v9 =	vmax.f32 v22, $0.0e+00;
	v8 =	vmax.f32 v23, $0.0e+00;
	v7 =	vmax.f32 v61, $0.0e+00  }
.LBB2_5:
0x9b: {  	v15 =	vld [tilespmem:s8+$0x30]  }
0x9c: {  	v16 =	vld [tilespmem:s8+$0xFFFFFFD0]  }
0x9d: {  	v17 =	vld [tilespmem:s8+$0xFFFFFFE0]  }
0x9e: {  	v19 =	vld [tilespmem:s8+$0xFFFFFFF0]  }
0x9f: {  	s7 =	sadd.s32 $0x8, s7;
	v25 =	vld [tilespmem:s8+$0x0]  }
0xa0: {  	p0 =	slt.u32 s7, $0x188;
	v26 =	vld [tilespmem:s8+$0x10];
	v29 =	vand.u32 $0x3FFF, v15  }
0xa1: {  	v30 =	vshra.s32 v15, $0xE;
	v20 =	vshra.s32 v16, $0xE;
	v23 =	vand.u32 $0x3FFF, v16;
	v27 =	vld [tilespmem:s8+$0x20]  }
0xa2: {  	v28 =	vld [tilespmem:s8+$0xFFFFFFC0];
	v21 =	vshra.s32 v17, $0xE;
	v24 =	vand.u32 $0x3FFF, v17  }
0xa3: {  	v18 =	vshra.s32 v19, $0xE;
	v22 =	vand.u32 $0x3FFF, v19;
	[tilespmem:v5+s0+$0x0] =	vst.idx.add.f32.msk $0xffff, v14  }
0xa4: {  	v16 =	vshra.s32 v25, $0xE;
	v19 =	vand.u32 $0x3FFF, v25;
	[tilespmem:v1+s31+$0x0] =	vst.idx.add.f32.msk $0xffff, v13  }
0xa5: {  	v14 =	vshra.s32 v26, $0xE;
	v17 =	vand.u32 $0x3FFF, v26;
	v5 =	vld.idx.msk [tilespmem:v29+s2+$0x0], $0xffff  }
0xa6: {  	v13 =	vshra.s32 v27, $0xE;
	v15 =	vand.u32 $0x3FFF, v27;
	v25 =	vld.idx.msk [tilespmem:v30+s19+$0x0], $0xffff  }
0xa7: {  	s6 =	sadd.s32 $0x80, s6;
	v27 =	vshra.s32 v28, $0xE;
	v28 =	vand.u32 $0x3FFF, v28;
	v26 =	vld.idx.msk [tilespmem:v23+s2+$0x0], $0xffff  }
0xa8: {  	v31 =	vld [tilespmem:s6+$0x30]  }
0xa9: {  	v32 =	vld.idx.msk [tilespmem:v20+s19+$0x0], $0xffff  }
0xaa: {  	v33 =	vld.idx.msk [tilespmem:v24+s2+$0x0], $0xffff  }
0xab: {  	v34 =	vld.idx.msk [tilespmem:v21+s19+$0x0], $0xffff  }
0xac: {  	v36 =	vunpack.i.l.bf16.f32 v5;
	v37 =	vunpack.i.l.bf16.f32 v25;
	v35 =	vld.idx.msk [tilespmem:v28+s2+$0x0], $0xffff  }
0xad: {  	v5 =	vunpack.i.u.bf16.f32 v5;
	v25 =	vunpack.i.u.bf16.f32 v25;
	v36 =	vadd.f32 v37, v36;
	v38 =	vld.idx.msk [tilespmem:v27+s19+$0x0], $0xffff  }
0xae: {  	v37 =	vunpack.i.u.bf16.f32 v26;
	v26 =	vunpack.i.l.bf16.f32 v26;
	v5 =	vadd.f32 v25, v5;
	v39 =	vld.idx.msk [tilespmem:v22+s2+$0x0], $0xffff  }
0xaf: {  	v25 =	vunpack.i.u.bf16.f32 v32;
	v32 =	vunpack.i.l.bf16.f32 v32;
	v36 =	vmax.f32 v36, $0.0e+00;
	v40 =	vld.idx.msk [tilespmem:v18+s19+$0x0], $0xffff  }
0xb0: {  	v5 =	vmax.f32 v5, $0.0e+00;
	v41 =	vunpack.i.u.bf16.f32 v33;
	v33 =	vunpack.i.l.bf16.f32 v33;
	[tilespmem:v31+s29+$0x0] =	vst.idx.add.f32.msk $0xffff, v36  }
0xb1: {  	v26 =	vadd.f32 v32, v26;
	v32 =	vunpack.i.u.bf16.f32 v34;
	v34 =	vunpack.i.l.bf16.f32 v34;
	[tilespmem:v31+s30+$0x0] =	vst.idx.add.f32.msk $0xffff, v5  }
0xb2: {  	v25 =	vadd.f32 v25, v37;
	v5 =	vunpack.i.u.bf16.f32 v35;
	v35 =	vunpack.i.l.bf16.f32 v35;
	v29 =	vld.idx.msk [tilespmem:v29+s20+$0x0], $0xffff  }
0xb3: {  	v33 =	vadd.f32 v34, v33;
	v36 =	vunpack.i.u.bf16.f32 v38;
	v37 =	vunpack.i.l.bf16.f32 v38;
	v30 =	vld.idx.msk [tilespmem:v30+s21+$0x0], $0xffff  }
0xb4: {  	v34 =	vadd.f32 v37, v35;
	v35 =	vunpack.i.u.bf16.f32 v39;
	v37 =	vunpack.i.l.bf16.f32 v39;
	v38 =	vld.idx.msk [tilespmem:v19+s2+$0x0], $0xffff  }
0xb5: {  	v5 =	vadd.f32 v36, v5;
	v36 =	vunpack.i.u.bf16.f32 v40;
	v39 =	vunpack.i.l.bf16.f32 v40;
	v40 =	vld.idx.msk [tilespmem:v16+s19+$0x0], $0xffff  }
0xb6: {  	v32 =	vadd.f32 v32, v41;
	v34 =	vmax.f32 v34, $0.0e+00;
	v37 =	vadd.f32 v39, v37;
	v39 =	vld.idx.msk [tilespmem:v17+s2+$0x0], $0xffff  }
0xb7: {  	v42 =	vmax.f32 v26, $0.0e+00;
	v41 =	vmax.f32 v5, $0.0e+00;
	v35 =	vadd.f32 v36, v35;
	v36 =	vld.idx.msk [tilespmem:v14+s19+$0x0], $0xffff  }
0xb8: {  	v43 =	vmax.f32 v25, $0.0e+00;
	v33 =	vmax.f32 v33, $0.0e+00;
	v32 =	vmax.f32 v32, $0.0e+00;
	v44 =	vld.idx.msk [tilespmem:v15+s2+$0x0], $0xffff  }
0xb9: {  	v37 =	vmax.f32 v37, $0.0e+00;
	v5 =	vunpack.i.l.bf16.f32 v29;
	v25 =	vunpack.i.l.bf16.f32 v30;
	v45 =	vld.idx.msk [tilespmem:v13+s19+$0x0], $0xffff  }
0xba: {  	v29 =	vunpack.i.u.bf16.f32 v29;
	v30 =	vunpack.i.u.bf16.f32 v30;
	v46 =	vadd.f32 v25, v5;
	v26 =	vld [tilespmem:s6+$0xFFFFFFC0]  }
0xbb: {  	v47 =	vunpack.i.u.bf16.f32 v38;
	v38 =	vunpack.i.l.bf16.f32 v38;
	v29 =	vadd.f32 v30, v29;
	v25 =	vld [tilespmem:s6+$0xFFFFFFD0]  }
0xbc: {  	v30 =	vunpack.i.u.bf16.f32 v40;
	v40 =	vunpack.i.l.bf16.f32 v40;
	v46 =	vmax.f32 v46, $0.0e+00;
	v5 =	vld [tilespmem:s6+$0xFFFFFFE0]  }
0xbd: {  	v48 =	vunpack.i.u.bf16.f32 v39;
	v39 =	vunpack.i.l.bf16.f32 v39;
	v29 =	vmax.f32 v29, $0.0e+00;
	[tilespmem:v31+s31+$0x0] =	vst.idx.add.f32.msk $0xffff, v46  }
0xbe: {  	v46 =	vunpack.i.u.bf16.f32 v36;
	v36 =	vunpack.i.l.bf16.f32 v36;
	v49 =	vunpack.i.u.bf16.f32 v44;
	[tilespmem:v31+s0+$0x0] =	vst.idx.add.f32.msk $0xffff, v29  }
0xbf: {  	v44 =	vunpack.i.l.bf16.f32 v44;
	v50 =	vunpack.i.u.bf16.f32 v45;
	v45 =	vunpack.i.l.bf16.f32 v45;
	v31 =	vld [tilespmem:s6+$0xFFFFFFF0]  }
0xc0: {  	v35 =	vmax.f32 v35, $0.0e+00;
	v30 =	vadd.f32 v30, v47;
	v29 =	vadd.f32 v40, v38;
	v51 =	vld [tilespmem:s6+$0x0]  }
0xc1: {  	v36 =	vadd.f32 v36, v39;
	v39 =	vadd.f32 v46, v48;
	v38 =	vld [tilespmem:s6+$0x10]  }
0xc2: {  	v44 =	vadd.f32 v45, v44;
	v45 =	vadd.f32 v50, v49;
	v40 =	vmax.f32 v29, $0.0e+00;
	v29 =	vld [tilespmem:s6+$0x20]  }
0xc3: {  	v30 =	vmax.f32 v30, $0.0e+00;
	[tilespmem:v26+s29+$0x0] =	vst.idx.add.f32.msk $0xffff, v34;
	v34 =	vmax.f32 v36, $0.0e+00;
	v36 =	vmax.f32 v39, $0.0e+00  }
0xc4: {  	v39 =	vmax.f32 v44, $0.0e+00;
	[tilespmem:v26+s30+$0x0] =	vst.idx.add.f32.msk $0xffff, v41;
	v41 =	vmax.f32 v45, $0.0e+00  }
0xc5: {  	[tilespmem:v25+s29+$0x0] =	vst.idx.add.f32.msk $0xffff, v42  }
0xc6: {  	[tilespmem:v25+s30+$0x0] =	vst.idx.add.f32.msk $0xffff, v43  }
0xc7: {  	[tilespmem:v5+s29+$0x0] =	vst.idx.add.f32.msk $0xffff, v33  }
0xc8: {  	[tilespmem:v5+s30+$0x0] =	vst.idx.add.f32.msk $0xffff, v32  }
0xc9: {  	[tilespmem:v31+s29+$0x0] =	vst.idx.add.f32.msk $0xffff, v37  }
0xca: {  	[tilespmem:v31+s30+$0x0] =	vst.idx.add.f32.msk $0xffff, v35  }
0xcb: {  	[tilespmem:v51+s29+$0x0] =	vst.idx.add.f32.msk $0xffff, v40  }
0xcc: {  	[tilespmem:v51+s30+$0x0] =	vst.idx.add.f32.msk $0xffff, v30  }
0xcd: {  	[tilespmem:v38+s29+$0x0] =	vst.idx.add.f32.msk $0xffff, v34  }
0xce: {  	[tilespmem:v38+s30+$0x0] =	vst.idx.add.f32.msk $0xffff, v36  }
0xcf: {  	[tilespmem:v29+s29+$0x0] =	vst.idx.add.f32.msk $0xffff, v39  }
0xd0: {  	[tilespmem:v29+s30+$0x0] =	vst.idx.add.f32.msk $0xffff, v41  }
0xd1: {  	v28 =	vld.idx.msk [tilespmem:v28+s20+$0x0], $0xffff  }
0xd2: {  	v27 =	vld.idx.msk [tilespmem:v27+s21+$0x0], $0xffff  }
0xd3: {  	v23 =	vld.idx.msk [tilespmem:v23+s20+$0x0], $0xffff  }
0xd4: {  	v20 =	vld.idx.msk [tilespmem:v20+s21+$0x0], $0xffff  }
0xd5: {  	v24 =	vld.idx.msk [tilespmem:v24+s20+$0x0], $0xffff  }
0xd6: {  	v21 =	vld.idx.msk [tilespmem:v21+s21+$0x0], $0xffff  }
0xd7: {  	v30 =	vunpack.i.u.bf16.f32 v28;
	v28 =	vunpack.i.l.bf16.f32 v28;
	v22 =	vld.idx.msk [tilespmem:v22+s20+$0x0], $0xffff  }
0xd8: {  	v32 =	vunpack.i.u.bf16.f32 v27;
	v27 =	vunpack.i.l.bf16.f32 v27;
	v18 =	vld.idx.msk [tilespmem:v18+s21+$0x0], $0xffff  }
0xd9: {  	v27 =	vadd.f32 v27, v28;
	v28 =	vunpack.i.u.bf16.f32 v23;
	v23 =	vunpack.i.l.bf16.f32 v23;
	v19 =	vld.idx.msk [tilespmem:v19+s20+$0x0], $0xffff  }
0xda: {  	v30 =	vadd.f32 v32, v30;
	v32 =	vunpack.i.u.bf16.f32 v20;
	v20 =	vunpack.i.l.bf16.f32 v20;
	v16 =	vld.idx.msk [tilespmem:v16+s21+$0x0], $0xffff  }
0xdb: {  	v20 =	vadd.f32 v20, v23;
	v23 =	vunpack.i.u.bf16.f32 v24;
	v24 =	vunpack.i.l.bf16.f32 v24;
	v17 =	vld.idx.msk [tilespmem:v17+s20+$0x0], $0xffff  }
0xdc: {  	v28 =	vadd.f32 v32, v28;
	v32 =	vunpack.i.u.bf16.f32 v21;
	v21 =	vunpack.i.l.bf16.f32 v21;
	v14 =	vld.idx.msk [tilespmem:v14+s21+$0x0], $0xffff  }
0xdd: {  	v21 =	vadd.f32 v21, v24;
	v24 =	vunpack.i.u.bf16.f32 v22;
	v22 =	vunpack.i.l.bf16.f32 v22;
	v15 =	vld.idx.msk [tilespmem:v15+s20+$0x0], $0xffff  }
0xde: {  	v23 =	vadd.f32 v32, v23;
	v32 =	vunpack.i.u.bf16.f32 v18;
	v18 =	vunpack.i.l.bf16.f32 v18;
	v13 =	vld.idx.msk [tilespmem:v13+s21+$0x0], $0xffff  }
0xdf: {  	v18 =	vadd.f32 v18, v22;
	v22 =	vunpack.i.u.bf16.f32 v19;
	v19 =	vunpack.i.l.bf16.f32 v19;
	[tilespmem:v1+s0+$0x0] =	vst.idx.add.f32.msk $0xffff, v12;
	v1 =	vmovc v31  }
0xe0: {  	v12 =	vadd.f32 v32, v24;
	v24 =	vunpack.i.u.bf16.f32 v16;
	v16 =	vunpack.i.l.bf16.f32 v16;
	[tilespmem:v2+s31+$0x0] =	vst.idx.add.f32.msk $0xffff, v11  }
0xe1: {  	v11 =	vadd.f32 v16, v19;
	v16 =	vunpack.i.u.bf16.f32 v17;
	v17 =	vunpack.i.l.bf16.f32 v17;
	[tilespmem:v2+s0+$0x0] =	vst.idx.add.f32.msk $0xffff, v10;
	v2 =	vmovc v51  }
0xe2: {  	v10 =	vadd.f32 v24, v22;
	v19 =	vunpack.i.u.bf16.f32 v14;
	v14 =	vunpack.i.l.bf16.f32 v14;
	[tilespmem:v3+s31+$0x0] =	vst.idx.add.f32.msk $0xffff, v9  }
0xe3: {  	v9 =	vadd.f32 v14, v17;
	v14 =	vunpack.i.u.bf16.f32 v15;
	v15 =	vunpack.i.l.bf16.f32 v15;
	[tilespmem:v3+s0+$0x0] =	vst.idx.add.f32.msk $0xffff, v8;
	v3 =	vmovc v38  }
0xe4: {  	v8 =	vadd.f32 v19, v16;
	v16 =	vunpack.i.u.bf16.f32 v13;
	v13 =	vunpack.i.l.bf16.f32 v13;
	[tilespmem:v4+s31+$0x0] =	vst.idx.add.f32.msk $0xffff, v7  }
0xe5: {  	v7 =	vmax.f32 v27, $0.0e+00;
	v15 =	vadd.f32 v13, v15;
	v16 =	vadd.f32 v16, v14;
	[tilespmem:v4+s0+$0x0] =	vst.idx.add.f32.msk $0xffff, v6  }
.Ltmp3:
0xe6: {  	v17 =	vmax.f32 v28, $0.0e+00;
	v6 =	vmax.f32 v30, $0.0e+00;
	v4 =	vmovc v29;
	[tilespmem:v26+s31+$0x0] =	vst.idx.add.f32.msk $0xffff, v7;
	v7 =	vmax.f32 v20, $0.0e+00;
	(pc) =	sbr.rel @p0 .LBB2_5-.Ltmp3, $4  }
0xe7: {  	v14 =	vmax.f32 v23, $0.0e+00;
	v13 =	vmax.f32 v18, $0.0e+00;
	[tilespmem:v26+s0+$0x0] =	vst.idx.add.f32.msk $0xffff, v6;
	v6 =	vmax.f32 v21, $0.0e+00  }
0xe8: {  	v12 =	vmax.f32 v12, $0.0e+00;
	v11 =	vmax.f32 v11, $0.0e+00;
	v10 =	vmax.f32 v10, $0.0e+00;
	[tilespmem:v25+s31+$0x0] =	vst.idx.add.f32.msk $0xffff, v7  }
0xe9: {  	v9 =	vmax.f32 v9, $0.0e+00;
	v8 =	vmax.f32 v8, $0.0e+00;
	v7 =	vmax.f32 v15, $0.0e+00;
	[tilespmem:v25+s0+$0x0] =	vst.idx.add.f32.msk $0xffff, v17  }
0xea: {  	s8 =	sadd.s32 $0x80, s8;
	[tilespmem:v5+s31+$0x0] =	vst.idx.add.f32.msk $0xffff, v6;
	v6 =	vmax.f32 v16, $0.0e+00  }
0xeb: {  	_ =	sdelay $0x3  }
0xec: {  	[tilespmem:v5+s0+$0x0] =	vst.idx.add.f32.msk $0xffff, v14  }
0xed: {  	[tilespmem:v1+s31+$0x0] =	vst.idx.add.f32.msk $0xffff, v13  }
0xee: {  	[tilespmem:v2+s31+$0x0] =	vst.idx.add.f32.msk $0xffff, v11  }
0xef: {  	p0 =	seq.s32 s5, $0x18;
	[tilespmem:v3+s31+$0x0] =	vst.idx.add.f32.msk $0xffff, v9  }
0xf0: {  	[tilespmem:v4+s31+$0x0] =	vst.idx.add.f32.msk $0xffff, v7;
	s6 =	smul.u32 @!p0 $0x3200, s5  }
0xf1: {  	[tilespmem:v1+s0+$0x0] =	vst.idx.add.f32.msk $0xffff, v12  }
0xf2: {  	[tilespmem:v2+s0+$0x0] =	vst.idx.add.f32.msk $0xffff, v10;
	s6 =	sshrl.u32 @!p0 s6, $0x3  }
0xf3: {  	[tilespmem:v3+s0+$0x0] =	vst.idx.add.f32.msk $0xffff, v8;
	s6 =	sadd.s32 @!p0 $0x640, s6  }
0xf4: {  	[tilespmem:v4+s0+$0x0] =	vst.idx.add.f32.msk $0xffff, v6;
	s8 =	simm.s32 @!p0 $0x0;
	s9 =	simm.s32 @!p0 $0xEE00;
	s7 =	sadd.s32 @!p0 s3, s6  }
0xf5: {  	[tilespmem:s9], [sflag:$0x1] =	stream.linear.gather @!p0 [hbm4b:s7+s8], $0x1900, $0x38;
	[tilespmem:$0x15200] =	vst v63  }
0xf6: {  	s6 =	sadd.s32 @!p0 s4, s6;
	s7 =	simm.s32 @!p0 $0x10700  }
0xf7: {  	[tilespmem:s7], [sflag:$0x2] =	stream.linear.gather @!p0 [hbm4b:s6+s8], $0x1900, $0x38;
	[tilespmem:$0x15200] =	vst v63  }
0xf8: {  	_ =	swait.ge [sflag:s1], $0x1900  }
0xf9: {  	[sflag:s1] =	ssyncset.done $0x0  }
0xfa: {  	[sflag:s1] =	ssyncadd.s32 $0xFFFFE700  }
0xfb: {  	_ =	swait.ge [sflag:s22], $0x1900  }
0xfc: {  	[sflag:s22] =	ssyncset.done $0x0  }
0xfd: {  	s9 =	simm.s32 $0x12040;
	[sflag:s22] =	ssyncadd.s32 $0xFFFFE700  }
0xfe: {  	v1 =	vld [tilespmem:s9+$0x30];
	_ =	sdelay $0x1  }
0xff: {  	v2 =	vld [tilespmem:s9+$0xFFFFFFD0]  }
0x100: {  	v3 =	vld [tilespmem:s9+$0xFFFFFFE0]  }
0x101: {  	v6 =	vld [tilespmem:s9+$0xFFFFFFC0]  }
0x102: {  	v4 =	vld [tilespmem:s9+$0xFFFFFFF0];
	v5 =	vand.u32 $0x3FFF, v1  }
0x103: {  	v7 =	vld [tilespmem:s9+$0x0];
	v1 =	vshra.s32 v1, $0xE  }
0x104: {  	v8 =	vld [tilespmem:s9+$0x10];
	v9 =	vand.u32 $0x3FFF, v2  }
0x105: {  	s6 =	simm.s32 $0x13940;
	v10 =	vshra.s32 v2, $0xE;
	v2 =	vld [tilespmem:s9+$0x20]  }
0x106: {  	v11 =	vand.u32 $0x3FFF, v3;
	v14 =	vand.u32 $0x3FFF, v6;
	v16 =	vshra.s32 v6, $0xE;
	v6 =	vld [tilespmem:s6+$0x30]  }
0x107: {  	v13 =	vshra.s32 v3, $0xE;
	v12 =	vld.idx.msk [tilespmem:v5+s2+$0x0], $0xffff  }
0x108: {  	v3 =	vld.idx.msk [tilespmem:v1+s19+$0x0], $0xffff  }
0x109: {  	v15 =	vld.idx.msk [tilespmem:v9+s2+$0x0], $0xffff  }
0x10a: {  	v17 =	vand.u32 $0x3FFF, v4;
	v18 =	vld.idx.msk [tilespmem:v10+s19+$0x0], $0xffff  }
0x10b: {  	v19 =	vshra.s32 v4, $0xE;
	v4 =	vld.idx.msk [tilespmem:v11+s2+$0x0], $0xffff  }
0x10c: {  	v26 =	vshra.s32 v7, $0xE;
	v20 =	vld.idx.msk [tilespmem:v13+s19+$0x0], $0xffff  }
0x10d: {  	v28 =	vshra.s32 v8, $0xE;
	v21 =	vld.idx.msk [tilespmem:v14+s2+$0x0], $0xffff  }
0x10e: {  	v24 =	vld.idx.msk [tilespmem:v16+s19+$0x0], $0xffff;
	v30 =	vand.u32 $0x3FFF, v2  }
0x10f: {  	v48 =	vld.idx.msk [tilespmem:v17+s2+$0x0], $0xffff  }
0x110: {  	v25 =	vld.idx.msk [tilespmem:v19+s19+$0x0], $0xffff  }
0x111: {  	v33 =	vld.idx.msk [tilespmem:v26+s19+$0x0], $0xffff;
	v22 =	vunpack.i.l.bf16.f32 v12;
	v23 =	vunpack.i.l.bf16.f32 v3  }
0x112: {  	v35 =	vld.idx.msk [tilespmem:v28+s19+$0x0], $0xffff;
	v22 =	vadd.f32 v23, v22  }
0x113: {  	v12 =	vunpack.i.u.bf16.f32 v12;
	v3 =	vunpack.i.u.bf16.f32 v3;
	v36 =	vld.idx.msk [tilespmem:v30+s2+$0x0], $0xffff  }
0x114: {  	v3 =	vadd.f32 v3, v12;
	v12 =	vand.u32 $0x3FFF, v7;
	v7 =	vld [tilespmem:s6+$0xFFFFFFC0];
	v22 =	vmax.f32 v22, $0.0e+00  }
0x115: {  	[tilespmem:v6+s29+$0x0] =	vst.idx.add.f32.msk $0xffff, v22  }
0x116: {  	v32 =	vshra.s32 v2, $0xE;
	v3 =	vmax.f32 v3, $0.0e+00;
	v22 =	vand.u32 $0x3FFF, v8;
	v8 =	vld [tilespmem:s6+$0xFFFFFFD0]  }
0x117: {  	[tilespmem:v6+s30+$0x0] =	vst.idx.add.f32.msk $0xffff, v3  }
0x118: {  	v27 =	vld.idx.msk [tilespmem:v5+s20+$0x0], $0xffff  }
0x119: {  	v29 =	vld.idx.msk [tilespmem:v1+s21+$0x0], $0xffff  }
0x11a: {  	v2 =	vunpack.i.u.bf16.f32 v15;
	v37 =	vunpack.i.l.bf16.f32 v24;
	v31 =	vld.idx.msk [tilespmem:v12+s2+$0x0], $0xffff  }
0x11b: {  	v38 =	vunpack.i.u.bf16.f32 v4;
	v3 =	vunpack.i.u.bf16.f32 v18;
	v1 =	vunpack.i.l.bf16.f32 v15;
	v15 =	vld.idx.msk [tilespmem:v32+s19+$0x0], $0xffff  }
0x11c: {  	v4 =	vunpack.i.l.bf16.f32 v4;
	v5 =	vunpack.i.l.bf16.f32 v21;
	v40 =	vadd.f32 v3, v2;
	v2 =	vld [tilespmem:s6+$0x0]  }
0x11d: {  	v39 =	vunpack.i.l.bf16.f32 v20;
	v18 =	vunpack.i.l.bf16.f32 v18;
	v37 =	vadd.f32 v37, v5;
	v5 =	vld [tilespmem:s6+$0xFFFFFFE0]  }
0x11e: {  	v21 =	vunpack.i.u.bf16.f32 v21;
	v3 =	vunpack.i.u.bf16.f32 v24;
	v18 =	vadd.f32 v18, v1;
	v1 =	vld [tilespmem:s6+$0xFFFFFFF0]  }
0x11f: {  	v50 =	vadd.f32 v39, v4;
	v4 =	vadd.f32 v3, v21;
	v3 =	vld [tilespmem:s6+$0x10]  }
0x120: {  	v34 =	vld.idx.msk [tilespmem:v22+s2+$0x0], $0xffff  }
0x121: {  	v49 =	vmax.f32 v37, $0.0e+00;
	v53 =	vmax.f32 v4, $0.0e+00;
	v4 =	vld [tilespmem:s6+$0x20]  }
0x122: {  	[tilespmem:v7+s29+$0x0] =	vst.idx.add.f32.msk $0xffff, v49  }
0x123: {  	v18 =	vmax.f32 v18, $0.0e+00;
	[tilespmem:v7+s30+$0x0] =	vst.idx.add.f32.msk $0xffff, v53  }
0x124: {  	[tilespmem:v8+s29+$0x0] =	vst.idx.add.f32.msk $0xffff, v18  }
0x125: {  	v20 =	vunpack.i.u.bf16.f32 v20;
	v51 =	vunpack.i.u.bf16.f32 v48;
	v14 =	vld.idx.msk [tilespmem:v14+s20+$0x0], $0xffff  }
0x126: {  	v52 =	vunpack.i.u.bf16.f32 v25;
	v25 =	vunpack.i.l.bf16.f32 v25;
	v54 =	vmax.f32 v40, $0.0e+00;
	v16 =	vld.idx.msk [tilespmem:v16+s21+$0x0], $0xffff  }
0x127: {  	v58 =	vunpack.i.u.bf16.f32 v33;
	v33 =	vunpack.i.l.bf16.f32 v33;
	v23 =	vunpack.i.l.bf16.f32 v48;
	[tilespmem:v8+s30+$0x0] =	vst.idx.add.f32.msk $0xffff, v54  }
0x128: {  	v23 =	vadd.f32 v25, v23;
	v57 =	vunpack.i.u.bf16.f32 v31;
	v31 =	vunpack.i.l.bf16.f32 v31;
	v9 =	vld.idx.msk [tilespmem:v9+s20+$0x0], $0xffff  }
0x129: {  	v20 =	vadd.f32 v20, v38;
	v55 =	vmax.f32 v50, $0.0e+00;
	v31 =	vadd.f32 v33, v31;
	v10 =	vld.idx.msk [tilespmem:v10+s21+$0x0], $0xffff  }
0x12a: {  	v61 =	vunpack.i.u.bf16.f32 v35;
	v62 =	vunpack.i.l.bf16.f32 v35;
	v56 =	vmax.f32 v23, $0.0e+00;
	[tilespmem:v5+s29+$0x0] =	vst.idx.add.f32.msk $0xffff, v55  }
0x12b: {  	v20 =	vmax.f32 v20, $0.0e+00;
	v21 =	vadd.f32 v52, v51;
	v31 =	vmax.f32 v31, $0.0e+00;
	[tilespmem:v1+s29+$0x0] =	vst.idx.add.f32.msk $0xffff, v56  }
0x12c: {  	v63 =	vunpack.i.l.bf16.f32 v36;
	v23 =	vadd.f32 v58, v57;
	v33 =	vunpack.i.l.bf16.f32 v15;
	[tilespmem:v2+s29+$0x0] =	vst.idx.add.f32.msk $0xffff, v31  }
0x12d: {  	v42 =	vunpack.i.u.bf16.f32 v36;
	v21 =	vmax.f32 v21, $0.0e+00;
	v18 =	vadd.f32 v33, v63;
	[tilespmem:v5+s30+$0x0] =	vst.idx.add.f32.msk $0xffff, v20  }
0x12e: {  	v39 =	vunpack.i.u.bf16.f32 v27;
	v40 =	vunpack.i.u.bf16.f32 v29;
	v23 =	vmax.f32 v23, $0.0e+00;
	[tilespmem:v1+s30+$0x0] =	vst.idx.add.f32.msk $0xffff, v21  }
0x12f: {  	v15 =	vunpack.i.u.bf16.f32 v15;
	v59 =	vunpack.i.u.bf16.f32 v34;
	v18 =	vmax.f32 v18, $0.0e+00;
	[tilespmem:v2+s30+$0x0] =	vst.idx.add.f32.msk $0xffff, v23  }
0x130: {  	v15 =	vadd.f32 v15, v42;
	v60 =	vunpack.i.l.bf16.f32 v34;
	v34 =	vadd.f32 v61, v59;
	[tilespmem:v4+s29+$0x0] =	vst.idx.add.f32.msk $0xffff, v18  }
0x131: {  	v37 =	vunpack.i.l.bf16.f32 v27;
	v38 =	vunpack.i.l.bf16.f32 v29;
	v41 =	vadd.f32 v40, v39;
	v11 =	vld.idx.msk [tilespmem:v11+s20+$0x0], $0xffff  }
0x132: {  	v15 =	vmax.f32 v15, $0.0e+00;
	v20 =	vadd.f32 v62, v60;
	v35 =	vmax.f32 v34, $0.0e+00;
	v13 =	vld.idx.msk [tilespmem:v13+s21+$0x0], $0xffff  }
0x133: {  	v18 =	vadd.f32 v38, v37;
	v43 =	vunpack.i.l.bf16.f32 v14;
	v17 =	vld.idx.msk [tilespmem:v17+s20+$0x0], $0xffff;
	v44 =	vunpack.i.l.bf16.f32 v16  }
0x134: {  	v14 =	vunpack.i.u.bf16.f32 v14;
	v16 =	vunpack.i.u.bf16.f32 v16;
	v19 =	vld.idx.msk [tilespmem:v19+s21+$0x0], $0xffff;
	v20 =	vmax.f32 v20, $0.0e+00  }
0x135: {  	v12 =	vld.idx.msk [tilespmem:v12+s20+$0x0], $0xffff;
	v21 =	vadd.f32 v44, v43;
	v14 =	vadd.f32 v16, v14;
	v18 =	vmax.f32 v18, $0.0e+00  }
0x136: {  	v47 =	vld.idx.msk [tilespmem:v26+s21+$0x0], $0xffff;
	v45 =	vunpack.i.u.bf16.f32 v9;
	v9 =	vunpack.i.l.bf16.f32 v9;
	v46 =	vunpack.i.l.bf16.f32 v10  }
0x137: {  	[tilespmem:v3+s29+$0x0] =	vst.idx.add.f32.msk $0xffff, v20;
	v20 =	vmax.f32 v41, $0.0e+00;
	v10 =	vunpack.i.u.bf16.f32 v10;
	v9 =	vadd.f32 v46, v9  }
0x138: {  	[tilespmem:v4+s30+$0x0] =	vst.idx.add.f32.msk $0xffff, v15;
	v10 =	vadd.f32 v10, v45;
	v60 =	vmax.f32 v21, $0.0e+00;
	v48 =	vunpack.i.u.bf16.f32 v11  }
0x139: {  	v52 =	vld.idx.msk [tilespmem:v30+s20+$0x0], $0xffff;
	v11 =	vunpack.i.l.bf16.f32 v11;
	v49 =	vunpack.i.l.bf16.f32 v13;
	v13 =	vunpack.i.u.bf16.f32 v13  }
0x13a: {  	v53 =	vld.idx.msk [tilespmem:v32+s21+$0x0], $0xffff;
	v15 =	vunpack.i.u.bf16.f32 v17;
	v17 =	vunpack.i.l.bf16.f32 v17;
	v51 =	vunpack.i.l.bf16.f32 v19  }
0x13b: {  	[tilespmem:v3+s30+$0x0] =	vst.idx.add.f32.msk $0xffff, v35;
	v19 =	vunpack.i.u.bf16.f32 v19;
	v54 =	vunpack.i.u.bf16.f32 v12;
	v12 =	vunpack.i.l.bf16.f32 v12  }
0x13c: {  	v22 =	vld.idx.msk [tilespmem:v22+s20+$0x0], $0xffff;
	v55 =	vunpack.i.l.bf16.f32 v47;
	v16 =	vunpack.i.u.bf16.f32 v47;
	v11 =	vadd.f32 v49, v11  }
0x13d: {  	v50 =	vld.idx.msk [tilespmem:v28+s21+$0x0], $0xffff;
	v9 =	vmax.f32 v9, $0.0e+00;
	v13 =	vadd.f32 v13, v48;
	v17 =	vadd.f32 v51, v17  }
0x13e: {  	[tilespmem:v6+s31+$0x0] =	vst.idx.add.f32.msk $0xffff, v18;
	v62 =	vmax.f32 v10, $0.0e+00;
	v15 =	vadd.f32 v19, v15;
	v56 =	vadd.f32 v55, v12  }
0x13f: {  	[tilespmem:v6+s0+$0x0] =	vst.idx.add.f32.msk $0xffff, v20;
	v16 =	vadd.f32 v16, v54;
	v58 =	vunpack.i.u.bf16.f32 v52;
	v6 =	vunpack.i.u.bf16.f32 v53  }
0x140: {  	v59 =	vunpack.i.l.bf16.f32 v52;
	v6 =	vadd.f32 v6, v58;
	v63 =	vmax.f32 v11, $0.0e+00  }
0x141: {  	v11 =	vmax.f32 v56, $0.0e+00;
	v10 =	vmax.f32 v16, $0.0e+00;
	v12 =	vunpack.i.u.bf16.f32 v22  }
0x142: {  	[tilespmem:v7+s31+$0x0] =	vst.idx.add.f32.msk $0xffff, v60;
	v22 =	vunpack.i.l.bf16.f32 v22;
	v57 =	vunpack.i.l.bf16.f32 v50;
	v23 =	vunpack.i.u.bf16.f32 v50  }
0x143: {  	[tilespmem:v8+s31+$0x0] =	vst.idx.add.f32.msk $0xffff, v9;
	v22 =	vadd.f32 v57, v22;
	v23 =	vadd.f32 v23, v12;
	v12 =	vunpack.i.l.bf16.f32 v53  }
0x144: {  	[tilespmem:v8+s0+$0x0] =	vst.idx.add.f32.msk $0xffff, v62;
	v6 =	vmax.f32 v6, $0.0e+00;
	v61 =	vadd.f32 v12, v59;
	v12 =	vmax.f32 v14, $0.0e+00  }
0x145: {  	v14 =	vmax.f32 v13, $0.0e+00;
	v13 =	vmax.f32 v17, $0.0e+00;
	[tilespmem:v7+s0+$0x0] =	vst.idx.add.f32.msk $0xffff, v12;
	v12 =	vmax.f32 v15, $0.0e+00  }
0x146: {  	s7 =	simm.s32 $0x0;
	s8 =	simm.s32 $0x120C0;
	[tilespmem:v5+s31+$0x0] =	vst.idx.add.f32.msk $0xffff, v63;
	v9 =	vmax.f32 v22, $0.0e+00;
	v8 =	vmax.f32 v23, $0.0e+00;
	v7 =	vmax.f32 v61, $0.0e+00  }
.LBB2_7:
0x147: {  	v15 =	vld [tilespmem:s8+$0x30]  }
0x148: {  	v16 =	vld [tilespmem:s8+$0xFFFFFFD0]  }
0x149: {  	v17 =	vld [tilespmem:s8+$0xFFFFFFE0]  }
0x14a: {  	v19 =	vld [tilespmem:s8+$0xFFFFFFF0]  }
0x14b: {  	s7 =	sadd.s32 $0x8, s7;
	v25 =	vld [tilespmem:s8+$0x0]  }
0x14c: {  	p1 =	slt.u32 s7, $0x188;
	v26 =	vld [tilespmem:s8+$0x10];
	v29 =	vand.u32 $0x3FFF, v15  }
0x14d: {  	v30 =	vshra.s32 v15, $0xE;
	v20 =	vshra.s32 v16, $0xE;
	v23 =	vand.u32 $0x3FFF, v16;
	v27 =	vld [tilespmem:s8+$0x20]  }
0x14e: {  	v28 =	vld [tilespmem:s8+$0xFFFFFFC0];
	v21 =	vshra.s32 v17, $0xE;
	v24 =	vand.u32 $0x3FFF, v17  }
0x14f: {  	v18 =	vshra.s32 v19, $0xE;
	v22 =	vand.u32 $0x3FFF, v19;
	[tilespmem:v5+s0+$0x0] =	vst.idx.add.f32.msk $0xffff, v14  }
0x150: {  	v16 =	vshra.s32 v25, $0xE;
	v19 =	vand.u32 $0x3FFF, v25;
	[tilespmem:v1+s31+$0x0] =	vst.idx.add.f32.msk $0xffff, v13  }
0x151: {  	v14 =	vshra.s32 v26, $0xE;
	v17 =	vand.u32 $0x3FFF, v26;
	v5 =	vld.idx.msk [tilespmem:v29+s2+$0x0], $0xffff  }
0x152: {  	v13 =	vshra.s32 v27, $0xE;
	v15 =	vand.u32 $0x3FFF, v27;
	v25 =	vld.idx.msk [tilespmem:v30+s19+$0x0], $0xffff  }
0x153: {  	s6 =	sadd.s32 $0x80, s6;
	v27 =	vshra.s32 v28, $0xE;
	v28 =	vand.u32 $0x3FFF, v28;
	v26 =	vld.idx.msk [tilespmem:v23+s2+$0x0], $0xffff  }
0x154: {  	v31 =	vld [tilespmem:s6+$0x30]  }
0x155: {  	v32 =	vld.idx.msk [tilespmem:v20+s19+$0x0], $0xffff  }
0x156: {  	v33 =	vld.idx.msk [tilespmem:v24+s2+$0x0], $0xffff  }
0x157: {  	v34 =	vld.idx.msk [tilespmem:v21+s19+$0x0], $0xffff  }
0x158: {  	v36 =	vunpack.i.l.bf16.f32 v5;
	v37 =	vunpack.i.l.bf16.f32 v25;
	v35 =	vld.idx.msk [tilespmem:v28+s2+$0x0], $0xffff  }
0x159: {  	v5 =	vunpack.i.u.bf16.f32 v5;
	v25 =	vunpack.i.u.bf16.f32 v25;
	v36 =	vadd.f32 v37, v36;
	v38 =	vld.idx.msk [tilespmem:v27+s19+$0x0], $0xffff  }
0x15a: {  	v37 =	vunpack.i.u.bf16.f32 v26;
	v26 =	vunpack.i.l.bf16.f32 v26;
	v5 =	vadd.f32 v25, v5;
	v39 =	vld.idx.msk [tilespmem:v22+s2+$0x0], $0xffff  }
0x15b: {  	v25 =	vunpack.i.u.bf16.f32 v32;
	v32 =	vunpack.i.l.bf16.f32 v32;
	v36 =	vmax.f32 v36, $0.0e+00;
	v40 =	vld.idx.msk [tilespmem:v18+s19+$0x0], $0xffff  }
0x15c: {  	v5 =	vmax.f32 v5, $0.0e+00;
	v41 =	vunpack.i.u.bf16.f32 v33;
	v33 =	vunpack.i.l.bf16.f32 v33;
	[tilespmem:v31+s29+$0x0] =	vst.idx.add.f32.msk $0xffff, v36  }
0x15d: {  	v26 =	vadd.f32 v32, v26;
	v32 =	vunpack.i.u.bf16.f32 v34;
	v34 =	vunpack.i.l.bf16.f32 v34;
	[tilespmem:v31+s30+$0x0] =	vst.idx.add.f32.msk $0xffff, v5  }
0x15e: {  	v25 =	vadd.f32 v25, v37;
	v5 =	vunpack.i.u.bf16.f32 v35;
	v35 =	vunpack.i.l.bf16.f32 v35;
	v29 =	vld.idx.msk [tilespmem:v29+s20+$0x0], $0xffff  }
0x15f: {  	v33 =	vadd.f32 v34, v33;
	v36 =	vunpack.i.u.bf16.f32 v38;
	v37 =	vunpack.i.l.bf16.f32 v38;
	v30 =	vld.idx.msk [tilespmem:v30+s21+$0x0], $0xffff  }
0x160: {  	v34 =	vadd.f32 v37, v35;
	v35 =	vunpack.i.u.bf16.f32 v39;
	v37 =	vunpack.i.l.bf16.f32 v39;
	v38 =	vld.idx.msk [tilespmem:v19+s2+$0x0], $0xffff  }
0x161: {  	v5 =	vadd.f32 v36, v5;
	v36 =	vunpack.i.u.bf16.f32 v40;
	v39 =	vunpack.i.l.bf16.f32 v40;
	v40 =	vld.idx.msk [tilespmem:v16+s19+$0x0], $0xffff  }
0x162: {  	v32 =	vadd.f32 v32, v41;
	v34 =	vmax.f32 v34, $0.0e+00;
	v37 =	vadd.f32 v39, v37;
	v39 =	vld.idx.msk [tilespmem:v17+s2+$0x0], $0xffff  }
0x163: {  	v42 =	vmax.f32 v26, $0.0e+00;
	v41 =	vmax.f32 v5, $0.0e+00;
	v35 =	vadd.f32 v36, v35;
	v36 =	vld.idx.msk [tilespmem:v14+s19+$0x0], $0xffff  }
0x164: {  	v43 =	vmax.f32 v25, $0.0e+00;
	v33 =	vmax.f32 v33, $0.0e+00;
	v32 =	vmax.f32 v32, $0.0e+00;
	v44 =	vld.idx.msk [tilespmem:v15+s2+$0x0], $0xffff  }
0x165: {  	v37 =	vmax.f32 v37, $0.0e+00;
	v5 =	vunpack.i.l.bf16.f32 v29;
	v25 =	vunpack.i.l.bf16.f32 v30;
	v45 =	vld.idx.msk [tilespmem:v13+s19+$0x0], $0xffff  }
0x166: {  	v29 =	vunpack.i.u.bf16.f32 v29;
	v30 =	vunpack.i.u.bf16.f32 v30;
	v46 =	vadd.f32 v25, v5;
	v26 =	vld [tilespmem:s6+$0xFFFFFFC0]  }
0x167: {  	v47 =	vunpack.i.u.bf16.f32 v38;
	v38 =	vunpack.i.l.bf16.f32 v38;
	v29 =	vadd.f32 v30, v29;
	v25 =	vld [tilespmem:s6+$0xFFFFFFD0]  }
0x168: {  	v30 =	vunpack.i.u.bf16.f32 v40;
	v40 =	vunpack.i.l.bf16.f32 v40;
	v46 =	vmax.f32 v46, $0.0e+00;
	v5 =	vld [tilespmem:s6+$0xFFFFFFE0]  }
0x169: {  	v48 =	vunpack.i.u.bf16.f32 v39;
	v39 =	vunpack.i.l.bf16.f32 v39;
	v29 =	vmax.f32 v29, $0.0e+00;
	[tilespmem:v31+s31+$0x0] =	vst.idx.add.f32.msk $0xffff, v46  }
0x16a: {  	v46 =	vunpack.i.u.bf16.f32 v36;
	v36 =	vunpack.i.l.bf16.f32 v36;
	v49 =	vunpack.i.u.bf16.f32 v44;
	[tilespmem:v31+s0+$0x0] =	vst.idx.add.f32.msk $0xffff, v29  }
0x16b: {  	v44 =	vunpack.i.l.bf16.f32 v44;
	v50 =	vunpack.i.u.bf16.f32 v45;
	v45 =	vunpack.i.l.bf16.f32 v45;
	v31 =	vld [tilespmem:s6+$0xFFFFFFF0]  }
0x16c: {  	v35 =	vmax.f32 v35, $0.0e+00;
	v30 =	vadd.f32 v30, v47;
	v29 =	vadd.f32 v40, v38;
	v51 =	vld [tilespmem:s6+$0x0]  }
0x16d: {  	v36 =	vadd.f32 v36, v39;
	v39 =	vadd.f32 v46, v48;
	v38 =	vld [tilespmem:s6+$0x10]  }
0x16e: {  	v44 =	vadd.f32 v45, v44;
	v45 =	vadd.f32 v50, v49;
	v40 =	vmax.f32 v29, $0.0e+00;
	v29 =	vld [tilespmem:s6+$0x20]  }
0x16f: {  	v30 =	vmax.f32 v30, $0.0e+00;
	[tilespmem:v26+s29+$0x0] =	vst.idx.add.f32.msk $0xffff, v34;
	v34 =	vmax.f32 v36, $0.0e+00;
	v36 =	vmax.f32 v39, $0.0e+00  }
0x170: {  	v39 =	vmax.f32 v44, $0.0e+00;
	[tilespmem:v26+s30+$0x0] =	vst.idx.add.f32.msk $0xffff, v41;
	v41 =	vmax.f32 v45, $0.0e+00  }
0x171: {  	[tilespmem:v25+s29+$0x0] =	vst.idx.add.f32.msk $0xffff, v42  }
0x172: {  	[tilespmem:v25+s30+$0x0] =	vst.idx.add.f32.msk $0xffff, v43  }
0x173: {  	[tilespmem:v5+s29+$0x0] =	vst.idx.add.f32.msk $0xffff, v33  }
0x174: {  	[tilespmem:v5+s30+$0x0] =	vst.idx.add.f32.msk $0xffff, v32  }
0x175: {  	[tilespmem:v31+s29+$0x0] =	vst.idx.add.f32.msk $0xffff, v37  }
0x176: {  	[tilespmem:v31+s30+$0x0] =	vst.idx.add.f32.msk $0xffff, v35  }
0x177: {  	[tilespmem:v51+s29+$0x0] =	vst.idx.add.f32.msk $0xffff, v40  }
0x178: {  	[tilespmem:v51+s30+$0x0] =	vst.idx.add.f32.msk $0xffff, v30  }
0x179: {  	[tilespmem:v38+s29+$0x0] =	vst.idx.add.f32.msk $0xffff, v34  }
0x17a: {  	[tilespmem:v38+s30+$0x0] =	vst.idx.add.f32.msk $0xffff, v36  }
0x17b: {  	[tilespmem:v29+s29+$0x0] =	vst.idx.add.f32.msk $0xffff, v39  }
0x17c: {  	[tilespmem:v29+s30+$0x0] =	vst.idx.add.f32.msk $0xffff, v41  }
0x17d: {  	v28 =	vld.idx.msk [tilespmem:v28+s20+$0x0], $0xffff  }
0x17e: {  	v27 =	vld.idx.msk [tilespmem:v27+s21+$0x0], $0xffff  }
0x17f: {  	v23 =	vld.idx.msk [tilespmem:v23+s20+$0x0], $0xffff  }
0x180: {  	v20 =	vld.idx.msk [tilespmem:v20+s21+$0x0], $0xffff  }
0x181: {  	v24 =	vld.idx.msk [tilespmem:v24+s20+$0x0], $0xffff  }
0x182: {  	v21 =	vld.idx.msk [tilespmem:v21+s21+$0x0], $0xffff  }
0x183: {  	v30 =	vunpack.i.u.bf16.f32 v28;
	v28 =	vunpack.i.l.bf16.f32 v28;
	v22 =	vld.idx.msk [tilespmem:v22+s20+$0x0], $0xffff  }
0x184: {  	v32 =	vunpack.i.u.bf16.f32 v27;
	v27 =	vunpack.i.l.bf16.f32 v27;
	v18 =	vld.idx.msk [tilespmem:v18+s21+$0x0], $0xffff  }
0x185: {  	v27 =	vadd.f32 v27, v28;
	v28 =	vunpack.i.u.bf16.f32 v23;
	v23 =	vunpack.i.l.bf16.f32 v23;
	v19 =	vld.idx.msk [tilespmem:v19+s20+$0x0], $0xffff  }
0x186: {  	v30 =	vadd.f32 v32, v30;
	v32 =	vunpack.i.u.bf16.f32 v20;
	v20 =	vunpack.i.l.bf16.f32 v20;
	v16 =	vld.idx.msk [tilespmem:v16+s21+$0x0], $0xffff  }
0x187: {  	v20 =	vadd.f32 v20, v23;
	v23 =	vunpack.i.u.bf16.f32 v24;
	v24 =	vunpack.i.l.bf16.f32 v24;
	v17 =	vld.idx.msk [tilespmem:v17+s20+$0x0], $0xffff  }
0x188: {  	v28 =	vadd.f32 v32, v28;
	v32 =	vunpack.i.u.bf16.f32 v21;
	v21 =	vunpack.i.l.bf16.f32 v21;
	v14 =	vld.idx.msk [tilespmem:v14+s21+$0x0], $0xffff  }
0x189: {  	v21 =	vadd.f32 v21, v24;
	v24 =	vunpack.i.u.bf16.f32 v22;
	v22 =	vunpack.i.l.bf16.f32 v22;
	v15 =	vld.idx.msk [tilespmem:v15+s20+$0x0], $0xffff  }
0x18a: {  	v23 =	vadd.f32 v32, v23;
	v32 =	vunpack.i.u.bf16.f32 v18;
	v18 =	vunpack.i.l.bf16.f32 v18;
	v13 =	vld.idx.msk [tilespmem:v13+s21+$0x0], $0xffff  }
0x18b: {  	v18 =	vadd.f32 v18, v22;
	v22 =	vunpack.i.u.bf16.f32 v19;
	v19 =	vunpack.i.l.bf16.f32 v19;
	[tilespmem:v1+s0+$0x0] =	vst.idx.add.f32.msk $0xffff, v12;
	v1 =	vmovc v31  }
0x18c: {  	v12 =	vadd.f32 v32, v24;
	v24 =	vunpack.i.u.bf16.f32 v16;
	v16 =	vunpack.i.l.bf16.f32 v16;
	[tilespmem:v2+s31+$0x0] =	vst.idx.add.f32.msk $0xffff, v11  }
0x18d: {  	v11 =	vadd.f32 v16, v19;
	v16 =	vunpack.i.u.bf16.f32 v17;
	v17 =	vunpack.i.l.bf16.f32 v17;
	[tilespmem:v2+s0+$0x0] =	vst.idx.add.f32.msk $0xffff, v10;
	v2 =	vmovc v51  }
0x18e: {  	v10 =	vadd.f32 v24, v22;
	v19 =	vunpack.i.u.bf16.f32 v14;
	v14 =	vunpack.i.l.bf16.f32 v14;
	[tilespmem:v3+s31+$0x0] =	vst.idx.add.f32.msk $0xffff, v9  }
0x18f: {  	v9 =	vadd.f32 v14, v17;
	v14 =	vunpack.i.u.bf16.f32 v15;
	v15 =	vunpack.i.l.bf16.f32 v15;
	[tilespmem:v3+s0+$0x0] =	vst.idx.add.f32.msk $0xffff, v8;
	v3 =	vmovc v38  }
0x190: {  	v8 =	vadd.f32 v19, v16;
	v16 =	vunpack.i.u.bf16.f32 v13;
	v13 =	vunpack.i.l.bf16.f32 v13;
	[tilespmem:v4+s31+$0x0] =	vst.idx.add.f32.msk $0xffff, v7  }
0x191: {  	v7 =	vmax.f32 v27, $0.0e+00;
	v15 =	vadd.f32 v13, v15;
	v16 =	vadd.f32 v16, v14;
	[tilespmem:v4+s0+$0x0] =	vst.idx.add.f32.msk $0xffff, v6  }
.Ltmp4:
0x192: {  	v17 =	vmax.f32 v28, $0.0e+00;
	v6 =	vmax.f32 v30, $0.0e+00;
	v4 =	vmovc v29;
	[tilespmem:v26+s31+$0x0] =	vst.idx.add.f32.msk $0xffff, v7;
	v7 =	vmax.f32 v20, $0.0e+00;
	(pc) =	sbr.rel @p1 .LBB2_7-.Ltmp4, $4  }
0x193: {  	v14 =	vmax.f32 v23, $0.0e+00;
	v13 =	vmax.f32 v18, $0.0e+00;
	[tilespmem:v26+s0+$0x0] =	vst.idx.add.f32.msk $0xffff, v6;
	v6 =	vmax.f32 v21, $0.0e+00  }
0x194: {  	v12 =	vmax.f32 v12, $0.0e+00;
	v11 =	vmax.f32 v11, $0.0e+00;
	v10 =	vmax.f32 v10, $0.0e+00;
	[tilespmem:v25+s31+$0x0] =	vst.idx.add.f32.msk $0xffff, v7  }
0x195: {  	v9 =	vmax.f32 v9, $0.0e+00;
	v8 =	vmax.f32 v8, $0.0e+00;
	v7 =	vmax.f32 v15, $0.0e+00;
	[tilespmem:v25+s0+$0x0] =	vst.idx.add.f32.msk $0xffff, v17  }
0x196: {  	s8 =	sadd.s32 $0x80, s8;
	[tilespmem:v5+s31+$0x0] =	vst.idx.add.f32.msk $0xffff, v6;
	v6 =	vmax.f32 v16, $0.0e+00  }
0x197: {  	_ =	sdelay $0x3  }
0x198: {  	[tilespmem:v5+s0+$0x0] =	vst.idx.add.f32.msk $0xffff, v14  }
0x199: {  	[tilespmem:v1+s31+$0x0] =	vst.idx.add.f32.msk $0xffff, v13  }
0x19a: {  	[tilespmem:v2+s31+$0x0] =	vst.idx.add.f32.msk $0xffff, v11  }
0x19b: {  	[tilespmem:v3+s31+$0x0] =	vst.idx.add.f32.msk $0xffff, v9  }
.Ltmp5:
0x19c: {  	[tilespmem:v4+s31+$0x0] =	vst.idx.add.f32.msk $0xffff, v7;
	(pc) =	sbr.rel @p0 .LBB2_10-.Ltmp5, $4  }
0x19d: {  	[tilespmem:v1+s0+$0x0] =	vst.idx.add.f32.msk $0xffff, v12  }
0x19e: {  	[tilespmem:v2+s0+$0x0] =	vst.idx.add.f32.msk $0xffff, v10  }
0x19f: {  	[tilespmem:v3+s0+$0x0] =	vst.idx.add.f32.msk $0xffff, v8  }
0x1a0: {  	[tilespmem:v4+s0+$0x0] =	vst.idx.add.f32.msk $0xffff, v6  }
0x1a1: {  	s6 =	smul.u32 $0x3200, s5;
	_ =	sdelay $0x1  }
0x1a2: {  	s6 =	sshrl.u32 s6, $0x3  }
.Ltmp6:
0x1a3: {  	s6 =	sadd.s32 $0x960, s6;
	(pc) =	sbr.rel .LBB2_4-.Ltmp6, $4  }
0x1a4: {  	s7 =	sadd.s32 s3, s6  }
0x1a5: {  	[tilespmem:s24], [sflag:$0x3] =	stream.linear.gather [hbm4b:s7+s2], $0x1900, $0x38;
	[tilespmem:$0x15200] =	vst v63  }
0x1a6: {  	s5 =	sadd.s32 $0x1, s5;
	s6 =	sadd.s32 s4, s6  }
0x1a7: {  	[tilespmem:s25], [sflag:$0x4] =	stream.linear.gather [hbm4b:s6+s2], $0x1900, $0x38;
	[tilespmem:$0x15200] =	vst v63  }
.LBB2_11:
0x1a8: {  	_ =	sfence.sel $0x180000  }
0x1a9: {  	[bflag:$0x0] =	sbarrier.arrive $0xFFFF  }
0x1aa: {  	_ =	strace $0x9000004A  }
0x1ab: {  	s0 =	stileid.u32;
	[bflag:$0x2] =	sbarrier.arrive $0xFFFF  }
0x1ac: {  	p0 =	sne.s32 s0, $0x0;
	s0 =	rddreg [dreg:$0x2]  }
0x1ad: {  	s0 =	sadd.s32 @!p0 $0x100000, s0  }
0x1ae: {  	[sflag:s0] =	ssyncadd.tile.s32 @!p0 $0x1;
	_ =	shalt  }
.Lfunc_end2:
_tile_overlayer_lowered:
.L_overlay_start_2:
0x1af: {  	(tag) =	ssettag $0x2  }
0x1b0: {  	s0 =	rddreg [dreg:$0x0];
	s2 =	stileid.u32  }
0x1b1: {  	s1 =	rddreg [dreg:$0x1];
	p0 =	sne.s32 s2, $0x0  }
0x1b2: {  	s3 =	rddreg [dreg:$0x2];
	[bflag:$0x3] =	sbarrier.arrive $0xFFFF;
	s2 =	simm.s32 @!p0 $0x1C05  }
0x1b3: {  	[timem:s3], [sflag:s2] =	dma.local @!p0 [hbm:s0], s1  }
0x1b4: {  	s0 =	simm.s32 @!p0 $0x5  }
0x1b5: {  	_ =	swait.ge @!p0 [sflag:s0], s1  }
0x1b6: {  	s1 =	ssub.s32 @!p0 $0x0, s1;
	[sflag:s0] =	ssyncset.done @!p0 $0x0  }
0x1b7: {  	[sflag:s0] =	ssyncadd.s32 @!p0 s1  }
0x1b8: {  	[bflag:$0x3] =	sbarrier.arrive $0xFFFF  }
0x1b9: {  	_ =	shalt  }

// kernel: kernel.16.cloned.1.call-start
scs
__scs_entry_jumppad:
0x0: {  	(pc) =	sbr.rel $0x88, $3  }
0x1: {  	(tag) =	ssettag $0x0;
	lr =	simm.s32 $0x1  }
0x2: {  	[smem:$0x3F96] =	sst lr;
	_ =	strace $0xD0000000  }
0x3: {  	_ = 	snop  }
0x4: {  	_ = 	snop  }
0x5: {  	_ = 	snop  }
0x6: {  	_ = 	snop  }
0x7: {  	_ = 	snop  }
__scs_overlays_trampoline_lowered:
0x8: {  	[smem:$0x3FA5] =	sst s0  }
0x9: {  	[smem:$0x3FA6] =	sst s1  }
0xa: {  	[smem:$0x3FA7] =	sst s2  }
0xb: {  	[smem:$0x3FA8] =	sst s3  }
0xc: {  	[smem:$0x3FA9] =	sst s4  }
0xd: {  	[smem:$0x3FAA] =	sst s5  }
0xe: {  	[smem:$0x3FAB] =	sst s6  }
0xf: {  	[smem:$0x3FAC] =	sst s7  }
0x10: {  	[smem:$0x3FAD] =	sst s8  }
0x11: {  	[smem:$0x3FAE] =	sst s9;
	s0 =	simm.s32 @!p0 $0x0  }
0x12: {  	s1 =	sld [smem:$0x3F94];
	s0 =	simm.s32 @p0 $0x1  }
0x13: {  	[smem:$0x3FAF] =	sst s0;
	s0 =	simm.s32 @!p1 $0x0  }
0x14: {  	s2 =	sld [smem:$0x3F93];
	s0 =	simm.s32 @p1 $0x1  }
0x15: {  	[smem:$0x3FB0] =	sst s0;
	s0 =	simm.s32 @!p2 $0x0  }
0x16: {  	s3 =	sld [smem:$0x3FDB];
	s0 =	simm.s32 @p2 $0x1  }
0x17: {  	s4 =	simm.s32 $0x1BF5;
	[smem:$0x3FB2] =	sst s0  }
0x18: {  	s0 =	sld [smem:$0x3F95];
	_ =	swait.ge [sflag:s4], $0x0  }
0x19: {  	s7 =	sld [smem:$0x3F96]  }
0x1a: {  	s8 =	sadd.s32 $0xFFFFE003, lr  }
0x1b: {  	s9 =	sadd.s32 $0xFFFFFEF7, lr;
	s5 =	simm.s32 $0xFFFFFFFF;
	p2 =	slt.u32 s8, $0xFFFFF086  }
0x1c: {  	p1 =	slt.u32 s9, $0xF7A;
	s5 =	simm.s32 @!p2 $0x0  }
0x1d: {  	s5 =	simm.s32 @p1 $0x1;
	p0 =	seq.s32 s7, s2  }
0x1e: {  	s7 =	smul.u32 @!p0 $0xF7A, s2;
	p2 =	seq.s32 @!p0 s5, $0x0  }
0x1f: {  	s9 =	smul.u32 $0xF7A, s1;
	s8 =	simm.s32 @!p0 $0x1BF5;
	p2 =	por !p2, p0  }
0x20: {  	[sflag:s8] =	ssyncset.s32 @!p0 $0xFFFFF086;
	s6 =	sadd.s32 @!p0 s3, s7;
	s7 =	simm.s32 @!p0 $0x108  }
0x21: {  	s3 =	sadd.s32 s3, s9;
	s6 =	sadd.s32 @!p0 $0x88, s6;
	s7 =	simm.s32 @p2 $0x1082  }
0x22: {  	[simem:s7], [sflag:s8] =	dma.local @!p0 [hbm:s6], $0xF7A  }
0x23: {  	s9 =	sor.u32 $0xD0000000, s2;
	s6 =	simm.s32 $0x108;
	_ =	swait.ge @!p0 [sflag:s8], $0x0  }
0x24: {  	s3 =	sadd.s32 $0x88, s3;
	s6 =	simm.s32 @!p1 $0x1082;
	[sflag:s4] =	ssyncset.s32 $0xFFFFF086  }
0x25: {  	[simem:s6], [sflag:s4] =	dma.local [hbm:s3], $0xF7A  }
0x26: {  	[smem:$0x3F96] =	sst s1;
	(tag) =	ssettag s2;
	_ =	strace s9  }
0x27: {  	s1 =	sld [smem:$0x3FA6]  }
0x28: {  	s2 =	sld [smem:$0x3FA7]  }
0x29: {  	s4 =	sld [smem:$0x3FA9]  }
0x2a: {  	p0 =	seq.s32 s5, $0x0;
	s5 =	sld [smem:$0x3FAA]  }
0x2b: {  	s6 =	sld [smem:$0x3FAB]  }
0x2c: {  	s7 =	sld [smem:$0x3FAC]  }
0x2d: {  	s3 =	simm.s32 $0x108;
	s8 =	sld [smem:$0x3FAD]  }
0x2e: {  	s3 =	simm.s32 @!p0 $0x1082;
	s9 =	sld [smem:$0x3FAE]  }
0x2f: {  	lr =	sadd.s32 s0, s3;
	s0 =	sld [smem:$0x3FA5]  }
0x30: {  	s3 =	sld [smem:$0x3FA8]  }
0x31: {  	[smem:$0x3FB1] =	sst s10  }
0x32: {  	s10 =	sld [smem:$0x3FAF];
	_ =	sdelay $0x3  }
0x33: {  	p0 =	seq.s32 s10, $0x1;
	s10 =	sld [smem:$0x3FB1];
	_ =	sdelay $0x3  }
0x34: {  	[smem:$0x3FB1] =	sst s10  }
0x35: {  	s10 =	sld [smem:$0x3FB0];
	_ =	sdelay $0x3  }
0x36: {  	p1 =	seq.s32 s10, $0x1;
	s10 =	sld [smem:$0x3FB1];
	_ =	sdelay $0x3  }
0x37: {  	[smem:$0x3FB1] =	sst s10  }
0x38: {  	s10 =	sld [smem:$0x3FB2]  }
0x39: {  	_ = 	snop;
	(pc) =	sbr.ind lr, $3  }
0x3a: {  	_ = 	snop  }
0x3b: {  	_ = 	snop  }
0x3c: {  	p2 =	seq.s32 s10, $0x1;
	s10 =	sld [smem:$0x3FB1]  }
0x3d: {  	_ =	shalt  }
0x3e: {  	_ =	shalt  }
0x3f: {  	_ =	shalt  }
0x40: {  	_ =	shalt  }
0x41: {  	_ =	shalt  }
0x42: {  	_ =	shalt  }
0x43: {  	_ =	shalt  }
0x44: {  	_ =	shalt  }
0x45: {  	_ =	shalt  }
0x46: {  	_ =	shalt  }
0x47: {  	_ =	shalt  }
0x48: {  	_ =	shalt  }
0x49: {  	_ =	shalt  }
0x4a: {  	_ =	shalt  }
0x4b: {  	_ =	shalt  }
0x4c: {  	_ =	shalt  }
0x4d: {  	_ =	shalt  }
0x4e: {  	_ =	shalt  }
0x4f: {  	_ =	shalt  }
0x50: {  	_ =	shalt  }
0x51: {  	_ =	shalt  }
0x52: {  	_ =	shalt  }
0x53: {  	_ =	shalt  }
0x54: {  	_ =	shalt  }
0x55: {  	_ =	shalt  }
0x56: {  	_ =	shalt  }
0x57: {  	_ =	shalt  }
0x58: {  	_ =	shalt  }
0x59: {  	_ =	shalt  }
0x5a: {  	_ =	shalt  }
0x5b: {  	_ =	shalt  }
0x5c: {  	_ =	shalt  }
0x5d: {  	_ =	shalt  }
0x5e: {  	_ =	shalt  }
0x5f: {  	_ =	shalt  }
0x60: {  	_ =	shalt  }
0x61: {  	_ =	shalt  }
0x62: {  	_ =	shalt  }
0x63: {  	_ =	shalt  }
0x64: {  	_ =	shalt  }
0x65: {  	_ =	shalt  }
0x66: {  	_ =	shalt  }
0x67: {  	_ =	shalt  }
0x68: {  	_ =	shalt  }
0x69: {  	_ =	shalt  }
0x6a: {  	_ =	shalt  }
0x6b: {  	_ =	shalt  }
0x6c: {  	_ =	shalt  }
0x6d: {  	_ =	shalt  }
0x6e: {  	_ =	shalt  }
0x6f: {  	_ =	shalt  }
0x70: {  	_ =	shalt  }
0x71: {  	_ =	shalt  }
0x72: {  	_ =	shalt  }
0x73: {  	_ =	shalt  }
0x74: {  	_ =	shalt  }
0x75: {  	_ =	shalt  }
0x76: {  	_ =	shalt  }
0x77: {  	_ =	shalt  }
0x78: {  	_ =	shalt  }
0x79: {  	_ =	shalt  }
0x7a: {  	_ =	shalt  }
0x7b: {  	_ =	shalt  }
0x7c: {  	_ =	shalt  }
0x7d: {  	_ =	shalt  }
0x7e: {  	_ =	shalt  }
0x7f: {  	_ =	shalt  }
0x80: {  	_ =	shalt  }
0x81: {  	_ =	shalt  }
0x82: {  	_ =	shalt  }
0x83: {  	_ =	shalt  }
0x84: {  	_ =	shalt  }
0x85: {  	_ =	shalt  }
0x86: {  	_ =	shalt  }
0x87: {  	_ =	shalt  }
.Lfunc_end0:
.L_simem_size_0:
called_computation.2_lowered:
.L_overlay_start_0:
0x88: {  	s2 =	sld [smem:$0x3FD9]  }
0x89: {  	s3 =	sld [smem:$0x3FFE];
	_ =	sdelay $0x1  }
0x8a: {  	s1 =	srdreg.scid  }
0x8b: {  	s0 =	sand.u32 $0x1, s1  }
0x8c: {  	s14 =	sshll.u32 s0, $0xA;
	s2 =	sadd.s32 s3, s2  }
0x8d: {  	s2 =	sadd.s32 s2, s14  }
0x8e: {  	[smem:$0x3FBD] =	sst s2  }
0x8f: {  	_ = 	snop  }
0x90: {  	s2 =	sld [smem:$0x3FD0];
	_ =	sdelay $0x2  }
0x91: {  	s15 =	simm.s32 $0xA;
	s4 =	simm.s32 $0x10  }
0x92: {  	[smem:s4], [sflag:s15] =	dma.local [hbm:s2], $0x1  }
0x93: {  	_ =	swait.eq [sflag:s15], $0x1  }
0x94: {  	[sflag:s15] =	ssyncset.done $0x0  }
0x95: {  	[sflag:s15] =	ssyncadd.s32 $0xFFFFFFFF  }
0x96: {  	s16 =	sld [smem:$0x10];
	(tm) =	ssettm $0x1  }
0x97: {  	s17 =	sld [smem:$0x3FFB];
	_ =	sdelay $0x3  }
0x98: {  	_ =	strace s17  }
0x99: {  	s3 =	sld [smem:$0x3FFC];
	_ =	sdelay $0x3  }
0x9a: {  	_ =	strace s3  }
0x9b: {  	s3 =	sld [smem:$0x3FFD];
	_ =	sdelay $0x3  }
0x9c: {  	_ =	strace s3  }
0x9d: {  	_ =	strace $0x8FFFFFFF  }
0x9e: {  	s18 =	sld [smem:$0x3FDB];
	_ =	sdelay $0x1  }
0x9f: {  	s19 =	simm.s32 $_scs_section_size  }
0xa0: {  	s5 =	simm.s32 $_size__tile_overlayer_lowered;
	s6 =	simm.s32 $_tile_overlayer_lowered  }
0xa1: {  	s22 =	simm.s32 $0x1BFF;
	s21 =	sshll.u32 s6, $0x1;
	s3 =	sadd.s32 s19, s18  }
0xa2: {  	s7 =	simm.s32 $0x0;
	s20 =	sshll.u32 s5, $0x1;
	s5 =	sadd.s32 s21, s3  }
0xa3: {  	[timem:s7], [sflag:s22] =	dma.local [hbm:s5], s20  }
0xa4: {  	_ =	swait.ge [sflag:s22], s20  }
0xa5: {  	s4 =	ssub.s32 $0x0, s20;
	[sflag:s22] =	ssyncset.done $0x0  }
0xa6: {  	[sflag:s22] =	ssyncadd.s32 s4;
	_ =	sdelay $0x1  }
0xa7: {  	s23 =	simm.s32 $0x1B8B  }
0xa8: {  	_ =	swait.ge [sflag:s23], $0x1  }
0xa9: {  	[sflag:s23] =	ssyncset.done $0x0  }
0xaa: {  	s25 =	simm.s32 $0x1B8E;
	s24 =	sld [smem:$0x3FFE];
	[sflag:s23] =	ssyncadd.s32 $0xFFFFFFFF  }
0xab: {  	s26 =	simm.s32 $execute0_lowered;
	[smem:$0x3FD2] =	sst s25  }
0xac: {  	s5 =	sshll.u32 s26, $0x1;
	_ =	strace $0x8000004C;
	[dreg:$0x1] =	wrdreg $0xFFFFFFFF  }
0xad: {  	s28 =	simm.s32 $_size_execute0_lowered;
	s3 =	sadd.s32 s3, s5;
	[dreg:$0x0] =	wrdreg $0x0  }
0xae: {  	s5 =	sshll.u32 s28, $0x1;
	[dreg:$0x2] =	wrdreg s3  }
0xaf: {  	[dreg:$0x3] =	wrdreg s5  }
0xb0: {  	[dreg:$0x4] =	wrdreg $0xC0  }
0xb1: {  	_ =	task [dreg:s7], $0x5FFFF  }
0xb2: {  	[dreg:$0x1] =	wrdreg $0xFFFFFFFF  }
0xb3: {  	[dreg:$0x0] =	wrdreg $0x60  }
0xb4: {  	[dreg:$0x2] =	wrdreg s24  }
0xb5: {  	[dreg:$0x3] =	wrdreg s16  }
0xb6: {  	[dreg:$0x4] =	wrdreg $0x9  }
0xb7: {  	_ =	task.clear_ibuf [dreg:s7], $0x5FFFF;
	_ =	strace $0x9000004C  }
0xb8: {  	s29 =	simm.s32 $0x9;
	_ =	strace $0x8000004E  }
0xb9: {  	_ =	swait.ge [sflag:s29], $0x1  }
0xba: {  	[sflag:s29] =	ssyncadd.s32 $0xFFFFFFFF  }
0xbb: {  	_ =	strace $0x9000004E  }
0xbc: {  	_ =	sfence  }
0xbd: {  	s30 =	sld [smem:$0x0];
	_ =	sdelay $0x2  }
0xbe: {  	s31 =	sshll.u32 s1, $0xD;
	s1 =	sshrl.u32 s1, $0x2  }
0xbf: {  	s3 =	sand.u32 $0x4000, s31;
	s1 =	sadd.s32 s1, s30  }
0xc0: {  	s0 =	sor.u32 s3, s0;
	s1 =	sshll.u32 s1, $0x11  }
0xc1: {  	s0 =	sor.u32 s1, s0  }
0xc2: {  	s0 =	sadd.s32 $0x8F2B, s0  }
0xc3: {  	[sflag:s0] =	ssyncadd.remote.s32 $0x1  }
0xc4: {  	_ =	sfence.sel $0xFFFF  }
0xc5: {  	[dreg:$0x0] =	wrdreg $0xFFFFFFFF;
	(pc) =	sbr.abs _section_cstart, $3  }
0xc6: {  	[dreg:$0x1] =	wrdreg $0xFFFFFFFF  }
0xc7: {  	_ =	task.clear_ibuf [dreg:s7], $0x2FFFF;
	_ =	strace $0x9FFFFFFF  }
0xc8: {  	(tm) =	ssettm $0x7FFFFFFF  }
0xc9: {  	_ =	shalt  }
tec
execute0_lowered:
.L_overlay_start_1:
0x0: {  	(tag) =	ssettag $0x1  }
0x1: {  	s0 =	rddreg [dreg:$0x0]  }
0x2: {  	s1 =	rddreg [dreg:$0x1];
	s2 =	simm.s32 $0x0  }
0x3: {  	s3 =	srdreg.scid;
	s8 =	stileid.u32;
	s16 =	simm.s32 $0x80  }
0x4: {  	s17 =	simm.s32 $0x400;
	s18 =	simm.s32 $0x5;
	s19 =	simm.s32 $0xED00  }
0x5: {  	s28 =	simm.s32 $0x2;
	s29 =	simm.s32 $0x4F00;
	s30 =	simm.s32 $0x9E00  }
0x6: {  	s31 =	simm.s32 $0x7680;
	[smem:$0x7FF] =	sst s2;
	s5 =	sand.u32 $0x1, s3  }
0x7: {  	s6 =	sadd.s32 $0x16A00, s0;
	s4 =	sshll.u32 s8, $0x2;
	s3 =	sadd.s32 $0xCC00, s0  }
0x8: {  	s8 =	sshrl.u32 s8, $0x1;
	s14 =	sadd.s32 $0x2A600, s0;
	s23 =	sadd.s32 $0xCF20, s0  }
0x9: {  	_ =	strace $0x8000004D;
	s7 =	sshll.u32 s5, $0x1;
	s9 =	smul.u32 $0x13C00, s8  }
0xa: {  	s5 =	ssub.s32 $0x2, s5;
	s8 =	sshll.u32 s8, $0xA;
	[dreg:$0x7] =	wrdreg s23  }
0xb: {  	s23 =	simm.s32 $0x0;
	s7 =	sor.u32 s7, s4;
	s4 =	sadd.s32 $0x2E00, s0  }
0xc: {  	s11 =	sshrl.u32 s5, $0x1;
	s10 =	sshll.u32 s7, $0x7;
	s7 =	sor.u32 $0x41, s7  }
0xd: {  	s5 =	ssub.s32 s5, s11;
	s10 =	sand.u32 $0x300, s10;
	s22 =	sshrl.u32 s7, $0x3  }
0xe: {  	s24 =	sshll.u32 s7, $0x7;
	s12 =	sor.u32 s9, s10;
	s13 =	sor.u32 s8, s10  }
0xf: {  	s10 =	sor.u32 $0x80, s10;
	s20 =	sshrl.u32 s12, $0x3;
	s13 =	sshrl.u32 s13, $0x3  }
0x10: {  	s9 =	sor.u32 s9, s10;
	s8 =	sor.u32 s8, s10;
	s10 =	sadd.s32 $0x3120, s0  }
0x11: {  	s25 =	sadd.s32 $0x9E000, s12;
	s15 =	sadd.s32 s6, s20;
	s13 =	sadd.s32 s1, s13  }
0x12: {  	s21 =	sshrl.u32 s9, $0x3;
	s8 =	sshrl.u32 s8, $0x3;
	s11 =	sadd.s32 s14, s20  }
0x13: {  	s0 =	sshrl.u32 s25, $0x3;
	s20 =	simm.s32 $0x2780;
	[dreg:$0x3] =	wrdreg s15  }
0x14: {  	s25 =	simm.s32 $0x13900;
	[dreg:$0x4] =	wrdreg s13;
	s1 =	sadd.s32 s1, s8  }
0x15: {  	s6 =	sadd.s32 s6, s21;
	[dreg:$0x6] =	wrdreg s1;
	s1 =	smul.u32 $0x13C00, s22  }
.Ltmp0:
0x16: {  	s12 =	sadd.s32 s14, s0;
	s13 =	sadd.s32 s14, s21;
	(pc) =	sbr.rel .LBB2_1-.Ltmp0, $4  }
0x17: {  	s15 =	smax.u32 s5, $0x1;
	[dreg:$0x5] =	wrdreg s6;
	s6 =	sand.u32 $0x380, s24  }
0x18: {  	s21 =	simm.s32 $0xED80;
	s0 =	simm.s32 $0xC580;
	s1 =	sor.u32 s6, s1  }
0x19: {  	s24 =	simm.s32 $0x12000;
	s22 =	simm.s32 $0x4;
	s26 =	sshrl.u32 s1, $0x3  }
0x1a: {  	v0 =	vimm.f32 $0.0e+00;
	s1 =	simm.s32 $0x3;
	s14 =	sadd.s32 s14, s26;
	s26 =	simm.s32 $0x1  }
.LBB2_10:
0x1b: {  	[hbm4b:s11+s16] =	stream.strided.scatter [tilespmem:s29], [sflag:$0x5], $0x2780, s17, s16, $0x38;
	[tilespmem:$0x15200] =	vst v63  }
0x1c: {  	_ =	swait.ge [sflag:s18], $0x2780  }
0x1d: {  	[sflag:s18] =	ssyncset.done $0x0  }
0x1e: {  	[sflag:s18] =	ssyncadd.s32 $0xFFFFD880  }
0x1f: {  	[hbm4b:s12+s16] =	stream.strided.scatter [tilespmem:s30], [sflag:$0x5], $0x2780, s17, s16, $0x38;
	[tilespmem:$0x15200] =	vst v63  }
0x20: {  	_ =	swait.ge [sflag:s18], $0x2780  }
0x21: {  	[sflag:s18] =	ssyncset.done $0x0  }
0x22: {  	[sflag:s18] =	ssyncadd.s32 $0xFFFFD880  }
0x23: {  	[hbm4b:s13+s16] =	stream.strided.scatter [tilespmem:s31], [sflag:$0x5], $0x2780, s17, s16, $0x38;
	[tilespmem:$0x15200] =	vst v63  }
0x24: {  	s23 =	sadd.s32 $0x1, s23;
	_ =	swait.ge [sflag:s18], $0x2780  }
0x25: {  	p0 =	sne.s32 s23, s15;
	[sflag:s18] =	ssyncset.done $0x0  }
.Ltmp1:
0x26: {  	[sflag:s18] =	ssyncadd.s32 $0xFFFFD880;
	(pc) =	sbr.rel @!p0 .LBB2_11-.Ltmp1, $4  }
0x27: {  	[hbm4b:s14+s16] =	stream.strided.scatter [tilespmem:s0], [sflag:$0x5], $0x2780, s17, s16, $0x38;
	[tilespmem:$0x15200] =	vst v63  }
0x28: {  	_ =	swait.ge [sflag:s18], $0x2780  }
0x29: {  	[sflag:s18] =	ssyncset.done $0x0  }
0x2a: {  	[sflag:s18] =	ssyncadd.s32 $0xFFFFD880  }
.LBB2_1:
0x2b: {  	s5 =	rddreg [dreg:$0x3]  }
0x2c: {  	[tilespmem:s2], [sflag:$0x5] =	stream.strided.gather [hbm4b:s5+s16], $0x2780, s17, s16, $0x38;
	[tilespmem:$0x15200] =	vst v63  }
0x2d: {  	_ =	swait.ge [sflag:s18], $0x2780  }
0x2e: {  	[sflag:s18] =	ssyncset.done $0x0  }
0x2f: {  	s7 =	rddreg [dreg:$0x4];
	[sflag:s18] =	ssyncadd.s32 $0xFFFFD880  }
0x30: {  	[tilespmem:s19], [sflag:$0x5] =	stream.linear.gather [hbm4b:s7+s2], $0x80, $0x38;
	[tilespmem:$0x15200] =	vst v63  }
0x31: {  	_ =	swait.ge [sflag:s18], $0x80  }
0x32: {  	[sflag:s18] =	ssyncset.done $0x0  }
0x33: {  	s8 =	rddreg [dreg:$0x5];
	[sflag:s18] =	ssyncadd.s32 $0xFFFFFF80  }
0x34: {  	[tilespmem:s20], [sflag:$0x5] =	stream.strided.gather [hbm4b:s8+s16], $0x2780, s17, s16, $0x38;
	[tilespmem:$0x15200] =	vst v63  }
0x35: {  	_ =	swait.ge [sflag:s18], $0x2780  }
0x36: {  	[sflag:s18] =	ssyncset.done $0x0  }
0x37: {  	s9 =	rddreg [dreg:$0x6];
	[sflag:s18] =	ssyncadd.s32 $0xFFFFD880  }
0x38: {  	[tilespmem:s21], [sflag:$0x5] =	stream.linear.gather [hbm4b:s9+s2], $0x80, $0x38;
	[tilespmem:$0x15200] =	vst v63  }
0x39: {  	_ =	swait.ge [sflag:s18], $0x80  }
0x3a: {  	[sflag:s18] =	ssyncset.done $0x0  }
0x3b: {  	s6 =	simm.s32 $0x40;
	s5 =	simm.s32 $0x0;
	[sflag:s18] =	ssyncadd.s32 $0xFFFFFF80  }
.LBB2_2:
0x3c: {  	p0 =	sne.s32 s6, $0x9C00;
	[tilespmem:s5+$0xC580] =	vst v0;
	s7 =	smov.u32 s6;
	s6 =	sadd.s32 $0x40, s6  }
.Ltmp2:
0x3d: {  	[tilespmem:s5+$0x9E00] =	vst v0;
	(pc) =	sbr.rel @p0 .LBB2_2-.Ltmp2, $3  }
0x3e: {  	[tilespmem:s5+$0x4F00] =	vst v0  }
0x3f: {  	[tilespmem:s5+$0x7680] =	vst v0;
	_ =	sdelay $0x1  }
0x40: {  	s5 =	sshra.s32 s7, $0x2  }
0x41: {  	[tilespmem:s5+$0xC580] =	vst v0  }
0x42: {  	[tilespmem:s5+$0x9E00] =	vst v0  }
0x43: {  	[tilespmem:s5+$0x4F00] =	vst v0  }
0x44: {  	[tilespmem:s5+$0x7680] =	vst v0;
	s5 =	simm.s32 $0x0;
	s6 =	simm.s32 $0xEE00  }
0x45: {  	[tilespmem:s6], [sflag:$0x1] =	stream.linear.gather [hbm4b:s3+s5], $0x1900, $0x38;
	[tilespmem:$0x15200] =	vst v63  }
0x46: {  	s8 =	simm.s32 $0x10700  }
0x47: {  	[tilespmem:s8], [sflag:$0x2] =	stream.linear.gather [hbm4b:s4+s5], $0x1900, $0x38;
	[tilespmem:$0x15200] =	vst v63  }
0x48: {  	s9 =	rddreg [dreg:$0x7]  }
0x49: {  	[tilespmem:s24], [sflag:$0x3] =	stream.linear.gather [hbm4b:s9+s5], $0x1900, $0x38;
	[tilespmem:$0x15200] =	vst v63  }
0x4a: {  	_ = 	snop  }
0x4b: {  	[tilespmem:s25], [sflag:$0x4] =	stream.linear.gather [hbm4b:s10+s5], $0x1900, $0x38;
	[tilespmem:$0x15200] =	vst v63  }
.LBB2_4:
0x4c: {  	_ =	swait.ge [sflag:s26], $0x1900  }
0x4d: {  	[sflag:s26] =	ssyncset.done $0x0  }
0x4e: {  	[sflag:s26] =	ssyncadd.s32 $0xFFFFE700  }
0x4f: {  	_ =	swait.ge [sflag:s28], $0x1900  }
0x50: {  	[sflag:s28] =	ssyncset.done $0x0  }
0x51: {  	s6 =	simm.s32 $0xEE40;
	[sflag:s28] =	ssyncadd.s32 $0xFFFFE700  }
0x52: {  	v1 =	vld [tilespmem:s6+$0x30];
	_ =	sdelay $0x1  }
0x53: {  	v2 =	vld [tilespmem:s6+$0xFFFFFFD0]  }
0x54: {  	v3 =	vld [tilespmem:s6+$0xFFFFFFE0]  }
0x55: {  	v6 =	vld [tilespmem:s6+$0xFFFFFFC0]  }
0x56: {  	v4 =	vld [tilespmem:s6+$0xFFFFFFF0];
	v5 =	vand.u32 $0x3FFF, v1  }
0x57: {  	v7 =	vld [tilespmem:s6+$0x0];
	v1 =	vshra.s32 v1, $0xE  }
0x58: {  	v8 =	vld [tilespmem:s6+$0x10];
	v9 =	vand.u32 $0x3FFF, v2  }
0x59: {  	v10 =	vshra.s32 v2, $0xE;
	v2 =	vld [tilespmem:s6+$0x20];
	s6 =	simm.s32 $0x10740  }
0x5a: {  	v11 =	vand.u32 $0x3FFF, v3;
	v14 =	vand.u32 $0x3FFF, v6;
	v16 =	vshra.s32 v6, $0xE;
	v6 =	vld [tilespmem:s6+$0x30]  }
0x5b: {  	v13 =	vshra.s32 v3, $0xE;
	v12 =	vld.idx.msk [tilespmem:v5+s2+$0x0], $0xffff  }
0x5c: {  	v3 =	vld.idx.msk [tilespmem:v1+s19+$0x0], $0xffff  }
0x5d: {  	v15 =	vld.idx.msk [tilespmem:v9+s2+$0x0], $0xffff  }
0x5e: {  	v17 =	vand.u32 $0x3FFF, v4;
	v18 =	vld.idx.msk [tilespmem:v10+s19+$0x0], $0xffff  }
0x5f: {  	v19 =	vshra.s32 v4, $0xE;
	v4 =	vld.idx.msk [tilespmem:v11+s2+$0x0], $0xffff  }
0x60: {  	v26 =	vshra.s32 v7, $0xE;
	v20 =	vld.idx.msk [tilespmem:v13+s19+$0x0], $0xffff  }
0x61: {  	v28 =	vshra.s32 v8, $0xE;
	v21 =	vld.idx.msk [tilespmem:v14+s2+$0x0], $0xffff  }
0x62: {  	v24 =	vld.idx.msk [tilespmem:v16+s19+$0x0], $0xffff;
	v30 =	vand.u32 $0x3FFF, v2  }
0x63: {  	v48 =	vld.idx.msk [tilespmem:v17+s2+$0x0], $0xffff  }
0x64: {  	v25 =	vld.idx.msk [tilespmem:v19+s19+$0x0], $0xffff  }
0x65: {  	v33 =	vld.idx.msk [tilespmem:v26+s19+$0x0], $0xffff;
	v22 =	vunpack.i.l.bf16.f32 v12;
	v23 =	vunpack.i.l.bf16.f32 v3  }
0x66: {  	v35 =	vld.idx.msk [tilespmem:v28+s19+$0x0], $0xffff;
	v22 =	vadd.f32 v23, v22  }
0x67: {  	v12 =	vunpack.i.u.bf16.f32 v12;
	v3 =	vunpack.i.u.bf16.f32 v3;
	v36 =	vld.idx.msk [tilespmem:v30+s2+$0x0], $0xffff  }
0x68: {  	v3 =	vadd.f32 v3, v12;
	v12 =	vand.u32 $0x3FFF, v7;
	v7 =	vld [tilespmem:s6+$0xFFFFFFC0];
	v22 =	vmax.f32 v22, $0.0e+00  }
0x69: {  	[tilespmem:v6+s29+$0x0] =	vst.idx.add.f32.msk $0xffff, v22  }
0x6a: {  	v32 =	vshra.s32 v2, $0xE;
	v3 =	vmax.f32 v3, $0.0e+00;
	v22 =	vand.u32 $0x3FFF, v8;
	v8 =	vld [tilespmem:s6+$0xFFFFFFD0]  }
0x6b: {  	[tilespmem:v6+s30+$0x0] =	vst.idx.add.f32.msk $0xffff, v3  }
0x6c: {  	v27 =	vld.idx.msk [tilespmem:v5+s20+$0x0], $0xffff  }
0x6d: {  	v29 =	vld.idx.msk [tilespmem:v1+s21+$0x0], $0xffff  }
0x6e: {  	v2 =	vunpack.i.u.bf16.f32 v15;
	v37 =	vunpack.i.l.bf16.f32 v24;
	v31 =	vld.idx.msk [tilespmem:v12+s2+$0x0], $0xffff  }
0x6f: {  	v38 =	vunpack.i.u.bf16.f32 v4;
	v3 =	vunpack.i.u.bf16.f32 v18;
	v1 =	vunpack.i.l.bf16.f32 v15;
	v15 =	vld.idx.msk [tilespmem:v32+s19+$0x0], $0xffff  }
0x70: {  	v4 =	vunpack.i.l.bf16.f32 v4;
	v5 =	vunpack.i.l.bf16.f32 v21;
	v40 =	vadd.f32 v3, v2;
	v2 =	vld [tilespmem:s6+$0x0]  }
0x71: {  	v39 =	vunpack.i.l.bf16.f32 v20;
	v18 =	vunpack.i.l.bf16.f32 v18;
	v37 =	vadd.f32 v37, v5;
	v5 =	vld [tilespmem:s6+$0xFFFFFFE0]  }
0x72: {  	v21 =	vunpack.i.u.bf16.f32 v21;
	v3 =	vunpack.i.u.bf16.f32 v24;
	v18 =	vadd.f32 v18, v1;
	v1 =	vld [tilespmem:s6+$0xFFFFFFF0]  }
0x73: {  	v50 =	vadd.f32 v39, v4;
	v4 =	vadd.f32 v3, v21;
	v3 =	vld [tilespmem:s6+$0x10]  }
0x74: {  	v34 =	vld.idx.msk [tilespmem:v22+s2+$0x0], $0xffff  }
0x75: {  	v49 =	vmax.f32 v37, $0.0e+00;
	v53 =	vmax.f32 v4, $0.0e+00;
	v4 =	vld [tilespmem:s6+$0x20]  }
0x76: {  	[tilespmem:v7+s29+$0x0] =	vst.idx.add.f32.msk $0xffff, v49  }
0x77: {  	v18 =	vmax.f32 v18, $0.0e+00;
	[tilespmem:v7+s30+$0x0] =	vst.idx.add.f32.msk $0xffff, v53  }
0x78: {  	[tilespmem:v8+s29+$0x0] =	vst.idx.add.f32.msk $0xffff, v18  }
0x79: {  	v20 =	vunpack.i.u.bf16.f32 v20;
	v51 =	vunpack.i.u.bf16.f32 v48;
	v14 =	vld.idx.msk [tilespmem:v14+s20+$0x0], $0xffff  }
0x7a: {  	v52 =	vunpack.i.u.bf16.f32 v25;
	v25 =	vunpack.i.l.bf16.f32 v25;
	v54 =	vmax.f32 v40, $0.0e+00;
	v16 =	vld.idx.msk [tilespmem:v16+s21+$0x0], $0xffff  }
0x7b: {  	v58 =	vunpack.i.u.bf16.f32 v33;
	v33 =	vunpack.i.l.bf16.f32 v33;
	v23 =	vunpack.i.l.bf16.f32 v48;
	[tilespmem:v8+s30+$0x0] =	vst.idx.add.f32.msk $0xffff, v54  }
0x7c: {  	v23 =	vadd.f32 v25, v23;
	v57 =	vunpack.i.u.bf16.f32 v31;
	v31 =	vunpack.i.l.bf16.f32 v31;
	v9 =	vld.idx.msk [tilespmem:v9+s20+$0x0], $0xffff  }
0x7d: {  	v20 =	vadd.f32 v20, v38;
	v55 =	vmax.f32 v50, $0.0e+00;
	v31 =	vadd.f32 v33, v31;
	v10 =	vld.idx.msk [tilespmem:v10+s21+$0x0], $0xffff  }
0x7e: {  	v61 =	vunpack.i.u.bf16.f32 v35;
	v62 =	vunpack.i.l.bf16.f32 v35;
	v56 =	vmax.f32 v23, $0.0e+00;
	[tilespmem:v5+s29+$0x0] =	vst.idx.add.f32.msk $0xffff, v55  }
0x7f: {  	v20 =	vmax.f32 v20, $0.0e+00;
	v21 =	vadd.f32 v52, v51;
	v31 =	vmax.f32 v31, $0.0e+00;
	[tilespmem:v1+s29+$0x0] =	vst.idx.add.f32.msk $0xffff, v56  }
0x80: {  	v63 =	vunpack.i.l.bf16.f32 v36;
	v23 =	vadd.f32 v58, v57;
	v33 =	vunpack.i.l.bf16.f32 v15;
	[tilespmem:v2+s29+$0x0] =	vst.idx.add.f32.msk $0xffff, v31  }
0x81: {  	v42 =	vunpack.i.u.bf16.f32 v36;
	v21 =	vmax.f32 v21, $0.0e+00;
	v18 =	vadd.f32 v33, v63;
	[tilespmem:v5+s30+$0x0] =	vst.idx.add.f32.msk $0xffff, v20  }
0x82: {  	v39 =	vunpack.i.u.bf16.f32 v27;
	v40 =	vunpack.i.u.bf16.f32 v29;
	v23 =	vmax.f32 v23, $0.0e+00;
	[tilespmem:v1+s30+$0x0] =	vst.idx.add.f32.msk $0xffff, v21  }
0x83: {  	v15 =	vunpack.i.u.bf16.f32 v15;
	v59 =	vunpack.i.u.bf16.f32 v34;
	v18 =	vmax.f32 v18, $0.0e+00;
	[tilespmem:v2+s30+$0x0] =	vst.idx.add.f32.msk $0xffff, v23  }
0x84: {  	v15 =	vadd.f32 v15, v42;
	v60 =	vunpack.i.l.bf16.f32 v34;
	v34 =	vadd.f32 v61, v59;
	[tilespmem:v4+s29+$0x0] =	vst.idx.add.f32.msk $0xffff, v18  }
0x85: {  	v37 =	vunpack.i.l.bf16.f32 v27;
	v38 =	vunpack.i.l.bf16.f32 v29;
	v41 =	vadd.f32 v40, v39;
	v11 =	vld.idx.msk [tilespmem:v11+s20+$0x0], $0xffff  }
0x86: {  	v15 =	vmax.f32 v15, $0.0e+00;
	v20 =	vadd.f32 v62, v60;
	v35 =	vmax.f32 v34, $0.0e+00;
	v13 =	vld.idx.msk [tilespmem:v13+s21+$0x0], $0xffff  }
0x87: {  	v18 =	vadd.f32 v38, v37;
	v43 =	vunpack.i.l.bf16.f32 v14;
	v17 =	vld.idx.msk [tilespmem:v17+s20+$0x0], $0xffff;
	v44 =	vunpack.i.l.bf16.f32 v16  }
0x88: {  	v14 =	vunpack.i.u.bf16.f32 v14;
	v16 =	vunpack.i.u.bf16.f32 v16;
	v19 =	vld.idx.msk [tilespmem:v19+s21+$0x0], $0xffff;
	v20 =	vmax.f32 v20, $0.0e+00  }
0x89: {  	v12 =	vld.idx.msk [tilespmem:v12+s20+$0x0], $0xffff;
	v21 =	vadd.f32 v44, v43;
	v14 =	vadd.f32 v16, v14;
	v18 =	vmax.f32 v18, $0.0e+00  }
0x8a: {  	v47 =	vld.idx.msk [tilespmem:v26+s21+$0x0], $0xffff;
	v45 =	vunpack.i.u.bf16.f32 v9;
	v9 =	vunpack.i.l.bf16.f32 v9;
	v46 =	vunpack.i.l.bf16.f32 v10  }
0x8b: {  	[tilespmem:v3+s29+$0x0] =	vst.idx.add.f32.msk $0xffff, v20;
	v20 =	vmax.f32 v41, $0.0e+00;
	v10 =	vunpack.i.u.bf16.f32 v10;
	v9 =	vadd.f32 v46, v9  }
0x8c: {  	[tilespmem:v4+s30+$0x0] =	vst.idx.add.f32.msk $0xffff, v15;
	v10 =	vadd.f32 v10, v45;
	v60 =	vmax.f32 v21, $0.0e+00;
	v48 =	vunpack.i.u.bf16.f32 v11  }
0x8d: {  	v52 =	vld.idx.msk [tilespmem:v30+s20+$0x0], $0xffff;
	v11 =	vunpack.i.l.bf16.f32 v11;
	v49 =	vunpack.i.l.bf16.f32 v13;
	v13 =	vunpack.i.u.bf16.f32 v13  }
0x8e: {  	v53 =	vld.idx.msk [tilespmem:v32+s21+$0x0], $0xffff;
	v15 =	vunpack.i.u.bf16.f32 v17;
	v17 =	vunpack.i.l.bf16.f32 v17;
	v51 =	vunpack.i.l.bf16.f32 v19  }
0x8f: {  	[tilespmem:v3+s30+$0x0] =	vst.idx.add.f32.msk $0xffff, v35;
	v19 =	vunpack.i.u.bf16.f32 v19;
	v54 =	vunpack.i.u.bf16.f32 v12;
	v12 =	vunpack.i.l.bf16.f32 v12  }
0x90: {  	v22 =	vld.idx.msk [tilespmem:v22+s20+$0x0], $0xffff;
	v55 =	vunpack.i.l.bf16.f32 v47;
	v16 =	vunpack.i.u.bf16.f32 v47;
	v11 =	vadd.f32 v49, v11  }
0x91: {  	v50 =	vld.idx.msk [tilespmem:v28+s21+$0x0], $0xffff;
	v9 =	vmax.f32 v9, $0.0e+00;
	v13 =	vadd.f32 v13, v48;
	v17 =	vadd.f32 v51, v17  }
0x92: {  	[tilespmem:v6+s31+$0x0] =	vst.idx.add.f32.msk $0xffff, v18;
	v62 =	vmax.f32 v10, $0.0e+00;
	v15 =	vadd.f32 v19, v15;
	v56 =	vadd.f32 v55, v12  }
0x93: {  	[tilespmem:v6+s0+$0x0] =	vst.idx.add.f32.msk $0xffff, v20;
	v16 =	vadd.f32 v16, v54;
	v58 =	vunpack.i.u.bf16.f32 v52;
	v6 =	vunpack.i.u.bf16.f32 v53  }
0x94: {  	v59 =	vunpack.i.l.bf16.f32 v52;
	v6 =	vadd.f32 v6, v58;
	v63 =	vmax.f32 v11, $0.0e+00  }
0x95: {  	v11 =	vmax.f32 v56, $0.0e+00;
	v10 =	vmax.f32 v16, $0.0e+00;
	v12 =	vunpack.i.u.bf16.f32 v22  }
0x96: {  	[tilespmem:v7+s31+$0x0] =	vst.idx.add.f32.msk $0xffff, v60;
	v22 =	vunpack.i.l.bf16.f32 v22;
	v57 =	vunpack.i.l.bf16.f32 v50;
	v23 =	vunpack.i.u.bf16.f32 v50  }
0x97: {  	[tilespmem:v8+s31+$0x0] =	vst.idx.add.f32.msk $0xffff, v9;
	v22 =	vadd.f32 v57, v22;
	v23 =	vadd.f32 v23, v12;
	v12 =	vunpack.i.l.bf16.f32 v53  }
0x98: {  	[tilespmem:v8+s0+$0x0] =	vst.idx.add.f32.msk $0xffff, v62;
	v6 =	vmax.f32 v6, $0.0e+00;
	v61 =	vadd.f32 v12, v59;
	v12 =	vmax.f32 v14, $0.0e+00  }
0x99: {  	v14 =	vmax.f32 v13, $0.0e+00;
	v13 =	vmax.f32 v17, $0.0e+00;
	[tilespmem:v7+s0+$0x0] =	vst.idx.add.f32.msk $0xffff, v12;
	v12 =	vmax.f32 v15, $0.0e+00  }
0x9a: {  	s7 =	simm.s32 $0x0;
	s8 =	simm.s32 $0xEEC0;
	[tilespmem:v5+s31+$0x0] =	vst.idx.add.f32.msk $0xffff, v63;
	v9 =	vmax.f32 v22, $0.0e+00;
	v8 =	vmax.f32 v23, $0.0e+00;
	v7 =	vmax.f32 v61, $0.0e+00  }
.LBB2_5:
0x9b: {  	v15 =	vld [tilespmem:s8+$0x30]  }
0x9c: {  	v16 =	vld [tilespmem:s8+$0xFFFFFFD0]  }
0x9d: {  	v17 =	vld [tilespmem:s8+$0xFFFFFFE0]  }
0x9e: {  	v19 =	vld [tilespmem:s8+$0xFFFFFFF0]  }
0x9f: {  	s7 =	sadd.s32 $0x8, s7;
	v25 =	vld [tilespmem:s8+$0x0]  }
0xa0: {  	p0 =	slt.u32 s7, $0x188;
	v26 =	vld [tilespmem:s8+$0x10];
	v29 =	vand.u32 $0x3FFF, v15  }
0xa1: {  	v30 =	vshra.s32 v15, $0xE;
	v20 =	vshra.s32 v16, $0xE;
	v23 =	vand.u32 $0x3FFF, v16;
	v27 =	vld [tilespmem:s8+$0x20]  }
0xa2: {  	v28 =	vld [tilespmem:s8+$0xFFFFFFC0];
	v21 =	vshra.s32 v17, $0xE;
	v24 =	vand.u32 $0x3FFF, v17  }
0xa3: {  	v18 =	vshra.s32 v19, $0xE;
	v22 =	vand.u32 $0x3FFF, v19;
	[tilespmem:v5+s0+$0x0] =	vst.idx.add.f32.msk $0xffff, v14  }
0xa4: {  	v16 =	vshra.s32 v25, $0xE;
	v19 =	vand.u32 $0x3FFF, v25;
	[tilespmem:v1+s31+$0x0] =	vst.idx.add.f32.msk $0xffff, v13  }
0xa5: {  	v14 =	vshra.s32 v26, $0xE;
	v17 =	vand.u32 $0x3FFF, v26;
	v5 =	vld.idx.msk [tilespmem:v29+s2+$0x0], $0xffff  }
0xa6: {  	v13 =	vshra.s32 v27, $0xE;
	v15 =	vand.u32 $0x3FFF, v27;
	v25 =	vld.idx.msk [tilespmem:v30+s19+$0x0], $0xffff  }
0xa7: {  	s6 =	sadd.s32 $0x80, s6;
	v27 =	vshra.s32 v28, $0xE;
	v28 =	vand.u32 $0x3FFF, v28;
	v26 =	vld.idx.msk [tilespmem:v23+s2+$0x0], $0xffff  }
0xa8: {  	v31 =	vld [tilespmem:s6+$0x30]  }
0xa9: {  	v32 =	vld.idx.msk [tilespmem:v20+s19+$0x0], $0xffff  }
0xaa: {  	v33 =	vld.idx.msk [tilespmem:v24+s2+$0x0], $0xffff  }
0xab: {  	v34 =	vld.idx.msk [tilespmem:v21+s19+$0x0], $0xffff  }
0xac: {  	v36 =	vunpack.i.l.bf16.f32 v5;
	v37 =	vunpack.i.l.bf16.f32 v25;
	v35 =	vld.idx.msk [tilespmem:v28+s2+$0x0], $0xffff  }
0xad: {  	v5 =	vunpack.i.u.bf16.f32 v5;
	v25 =	vunpack.i.u.bf16.f32 v25;
	v36 =	vadd.f32 v37, v36;
	v38 =	vld.idx.msk [tilespmem:v27+s19+$0x0], $0xffff  }
0xae: {  	v37 =	vunpack.i.u.bf16.f32 v26;
	v26 =	vunpack.i.l.bf16.f32 v26;
	v5 =	vadd.f32 v25, v5;
	v39 =	vld.idx.msk [tilespmem:v22+s2+$0x0], $0xffff  }
0xaf: {  	v25 =	vunpack.i.u.bf16.f32 v32;
	v32 =	vunpack.i.l.bf16.f32 v32;
	v36 =	vmax.f32 v36, $0.0e+00;
	v40 =	vld.idx.msk [tilespmem:v18+s19+$0x0], $0xffff  }
0xb0: {  	v5 =	vmax.f32 v5, $0.0e+00;
	v41 =	vunpack.i.u.bf16.f32 v33;
	v33 =	vunpack.i.l.bf16.f32 v33;
	[tilespmem:v31+s29+$0x0] =	vst.idx.add.f32.msk $0xffff, v36  }
0xb1: {  	v26 =	vadd.f32 v32, v26;
	v32 =	vunpack.i.u.bf16.f32 v34;
	v34 =	vunpack.i.l.bf16.f32 v34;
	[tilespmem:v31+s30+$0x0] =	vst.idx.add.f32.msk $0xffff, v5  }
0xb2: {  	v25 =	vadd.f32 v25, v37;
	v5 =	vunpack.i.u.bf16.f32 v35;
	v35 =	vunpack.i.l.bf16.f32 v35;
	v29 =	vld.idx.msk [tilespmem:v29+s20+$0x0], $0xffff  }
0xb3: {  	v33 =	vadd.f32 v34, v33;
	v36 =	vunpack.i.u.bf16.f32 v38;
	v37 =	vunpack.i.l.bf16.f32 v38;
	v30 =	vld.idx.msk [tilespmem:v30+s21+$0x0], $0xffff  }
0xb4: {  	v34 =	vadd.f32 v37, v35;
	v35 =	vunpack.i.u.bf16.f32 v39;
	v37 =	vunpack.i.l.bf16.f32 v39;
	v38 =	vld.idx.msk [tilespmem:v19+s2+$0x0], $0xffff  }
0xb5: {  	v5 =	vadd.f32 v36, v5;
	v36 =	vunpack.i.u.bf16.f32 v40;
	v39 =	vunpack.i.l.bf16.f32 v40;
	v40 =	vld.idx.msk [tilespmem:v16+s19+$0x0], $0xffff  }
0xb6: {  	v32 =	vadd.f32 v32, v41;
	v34 =	vmax.f32 v34, $0.0e+00;
	v37 =	vadd.f32 v39, v37;
	v39 =	vld.idx.msk [tilespmem:v17+s2+$0x0], $0xffff  }
0xb7: {  	v42 =	vmax.f32 v26, $0.0e+00;
	v41 =	vmax.f32 v5, $0.0e+00;
	v35 =	vadd.f32 v36, v35;
	v36 =	vld.idx.msk [tilespmem:v14+s19+$0x0], $0xffff  }
0xb8: {  	v43 =	vmax.f32 v25, $0.0e+00;
	v33 =	vmax.f32 v33, $0.0e+00;
	v32 =	vmax.f32 v32, $0.0e+00;
	v44 =	vld.idx.msk [tilespmem:v15+s2+$0x0], $0xffff  }
0xb9: {  	v37 =	vmax.f32 v37, $0.0e+00;
	v5 =	vunpack.i.l.bf16.f32 v29;
	v25 =	vunpack.i.l.bf16.f32 v30;
	v45 =	vld.idx.msk [tilespmem:v13+s19+$0x0], $0xffff  }
0xba: {  	v29 =	vunpack.i.u.bf16.f32 v29;
	v30 =	vunpack.i.u.bf16.f32 v30;
	v46 =	vadd.f32 v25, v5;
	v26 =	vld [tilespmem:s6+$0xFFFFFFC0]  }
0xbb: {  	v47 =	vunpack.i.u.bf16.f32 v38;
	v38 =	vunpack.i.l.bf16.f32 v38;
	v29 =	vadd.f32 v30, v29;
	v25 =	vld [tilespmem:s6+$0xFFFFFFD0]  }
0xbc: {  	v30 =	vunpack.i.u.bf16.f32 v40;
	v40 =	vunpack.i.l.bf16.f32 v40;
	v46 =	vmax.f32 v46, $0.0e+00;
	v5 =	vld [tilespmem:s6+$0xFFFFFFE0]  }
0xbd: {  	v48 =	vunpack.i.u.bf16.f32 v39;
	v39 =	vunpack.i.l.bf16.f32 v39;
	v29 =	vmax.f32 v29, $0.0e+00;
	[tilespmem:v31+s31+$0x0] =	vst.idx.add.f32.msk $0xffff, v46  }
0xbe: {  	v46 =	vunpack.i.u.bf16.f32 v36;
	v36 =	vunpack.i.l.bf16.f32 v36;
	v49 =	vunpack.i.u.bf16.f32 v44;
	[tilespmem:v31+s0+$0x0] =	vst.idx.add.f32.msk $0xffff, v29  }
0xbf: {  	v44 =	vunpack.i.l.bf16.f32 v44;
	v50 =	vunpack.i.u.bf16.f32 v45;
	v45 =	vunpack.i.l.bf16.f32 v45;
	v31 =	vld [tilespmem:s6+$0xFFFFFFF0]  }
0xc0: {  	v35 =	vmax.f32 v35, $0.0e+00;
	v30 =	vadd.f32 v30, v47;
	v29 =	vadd.f32 v40, v38;
	v51 =	vld [tilespmem:s6+$0x0]  }
0xc1: {  	v36 =	vadd.f32 v36, v39;
	v39 =	vadd.f32 v46, v48;
	v38 =	vld [tilespmem:s6+$0x10]  }
0xc2: {  	v44 =	vadd.f32 v45, v44;
	v45 =	vadd.f32 v50, v49;
	v40 =	vmax.f32 v29, $0.0e+00;
	v29 =	vld [tilespmem:s6+$0x20]  }
0xc3: {  	v30 =	vmax.f32 v30, $0.0e+00;
	[tilespmem:v26+s29+$0x0] =	vst.idx.add.f32.msk $0xffff, v34;
	v34 =	vmax.f32 v36, $0.0e+00;
	v36 =	vmax.f32 v39, $0.0e+00  }
0xc4: {  	v39 =	vmax.f32 v44, $0.0e+00;
	[tilespmem:v26+s30+$0x0] =	vst.idx.add.f32.msk $0xffff, v41;
	v41 =	vmax.f32 v45, $0.0e+00  }
0xc5: {  	[tilespmem:v25+s29+$0x0] =	vst.idx.add.f32.msk $0xffff, v42  }
0xc6: {  	[tilespmem:v25+s30+$0x0] =	vst.idx.add.f32.msk $0xffff, v43  }
0xc7: {  	[tilespmem:v5+s29+$0x0] =	vst.idx.add.f32.msk $0xffff, v33  }
0xc8: {  	[tilespmem:v5+s30+$0x0] =	vst.idx.add.f32.msk $0xffff, v32  }
0xc9: {  	[tilespmem:v31+s29+$0x0] =	vst.idx.add.f32.msk $0xffff, v37  }
0xca: {  	[tilespmem:v31+s30+$0x0] =	vst.idx.add.f32.msk $0xffff, v35  }
0xcb: {  	[tilespmem:v51+s29+$0x0] =	vst.idx.add.f32.msk $0xffff, v40  }
0xcc: {  	[tilespmem:v51+s30+$0x0] =	vst.idx.add.f32.msk $0xffff, v30  }
0xcd: {  	[tilespmem:v38+s29+$0x0] =	vst.idx.add.f32.msk $0xffff, v34  }
0xce: {  	[tilespmem:v38+s30+$0x0] =	vst.idx.add.f32.msk $0xffff, v36  }
0xcf: {  	[tilespmem:v29+s29+$0x0] =	vst.idx.add.f32.msk $0xffff, v39  }
0xd0: {  	[tilespmem:v29+s30+$0x0] =	vst.idx.add.f32.msk $0xffff, v41  }
0xd1: {  	v28 =	vld.idx.msk [tilespmem:v28+s20+$0x0], $0xffff  }
0xd2: {  	v27 =	vld.idx.msk [tilespmem:v27+s21+$0x0], $0xffff  }
0xd3: {  	v23 =	vld.idx.msk [tilespmem:v23+s20+$0x0], $0xffff  }
0xd4: {  	v20 =	vld.idx.msk [tilespmem:v20+s21+$0x0], $0xffff  }
0xd5: {  	v24 =	vld.idx.msk [tilespmem:v24+s20+$0x0], $0xffff  }
0xd6: {  	v21 =	vld.idx.msk [tilespmem:v21+s21+$0x0], $0xffff  }
0xd7: {  	v30 =	vunpack.i.u.bf16.f32 v28;
	v28 =	vunpack.i.l.bf16.f32 v28;
	v22 =	vld.idx.msk [tilespmem:v22+s20+$0x0], $0xffff  }
0xd8: {  	v32 =	vunpack.i.u.bf16.f32 v27;
	v27 =	vunpack.i.l.bf16.f32 v27;
	v18 =	vld.idx.msk [tilespmem:v18+s21+$0x0], $0xffff  }
0xd9: {  	v27 =	vadd.f32 v27, v28;
	v28 =	vunpack.i.u.bf16.f32 v23;
	v23 =	vunpack.i.l.bf16.f32 v23;
	v19 =	vld.idx.msk [tilespmem:v19+s20+$0x0], $0xffff  }
0xda: {  	v30 =	vadd.f32 v32, v30;
	v32 =	vunpack.i.u.bf16.f32 v20;
	v20 =	vunpack.i.l.bf16.f32 v20;
	v16 =	vld.idx.msk [tilespmem:v16+s21+$0x0], $0xffff  }
0xdb: {  	v20 =	vadd.f32 v20, v23;
	v23 =	vunpack.i.u.bf16.f32 v24;
	v24 =	vunpack.i.l.bf16.f32 v24;
	v17 =	vld.idx.msk [tilespmem:v17+s20+$0x0], $0xffff  }
0xdc: {  	v28 =	vadd.f32 v32, v28;
	v32 =	vunpack.i.u.bf16.f32 v21;
	v21 =	vunpack.i.l.bf16.f32 v21;
	v14 =	vld.idx.msk [tilespmem:v14+s21+$0x0], $0xffff  }
0xdd: {  	v21 =	vadd.f32 v21, v24;
	v24 =	vunpack.i.u.bf16.f32 v22;
	v22 =	vunpack.i.l.bf16.f32 v22;
	v15 =	vld.idx.msk [tilespmem:v15+s20+$0x0], $0xffff  }
0xde: {  	v23 =	vadd.f32 v32, v23;
	v32 =	vunpack.i.u.bf16.f32 v18;
	v18 =	vunpack.i.l.bf16.f32 v18;
	v13 =	vld.idx.msk [tilespmem:v13+s21+$0x0], $0xffff  }
0xdf: {  	v18 =	vadd.f32 v18, v22;
	v22 =	vunpack.i.u.bf16.f32 v19;
	v19 =	vunpack.i.l.bf16.f32 v19;
	[tilespmem:v1+s0+$0x0] =	vst.idx.add.f32.msk $0xffff, v12;
	v1 =	vmovc v31  }
0xe0: {  	v12 =	vadd.f32 v32, v24;
	v24 =	vunpack.i.u.bf16.f32 v16;
	v16 =	vunpack.i.l.bf16.f32 v16;
	[tilespmem:v2+s31+$0x0] =	vst.idx.add.f32.msk $0xffff, v11  }
0xe1: {  	v11 =	vadd.f32 v16, v19;
	v16 =	vunpack.i.u.bf16.f32 v17;
	v17 =	vunpack.i.l.bf16.f32 v17;
	[tilespmem:v2+s0+$0x0] =	vst.idx.add.f32.msk $0xffff, v10;
	v2 =	vmovc v51  }
0xe2: {  	v10 =	vadd.f32 v24, v22;
	v19 =	vunpack.i.u.bf16.f32 v14;
	v14 =	vunpack.i.l.bf16.f32 v14;
	[tilespmem:v3+s31+$0x0] =	vst.idx.add.f32.msk $0xffff, v9  }
0xe3: {  	v9 =	vadd.f32 v14, v17;
	v14 =	vunpack.i.u.bf16.f32 v15;
	v15 =	vunpack.i.l.bf16.f32 v15;
	[tilespmem:v3+s0+$0x0] =	vst.idx.add.f32.msk $0xffff, v8;
	v3 =	vmovc v38  }
0xe4: {  	v8 =	vadd.f32 v19, v16;
	v16 =	vunpack.i.u.bf16.f32 v13;
	v13 =	vunpack.i.l.bf16.f32 v13;
	[tilespmem:v4+s31+$0x0] =	vst.idx.add.f32.msk $0xffff, v7  }
0xe5: {  	v7 =	vmax.f32 v27, $0.0e+00;
	v15 =	vadd.f32 v13, v15;
	v16 =	vadd.f32 v16, v14;
	[tilespmem:v4+s0+$0x0] =	vst.idx.add.f32.msk $0xffff, v6  }
.Ltmp3:
0xe6: {  	v17 =	vmax.f32 v28, $0.0e+00;
	v6 =	vmax.f32 v30, $0.0e+00;
	v4 =	vmovc v29;
	[tilespmem:v26+s31+$0x0] =	vst.idx.add.f32.msk $0xffff, v7;
	v7 =	vmax.f32 v20, $0.0e+00;
	(pc) =	sbr.rel @p0 .LBB2_5-.Ltmp3, $4  }
0xe7: {  	v14 =	vmax.f32 v23, $0.0e+00;
	v13 =	vmax.f32 v18, $0.0e+00;
	[tilespmem:v26+s0+$0x0] =	vst.idx.add.f32.msk $0xffff, v6;
	v6 =	vmax.f32 v21, $0.0e+00  }
0xe8: {  	v12 =	vmax.f32 v12, $0.0e+00;
	v11 =	vmax.f32 v11, $0.0e+00;
	v10 =	vmax.f32 v10, $0.0e+00;
	[tilespmem:v25+s31+$0x0] =	vst.idx.add.f32.msk $0xffff, v7  }
0xe9: {  	v9 =	vmax.f32 v9, $0.0e+00;
	v8 =	vmax.f32 v8, $0.0e+00;
	v7 =	vmax.f32 v15, $0.0e+00;
	[tilespmem:v25+s0+$0x0] =	vst.idx.add.f32.msk $0xffff, v17  }
0xea: {  	s8 =	sadd.s32 $0x80, s8;
	[tilespmem:v5+s31+$0x0] =	vst.idx.add.f32.msk $0xffff, v6;
	v6 =	vmax.f32 v16, $0.0e+00  }
0xeb: {  	_ =	sdelay $0x3  }
0xec: {  	[tilespmem:v5+s0+$0x0] =	vst.idx.add.f32.msk $0xffff, v14  }
0xed: {  	[tilespmem:v1+s31+$0x0] =	vst.idx.add.f32.msk $0xffff, v13  }
0xee: {  	[tilespmem:v2+s31+$0x0] =	vst.idx.add.f32.msk $0xffff, v11  }
0xef: {  	p0 =	seq.s32 s5, $0x18;
	[tilespmem:v3+s31+$0x0] =	vst.idx.add.f32.msk $0xffff, v9  }
0xf0: {  	[tilespmem:v4+s31+$0x0] =	vst.idx.add.f32.msk $0xffff, v7;
	s6 =	smul.u32 @!p0 $0x3200, s5  }
0xf1: {  	[tilespmem:v1+s0+$0x0] =	vst.idx.add.f32.msk $0xffff, v12  }
0xf2: {  	[tilespmem:v2+s0+$0x0] =	vst.idx.add.f32.msk $0xffff, v10;
	s6 =	sshrl.u32 @!p0 s6, $0x3  }
0xf3: {  	[tilespmem:v3+s0+$0x0] =	vst.idx.add.f32.msk $0xffff, v8;
	s6 =	sadd.s32 @!p0 $0x640, s6  }
0xf4: {  	[tilespmem:v4+s0+$0x0] =	vst.idx.add.f32.msk $0xffff, v6;
	s8 =	simm.s32 @!p0 $0x0;
	s9 =	simm.s32 @!p0 $0xEE00;
	s7 =	sadd.s32 @!p0 s3, s6  }
0xf5: {  	[tilespmem:s9], [sflag:$0x1] =	stream.linear.gather @!p0 [hbm4b:s7+s8], $0x1900, $0x38;
	[tilespmem:$0x15200] =	vst v63  }
0xf6: {  	s6 =	sadd.s32 @!p0 s4, s6;
	s7 =	simm.s32 @!p0 $0x10700  }
0xf7: {  	[tilespmem:s7], [sflag:$0x2] =	stream.linear.gather @!p0 [hbm4b:s6+s8], $0x1900, $0x38;
	[tilespmem:$0x15200] =	vst v63  }
0xf8: {  	_ =	swait.ge [sflag:s1], $0x1900  }
0xf9: {  	[sflag:s1] =	ssyncset.done $0x0  }
0xfa: {  	[sflag:s1] =	ssyncadd.s32 $0xFFFFE700  }
0xfb: {  	_ =	swait.ge [sflag:s22], $0x1900  }
0xfc: {  	[sflag:s22] =	ssyncset.done $0x0  }
0xfd: {  	s9 =	simm.s32 $0x12040;
	[sflag:s22] =	ssyncadd.s32 $0xFFFFE700  }
0xfe: {  	v1 =	vld [tilespmem:s9+$0x30];
	_ =	sdelay $0x1  }
0xff: {  	v2 =	vld [tilespmem:s9+$0xFFFFFFD0]  }
0x100: {  	v3 =	vld [tilespmem:s9+$0xFFFFFFE0]  }
0x101: {  	v6 =	vld [tilespmem:s9+$0xFFFFFFC0]  }
0x102: {  	v4 =	vld [tilespmem:s9+$0xFFFFFFF0];
	v5 =	vand.u32 $0x3FFF, v1  }
0x103: {  	v7 =	vld [tilespmem:s9+$0x0];
	v1 =	vshra.s32 v1, $0xE  }
0x104: {  	v8 =	vld [tilespmem:s9+$0x10];
	v9 =	vand.u32 $0x3FFF, v2  }
0x105: {  	s6 =	simm.s32 $0x13940;
	v10 =	vshra.s32 v2, $0xE;
	v2 =	vld [tilespmem:s9+$0x20]  }
0x106: {  	v11 =	vand.u32 $0x3FFF, v3;
	v14 =	vand.u32 $0x3FFF, v6;
	v16 =	vshra.s32 v6, $0xE;
	v6 =	vld [tilespmem:s6+$0x30]  }
0x107: {  	v13 =	vshra.s32 v3, $0xE;
	v12 =	vld.idx.msk [tilespmem:v5+s2+$0x0], $0xffff  }
0x108: {  	v3 =	vld.idx.msk [tilespmem:v1+s19+$0x0], $0xffff  }
0x109: {  	v15 =	vld.idx.msk [tilespmem:v9+s2+$0x0], $0xffff  }
0x10a: {  	v17 =	vand.u32 $0x3FFF, v4;
	v18 =	vld.idx.msk [tilespmem:v10+s19+$0x0], $0xffff  }
0x10b: {  	v19 =	vshra.s32 v4, $0xE;
	v4 =	vld.idx.msk [tilespmem:v11+s2+$0x0], $0xffff  }
0x10c: {  	v26 =	vshra.s32 v7, $0xE;
	v20 =	vld.idx.msk [tilespmem:v13+s19+$0x0], $0xffff  }
0x10d: {  	v28 =	vshra.s32 v8, $0xE;
	v21 =	vld.idx.msk [tilespmem:v14+s2+$0x0], $0xffff  }
0x10e: {  	v24 =	vld.idx.msk [tilespmem:v16+s19+$0x0], $0xffff;
	v30 =	vand.u32 $0x3FFF, v2  }
0x10f: {  	v48 =	vld.idx.msk [tilespmem:v17+s2+$0x0], $0xffff  }
0x110: {  	v25 =	vld.idx.msk [tilespmem:v19+s19+$0x0], $0xffff  }
0x111: {  	v33 =	vld.idx.msk [tilespmem:v26+s19+$0x0], $0xffff;
	v22 =	vunpack.i.l.bf16.f32 v12;
	v23 =	vunpack.i.l.bf16.f32 v3  }
0x112: {  	v35 =	vld.idx.msk [tilespmem:v28+s19+$0x0], $0xffff;
	v22 =	vadd.f32 v23, v22  }
0x113: {  	v12 =	vunpack.i.u.bf16.f32 v12;
	v3 =	vunpack.i.u.bf16.f32 v3;
	v36 =	vld.idx.msk [tilespmem:v30+s2+$0x0], $0xffff  }
0x114: {  	v3 =	vadd.f32 v3, v12;
	v12 =	vand.u32 $0x3FFF, v7;
	v7 =	vld [tilespmem:s6+$0xFFFFFFC0];
	v22 =	vmax.f32 v22, $0.0e+00  }
0x115: {  	[tilespmem:v6+s29+$0x0] =	vst.idx.add.f32.msk $0xffff, v22  }
0x116: {  	v32 =	vshra.s32 v2, $0xE;
	v3 =	vmax.f32 v3, $0.0e+00;
	v22 =	vand.u32 $0x3FFF, v8;
	v8 =	vld [tilespmem:s6+$0xFFFFFFD0]  }
0x117: {  	[tilespmem:v6+s30+$0x0] =	vst.idx.add.f32.msk $0xffff, v3  }
0x118: {  	v27 =	vld.idx.msk [tilespmem:v5+s20+$0x0], $0xffff  }
0x119: {  	v29 =	vld.idx.msk [tilespmem:v1+s21+$0x0], $0xffff  }
0x11a: {  	v2 =	vunpack.i.u.bf16.f32 v15;
	v37 =	vunpack.i.l.bf16.f32 v24;
	v31 =	vld.idx.msk [tilespmem:v12+s2+$0x0], $0xffff  }
0x11b: {  	v38 =	vunpack.i.u.bf16.f32 v4;
	v3 =	vunpack.i.u.bf16.f32 v18;
	v1 =	vunpack.i.l.bf16.f32 v15;
	v15 =	vld.idx.msk [tilespmem:v32+s19+$0x0], $0xffff  }
0x11c: {  	v4 =	vunpack.i.l.bf16.f32 v4;
	v5 =	vunpack.i.l.bf16.f32 v21;
	v40 =	vadd.f32 v3, v2;
	v2 =	vld [tilespmem:s6+$0x0]  }
0x11d: {  	v39 =	vunpack.i.l.bf16.f32 v20;
	v18 =	vunpack.i.l.bf16.f32 v18;
	v37 =	vadd.f32 v37, v5;
	v5 =	vld [tilespmem:s6+$0xFFFFFFE0]  }
0x11e: {  	v21 =	vunpack.i.u.bf16.f32 v21;
	v3 =	vunpack.i.u.bf16.f32 v24;
	v18 =	vadd.f32 v18, v1;
	v1 =	vld [tilespmem:s6+$0xFFFFFFF0]  }
0x11f: {  	v50 =	vadd.f32 v39, v4;
	v4 =	vadd.f32 v3, v21;
	v3 =	vld [tilespmem:s6+$0x10]  }
0x120: {  	v34 =	vld.idx.msk [tilespmem:v22+s2+$0x0], $0xffff  }
0x121: {  	v49 =	vmax.f32 v37, $0.0e+00;
	v53 =	vmax.f32 v4, $0.0e+00;
	v4 =	vld [tilespmem:s6+$0x20]  }
0x122: {  	[tilespmem:v7+s29+$0x0] =	vst.idx.add.f32.msk $0xffff, v49  }
0x123: {  	v18 =	vmax.f32 v18, $0.0e+00;
	[tilespmem:v7+s30+$0x0] =	vst.idx.add.f32.msk $0xffff, v53  }
0x124: {  	[tilespmem:v8+s29+$0x0] =	vst.idx.add.f32.msk $0xffff, v18  }
0x125: {  	v20 =	vunpack.i.u.bf16.f32 v20;
	v51 =	vunpack.i.u.bf16.f32 v48;
	v14 =	vld.idx.msk [tilespmem:v14+s20+$0x0], $0xffff  }
0x126: {  	v52 =	vunpack.i.u.bf16.f32 v25;
	v25 =	vunpack.i.l.bf16.f32 v25;
	v54 =	vmax.f32 v40, $0.0e+00;
	v16 =	vld.idx.msk [tilespmem:v16+s21+$0x0], $0xffff  }
0x127: {  	v58 =	vunpack.i.u.bf16.f32 v33;
	v33 =	vunpack.i.l.bf16.f32 v33;
	v23 =	vunpack.i.l.bf16.f32 v48;
	[tilespmem:v8+s30+$0x0] =	vst.idx.add.f32.msk $0xffff, v54  }
0x128: {  	v23 =	vadd.f32 v25, v23;
	v57 =	vunpack.i.u.bf16.f32 v31;
	v31 =	vunpack.i.l.bf16.f32 v31;
	v9 =	vld.idx.msk [tilespmem:v9+s20+$0x0], $0xffff  }
0x129: {  	v20 =	vadd.f32 v20, v38;
	v55 =	vmax.f32 v50, $0.0e+00;
	v31 =	vadd.f32 v33, v31;
	v10 =	vld.idx.msk [tilespmem:v10+s21+$0x0], $0xffff  }
0x12a: {  	v61 =	vunpack.i.u.bf16.f32 v35;
	v62 =	vunpack.i.l.bf16.f32 v35;
	v56 =	vmax.f32 v23, $0.0e+00;
	[tilespmem:v5+s29+$0x0] =	vst.idx.add.f32.msk $0xffff, v55  }
0x12b: {  	v20 =	vmax.f32 v20, $0.0e+00;
	v21 =	vadd.f32 v52, v51;
	v31 =	vmax.f32 v31, $0.0e+00;
	[tilespmem:v1+s29+$0x0] =	vst.idx.add.f32.msk $0xffff, v56  }
0x12c: {  	v63 =	vunpack.i.l.bf16.f32 v36;
	v23 =	vadd.f32 v58, v57;
	v33 =	vunpack.i.l.bf16.f32 v15;
	[tilespmem:v2+s29+$0x0] =	vst.idx.add.f32.msk $0xffff, v31  }
0x12d: {  	v42 =	vunpack.i.u.bf16.f32 v36;
	v21 =	vmax.f32 v21, $0.0e+00;
	v18 =	vadd.f32 v33, v63;
	[tilespmem:v5+s30+$0x0] =	vst.idx.add.f32.msk $0xffff, v20  }
0x12e: {  	v39 =	vunpack.i.u.bf16.f32 v27;
	v40 =	vunpack.i.u.bf16.f32 v29;
	v23 =	vmax.f32 v23, $0.0e+00;
	[tilespmem:v1+s30+$0x0] =	vst.idx.add.f32.msk $0xffff, v21  }
0x12f: {  	v15 =	vunpack.i.u.bf16.f32 v15;
	v59 =	vunpack.i.u.bf16.f32 v34;
	v18 =	vmax.f32 v18, $0.0e+00;
	[tilespmem:v2+s30+$0x0] =	vst.idx.add.f32.msk $0xffff, v23  }
0x130: {  	v15 =	vadd.f32 v15, v42;
	v60 =	vunpack.i.l.bf16.f32 v34;
	v34 =	vadd.f32 v61, v59;
	[tilespmem:v4+s29+$0x0] =	vst.idx.add.f32.msk $0xffff, v18  }
0x131: {  	v37 =	vunpack.i.l.bf16.f32 v27;
	v38 =	vunpack.i.l.bf16.f32 v29;
	v41 =	vadd.f32 v40, v39;
	v11 =	vld.idx.msk [tilespmem:v11+s20+$0x0], $0xffff  }
0x132: {  	v15 =	vmax.f32 v15, $0.0e+00;
	v20 =	vadd.f32 v62, v60;
	v35 =	vmax.f32 v34, $0.0e+00;
	v13 =	vld.idx.msk [tilespmem:v13+s21+$0x0], $0xffff  }
0x133: {  	v18 =	vadd.f32 v38, v37;
	v43 =	vunpack.i.l.bf16.f32 v14;
	v17 =	vld.idx.msk [tilespmem:v17+s20+$0x0], $0xffff;
	v44 =	vunpack.i.l.bf16.f32 v16  }
0x134: {  	v14 =	vunpack.i.u.bf16.f32 v14;
	v16 =	vunpack.i.u.bf16.f32 v16;
	v19 =	vld.idx.msk [tilespmem:v19+s21+$0x0], $0xffff;
	v20 =	vmax.f32 v20, $0.0e+00  }
0x135: {  	v12 =	vld.idx.msk [tilespmem:v12+s20+$0x0], $0xffff;
	v21 =	vadd.f32 v44, v43;
	v14 =	vadd.f32 v16, v14;
	v18 =	vmax.f32 v18, $0.0e+00  }
0x136: {  	v47 =	vld.idx.msk [tilespmem:v26+s21+$0x0], $0xffff;
	v45 =	vunpack.i.u.bf16.f32 v9;
	v9 =	vunpack.i.l.bf16.f32 v9;
	v46 =	vunpack.i.l.bf16.f32 v10  }
0x137: {  	[tilespmem:v3+s29+$0x0] =	vst.idx.add.f32.msk $0xffff, v20;
	v20 =	vmax.f32 v41, $0.0e+00;
	v10 =	vunpack.i.u.bf16.f32 v10;
	v9 =	vadd.f32 v46, v9  }
0x138: {  	[tilespmem:v4+s30+$0x0] =	vst.idx.add.f32.msk $0xffff, v15;
	v10 =	vadd.f32 v10, v45;
	v60 =	vmax.f32 v21, $0.0e+00;
	v48 =	vunpack.i.u.bf16.f32 v11  }
0x139: {  	v52 =	vld.idx.msk [tilespmem:v30+s20+$0x0], $0xffff;
	v11 =	vunpack.i.l.bf16.f32 v11;
	v49 =	vunpack.i.l.bf16.f32 v13;
	v13 =	vunpack.i.u.bf16.f32 v13  }
0x13a: {  	v53 =	vld.idx.msk [tilespmem:v32+s21+$0x0], $0xffff;
	v15 =	vunpack.i.u.bf16.f32 v17;
	v17 =	vunpack.i.l.bf16.f32 v17;
	v51 =	vunpack.i.l.bf16.f32 v19  }
0x13b: {  	[tilespmem:v3+s30+$0x0] =	vst.idx.add.f32.msk $0xffff, v35;
	v19 =	vunpack.i.u.bf16.f32 v19;
	v54 =	vunpack.i.u.bf16.f32 v12;
	v12 =	vunpack.i.l.bf16.f32 v12  }
0x13c: {  	v22 =	vld.idx.msk [tilespmem:v22+s20+$0x0], $0xffff;
	v55 =	vunpack.i.l.bf16.f32 v47;
	v16 =	vunpack.i.u.bf16.f32 v47;
	v11 =	vadd.f32 v49, v11  }
0x13d: {  	v50 =	vld.idx.msk [tilespmem:v28+s21+$0x0], $0xffff;
	v9 =	vmax.f32 v9, $0.0e+00;
	v13 =	vadd.f32 v13, v48;
	v17 =	vadd.f32 v51, v17  }
0x13e: {  	[tilespmem:v6+s31+$0x0] =	vst.idx.add.f32.msk $0xffff, v18;
	v62 =	vmax.f32 v10, $0.0e+00;
	v15 =	vadd.f32 v19, v15;
	v56 =	vadd.f32 v55, v12  }
0x13f: {  	[tilespmem:v6+s0+$0x0] =	vst.idx.add.f32.msk $0xffff, v20;
	v16 =	vadd.f32 v16, v54;
	v58 =	vunpack.i.u.bf16.f32 v52;
	v6 =	vunpack.i.u.bf16.f32 v53  }
0x140: {  	v59 =	vunpack.i.l.bf16.f32 v52;
	v6 =	vadd.f32 v6, v58;
	v63 =	vmax.f32 v11, $0.0e+00  }
0x141: {  	v11 =	vmax.f32 v56, $0.0e+00;
	v10 =	vmax.f32 v16, $0.0e+00;
	v12 =	vunpack.i.u.bf16.f32 v22  }
0x142: {  	[tilespmem:v7+s31+$0x0] =	vst.idx.add.f32.msk $0xffff, v60;
	v22 =	vunpack.i.l.bf16.f32 v22;
	v57 =	vunpack.i.l.bf16.f32 v50;
	v23 =	vunpack.i.u.bf16.f32 v50  }
0x143: {  	[tilespmem:v8+s31+$0x0] =	vst.idx.add.f32.msk $0xffff, v9;
	v22 =	vadd.f32 v57, v22;
	v23 =	vadd.f32 v23, v12;
	v12 =	vunpack.i.l.bf16.f32 v53  }
0x144: {  	[tilespmem:v8+s0+$0x0] =	vst.idx.add.f32.msk $0xffff, v62;
	v6 =	vmax.f32 v6, $0.0e+00;
	v61 =	vadd.f32 v12, v59;
	v12 =	vmax.f32 v14, $0.0e+00  }
0x145: {  	v14 =	vmax.f32 v13, $0.0e+00;
	v13 =	vmax.f32 v17, $0.0e+00;
	[tilespmem:v7+s0+$0x0] =	vst.idx.add.f32.msk $0xffff, v12;
	v12 =	vmax.f32 v15, $0.0e+00  }
0x146: {  	s7 =	simm.s32 $0x0;
	s8 =	simm.s32 $0x120C0;
	[tilespmem:v5+s31+$0x0] =	vst.idx.add.f32.msk $0xffff, v63;
	v9 =	vmax.f32 v22, $0.0e+00;
	v8 =	vmax.f32 v23, $0.0e+00;
	v7 =	vmax.f32 v61, $0.0e+00  }
.LBB2_7:
0x147: {  	v15 =	vld [tilespmem:s8+$0x30]  }
0x148: {  	v16 =	vld [tilespmem:s8+$0xFFFFFFD0]  }
0x149: {  	v17 =	vld [tilespmem:s8+$0xFFFFFFE0]  }
0x14a: {  	v19 =	vld [tilespmem:s8+$0xFFFFFFF0]  }
0x14b: {  	s7 =	sadd.s32 $0x8, s7;
	v25 =	vld [tilespmem:s8+$0x0]  }
0x14c: {  	p1 =	slt.u32 s7, $0x188;
	v26 =	vld [tilespmem:s8+$0x10];
	v29 =	vand.u32 $0x3FFF, v15  }
0x14d: {  	v30 =	vshra.s32 v15, $0xE;
	v20 =	vshra.s32 v16, $0xE;
	v23 =	vand.u32 $0x3FFF, v16;
	v27 =	vld [tilespmem:s8+$0x20]  }
0x14e: {  	v28 =	vld [tilespmem:s8+$0xFFFFFFC0];
	v21 =	vshra.s32 v17, $0xE;
	v24 =	vand.u32 $0x3FFF, v17  }
0x14f: {  	v18 =	vshra.s32 v19, $0xE;
	v22 =	vand.u32 $0x3FFF, v19;
	[tilespmem:v5+s0+$0x0] =	vst.idx.add.f32.msk $0xffff, v14  }
0x150: {  	v16 =	vshra.s32 v25, $0xE;
	v19 =	vand.u32 $0x3FFF, v25;
	[tilespmem:v1+s31+$0x0] =	vst.idx.add.f32.msk $0xffff, v13  }
0x151: {  	v14 =	vshra.s32 v26, $0xE;
	v17 =	vand.u32 $0x3FFF, v26;
	v5 =	vld.idx.msk [tilespmem:v29+s2+$0x0], $0xffff  }
0x152: {  	v13 =	vshra.s32 v27, $0xE;
	v15 =	vand.u32 $0x3FFF, v27;
	v25 =	vld.idx.msk [tilespmem:v30+s19+$0x0], $0xffff  }
0x153: {  	s6 =	sadd.s32 $0x80, s6;
	v27 =	vshra.s32 v28, $0xE;
	v28 =	vand.u32 $0x3FFF, v28;
	v26 =	vld.idx.msk [tilespmem:v23+s2+$0x0], $0xffff  }
0x154: {  	v31 =	vld [tilespmem:s6+$0x30]  }
0x155: {  	v32 =	vld.idx.msk [tilespmem:v20+s19+$0x0], $0xffff  }
0x156: {  	v33 =	vld.idx.msk [tilespmem:v24+s2+$0x0], $0xffff  }
0x157: {  	v34 =	vld.idx.msk [tilespmem:v21+s19+$0x0], $0xffff  }
0x158: {  	v36 =	vunpack.i.l.bf16.f32 v5;
	v37 =	vunpack.i.l.bf16.f32 v25;
	v35 =	vld.idx.msk [tilespmem:v28+s2+$0x0], $0xffff  }
0x159: {  	v5 =	vunpack.i.u.bf16.f32 v5;
	v25 =	vunpack.i.u.bf16.f32 v25;
	v36 =	vadd.f32 v37, v36;
	v38 =	vld.idx.msk [tilespmem:v27+s19+$0x0], $0xffff  }
0x15a: {  	v37 =	vunpack.i.u.bf16.f32 v26;
	v26 =	vunpack.i.l.bf16.f32 v26;
	v5 =	vadd.f32 v25, v5;
	v39 =	vld.idx.msk [tilespmem:v22+s2+$0x0], $0xffff  }
0x15b: {  	v25 =	vunpack.i.u.bf16.f32 v32;
	v32 =	vunpack.i.l.bf16.f32 v32;
	v36 =	vmax.f32 v36, $0.0e+00;
	v40 =	vld.idx.msk [tilespmem:v18+s19+$0x0], $0xffff  }
0x15c: {  	v5 =	vmax.f32 v5, $0.0e+00;
	v41 =	vunpack.i.u.bf16.f32 v33;
	v33 =	vunpack.i.l.bf16.f32 v33;
	[tilespmem:v31+s29+$0x0] =	vst.idx.add.f32.msk $0xffff, v36  }
0x15d: {  	v26 =	vadd.f32 v32, v26;
	v32 =	vunpack.i.u.bf16.f32 v34;
	v34 =	vunpack.i.l.bf16.f32 v34;
	[tilespmem:v31+s30+$0x0] =	vst.idx.add.f32.msk $0xffff, v5  }
0x15e: {  	v25 =	vadd.f32 v25, v37;
	v5 =	vunpack.i.u.bf16.f32 v35;
	v35 =	vunpack.i.l.bf16.f32 v35;
	v29 =	vld.idx.msk [tilespmem:v29+s20+$0x0], $0xffff  }
0x15f: {  	v33 =	vadd.f32 v34, v33;
	v36 =	vunpack.i.u.bf16.f32 v38;
	v37 =	vunpack.i.l.bf16.f32 v38;
	v30 =	vld.idx.msk [tilespmem:v30+s21+$0x0], $0xffff  }
0x160: {  	v34 =	vadd.f32 v37, v35;
	v35 =	vunpack.i.u.bf16.f32 v39;
	v37 =	vunpack.i.l.bf16.f32 v39;
	v38 =	vld.idx.msk [tilespmem:v19+s2+$0x0], $0xffff  }
0x161: {  	v5 =	vadd.f32 v36, v5;
	v36 =	vunpack.i.u.bf16.f32 v40;
	v39 =	vunpack.i.l.bf16.f32 v40;
	v40 =	vld.idx.msk [tilespmem:v16+s19+$0x0], $0xffff  }
0x162: {  	v32 =	vadd.f32 v32, v41;
	v34 =	vmax.f32 v34, $0.0e+00;
	v37 =	vadd.f32 v39, v37;
	v39 =	vld.idx.msk [tilespmem:v17+s2+$0x0], $0xffff  }
0x163: {  	v42 =	vmax.f32 v26, $0.0e+00;
	v41 =	vmax.f32 v5, $0.0e+00;
	v35 =	vadd.f32 v36, v35;
	v36 =	vld.idx.msk [tilespmem:v14+s19+$0x0], $0xffff  }
0x164: {  	v43 =	vmax.f32 v25, $0.0e+00;
	v33 =	vmax.f32 v33, $0.0e+00;
	v32 =	vmax.f32 v32, $0.0e+00;
	v44 =	vld.idx.msk [tilespmem:v15+s2+$0x0], $0xffff  }
0x165: {  	v37 =	vmax.f32 v37, $0.0e+00;
	v5 =	vunpack.i.l.bf16.f32 v29;
	v25 =	vunpack.i.l.bf16.f32 v30;
	v45 =	vld.idx.msk [tilespmem:v13+s19+$0x0], $0xffff  }
0x166: {  	v29 =	vunpack.i.u.bf16.f32 v29;
	v30 =	vunpack.i.u.bf16.f32 v30;
	v46 =	vadd.f32 v25, v5;
	v26 =	vld [tilespmem:s6+$0xFFFFFFC0]  }
0x167: {  	v47 =	vunpack.i.u.bf16.f32 v38;
	v38 =	vunpack.i.l.bf16.f32 v38;
	v29 =	vadd.f32 v30, v29;
	v25 =	vld [tilespmem:s6+$0xFFFFFFD0]  }
0x168: {  	v30 =	vunpack.i.u.bf16.f32 v40;
	v40 =	vunpack.i.l.bf16.f32 v40;
	v46 =	vmax.f32 v46, $0.0e+00;
	v5 =	vld [tilespmem:s6+$0xFFFFFFE0]  }
0x169: {  	v48 =	vunpack.i.u.bf16.f32 v39;
	v39 =	vunpack.i.l.bf16.f32 v39;
	v29 =	vmax.f32 v29, $0.0e+00;
	[tilespmem:v31+s31+$0x0] =	vst.idx.add.f32.msk $0xffff, v46  }
0x16a: {  	v46 =	vunpack.i.u.bf16.f32 v36;
	v36 =	vunpack.i.l.bf16.f32 v36;
	v49 =	vunpack.i.u.bf16.f32 v44;
	[tilespmem:v31+s0+$0x0] =	vst.idx.add.f32.msk $0xffff, v29  }
0x16b: {  	v44 =	vunpack.i.l.bf16.f32 v44;
	v50 =	vunpack.i.u.bf16.f32 v45;
	v45 =	vunpack.i.l.bf16.f32 v45;
	v31 =	vld [tilespmem:s6+$0xFFFFFFF0]  }
0x16c: {  	v35 =	vmax.f32 v35, $0.0e+00;
	v30 =	vadd.f32 v30, v47;
	v29 =	vadd.f32 v40, v38;
	v51 =	vld [tilespmem:s6+$0x0]  }
0x16d: {  	v36 =	vadd.f32 v36, v39;
	v39 =	vadd.f32 v46, v48;
	v38 =	vld [tilespmem:s6+$0x10]  }
0x16e: {  	v44 =	vadd.f32 v45, v44;
	v45 =	vadd.f32 v50, v49;
	v40 =	vmax.f32 v29, $0.0e+00;
	v29 =	vld [tilespmem:s6+$0x20]  }
0x16f: {  	v30 =	vmax.f32 v30, $0.0e+00;
	[tilespmem:v26+s29+$0x0] =	vst.idx.add.f32.msk $0xffff, v34;
	v34 =	vmax.f32 v36, $0.0e+00;
	v36 =	vmax.f32 v39, $0.0e+00  }
0x170: {  	v39 =	vmax.f32 v44, $0.0e+00;
	[tilespmem:v26+s30+$0x0] =	vst.idx.add.f32.msk $0xffff, v41;
	v41 =	vmax.f32 v45, $0.0e+00  }
0x171: {  	[tilespmem:v25+s29+$0x0] =	vst.idx.add.f32.msk $0xffff, v42  }
0x172: {  	[tilespmem:v25+s30+$0x0] =	vst.idx.add.f32.msk $0xffff, v43  }
0x173: {  	[tilespmem:v5+s29+$0x0] =	vst.idx.add.f32.msk $0xffff, v33  }
0x174: {  	[tilespmem:v5+s30+$0x0] =	vst.idx.add.f32.msk $0xffff, v32  }
0x175: {  	[tilespmem:v31+s29+$0x0] =	vst.idx.add.f32.msk $0xffff, v37  }
0x176: {  	[tilespmem:v31+s30+$0x0] =	vst.idx.add.f32.msk $0xffff, v35  }
0x177: {  	[tilespmem:v51+s29+$0x0] =	vst.idx.add.f32.msk $0xffff, v40  }
0x178: {  	[tilespmem:v51+s30+$0x0] =	vst.idx.add.f32.msk $0xffff, v30  }
0x179: {  	[tilespmem:v38+s29+$0x0] =	vst.idx.add.f32.msk $0xffff, v34  }
0x17a: {  	[tilespmem:v38+s30+$0x0] =	vst.idx.add.f32.msk $0xffff, v36  }
0x17b: {  	[tilespmem:v29+s29+$0x0] =	vst.idx.add.f32.msk $0xffff, v39  }
0x17c: {  	[tilespmem:v29+s30+$0x0] =	vst.idx.add.f32.msk $0xffff, v41  }
0x17d: {  	v28 =	vld.idx.msk [tilespmem:v28+s20+$0x0], $0xffff  }
0x17e: {  	v27 =	vld.idx.msk [tilespmem:v27+s21+$0x0], $0xffff  }
0x17f: {  	v23 =	vld.idx.msk [tilespmem:v23+s20+$0x0], $0xffff  }
0x180: {  	v20 =	vld.idx.msk [tilespmem:v20+s21+$0x0], $0xffff  }
0x181: {  	v24 =	vld.idx.msk [tilespmem:v24+s20+$0x0], $0xffff  }
0x182: {  	v21 =	vld.idx.msk [tilespmem:v21+s21+$0x0], $0xffff  }
0x183: {  	v30 =	vunpack.i.u.bf16.f32 v28;
	v28 =	vunpack.i.l.bf16.f32 v28;
	v22 =	vld.idx.msk [tilespmem:v22+s20+$0x0], $0xffff  }
0x184: {  	v32 =	vunpack.i.u.bf16.f32 v27;
	v27 =	vunpack.i.l.bf16.f32 v27;
	v18 =	vld.idx.msk [tilespmem:v18+s21+$0x0], $0xffff  }
0x185: {  	v27 =	vadd.f32 v27, v28;
	v28 =	vunpack.i.u.bf16.f32 v23;
	v23 =	vunpack.i.l.bf16.f32 v23;
	v19 =	vld.idx.msk [tilespmem:v19+s20+$0x0], $0xffff  }
0x186: {  	v30 =	vadd.f32 v32, v30;
	v32 =	vunpack.i.u.bf16.f32 v20;
	v20 =	vunpack.i.l.bf16.f32 v20;
	v16 =	vld.idx.msk [tilespmem:v16+s21+$0x0], $0xffff  }
0x187: {  	v20 =	vadd.f32 v20, v23;
	v23 =	vunpack.i.u.bf16.f32 v24;
	v24 =	vunpack.i.l.bf16.f32 v24;
	v17 =	vld.idx.msk [tilespmem:v17+s20+$0x0], $0xffff  }
0x188: {  	v28 =	vadd.f32 v32, v28;
	v32 =	vunpack.i.u.bf16.f32 v21;
	v21 =	vunpack.i.l.bf16.f32 v21;
	v14 =	vld.idx.msk [tilespmem:v14+s21+$0x0], $0xffff  }
0x189: {  	v21 =	vadd.f32 v21, v24;
	v24 =	vunpack.i.u.bf16.f32 v22;
	v22 =	vunpack.i.l.bf16.f32 v22;
	v15 =	vld.idx.msk [tilespmem:v15+s20+$0x0], $0xffff  }
0x18a: {  	v23 =	vadd.f32 v32, v23;
	v32 =	vunpack.i.u.bf16.f32 v18;
	v18 =	vunpack.i.l.bf16.f32 v18;
	v13 =	vld.idx.msk [tilespmem:v13+s21+$0x0], $0xffff  }
0x18b: {  	v18 =	vadd.f32 v18, v22;
	v22 =	vunpack.i.u.bf16.f32 v19;
	v19 =	vunpack.i.l.bf16.f32 v19;
	[tilespmem:v1+s0+$0x0] =	vst.idx.add.f32.msk $0xffff, v12;
	v1 =	vmovc v31  }
0x18c: {  	v12 =	vadd.f32 v32, v24;
	v24 =	vunpack.i.u.bf16.f32 v16;
	v16 =	vunpack.i.l.bf16.f32 v16;
	[tilespmem:v2+s31+$0x0] =	vst.idx.add.f32.msk $0xffff, v11  }
0x18d: {  	v11 =	vadd.f32 v16, v19;
	v16 =	vunpack.i.u.bf16.f32 v17;
	v17 =	vunpack.i.l.bf16.f32 v17;
	[tilespmem:v2+s0+$0x0] =	vst.idx.add.f32.msk $0xffff, v10;
	v2 =	vmovc v51  }
0x18e: {  	v10 =	vadd.f32 v24, v22;
	v19 =	vunpack.i.u.bf16.f32 v14;
	v14 =	vunpack.i.l.bf16.f32 v14;
	[tilespmem:v3+s31+$0x0] =	vst.idx.add.f32.msk $0xffff, v9  }
0x18f: {  	v9 =	vadd.f32 v14, v17;
	v14 =	vunpack.i.u.bf16.f32 v15;
	v15 =	vunpack.i.l.bf16.f32 v15;
	[tilespmem:v3+s0+$0x0] =	vst.idx.add.f32.msk $0xffff, v8;
	v3 =	vmovc v38  }
0x190: {  	v8 =	vadd.f32 v19, v16;
	v16 =	vunpack.i.u.bf16.f32 v13;
	v13 =	vunpack.i.l.bf16.f32 v13;
	[tilespmem:v4+s31+$0x0] =	vst.idx.add.f32.msk $0xffff, v7  }
0x191: {  	v7 =	vmax.f32 v27, $0.0e+00;
	v15 =	vadd.f32 v13, v15;
	v16 =	vadd.f32 v16, v14;
	[tilespmem:v4+s0+$0x0] =	vst.idx.add.f32.msk $0xffff, v6  }
.Ltmp4:
0x192: {  	v17 =	vmax.f32 v28, $0.0e+00;
	v6 =	vmax.f32 v30, $0.0e+00;
	v4 =	vmovc v29;
	[tilespmem:v26+s31+$0x0] =	vst.idx.add.f32.msk $0xffff, v7;
	v7 =	vmax.f32 v20, $0.0e+00;
	(pc) =	sbr.rel @p1 .LBB2_7-.Ltmp4, $4  }
0x193: {  	v14 =	vmax.f32 v23, $0.0e+00;
	v13 =	vmax.f32 v18, $0.0e+00;
	[tilespmem:v26+s0+$0x0] =	vst.idx.add.f32.msk $0xffff, v6;
	v6 =	vmax.f32 v21, $0.0e+00  }
0x194: {  	v12 =	vmax.f32 v12, $0.0e+00;
	v11 =	vmax.f32 v11, $0.0e+00;
	v10 =	vmax.f32 v10, $0.0e+00;
	[tilespmem:v25+s31+$0x0] =	vst.idx.add.f32.msk $0xffff, v7  }
0x195: {  	v9 =	vmax.f32 v9, $0.0e+00;
	v8 =	vmax.f32 v8, $0.0e+00;
	v7 =	vmax.f32 v15, $0.0e+00;
	[tilespmem:v25+s0+$0x0] =	vst.idx.add.f32.msk $0xffff, v17  }
0x196: {  	s8 =	sadd.s32 $0x80, s8;
	[tilespmem:v5+s31+$0x0] =	vst.idx.add.f32.msk $0xffff, v6;
	v6 =	vmax.f32 v16, $0.0e+00  }
0x197: {  	_ =	sdelay $0x3  }
0x198: {  	[tilespmem:v5+s0+$0x0] =	vst.idx.add.f32.msk $0xffff, v14  }
0x199: {  	[tilespmem:v1+s31+$0x0] =	vst.idx.add.f32.msk $0xffff, v13  }
0x19a: {  	[tilespmem:v2+s31+$0x0] =	vst.idx.add.f32.msk $0xffff, v11  }
0x19b: {  	[tilespmem:v3+s31+$0x0] =	vst.idx.add.f32.msk $0xffff, v9  }
.Ltmp5:
0x19c: {  	[tilespmem:v4+s31+$0x0] =	vst.idx.add.f32.msk $0xffff, v7;
	(pc) =	sbr.rel @p0 .LBB2_10-.Ltmp5, $4  }
0x19d: {  	[tilespmem:v1+s0+$0x0] =	vst.idx.add.f32.msk $0xffff, v12  }
0x19e: {  	[tilespmem:v2+s0+$0x0] =	vst.idx.add.f32.msk $0xffff, v10  }
0x19f: {  	[tilespmem:v3+s0+$0x0] =	vst.idx.add.f32.msk $0xffff, v8  }
0x1a0: {  	[tilespmem:v4+s0+$0x0] =	vst.idx.add.f32.msk $0xffff, v6  }
0x1a1: {  	s6 =	smul.u32 $0x3200, s5;
	_ =	sdelay $0x1  }
0x1a2: {  	s6 =	sshrl.u32 s6, $0x3  }
.Ltmp6:
0x1a3: {  	s6 =	sadd.s32 $0x960, s6;
	(pc) =	sbr.rel .LBB2_4-.Ltmp6, $4  }
0x1a4: {  	s7 =	sadd.s32 s3, s6  }
0x1a5: {  	[tilespmem:s24], [sflag:$0x3] =	stream.linear.gather [hbm4b:s7+s2], $0x1900, $0x38;
	[tilespmem:$0x15200] =	vst v63  }
0x1a6: {  	s5 =	sadd.s32 $0x1, s5;
	s6 =	sadd.s32 s4, s6  }
0x1a7: {  	[tilespmem:s25], [sflag:$0x4] =	stream.linear.gather [hbm4b:s6+s2], $0x1900, $0x38;
	[tilespmem:$0x15200] =	vst v63  }
.LBB2_11:
0x1a8: {  	_ =	sfence.sel $0x180000  }
0x1a9: {  	[bflag:$0x0] =	sbarrier.arrive $0xFFFF  }
0x1aa: {  	_ =	strace $0x9000004D  }
0x1ab: {  	s0 =	stileid.u32;
	[bflag:$0x2] =	sbarrier.arrive $0xFFFF  }
0x1ac: {  	p0 =	sne.s32 s0, $0x0;
	s0 =	rddreg [dreg:$0x2]  }
0x1ad: {  	s0 =	sadd.s32 @!p0 $0x100000, s0  }
0x1ae: {  	[sflag:s0] =	ssyncadd.tile.s32 @!p0 $0x1;
	_ =	shalt  }
.Lfunc_end2:
_tile_overlayer_lowered:
.L_overlay_start_2:
0x1af: {  	(tag) =	ssettag $0x2  }
0x1b0: {  	s0 =	rddreg [dreg:$0x0];
	s2 =	stileid.u32  }
0x1b1: {  	s1 =	rddreg [dreg:$0x1];
	p0 =	sne.s32 s2, $0x0  }
0x1b2: {  	s3 =	rddreg [dreg:$0x2];
	[bflag:$0x3] =	sbarrier.arrive $0xFFFF;
	s2 =	simm.s32 @!p0 $0x1C05  }
0x1b3: {  	[timem:s3], [sflag:s2] =	dma.local @!p0 [hbm:s0], s1  }
0x1b4: {  	s0 =	simm.s32 @!p0 $0x5  }
0x1b5: {  	_ =	swait.ge @!p0 [sflag:s0], s1  }
0x1b6: {  	s1 =	ssub.s32 @!p0 $0x0, s1;
	[sflag:s0] =	ssyncset.done @!p0 $0x0  }
0x1b7: {  	[sflag:s0] =	ssyncadd.s32 @!p0 s1  }
0x1b8: {  	[bflag:$0x3] =	sbarrier.arrive $0xFFFF  }
0x1b9: {  	_ =	shalt  }

</sc_bundles>
